<compile_context>
chip_gen: v7x
topology: tpu7x:2x2x1
jax: 0.10.2.dev20260603
libtpu: 0.0.44.dev20260713+nightly
codegen_flags: <defaults>
</compile_context>

<pallas_src>
import jax
import jax.numpy as jnp
from jax import lax
from jax.experimental import pallas as pl
from jax.experimental.pallas import tpu as pltpu
from jax.experimental.pallas import tpu_sc as plsc

B = 4
SEQ = 8192
D = 1024
NC = 2
NS = 16
NW = NC * NS
LANES = 16

POS_PER_W = SEQ // NW
CH = 8
CHW = CH * D
STEPS = POS_PER_W // CH
NBUF = 3
NGROUP = (STEPS - 5) // NBUF


def _body(x_hbm, pe_hbm, out_hbm, x_buf, pe_buf, sem_in0, sem_in1, sem_in2,
          sem_out0, sem_out1, sem_out2):
    wid = lax.axis_index("s") * NC + lax.axis_index("c")
    wbase = wid * POS_PER_W
    sem_in = (sem_in0, sem_in1, sem_in2)
    sem_out = (sem_out0, sem_out1, sem_out2)

    def start_in(s, k):
        pos = wbase + s * CH
        pltpu.async_copy(pe_hbm.at[pl.ds(pos, CH), :], pe_buf.at[k], sem_in[k])
        for b in range(B):
            pltpu.async_copy(x_hbm.at[b, pl.ds(pos, CH), :], x_buf.at[k, b],
                             sem_in[k])

    def wait_in(k):
        pltpu.make_async_copy(pe_hbm.at[pl.ds(0, CH), :], pe_buf.at[k],
                              sem_in[k]).wait()
        pltpu.make_async_copy(x_hbm.at[:, pl.ds(0, CH), :], x_buf.at[k],
                              sem_in[k]).wait()

    def start_out(s, k):
        pos = wbase + s * CH
        for b in range(B):
            pltpu.async_copy(x_buf.at[k, b], out_hbm.at[b, pl.ds(pos, CH), :],
                             sem_out[k])

    def wait_out(k):
        pltpu.make_async_copy(x_buf.at[k], out_hbm.at[:, pl.ds(0, CH), :],
                              sem_out[k]).wait()

    def compute(k):
        @plsc.parallel_loop(0, CHW // LANES, unroll=4)
        def _(j):
            r = j >> 6
            c = (j & 63) * LANES
            pe_v = pe_buf[k, r, pl.ds(c, LANES)]
            for b in range(B):
                plsc.addupdate(x_buf.at[k, b, r, pl.ds(c, LANES)], pe_v)

    def process(s, k):
        wait_in(k)
        compute(k)
        start_out(s, k)

    start_in(0, 0)
    start_in(1, 1)
    process(0, 0)
    start_in(2, 2)
    process(1, 1)
    wait_out(0)
    start_in(3, 0)
    process(2, 2)
    wait_out(1)
    start_in(4, 1)

    def group(g, carry):
        s0 = 3 * g + 3
        for ki in range(NBUF):
            process(s0 + ki, ki)
            k2 = (ki + 2) % NBUF
            wait_out(k2)
            start_in(s0 + ki + 2, k2)
        return carry

    lax.fori_loop(0, NGROUP, group, 0)

    process(STEPS - 2, (STEPS - 2) % NBUF)
    process(STEPS - 1, (STEPS - 1) % NBUF)
    for k in range(NBUF):
        wait_out(k)


@jax.jit
def kernel(x, pe_table):
    mesh = plsc.VectorSubcoreMesh(
        core_axis_name="c", subcore_axis_name="s", num_cores=NC, num_subcores=NS
    )
    return pl.kernel(
        _body,
        out_type=jax.ShapeDtypeStruct((B, SEQ, D), jnp.float32),
        mesh=mesh,
        scratch_types=[
            pltpu.VMEM((NBUF, B, CH, D), jnp.float32),
            pltpu.VMEM((NBUF, CH, D), jnp.float32),
            pltpu.SemaphoreType.DMA,
            pltpu.SemaphoreType.DMA,
            pltpu.SemaphoreType.DMA,
            pltpu.SemaphoreType.DMA,
            pltpu.SemaphoreType.DMA,
            pltpu.SemaphoreType.DMA,
        ],
    )(x, pe_table)

# --- scband reference (transcript-rebuilt; emitter-appended) ---
"""Pipeline reference for scband-position-embedding-12704513262286 (READ-ONLY COPY).

The authoritative reference and input builder live on the scoring server;
editing this copy changes nothing except your own understanding.
"""

import jax, jax.numpy as jnp
import numpy as np

MAX_LEN = 8192
D_MODEL = 1024

def _build_pe_table():
    pos_mat = jnp.arange(MAX_LEN, dtype=jnp.float32).reshape((-1, 1))
    i_mat = jnp.arange(0, D_MODEL, 2, dtype=jnp.float32).reshape((1, -1)) / D_MODEL
    i_mat = jnp.power(10000.0, i_mat)
    pe = jnp.zeros((MAX_LEN, D_MODEL), dtype=jnp.float32)
    pe = pe.at[:, 0::2].set(jnp.sin(pos_mat / i_mat))
    pe = pe.at[:, 1::2].set(jnp.cos(pos_mat / i_mat))
    return pe

def setup_inputs(seed: int = 0) -> dict:
    key = jax.random.key(seed)
    x = jax.random.normal(key, (4, 8192, D_MODEL), dtype=jnp.float32)
    pe_table = _build_pe_table()
    return {"x": x, "pe_table": pe_table}

def reference(x, pe_table):
    N, seq_len, model_dim = x.shape
    pos_x = jnp.broadcast_to(jnp.arange(seq_len), (N, seq_len))
    pe_x = jnp.take(pe_table, pos_x, axis=0)
    # dropout in eval mode -> identity
    return x + pe_x

if __name__ == "__main__":
    import jax
    _d = setup_inputs()
    print(jax.jit(kernel)(*tuple(_d.values())))

</pallas_src>

<mosaic_0001>
#map = affine_map<(d0, d1) -> (0, 0, 0)>
#map1 = affine_map<(d0, d1) -> (0, 0)>
module attributes {stable_mosaic.version = 14 : i64} {
  func.func @_body(%arg0: i32, %arg1: i32, %arg2: memref<4x8192x1024xf32, #tpu.memory_space<hbm>>, %arg3: memref<8192x1024xf32, #tpu.memory_space<hbm>>, %arg4: memref<4x8192x1024xf32, #tpu.memory_space<hbm>>, %arg5: memref<3x4x8x1024xf32, #tpu.memory_space<vmem>>, %arg6: memref<3x8x1024xf32, #tpu.memory_space<vmem>>, %arg7: memref<!tpu.dma_semaphore, #tpu.memory_space<semaphore_mem>>, %arg8: memref<!tpu.dma_semaphore, #tpu.memory_space<semaphore_mem>>, %arg9: memref<!tpu.dma_semaphore, #tpu.memory_space<semaphore_mem>>, %arg10: memref<!tpu.dma_semaphore, #tpu.memory_space<semaphore_mem>>, %arg11: memref<!tpu.dma_semaphore, #tpu.memory_space<semaphore_mem>>, %arg12: memref<!tpu.dma_semaphore, #tpu.memory_space<semaphore_mem>>) attributes {dimension_semantics = [#tpu.dimension_semantics<core_parallel>, #tpu.dimension_semantics<subcore_parallel>], iteration_bounds = array<i64: 2, 16>, scalar_prefetch = 0 : i64, scratch_operands = 8 : i64, tpu.core_type = #tpu.core_type<sc_vector_subcore>, window_params = [{transform_indices = #map}, {transform_indices = #map1}, {transform_indices = #map}]} {
    %mul3A = arith.constant 2 : i32
    %mul3A_0 = arith.muli %arg1, %mul3A : i32
    %add3A = arith.addi %mul3A_0, %arg0 : i32
    %mul3A_1 = arith.constant 256 : i32
    %mul3A_2 = arith.muli %add3A, %mul3A_1 : i32
    %add3A_3 = arith.constant 0 : i32
    %add3A_4 = arith.addi %mul3A_2, %add3A_3 : i32
    %dma_start3A = arith.constant 0 : i32
    %dma_start3A_5 = arith.constant 0 : i32
    %dma_start3A_6 = arith.constant 0 : i32
    %dma_start3A_7 = tpu.memref_slice %arg6[%dma_start3A, %dma_start3A_5, %dma_start3A_6] : memref<3x8x1024xf32, #tpu.memory_space<vmem>> -> memref<1x8x1024xf32, #tpu.memory_space<vmem>>
    %dma_start3A_8 = tpu.memref_squeeze %dma_start3A_7 : memref<1x8x1024xf32, #tpu.memory_space<vmem>> -> memref<8x1024xf32, #tpu.memory_space<vmem>>
    %dma_start3A_9 = arith.constant 0 : i32
    %dma_start3A_10 = tpu.memref_slice %arg3[%add3A_4, %dma_start3A_9] : memref<8192x1024xf32, #tpu.memory_space<hbm>> -> memref<8x1024xf32, #tpu.memory_space<hbm>>
    %dma_start3A_11 = arith.constant 0 : i32
    %dma_start3A_12 = arith.constant 0 : i32
    %dma_start3A_13 = tpu.memref_slice %arg6[%dma_start3A, %dma_start3A_11, %dma_start3A_12] : memref<3x8x1024xf32, #tpu.memory_space<vmem>> -> memref<1x8x1024xf32, #tpu.memory_space<vmem>>
    %dma_start3A_14 = tpu.memref_squeeze %dma_start3A_13 : memref<1x8x1024xf32, #tpu.memory_space<vmem>> -> memref<8x1024xf32, #tpu.memory_space<vmem>>
    %dma_start3A_15 = arith.constant 0 : i32
    %dma_start3A_16 = tpu.memref_slice %arg3[%add3A_4, %dma_start3A_15] : memref<8192x1024xf32, #tpu.memory_space<hbm>> -> memref<8x1024xf32, #tpu.memory_space<hbm>>
    tpu.enqueue_dma source(%dma_start3A_16 : memref<8x1024xf32, #tpu.memory_space<hbm>>) target(%dma_start3A_14 : memref<8x1024xf32, #tpu.memory_space<vmem>>) target_semaphore(%arg7 : memref<!tpu.dma_semaphore, #tpu.memory_space<semaphore_mem>>)
    %dma_start3A_17 = arith.constant 0 : i32
    %dma_start3A_18 = arith.constant 0 : i32
    %dma_start3A_19 = arith.constant 0 : i32
    %dma_start3A_20 = arith.constant 0 : i32
    %dma_start3A_21 = arith.constant 0 : i32
    %dma_start3A_22 = tpu.memref_slice %arg5[%dma_start3A_18, %dma_start3A_19, %dma_start3A_20, %dma_start3A_21] : memref<3x4x8x1024xf32, #tpu.memory_space<vmem>> -> memref<1x1x8x1024xf32, #tpu.memory_space<vmem>>
    %dma_start3A_23 = tpu.memref_squeeze %dma_start3A_22 : memref<1x1x8x1024xf32, #tpu.memory_space<vmem>> -> memref<8x1024xf32, #tpu.memory_space<vmem>>
    %dma_start3A_24 = arith.constant 0 : i32
    %dma_start3A_25 = tpu.memref_slice %arg2[%dma_start3A_17, %add3A_4, %dma_start3A_24] : memref<4x8192x1024xf32, #tpu.memory_space<hbm>> -> memref<1x8x1024xf32, #tpu.memory_space<hbm>>
    %dma_start3A_26 = tpu.memref_squeeze %dma_start3A_25 : memref<1x8x1024xf32, #tpu.memory_space<hbm>> -> memref<8x1024xf32, #tpu.memory_space<hbm>>
    %dma_start3A_27 = arith.constant 0 : i32
    %dma_start3A_28 = arith.constant 0 : i32
    %dma_start3A_29 = tpu.memref_slice %arg5[%dma_start3A_18, %dma_start3A_19, %dma_start3A_27, %dma_start3A_28] : memref<3x4x8x1024xf32, #tpu.memory_space<vmem>> -> memref<1x1x8x1024xf32, #tpu.memory_space<vmem>>
    %dma_start3A_30 = tpu.memref_squeeze %dma_start3A_29 : memref<1x1x8x1024xf32, #tpu.memory_space<vmem>> -> memref<8x1024xf32, #tpu.memory_space<vmem>>
    %dma_start3A_31 = arith.constant 0 : i32
    %dma_start3A_32 = tpu.memref_slice %arg2[%dma_start3A_17, %add3A_4, %dma_start3A_31] : memref<4x8192x1024xf32, #tpu.memory_space<hbm>> -> memref<1x8x1024xf32, #tpu.memory_space<hbm>>
    %dma_start3A_33 = tpu.memref_squeeze %dma_start3A_32 : memref<1x8x1024xf32, #tpu.memory_space<hbm>> -> memref<8x1024xf32, #tpu.memory_space<hbm>>
    tpu.enqueue_dma source(%dma_start3A_33 : memref<8x1024xf32, #tpu.memory_space<hbm>>) target(%dma_start3A_30 : memref<8x1024xf32, #tpu.memory_space<vmem>>) target_semaphore(%arg7 : memref<!tpu.dma_semaphore, #tpu.memory_space<semaphore_mem>>)
    %dma_start3A_34 = arith.constant 1 : i32
    %dma_start3A_35 = arith.constant 0 : i32
    %dma_start3A_36 = arith.constant 1 : i32
    %dma_start3A_37 = arith.constant 0 : i32
    %dma_start3A_38 = arith.constant 0 : i32
    %dma_start3A_39 = tpu.memref_slice %arg5[%dma_start3A_35, %dma_start3A_36, %dma_start3A_37, %dma_start3A_38] : memref<3x4x8x1024xf32, #tpu.memory_space<vmem>> -> memref<1x1x8x1024xf32, #tpu.memory_space<vmem>>
    %dma_start3A_40 = tpu.memref_squeeze %dma_start3A_39 : memref<1x1x8x1024xf32, #tpu.memory_space<vmem>> -> memref<8x1024xf32, #tpu.memory_space<vmem>>
    %dma_start3A_41 = arith.constant 0 : i32
    %dma_start3A_42 = tpu.memref_slice %arg2[%dma_start3A_34, %add3A_4, %dma_start3A_41] : memref<4x8192x1024xf32, #tpu.memory_space<hbm>> -> memref<1x8x1024xf32, #tpu.memory_space<hbm>>
    %dma_start3A_43 = tpu.memref_squeeze %dma_start3A_42 : memref<1x8x1024xf32, #tpu.memory_space<hbm>> -> memref<8x1024xf32, #tpu.memory_space<hbm>>
    %dma_start3A_44 = arith.constant 0 : i32
    %dma_start3A_45 = arith.constant 0 : i32
    %dma_start3A_46 = tpu.memref_slice %arg5[%dma_start3A_35, %dma_start3A_36, %dma_start3A_44, %dma_start3A_45] : memref<3x4x8x1024xf32, #tpu.memory_space<vmem>> -> memref<1x1x8x1024xf32, #tpu.memory_space<vmem>>
    %dma_start3A_47 = tpu.memref_squeeze %dma_start3A_46 : memref<1x1x8x1024xf32, #tpu.memory_space<vmem>> -> memref<8x1024xf32, #tpu.memory_space<vmem>>
    %dma_start3A_48 = arith.constant 0 : i32
    %dma_start3A_49 = tpu.memref_slice %arg2[%dma_start3A_34, %add3A_4, %dma_start3A_48] : memref<4x8192x1024xf32, #tpu.memory_space<hbm>> -> memref<1x8x1024xf32, #tpu.memory_space<hbm>>
    %dma_start3A_50 = tpu.memref_squeeze %dma_start3A_49 : memref<1x8x1024xf32, #tpu.memory_space<hbm>> -> memref<8x1024xf32, #tpu.memory_space<hbm>>
    tpu.enqueue_dma source(%dma_start3A_50 : memref<8x1024xf32, #tpu.memory_space<hbm>>) target(%dma_start3A_47 : memref<8x1024xf32, #tpu.memory_space<vmem>>) target_semaphore(%arg7 : memref<!tpu.dma_semaphore, #tpu.memory_space<semaphore_mem>>)
    %dma_start3A_51 = arith.constant 2 : i32
    %dma_start3A_52 = arith.constant 0 : i32
    %dma_start3A_53 = arith.constant 2 : i32
    %dma_start3A_54 = arith.constant 0 : i32
    %dma_start3A_55 = arith.constant 0 : i32
    %dma_start3A_56 = tpu.memref_slice %arg5[%dma_start3A_52, %dma_start3A_53, %dma_start3A_54, %dma_start3A_55] : memref<3x4x8x1024xf32, #tpu.memory_space<vmem>> -> memref<1x1x8x1024xf32, #tpu.memory_space<vmem>>
    %dma_start3A_57 = tpu.memref_squeeze %dma_start3A_56 : memref<1x1x8x1024xf32, #tpu.memory_space<vmem>> -> memref<8x1024xf32, #tpu.memory_space<vmem>>
    %dma_start3A_58 = arith.constant 0 : i32
    %dma_start3A_59 = tpu.memref_slice %arg2[%dma_start3A_51, %add3A_4, %dma_start3A_58] : memref<4x8192x1024xf32, #tpu.memory_space<hbm>> -> memref<1x8x1024xf32, #tpu.memory_space<hbm>>
    %dma_start3A_60 = tpu.memref_squeeze %dma_start3A_59 : memref<1x8x1024xf32, #tpu.memory_space<hbm>> -> memref<8x1024xf32, #tpu.memory_space<hbm>>
    %dma_start3A_61 = arith.constant 0 : i32
    %dma_start3A_62 = arith.constant 0 : i32
    %dma_start3A_63 = tpu.memref_slice %arg5[%dma_start3A_52, %dma_start3A_53, %dma_start3A_61, %dma_start3A_62] : memref<3x4x8x1024xf32, #tpu.memory_space<vmem>> -> memref<1x1x8x1024xf32, #tpu.memory_space<vmem>>
    %dma_start3A_64 = tpu.memref_squeeze %dma_start3A_63 : memref<1x1x8x1024xf32, #tpu.memory_space<vmem>> -> memref<8x1024xf32, #tpu.memory_space<vmem>>
    %dma_start3A_65 = arith.constant 0 : i32
    %dma_start3A_66 = tpu.memref_slice %arg2[%dma_start3A_51, %add3A_4, %dma_start3A_65] : memref<4x8192x1024xf32, #tpu.memory_space<hbm>> -> memref<1x8x1024xf32, #tpu.memory_space<hbm>>
    %dma_start3A_67 = tpu.memref_squeeze %dma_start3A_66 : memref<1x8x1024xf32, #tpu.memory_space<hbm>> -> memref<8x1024xf32, #tpu.memory_space<hbm>>
    tpu.enqueue_dma source(%dma_start3A_67 : memref<8x1024xf32, #tpu.memory_space<hbm>>) target(%dma_start3A_64 : memref<8x1024xf32, #tpu.memory_space<vmem>>) target_semaphore(%arg7 : memref<!tpu.dma_semaphore, #tpu.memory_space<semaphore_mem>>)
    %dma_start3A_68 = arith.constant 3 : i32
    %dma_start3A_69 = arith.constant 0 : i32
    %dma_start3A_70 = arith.constant 3 : i32
    %dma_start3A_71 = arith.constant 0 : i32
    %dma_start3A_72 = arith.constant 0 : i32
    %dma_start3A_73 = tpu.memref_slice %arg5[%dma_start3A_69, %dma_start3A_70, %dma_start3A_71, %dma_start3A_72] : memref<3x4x8x1024xf32, #tpu.memory_space<vmem>> -> memref<1x1x8x1024xf32, #tpu.memory_space<vmem>>
    %dma_start3A_74 = tpu.memref_squeeze %dma_start3A_73 : memref<1x1x8x1024xf32, #tpu.memory_space<vmem>> -> memref<8x1024xf32, #tpu.memory_space<vmem>>
    %dma_start3A_75 = arith.constant 0 : i32
    %dma_start3A_76 = tpu.memref_slice %arg2[%dma_start3A_68, %add3A_4, %dma_start3A_75] : memref<4x8192x1024xf32, #tpu.memory_space<hbm>> -> memref<1x8x1024xf32, #tpu.memory_space<hbm>>
    %dma_start3A_77 = tpu.memref_squeeze %dma_start3A_76 : memref<1x8x1024xf32, #tpu.memory_space<hbm>> -> memref<8x1024xf32, #tpu.memory_space<hbm>>
    %dma_start3A_78 = arith.constant 0 : i32
    %dma_start3A_79 = arith.constant 0 : i32
    %dma_start3A_80 = tpu.memref_slice %arg5[%dma_start3A_69, %dma_start3A_70, %dma_start3A_78, %dma_start3A_79] : memref<3x4x8x1024xf32, #tpu.memory_space<vmem>> -> memref<1x1x8x1024xf32, #tpu.memory_space<vmem>>
    %dma_start3A_81 = tpu.memref_squeeze %dma_start3A_80 : memref<1x1x8x1024xf32, #tpu.memory_space<vmem>> -> memref<8x1024xf32, #tpu.memory_space<vmem>>
    %dma_start3A_82 = arith.constant 0 : i32
    %dma_start3A_83 = tpu.memref_slice %arg2[%dma_start3A_68, %add3A_4, %dma_start3A_82] : memref<4x8192x1024xf32, #tpu.memory_space<hbm>> -> memref<1x8x1024xf32, #tpu.memory_space<hbm>>
    %dma_start3A_84 = tpu.memref_squeeze %dma_start3A_83 : memref<1x8x1024xf32, #tpu.memory_space<hbm>> -> memref<8x1024xf32, #tpu.memory_space<hbm>>
    tpu.enqueue_dma source(%dma_start3A_84 : memref<8x1024xf32, #tpu.memory_space<hbm>>) target(%dma_start3A_81 : memref<8x1024xf32, #tpu.memory_space<vmem>>) target_semaphore(%arg7 : memref<!tpu.dma_semaphore, #tpu.memory_space<semaphore_mem>>)
    %add3A_85 = arith.constant 8 : i32
    %add3A_86 = arith.addi %mul3A_2, %add3A_85 : i32
    %dma_start3A_87 = arith.constant 1 : i32
    %dma_start3A_88 = arith.constant 0 : i32
    %dma_start3A_89 = arith.constant 0 : i32
    %dma_start3A_90 = tpu.memref_slice %arg6[%dma_start3A_87, %dma_start3A_88, %dma_start3A_89] : memref<3x8x1024xf32, #tpu.memory_space<vmem>> -> memref<1x8x1024xf32, #tpu.memory_space<vmem>>
    %dma_start3A_91 = tpu.memref_squeeze %dma_start3A_90 : memref<1x8x1024xf32, #tpu.memory_space<vmem>> -> memref<8x1024xf32, #tpu.memory_space<vmem>>
    %dma_start3A_92 = arith.constant 0 : i32
    %dma_start3A_93 = tpu.memref_slice %arg3[%add3A_86, %dma_start3A_92] : memref<8192x1024xf32, #tpu.memory_space<hbm>> -> memref<8x1024xf32, #tpu.memory_space<hbm>>
    %dma_start3A_94 = arith.constant 0 : i32
    %dma_start3A_95 = arith.constant 0 : i32
    %dma_start3A_96 = tpu.memref_slice %arg6[%dma_start3A_87, %dma_start3A_94, %dma_start3A_95] : memref<3x8x1024xf32, #tpu.memory_space<vmem>> -> memref<1x8x1024xf32, #tpu.memory_space<vmem>>
    %dma_start3A_97 = tpu.memref_squeeze %dma_start3A_96 : memref<1x8x1024xf32, #tpu.memory_space<vmem>> -> memref<8x1024xf32, #tpu.memory_space<vmem>>
    %dma_start3A_98 = arith.constant 0 : i32
    %dma_start3A_99 = tpu.memref_slice %arg3[%add3A_86, %dma_start3A_98] : memref<8192x1024xf32, #tpu.memory_space<hbm>> -> memref<8x1024xf32, #tpu.memory_space<hbm>>
    tpu.enqueue_dma source(%dma_start3A_99 : memref<8x1024xf32, #tpu.memory_space<hbm>>) target(%dma_start3A_97 : memref<8x1024xf32, #tpu.memory_space<vmem>>) target_semaphore(%arg8 : memref<!tpu.dma_semaphore, #tpu.memory_space<semaphore_mem>>)
    %dma_start3A_100 = arith.constant 0 : i32
    %dma_start3A_101 = arith.constant 1 : i32
    %dma_start3A_102 = arith.constant 0 : i32
    %dma_start3A_103 = arith.constant 0 : i32
    %dma_start3A_104 = arith.constant 0 : i32
    %dma_start3A_105 = tpu.memref_slice %arg5[%dma_start3A_101, %dma_start3A_102, %dma_start3A_103, %dma_start3A_104] : memref<3x4x8x1024xf32, #tpu.memory_space<vmem>> -> memref<1x1x8x1024xf32, #tpu.memory_space<vmem>>
    %dma_start3A_106 = tpu.memref_squeeze %dma_start3A_105 : memref<1x1x8x1024xf32, #tpu.memory_space<vmem>> -> memref<8x1024xf32, #tpu.memory_space<vmem>>
    %dma_start3A_107 = arith.constant 0 : i32
    %dma_start3A_108 = tpu.memref_slice %arg2[%dma_start3A_100, %add3A_86, %dma_start3A_107] : memref<4x8192x1024xf32, #tpu.memory_space<hbm>> -> memref<1x8x1024xf32, #tpu.memory_space<hbm>>
    %dma_start3A_109 = tpu.memref_squeeze %dma_start3A_108 : memref<1x8x1024xf32, #tpu.memory_space<hbm>> -> memref<8x1024xf32, #tpu.memory_space<hbm>>
    %dma_start3A_110 = arith.constant 0 : i32
    %dma_start3A_111 = arith.constant 0 : i32
    %dma_start3A_112 = tpu.memref_slice %arg5[%dma_start3A_101, %dma_start3A_102, %dma_start3A_110, %dma_start3A_111] : memref<3x4x8x1024xf32, #tpu.memory_space<vmem>> -> memref<1x1x8x1024xf32, #tpu.memory_space<vmem>>
    %dma_start3A_113 = tpu.memref_squeeze %dma_start3A_112 : memref<1x1x8x1024xf32, #tpu.memory_space<vmem>> -> memref<8x1024xf32, #tpu.memory_space<vmem>>
    %dma_start3A_114 = arith.constant 0 : i32
    %dma_start3A_115 = tpu.memref_slice %arg2[%dma_start3A_100, %add3A_86, %dma_start3A_114] : memref<4x8192x1024xf32, #tpu.memory_space<hbm>> -> memref<1x8x1024xf32, #tpu.memory_space<hbm>>
    %dma_start3A_116 = tpu.memref_squeeze %dma_start3A_115 : memref<1x8x1024xf32, #tpu.memory_space<hbm>> -> memref<8x1024xf32, #tpu.memory_space<hbm>>
    tpu.enqueue_dma source(%dma_start3A_116 : memref<8x1024xf32, #tpu.memory_space<hbm>>) target(%dma_start3A_113 : memref<8x1024xf32, #tpu.memory_space<vmem>>) target_semaphore(%arg8 : memref<!tpu.dma_semaphore, #tpu.memory_space<semaphore_mem>>)
    %dma_start3A_117 = arith.constant 1 : i32
    %dma_start3A_118 = arith.constant 1 : i32
    %dma_start3A_119 = arith.constant 1 : i32
    %dma_start3A_120 = arith.constant 0 : i32
    %dma_start3A_121 = arith.constant 0 : i32
    %dma_start3A_122 = tpu.memref_slice %arg5[%dma_start3A_118, %dma_start3A_119, %dma_start3A_120, %dma_start3A_121] : memref<3x4x8x1024xf32, #tpu.memory_space<vmem>> -> memref<1x1x8x1024xf32, #tpu.memory_space<vmem>>
    %dma_start3A_123 = tpu.memref_squeeze %dma_start3A_122 : memref<1x1x8x1024xf32, #tpu.memory_space<vmem>> -> memref<8x1024xf32, #tpu.memory_space<vmem>>
    %dma_start3A_124 = arith.constant 0 : i32
    %dma_start3A_125 = tpu.memref_slice %arg2[%dma_start3A_117, %add3A_86, %dma_start3A_124] : memref<4x8192x1024xf32, #tpu.memory_space<hbm>> -> memref<1x8x1024xf32, #tpu.memory_space<hbm>>
    %dma_start3A_126 = tpu.memref_squeeze %dma_start3A_125 : memref<1x8x1024xf32, #tpu.memory_space<hbm>> -> memref<8x1024xf32, #tpu.memory_space<hbm>>
    %dma_start3A_127 = arith.constant 0 : i32
    %dma_start3A_128 = arith.constant 0 : i32
    %dma_start3A_129 = tpu.memref_slice %arg5[%dma_start3A_118, %dma_start3A_119, %dma_start3A_127, %dma_start3A_128] : memref<3x4x8x1024xf32, #tpu.memory_space<vmem>> -> memref<1x1x8x1024xf32, #tpu.memory_space<vmem>>
    %dma_start3A_130 = tpu.memref_squeeze %dma_start3A_129 : memref<1x1x8x1024xf32, #tpu.memory_space<vmem>> -> memref<8x1024xf32, #tpu.memory_space<vmem>>
    %dma_start3A_131 = arith.constant 0 : i32
    %dma_start3A_132 = tpu.memref_slice %arg2[%dma_start3A_117, %add3A_86, %dma_start3A_131] : memref<4x8192x1024xf32, #tpu.memory_space<hbm>> -> memref<1x8x1024xf32, #tpu.memory_space<hbm>>
    %dma_start3A_133 = tpu.memref_squeeze %dma_start3A_132 : memref<1x8x1024xf32, #tpu.memory_space<hbm>> -> memref<8x1024xf32, #tpu.memory_space<hbm>>
    tpu.enqueue_dma source(%dma_start3A_133 : memref<8x1024xf32, #tpu.memory_space<hbm>>) target(%dma_start3A_130 : memref<8x1024xf32, #tpu.memory_space<vmem>>) target_semaphore(%arg8 : memref<!tpu.dma_semaphore, #tpu.memory_space<semaphore_mem>>)
    %dma_start3A_134 = arith.constant 2 : i32
    %dma_start3A_135 = arith.constant 1 : i32
    %dma_start3A_136 = arith.constant 2 : i32
    %dma_start3A_137 = arith.constant 0 : i32
    %dma_start3A_138 = arith.constant 0 : i32
    %dma_start3A_139 = tpu.memref_slice %arg5[%dma_start3A_135, %dma_start3A_136, %dma_start3A_137, %dma_start3A_138] : memref<3x4x8x1024xf32, #tpu.memory_space<vmem>> -> memref<1x1x8x1024xf32, #tpu.memory_space<vmem>>
    %dma_start3A_140 = tpu.memref_squeeze %dma_start3A_139 : memref<1x1x8x1024xf32, #tpu.memory_space<vmem>> -> memref<8x1024xf32, #tpu.memory_space<vmem>>
    %dma_start3A_141 = arith.constant 0 : i32
    %dma_start3A_142 = tpu.memref_slice %arg2[%dma_start3A_134, %add3A_86, %dma_start3A_141] : memref<4x8192x1024xf32, #tpu.memory_space<hbm>> -> memref<1x8x1024xf32, #tpu.memory_space<hbm>>
    %dma_start3A_143 = tpu.memref_squeeze %dma_start3A_142 : memref<1x8x1024xf32, #tpu.memory_space<hbm>> -> memref<8x1024xf32, #tpu.memory_space<hbm>>
    %dma_start3A_144 = arith.constant 0 : i32
    %dma_start3A_145 = arith.constant 0 : i32
    %dma_start3A_146 = tpu.memref_slice %arg5[%dma_start3A_135, %dma_start3A_136, %dma_start3A_144, %dma_start3A_145] : memref<3x4x8x1024xf32, #tpu.memory_space<vmem>> -> memref<1x1x8x1024xf32, #tpu.memory_space<vmem>>
    %dma_start3A_147 = tpu.memref_squeeze %dma_start3A_146 : memref<1x1x8x1024xf32, #tpu.memory_space<vmem>> -> memref<8x1024xf32, #tpu.memory_space<vmem>>
    %dma_start3A_148 = arith.constant 0 : i32
    %dma_start3A_149 = tpu.memref_slice %arg2[%dma_start3A_134, %add3A_86, %dma_start3A_148] : memref<4x8192x1024xf32, #tpu.memory_space<hbm>> -> memref<1x8x1024xf32, #tpu.memory_space<hbm>>
    %dma_start3A_150 = tpu.memref_squeeze %dma_start3A_149 : memref<1x8x1024xf32, #tpu.memory_space<hbm>> -> memref<8x1024xf32, #tpu.memory_space<hbm>>
    tpu.enqueue_dma source(%dma_start3A_150 : memref<8x1024xf32, #tpu.memory_space<hbm>>) target(%dma_start3A_147 : memref<8x1024xf32, #tpu.memory_space<vmem>>) target_semaphore(%arg8 : memref<!tpu.dma_semaphore, #tpu.memory_space<semaphore_mem>>)
    %dma_start3A_151 = arith.constant 3 : i32
    %dma_start3A_152 = arith.constant 1 : i32
    %dma_start3A_153 = arith.constant 3 : i32
    %dma_start3A_154 = arith.constant 0 : i32
    %dma_start3A_155 = arith.constant 0 : i32
    %dma_start3A_156 = tpu.memref_slice %arg5[%dma_start3A_152, %dma_start3A_153, %dma_start3A_154, %dma_start3A_155] : memref<3x4x8x1024xf32, #tpu.memory_space<vmem>> -> memref<1x1x8x1024xf32, #tpu.memory_space<vmem>>
    %dma_start3A_157 = tpu.memref_squeeze %dma_start3A_156 : memref<1x1x8x1024xf32, #tpu.memory_space<vmem>> -> memref<8x1024xf32, #tpu.memory_space<vmem>>
    %dma_start3A_158 = arith.constant 0 : i32
    %dma_start3A_159 = tpu.memref_slice %arg2[%dma_start3A_151, %add3A_86, %dma_start3A_158] : memref<4x8192x1024xf32, #tpu.memory_space<hbm>> -> memref<1x8x1024xf32, #tpu.memory_space<hbm>>
    %dma_start3A_160 = tpu.memref_squeeze %dma_start3A_159 : memref<1x8x1024xf32, #tpu.memory_space<hbm>> -> memref<8x1024xf32, #tpu.memory_space<hbm>>
    %dma_start3A_161 = arith.constant 0 : i32
    %dma_start3A_162 = arith.constant 0 : i32
    %dma_start3A_163 = tpu.memref_slice %arg5[%dma_start3A_152, %dma_start3A_153, %dma_start3A_161, %dma_start3A_162] : memref<3x4x8x1024xf32, #tpu.memory_space<vmem>> -> memref<1x1x8x1024xf32, #tpu.memory_space<vmem>>
    %dma_start3A_164 = tpu.memref_squeeze %dma_start3A_163 : memref<1x1x8x1024xf32, #tpu.memory_space<vmem>> -> memref<8x1024xf32, #tpu.memory_space<vmem>>
    %dma_start3A_165 = arith.constant 0 : i32
    %dma_start3A_166 = tpu.memref_slice %arg2[%dma_start3A_151, %add3A_86, %dma_start3A_165] : memref<4x8192x1024xf32, #tpu.memory_space<hbm>> -> memref<1x8x1024xf32, #tpu.memory_space<hbm>>
    %dma_start3A_167 = tpu.memref_squeeze %dma_start3A_166 : memref<1x8x1024xf32, #tpu.memory_space<hbm>> -> memref<8x1024xf32, #tpu.memory_space<hbm>>
    tpu.enqueue_dma source(%dma_start3A_167 : memref<8x1024xf32, #tpu.memory_space<hbm>>) target(%dma_start3A_164 : memref<8x1024xf32, #tpu.memory_space<vmem>>) target_semaphore(%arg8 : memref<!tpu.dma_semaphore, #tpu.memory_space<semaphore_mem>>)
    %dma_wait3A = arith.constant 0 : i32
    %dma_wait3A_168 = arith.constant 0 : i32
    %dma_wait3A_169 = arith.constant 0 : i32
    %dma_wait3A_170 = tpu.memref_slice %arg6[%dma_wait3A, %dma_wait3A_168, %dma_wait3A_169] : memref<3x8x1024xf32, #tpu.memory_space<vmem>> -> memref<1x8x1024xf32, #tpu.memory_space<vmem>>
    %dma_wait3A_171 = tpu.memref_squeeze %dma_wait3A_170 : memref<1x8x1024xf32, #tpu.memory_space<vmem>> -> memref<8x1024xf32, #tpu.memory_space<vmem>>
    %dma_wait3A_172 = arith.constant 0 : i32
    %dma_wait3A_173 = arith.constant 0 : i32
    %dma_wait3A_174 = tpu.memref_slice %arg3[%dma_wait3A_172, %dma_wait3A_173] : memref<8192x1024xf32, #tpu.memory_space<hbm>> -> memref<8x1024xf32, #tpu.memory_space<hbm>>
    %dma_wait3A_175 = arith.constant 0 : i32
    %dma_wait3A_176 = arith.constant 0 : i32
    %dma_wait3A_177 = tpu.memref_slice %arg6[%dma_wait3A, %dma_wait3A_175, %dma_wait3A_176] : memref<3x8x1024xf32, #tpu.memory_space<vmem>> -> memref<1x8x1024xf32, #tpu.memory_space<vmem>>
    %dma_wait3A_178 = tpu.memref_squeeze %dma_wait3A_177 : memref<1x8x1024xf32, #tpu.memory_space<vmem>> -> memref<8x1024xf32, #tpu.memory_space<vmem>>
    %dma_wait3A_179 = arith.constant 0 : i32
    %dma_wait3A_180 = arith.constant 0 : i32
    %dma_wait3A_181 = tpu.memref_slice %arg3[%dma_wait3A_179, %dma_wait3A_180] : memref<8192x1024xf32, #tpu.memory_space<hbm>> -> memref<8x1024xf32, #tpu.memory_space<hbm>>
    tpu.wait_dma2 semaphore(%arg7 : memref<!tpu.dma_semaphore, #tpu.memory_space<semaphore_mem>>) src(%dma_wait3A_181 : memref<8x1024xf32, #tpu.memory_space<hbm>>) dst(%dma_wait3A_178 : memref<8x1024xf32, #tpu.memory_space<vmem>>)
    %dma_wait3A_182 = arith.constant 0 : i32
    %dma_wait3A_183 = arith.constant 0 : i32
    %dma_wait3A_184 = arith.constant 0 : i32
    %dma_wait3A_185 = arith.constant 0 : i32
    %dma_wait3A_186 = tpu.memref_slice %arg5[%dma_wait3A_182, %dma_wait3A_183, %dma_wait3A_184, %dma_wait3A_185] : memref<3x4x8x1024xf32, #tpu.memory_space<vmem>> -> memref<1x4x8x1024xf32, #tpu.memory_space<vmem>>
    %dma_wait3A_187 = tpu.memref_squeeze %dma_wait3A_186 : memref<1x4x8x1024xf32, #tpu.memory_space<vmem>> -> memref<4x8x1024xf32, #tpu.memory_space<vmem>>
    %dma_wait3A_188 = arith.constant 0 : i32
    %dma_wait3A_189 = arith.constant 0 : i32
    %dma_wait3A_190 = arith.constant 0 : i32
    %dma_wait3A_191 = tpu.memref_slice %arg2[%dma_wait3A_188, %dma_wait3A_189, %dma_wait3A_190] : memref<4x8192x1024xf32, #tpu.memory_space<hbm>> -> memref<4x8x1024xf32, #tpu.memory_space<hbm>>
    %dma_wait3A_192 = arith.constant 0 : i32
    %dma_wait3A_193 = arith.constant 0 : i32
    %dma_wait3A_194 = arith.constant 0 : i32
    %dma_wait3A_195 = tpu.memref_slice %arg5[%dma_wait3A_182, %dma_wait3A_192, %dma_wait3A_193, %dma_wait3A_194] : memref<3x4x8x1024xf32, #tpu.memory_space<vmem>> -> memref<1x4x8x1024xf32, #tpu.memory_space<vmem>>
    %dma_wait3A_196 = tpu.memref_squeeze %dma_wait3A_195 : memref<1x4x8x1024xf32, #tpu.memory_space<vmem>> -> memref<4x8x1024xf32, #tpu.memory_space<vmem>>
    %dma_wait3A_197 = arith.constant 0 : i32
    %dma_wait3A_198 = arith.constant 0 : i32
    %dma_wait3A_199 = arith.constant 0 : i32
    %dma_wait3A_200 = tpu.memref_slice %arg2[%dma_wait3A_197, %dma_wait3A_198, %dma_wait3A_199] : memref<4x8192x1024xf32, #tpu.memory_space<hbm>> -> memref<4x8x1024xf32, #tpu.memory_space<hbm>>
    tpu.wait_dma2 semaphore(%arg7 : memref<!tpu.dma_semaphore, #tpu.memory_space<semaphore_mem>>) src(%dma_wait3A_200 : memref<4x8x1024xf32, #tpu.memory_space<hbm>>) dst(%dma_wait3A_196 : memref<4x8x1024xf32, #tpu.memory_space<vmem>>)
    %parallel_loop3A = arith.constant 0 : i32
    %parallel_loop3A_201 = arith.constant 512 : i32
    %parallel_loop3A_202 = arith.constant 1 : i32
    scf.for %parallel_loop3A_1050 = %parallel_loop3A to %parallel_loop3A_201 step %parallel_loop3A_202  : i32 {
      %parallel_loop3A_1051 = arith.constant 6 : i32
      %parallel_loop3A_1052 = arith.shrsi %parallel_loop3A_1050, %parallel_loop3A_1051 : i32
      %parallel_loop3A_1053 = arith.constant 63 : i32
      %parallel_loop3A_1054 = arith.andi %parallel_loop3A_1050, %parallel_loop3A_1053 : i32
      %parallel_loop3A_1055 = arith.constant 16 : i32
      %parallel_loop3A_1056 = arith.muli %parallel_loop3A_1054, %parallel_loop3A_1055 : i32
      %parallel_loop3A_1057 = arith.constant 0 : i32
      %parallel_loop3A_1058 = arith.index_cast %parallel_loop3A_1057 : i32 to index
      %parallel_loop3A_1059 = arith.index_cast %parallel_loop3A_1052 : i32 to index
      %parallel_loop3A_1060 = arith.index_cast %parallel_loop3A_1056 : i32 to index
      %parallel_loop3A_1061 = tpu.vector_load %arg6[%parallel_loop3A_1058, %parallel_loop3A_1059, %parallel_loop3A_1060] {strides = array<i32>} : memref<3x8x1024xf32, #tpu.memory_space<vmem>>, vector<1x1x16xf32>,
      %parallel_loop3A_1062 = vector.shape_cast %parallel_loop3A_1061 : vector<1x1x16xf32> to vector<16xf32>
      %parallel_loop3A_1063 = arith.constant 0 : i32
      %parallel_loop3A_1064 = arith.constant 0 : i32
      %parallel_loop3A_1065 = arith.index_cast %parallel_loop3A_1063 : i32 to index
      %parallel_loop3A_1066 = arith.index_cast %parallel_loop3A_1064 : i32 to index
      %parallel_loop3A_1067 = arith.index_cast %parallel_loop3A_1052 : i32 to index
      %parallel_loop3A_1068 = arith.index_cast %parallel_loop3A_1056 : i32 to index
      %parallel_loop3A_1069 = tpu.vector_load %arg5[%parallel_loop3A_1065, %parallel_loop3A_1066, %parallel_loop3A_1067, %parallel_loop3A_1068] {strides = array<i32>} : memref<3x4x8x1024xf32, #tpu.memory_space<vmem>>, vector<1x1x1x16xf32>,
      %parallel_loop3A_1070 = vector.shape_cast %parallel_loop3A_1069 : vector<1x1x1x16xf32> to vector<16xf32>
      %parallel_loop3A_1071 = vector.shape_cast %parallel_loop3A_1062 : vector<16xf32> to vector<1x1x1x16xf32>
      tpu.vector_store %arg5[%parallel_loop3A_1065, %parallel_loop3A_1066, %parallel_loop3A_1067, %parallel_loop3A_1068], %parallel_loop3A_1071 {add = true, strides = array<i32>} : memref<3x4x8x1024xf32, #tpu.memory_space<vmem>>, vector<1x1x1x16xf32>,
      %parallel_loop3A_1072 = arith.constant 0 : i32
      %parallel_loop3A_1073 = arith.constant 1 : i32
      %parallel_loop3A_1074 = arith.index_cast %parallel_loop3A_1072 : i32 to index
      %parallel_loop3A_1075 = arith.index_cast %parallel_loop3A_1073 : i32 to index
      %parallel_loop3A_1076 = arith.index_cast %parallel_loop3A_1052 : i32 to index
      %parallel_loop3A_1077 = arith.index_cast %parallel_loop3A_1056 : i32 to index
      %parallel_loop3A_1078 = tpu.vector_load %arg5[%parallel_loop3A_1074, %parallel_loop3A_1075, %parallel_loop3A_1076, %parallel_loop3A_1077] {strides = array<i32>} : memref<3x4x8x1024xf32, #tpu.memory_space<vmem>>, vector<1x1x1x16xf32>,
      %parallel_loop3A_1079 = vector.shape_cast %parallel_loop3A_1078 : vector<1x1x1x16xf32> to vector<16xf32>
      %parallel_loop3A_1080 = vector.shape_cast %parallel_loop3A_1062 : vector<16xf32> to vector<1x1x1x16xf32>
      tpu.vector_store %arg5[%parallel_loop3A_1074, %parallel_loop3A_1075, %parallel_loop3A_1076, %parallel_loop3A_1077], %parallel_loop3A_1080 {add = true, strides = array<i32>} : memref<3x4x8x1024xf32, #tpu.memory_space<vmem>>, vector<1x1x1x16xf32>,
      %parallel_loop3A_1081 = arith.constant 0 : i32
      %parallel_loop3A_1082 = arith.constant 2 : i32
      %parallel_loop3A_1083 = arith.index_cast %parallel_loop3A_1081 : i32 to index
      %parallel_loop3A_1084 = arith.index_cast %parallel_loop3A_1082 : i32 to index
      %parallel_loop3A_1085 = arith.index_cast %parallel_loop3A_1052 : i32 to index
      %parallel_loop3A_1086 = arith.index_cast %parallel_loop3A_1056 : i32 to index
      %parallel_loop3A_1087 = tpu.vector_load %arg5[%parallel_loop3A_1083, %parallel_loop3A_1084, %parallel_loop3A_1085, %parallel_loop3A_1086] {strides = array<i32>} : memref<3x4x8x1024xf32, #tpu.memory_space<vmem>>, vector<1x1x1x16xf32>,
      %parallel_loop3A_1088 = vector.shape_cast %parallel_loop3A_1087 : vector<1x1x1x16xf32> to vector<16xf32>
      %parallel_loop3A_1089 = vector.shape_cast %parallel_loop3A_1062 : vector<16xf32> to vector<1x1x1x16xf32>
      tpu.vector_store %arg5[%parallel_loop3A_1083, %parallel_loop3A_1084, %parallel_loop3A_1085, %parallel_loop3A_1086], %parallel_loop3A_1089 {add = true, strides = array<i32>} : memref<3x4x8x1024xf32, #tpu.memory_space<vmem>>, vector<1x1x1x16xf32>,
      %parallel_loop3A_1090 = arith.constant 0 : i32
      %parallel_loop3A_1091 = arith.constant 3 : i32
      %parallel_loop3A_1092 = arith.index_cast %parallel_loop3A_1090 : i32 to index
      %parallel_loop3A_1093 = arith.index_cast %parallel_loop3A_1091 : i32 to index
      %parallel_loop3A_1094 = arith.index_cast %parallel_loop3A_1052 : i32 to index
      %parallel_loop3A_1095 = arith.index_cast %parallel_loop3A_1056 : i32 to index
      %parallel_loop3A_1096 = tpu.vector_load %arg5[%parallel_loop3A_1092, %parallel_loop3A_1093, %parallel_loop3A_1094, %parallel_loop3A_1095] {strides = array<i32>} : memref<3x4x8x1024xf32, #tpu.memory_space<vmem>>, vector<1x1x1x16xf32>,
      %parallel_loop3A_1097 = vector.shape_cast %parallel_loop3A_1096 : vector<1x1x1x16xf32> to vector<16xf32>
      %parallel_loop3A_1098 = vector.shape_cast %parallel_loop3A_1062 : vector<16xf32> to vector<1x1x1x16xf32>
      tpu.vector_store %arg5[%parallel_loop3A_1092, %parallel_loop3A_1093, %parallel_loop3A_1094, %parallel_loop3A_1095], %parallel_loop3A_1098 {add = true, strides = array<i32>} : memref<3x4x8x1024xf32, #tpu.memory_space<vmem>>, vector<1x1x1x16xf32>,
    } {sc.loop_unroll_factor = 4 : i64, sc.parallel_access}
    %add3A_203 = arith.constant 0 : i32
    %add3A_204 = arith.addi %mul3A_2, %add3A_203 : i32
    %dma_start3A_205 = arith.constant 0 : i32
    %dma_start3A_206 = arith.constant 0 : i32
    %dma_start3A_207 = arith.constant 0 : i32
    %dma_start3A_208 = arith.constant 0 : i32
    %dma_start3A_209 = arith.constant 0 : i32
    %dma_start3A_210 = tpu.memref_slice %arg5[%dma_start3A_205, %dma_start3A_206, %dma_start3A_208, %dma_start3A_209] : memref<3x4x8x1024xf32, #tpu.memory_space<vmem>> -> memref<1x1x8x1024xf32, #tpu.memory_space<vmem>>
    %dma_start3A_211 = tpu.memref_squeeze %dma_start3A_210 : memref<1x1x8x1024xf32, #tpu.memory_space<vmem>> -> memref<8x1024xf32, #tpu.memory_space<vmem>>
    %dma_start3A_212 = arith.constant 0 : i32
    %dma_start3A_213 = tpu.memref_slice %arg4[%dma_start3A_207, %add3A_204, %dma_start3A_212] : memref<4x8192x1024xf32, #tpu.memory_space<hbm>> -> memref<1x8x1024xf32, #tpu.memory_space<hbm>>
    %dma_start3A_214 = tpu.memref_squeeze %dma_start3A_213 : memref<1x8x1024xf32, #tpu.memory_space<hbm>> -> memref<8x1024xf32, #tpu.memory_space<hbm>>
    %dma_start3A_215 = arith.constant 0 : i32
    %dma_start3A_216 = tpu.memref_slice %arg4[%dma_start3A_207, %add3A_204, %dma_start3A_215] : memref<4x8192x1024xf32, #tpu.memory_space<hbm>> -> memref<1x8x1024xf32, #tpu.memory_space<hbm>>
    %dma_start3A_217 = tpu.memref_squeeze %dma_start3A_216 : memref<1x8x1024xf32, #tpu.memory_space<hbm>> -> memref<8x1024xf32, #tpu.memory_space<hbm>>
    %dma_start3A_218 = arith.constant 0 : i32
    %dma_start3A_219 = arith.constant 0 : i32
    %dma_start3A_220 = tpu.memref_slice %arg5[%dma_start3A_205, %dma_start3A_206, %dma_start3A_218, %dma_start3A_219] : memref<3x4x8x1024xf32, #tpu.memory_space<vmem>> -> memref<1x1x8x1024xf32, #tpu.memory_space<vmem>>
    %dma_start3A_221 = tpu.memref_squeeze %dma_start3A_220 : memref<1x1x8x1024xf32, #tpu.memory_space<vmem>> -> memref<8x1024xf32, #tpu.memory_space<vmem>>
    tpu.enqueue_dma source(%dma_start3A_221 : memref<8x1024xf32, #tpu.memory_space<vmem>>) target(%dma_start3A_217 : memref<8x1024xf32, #tpu.memory_space<hbm>>) target_semaphore(%arg10 : memref<!tpu.dma_semaphore, #tpu.memory_space<semaphore_mem>>)
    %dma_start3A_222 = arith.constant 0 : i32
    %dma_start3A_223 = arith.constant 1 : i32
    %dma_start3A_224 = arith.constant 1 : i32
    %dma_start3A_225 = arith.constant 0 : i32
    %dma_start3A_226 = arith.constant 0 : i32
    %dma_start3A_227 = tpu.memref_slice %arg5[%dma_start3A_222, %dma_start3A_223, %dma_start3A_225, %dma_start3A_226] : memref<3x4x8x1024xf32, #tpu.memory_space<vmem>> -> memref<1x1x8x1024xf32, #tpu.memory_space<vmem>>
    %dma_start3A_228 = tpu.memref_squeeze %dma_start3A_227 : memref<1x1x8x1024xf32, #tpu.memory_space<vmem>> -> memref<8x1024xf32, #tpu.memory_space<vmem>>
    %dma_start3A_229 = arith.constant 0 : i32
    %dma_start3A_230 = tpu.memref_slice %arg4[%dma_start3A_224, %add3A_204, %dma_start3A_229] : memref<4x8192x1024xf32, #tpu.memory_space<hbm>> -> memref<1x8x1024xf32, #tpu.memory_space<hbm>>
    %dma_start3A_231 = tpu.memref_squeeze %dma_start3A_230 : memref<1x8x1024xf32, #tpu.memory_space<hbm>> -> memref<8x1024xf32, #tpu.memory_space<hbm>>
    %dma_start3A_232 = arith.constant 0 : i32
    %dma_start3A_233 = tpu.memref_slice %arg4[%dma_start3A_224, %add3A_204, %dma_start3A_232] : memref<4x8192x1024xf32, #tpu.memory_space<hbm>> -> memref<1x8x1024xf32, #tpu.memory_space<hbm>>
    %dma_start3A_234 = tpu.memref_squeeze %dma_start3A_233 : memref<1x8x1024xf32, #tpu.memory_space<hbm>> -> memref<8x1024xf32, #tpu.memory_space<hbm>>
    %dma_start3A_235 = arith.constant 0 : i32
    %dma_start3A_236 = arith.constant 0 : i32
    %dma_start3A_237 = tpu.memref_slice %arg5[%dma_start3A_222, %dma_start3A_223, %dma_start3A_235, %dma_start3A_236] : memref<3x4x8x1024xf32, #tpu.memory_space<vmem>> -> memref<1x1x8x1024xf32, #tpu.memory_space<vmem>>
    %dma_start3A_238 = tpu.memref_squeeze %dma_start3A_237 : memref<1x1x8x1024xf32, #tpu.memory_space<vmem>> -> memref<8x1024xf32, #tpu.memory_space<vmem>>
    tpu.enqueue_dma source(%dma_start3A_238 : memref<8x1024xf32, #tpu.memory_space<vmem>>) target(%dma_start3A_234 : memref<8x1024xf32, #tpu.memory_space<hbm>>) target_semaphore(%arg10 : memref<!tpu.dma_semaphore, #tpu.memory_space<semaphore_mem>>)
    %dma_start3A_239 = arith.constant 0 : i32
    %dma_start3A_240 = arith.constant 2 : i32
    %dma_start3A_241 = arith.constant 2 : i32
    %dma_start3A_242 = arith.constant 0 : i32
    %dma_start3A_243 = arith.constant 0 : i32
    %dma_start3A_244 = tpu.memref_slice %arg5[%dma_start3A_239, %dma_start3A_240, %dma_start3A_242, %dma_start3A_243] : memref<3x4x8x1024xf32, #tpu.memory_space<vmem>> -> memref<1x1x8x1024xf32, #tpu.memory_space<vmem>>
    %dma_start3A_245 = tpu.memref_squeeze %dma_start3A_244 : memref<1x1x8x1024xf32, #tpu.memory_space<vmem>> -> memref<8x1024xf32, #tpu.memory_space<vmem>>
    %dma_start3A_246 = arith.constant 0 : i32
    %dma_start3A_247 = tpu.memref_slice %arg4[%dma_start3A_241, %add3A_204, %dma_start3A_246] : memref<4x8192x1024xf32, #tpu.memory_space<hbm>> -> memref<1x8x1024xf32, #tpu.memory_space<hbm>>
    %dma_start3A_248 = tpu.memref_squeeze %dma_start3A_247 : memref<1x8x1024xf32, #tpu.memory_space<hbm>> -> memref<8x1024xf32, #tpu.memory_space<hbm>>
    %dma_start3A_249 = arith.constant 0 : i32
    %dma_start3A_250 = tpu.memref_slice %arg4[%dma_start3A_241, %add3A_204, %dma_start3A_249] : memref<4x8192x1024xf32, #tpu.memory_space<hbm>> -> memref<1x8x1024xf32, #tpu.memory_space<hbm>>
    %dma_start3A_251 = tpu.memref_squeeze %dma_start3A_250 : memref<1x8x1024xf32, #tpu.memory_space<hbm>> -> memref<8x1024xf32, #tpu.memory_space<hbm>>
    %dma_start3A_252 = arith.constant 0 : i32
    %dma_start3A_253 = arith.constant 0 : i32
    %dma_start3A_254 = tpu.memref_slice %arg5[%dma_start3A_239, %dma_start3A_240, %dma_start3A_252, %dma_start3A_253] : memref<3x4x8x1024xf32, #tpu.memory_space<vmem>> -> memref<1x1x8x1024xf32, #tpu.memory_space<vmem>>
    %dma_start3A_255 = tpu.memref_squeeze %dma_start3A_254 : memref<1x1x8x1024xf32, #tpu.memory_space<vmem>> -> memref<8x1024xf32, #tpu.memory_space<vmem>>
    tpu.enqueue_dma source(%dma_start3A_255 : memref<8x1024xf32, #tpu.memory_space<vmem>>) target(%dma_start3A_251 : memref<8x1024xf32, #tpu.memory_space<hbm>>) target_semaphore(%arg10 : memref<!tpu.dma_semaphore, #tpu.memory_space<semaphore_mem>>)
    %dma_start3A_256 = arith.constant 0 : i32
    %dma_start3A_257 = arith.constant 3 : i32
    %dma_start3A_258 = arith.constant 3 : i32
    %dma_start3A_259 = arith.constant 0 : i32
    %dma_start3A_260 = arith.constant 0 : i32
    %dma_start3A_261 = tpu.memref_slice %arg5[%dma_start3A_256, %dma_start3A_257, %dma_start3A_259, %dma_start3A_260] : memref<3x4x8x1024xf32, #tpu.memory_space<vmem>> -> memref<1x1x8x1024xf32, #tpu.memory_space<vmem>>
    %dma_start3A_262 = tpu.memref_squeeze %dma_start3A_261 : memref<1x1x8x1024xf32, #tpu.memory_space<vmem>> -> memref<8x1024xf32, #tpu.memory_space<vmem>>
    %dma_start3A_263 = arith.constant 0 : i32
    %dma_start3A_264 = tpu.memref_slice %arg4[%dma_start3A_258, %add3A_204, %dma_start3A_263] : memref<4x8192x1024xf32, #tpu.memory_space<hbm>> -> memref<1x8x1024xf32, #tpu.memory_space<hbm>>
    %dma_start3A_265 = tpu.memref_squeeze %dma_start3A_264 : memref<1x8x1024xf32, #tpu.memory_space<hbm>> -> memref<8x1024xf32, #tpu.memory_space<hbm>>
    %dma_start3A_266 = arith.constant 0 : i32
    %dma_start3A_267 = tpu.memref_slice %arg4[%dma_start3A_258, %add3A_204, %dma_start3A_266] : memref<4x8192x1024xf32, #tpu.memory_space<hbm>> -> memref<1x8x1024xf32, #tpu.memory_space<hbm>>
    %dma_start3A_268 = tpu.memref_squeeze %dma_start3A_267 : memref<1x8x1024xf32, #tpu.memory_space<hbm>> -> memref<8x1024xf32, #tpu.memory_space<hbm>>
    %dma_start3A_269 = arith.constant 0 : i32
    %dma_start3A_270 = arith.constant 0 : i32
    %dma_start3A_271 = tpu.memref_slice %arg5[%dma_start3A_256, %dma_start3A_257, %dma_start3A_269, %dma_start3A_270] : memref<3x4x8x1024xf32, #tpu.memory_space<vmem>> -> memref<1x1x8x1024xf32, #tpu.memory_space<vmem>>
    %dma_start3A_272 = tpu.memref_squeeze %dma_start3A_271 : memref<1x1x8x1024xf32, #tpu.memory_space<vmem>> -> memref<8x1024xf32, #tpu.memory_space<vmem>>
    tpu.enqueue_dma source(%dma_start3A_272 : memref<8x1024xf32, #tpu.memory_space<vmem>>) target(%dma_start3A_268 : memref<8x1024xf32, #tpu.memory_space<hbm>>) target_semaphore(%arg10 : memref<!tpu.dma_semaphore, #tpu.memory_space<semaphore_mem>>)
    %add3A_273 = arith.constant 16 : i32
    %add3A_274 = arith.addi %mul3A_2, %add3A_273 : i32
    %dma_start3A_275 = arith.constant 2 : i32
    %dma_start3A_276 = arith.constant 0 : i32
    %dma_start3A_277 = arith.constant 0 : i32
    %dma_start3A_278 = tpu.memref_slice %arg6[%dma_start3A_275, %dma_start3A_276, %dma_start3A_277] : memref<3x8x1024xf32, #tpu.memory_space<vmem>> -> memref<1x8x1024xf32, #tpu.memory_space<vmem>>
    %dma_start3A_279 = tpu.memref_squeeze %dma_start3A_278 : memref<1x8x1024xf32, #tpu.memory_space<vmem>> -> memref<8x1024xf32, #tpu.memory_space<vmem>>
    %dma_start3A_280 = arith.constant 0 : i32
    %dma_start3A_281 = tpu.memref_slice %arg3[%add3A_274, %dma_start3A_280] : memref<8192x1024xf32, #tpu.memory_space<hbm>> -> memref<8x1024xf32, #tpu.memory_space<hbm>>
    %dma_start3A_282 = arith.constant 0 : i32
    %dma_start3A_283 = arith.constant 0 : i32
    %dma_start3A_284 = tpu.memref_slice %arg6[%dma_start3A_275, %dma_start3A_282, %dma_start3A_283] : memref<3x8x1024xf32, #tpu.memory_space<vmem>> -> memref<1x8x1024xf32, #tpu.memory_space<vmem>>
    %dma_start3A_285 = tpu.memref_squeeze %dma_start3A_284 : memref<1x8x1024xf32, #tpu.memory_space<vmem>> -> memref<8x1024xf32, #tpu.memory_space<vmem>>
    %dma_start3A_286 = arith.constant 0 : i32
    %dma_start3A_287 = tpu.memref_slice %arg3[%add3A_274, %dma_start3A_286] : memref<8192x1024xf32, #tpu.memory_space<hbm>> -> memref<8x1024xf32, #tpu.memory_space<hbm>>
    tpu.enqueue_dma source(%dma_start3A_287 : memref<8x1024xf32, #tpu.memory_space<hbm>>) target(%dma_start3A_285 : memref<8x1024xf32, #tpu.memory_space<vmem>>) target_semaphore(%arg9 : memref<!tpu.dma_semaphore, #tpu.memory_space<semaphore_mem>>)
    %dma_start3A_288 = arith.constant 0 : i32
    %dma_start3A_289 = arith.constant 2 : i32
    %dma_start3A_290 = arith.constant 0 : i32
    %dma_start3A_291 = arith.constant 0 : i32
    %dma_start3A_292 = arith.constant 0 : i32
    %dma_start3A_293 = tpu.memref_slice %arg5[%dma_start3A_289, %dma_start3A_290, %dma_start3A_291, %dma_start3A_292] : memref<3x4x8x1024xf32, #tpu.memory_space<vmem>> -> memref<1x1x8x1024xf32, #tpu.memory_space<vmem>>
    %dma_start3A_294 = tpu.memref_squeeze %dma_start3A_293 : memref<1x1x8x1024xf32, #tpu.memory_space<vmem>> -> memref<8x1024xf32, #tpu.memory_space<vmem>>
    %dma_start3A_295 = arith.constant 0 : i32
    %dma_start3A_296 = tpu.memref_slice %arg2[%dma_start3A_288, %add3A_274, %dma_start3A_295] : memref<4x8192x1024xf32, #tpu.memory_space<hbm>> -> memref<1x8x1024xf32, #tpu.memory_space<hbm>>
    %dma_start3A_297 = tpu.memref_squeeze %dma_start3A_296 : memref<1x8x1024xf32, #tpu.memory_space<hbm>> -> memref<8x1024xf32, #tpu.memory_space<hbm>>
    %dma_start3A_298 = arith.constant 0 : i32
    %dma_start3A_299 = arith.constant 0 : i32
    %dma_start3A_300 = tpu.memref_slice %arg5[%dma_start3A_289, %dma_start3A_290, %dma_start3A_298, %dma_start3A_299] : memref<3x4x8x1024xf32, #tpu.memory_space<vmem>> -> memref<1x1x8x1024xf32, #tpu.memory_space<vmem>>
    %dma_start3A_301 = tpu.memref_squeeze %dma_start3A_300 : memref<1x1x8x1024xf32, #tpu.memory_space<vmem>> -> memref<8x1024xf32, #tpu.memory_space<vmem>>
    %dma_start3A_302 = arith.constant 0 : i32
    %dma_start3A_303 = tpu.memref_slice %arg2[%dma_start3A_288, %add3A_274, %dma_start3A_302] : memref<4x8192x1024xf32, #tpu.memory_space<hbm>> -> memref<1x8x1024xf32, #tpu.memory_space<hbm>>
    %dma_start3A_304 = tpu.memref_squeeze %dma_start3A_303 : memref<1x8x1024xf32, #tpu.memory_space<hbm>> -> memref<8x1024xf32, #tpu.memory_space<hbm>>
    tpu.enqueue_dma source(%dma_start3A_304 : memref<8x1024xf32, #tpu.memory_space<hbm>>) target(%dma_start3A_301 : memref<8x1024xf32, #tpu.memory_space<vmem>>) target_semaphore(%arg9 : memref<!tpu.dma_semaphore, #tpu.memory_space<semaphore_mem>>)
    %dma_start3A_305 = arith.constant 1 : i32
    %dma_start3A_306 = arith.constant 2 : i32
    %dma_start3A_307 = arith.constant 1 : i32
    %dma_start3A_308 = arith.constant 0 : i32
    %dma_start3A_309 = arith.constant 0 : i32
    %dma_start3A_310 = tpu.memref_slice %arg5[%dma_start3A_306, %dma_start3A_307, %dma_start3A_308, %dma_start3A_309] : memref<3x4x8x1024xf32, #tpu.memory_space<vmem>> -> memref<1x1x8x1024xf32, #tpu.memory_space<vmem>>
    %dma_start3A_311 = tpu.memref_squeeze %dma_start3A_310 : memref<1x1x8x1024xf32, #tpu.memory_space<vmem>> -> memref<8x1024xf32, #tpu.memory_space<vmem>>
    %dma_start3A_312 = arith.constant 0 : i32
    %dma_start3A_313 = tpu.memref_slice %arg2[%dma_start3A_305, %add3A_274, %dma_start3A_312] : memref<4x8192x1024xf32, #tpu.memory_space<hbm>> -> memref<1x8x1024xf32, #tpu.memory_space<hbm>>
    %dma_start3A_314 = tpu.memref_squeeze %dma_start3A_313 : memref<1x8x1024xf32, #tpu.memory_space<hbm>> -> memref<8x1024xf32, #tpu.memory_space<hbm>>
    %dma_start3A_315 = arith.constant 0 : i32
    %dma_start3A_316 = arith.constant 0 : i32
    %dma_start3A_317 = tpu.memref_slice %arg5[%dma_start3A_306, %dma_start3A_307, %dma_start3A_315, %dma_start3A_316] : memref<3x4x8x1024xf32, #tpu.memory_space<vmem>> -> memref<1x1x8x1024xf32, #tpu.memory_space<vmem>>
    %dma_start3A_318 = tpu.memref_squeeze %dma_start3A_317 : memref<1x1x8x1024xf32, #tpu.memory_space<vmem>> -> memref<8x1024xf32, #tpu.memory_space<vmem>>
    %dma_start3A_319 = arith.constant 0 : i32
    %dma_start3A_320 = tpu.memref_slice %arg2[%dma_start3A_305, %add3A_274, %dma_start3A_319] : memref<4x8192x1024xf32, #tpu.memory_space<hbm>> -> memref<1x8x1024xf32, #tpu.memory_space<hbm>>
    %dma_start3A_321 = tpu.memref_squeeze %dma_start3A_320 : memref<1x8x1024xf32, #tpu.memory_space<hbm>> -> memref<8x1024xf32, #tpu.memory_space<hbm>>
    tpu.enqueue_dma source(%dma_start3A_321 : memref<8x1024xf32, #tpu.memory_space<hbm>>) target(%dma_start3A_318 : memref<8x1024xf32, #tpu.memory_space<vmem>>) target_semaphore(%arg9 : memref<!tpu.dma_semaphore, #tpu.memory_space<semaphore_mem>>)
    %dma_start3A_322 = arith.constant 2 : i32
    %dma_start3A_323 = arith.constant 2 : i32
    %dma_start3A_324 = arith.constant 2 : i32
    %dma_start3A_325 = arith.constant 0 : i32
    %dma_start3A_326 = arith.constant 0 : i32
    %dma_start3A_327 = tpu.memref_slice %arg5[%dma_start3A_323, %dma_start3A_324, %dma_start3A_325, %dma_start3A_326] : memref<3x4x8x1024xf32, #tpu.memory_space<vmem>> -> memref<1x1x8x1024xf32, #tpu.memory_space<vmem>>
    %dma_start3A_328 = tpu.memref_squeeze %dma_start3A_327 : memref<1x1x8x1024xf32, #tpu.memory_space<vmem>> -> memref<8x1024xf32, #tpu.memory_space<vmem>>
    %dma_start3A_329 = arith.constant 0 : i32
    %dma_start3A_330 = tpu.memref_slice %arg2[%dma_start3A_322, %add3A_274, %dma_start3A_329] : memref<4x8192x1024xf32, #tpu.memory_space<hbm>> -> memref<1x8x1024xf32, #tpu.memory_space<hbm>>
    %dma_start3A_331 = tpu.memref_squeeze %dma_start3A_330 : memref<1x8x1024xf32, #tpu.memory_space<hbm>> -> memref<8x1024xf32, #tpu.memory_space<hbm>>
    %dma_start3A_332 = arith.constant 0 : i32
    %dma_start3A_333 = arith.constant 0 : i32
    %dma_start3A_334 = tpu.memref_slice %arg5[%dma_start3A_323, %dma_start3A_324, %dma_start3A_332, %dma_start3A_333] : memref<3x4x8x1024xf32, #tpu.memory_space<vmem>> -> memref<1x1x8x1024xf32, #tpu.memory_space<vmem>>
    %dma_start3A_335 = tpu.memref_squeeze %dma_start3A_334 : memref<1x1x8x1024xf32, #tpu.memory_space<vmem>> -> memref<8x1024xf32, #tpu.memory_space<vmem>>
    %dma_start3A_336 = arith.constant 0 : i32
    %dma_start3A_337 = tpu.memref_slice %arg2[%dma_start3A_322, %add3A_274, %dma_start3A_336] : memref<4x8192x1024xf32, #tpu.memory_space<hbm>> -> memref<1x8x1024xf32, #tpu.memory_space<hbm>>
    %dma_start3A_338 = tpu.memref_squeeze %dma_start3A_337 : memref<1x8x1024xf32, #tpu.memory_space<hbm>> -> memref<8x1024xf32, #tpu.memory_space<hbm>>
    tpu.enqueue_dma source(%dma_start3A_338 : memref<8x1024xf32, #tpu.memory_space<hbm>>) target(%dma_start3A_335 : memref<8x1024xf32, #tpu.memory_space<vmem>>) target_semaphore(%arg9 : memref<!tpu.dma_semaphore, #tpu.memory_space<semaphore_mem>>)
    %dma_start3A_339 = arith.constant 3 : i32
    %dma_start3A_340 = arith.constant 2 : i32
    %dma_start3A_341 = arith.constant 3 : i32
    %dma_start3A_342 = arith.constant 0 : i32
    %dma_start3A_343 = arith.constant 0 : i32
    %dma_start3A_344 = tpu.memref_slice %arg5[%dma_start3A_340, %dma_start3A_341, %dma_start3A_342, %dma_start3A_343] : memref<3x4x8x1024xf32, #tpu.memory_space<vmem>> -> memref<1x1x8x1024xf32, #tpu.memory_space<vmem>>
    %dma_start3A_345 = tpu.memref_squeeze %dma_start3A_344 : memref<1x1x8x1024xf32, #tpu.memory_space<vmem>> -> memref<8x1024xf32, #tpu.memory_space<vmem>>
    %dma_start3A_346 = arith.constant 0 : i32
    %dma_start3A_347 = tpu.memref_slice %arg2[%dma_start3A_339, %add3A_274, %dma_start3A_346] : memref<4x8192x1024xf32, #tpu.memory_space<hbm>> -> memref<1x8x1024xf32, #tpu.memory_space<hbm>>
    %dma_start3A_348 = tpu.memref_squeeze %dma_start3A_347 : memref<1x8x1024xf32, #tpu.memory_space<hbm>> -> memref<8x1024xf32, #tpu.memory_space<hbm>>
    %dma_start3A_349 = arith.constant 0 : i32
    %dma_start3A_350 = arith.constant 0 : i32
    %dma_start3A_351 = tpu.memref_slice %arg5[%dma_start3A_340, %dma_start3A_341, %dma_start3A_349, %dma_start3A_350] : memref<3x4x8x1024xf32, #tpu.memory_space<vmem>> -> memref<1x1x8x1024xf32, #tpu.memory_space<vmem>>
    %dma_start3A_352 = tpu.memref_squeeze %dma_start3A_351 : memref<1x1x8x1024xf32, #tpu.memory_space<vmem>> -> memref<8x1024xf32, #tpu.memory_space<vmem>>
    %dma_start3A_353 = arith.constant 0 : i32
    %dma_start3A_354 = tpu.memref_slice %arg2[%dma_start3A_339, %add3A_274, %dma_start3A_353] : memref<4x8192x1024xf32, #tpu.memory_space<hbm>> -> memref<1x8x1024xf32, #tpu.memory_space<hbm>>
    %dma_start3A_355 = tpu.memref_squeeze %dma_start3A_354 : memref<1x8x1024xf32, #tpu.memory_space<hbm>> -> memref<8x1024xf32, #tpu.memory_space<hbm>>
    tpu.enqueue_dma source(%dma_start3A_355 : memref<8x1024xf32, #tpu.memory_space<hbm>>) target(%dma_start3A_352 : memref<8x1024xf32, #tpu.memory_space<vmem>>) target_semaphore(%arg9 : memref<!tpu.dma_semaphore, #tpu.memory_space<semaphore_mem>>)
    %dma_wait3A_356 = arith.constant 1 : i32
    %dma_wait3A_357 = arith.constant 0 : i32
    %dma_wait3A_358 = arith.constant 0 : i32
    %dma_wait3A_359 = tpu.memref_slice %arg6[%dma_wait3A_356, %dma_wait3A_357, %dma_wait3A_358] : memref<3x8x1024xf32, #tpu.memory_space<vmem>> -> memref<1x8x1024xf32, #tpu.memory_space<vmem>>
    %dma_wait3A_360 = tpu.memref_squeeze %dma_wait3A_359 : memref<1x8x1024xf32, #tpu.memory_space<vmem>> -> memref<8x1024xf32, #tpu.memory_space<vmem>>
    %dma_wait3A_361 = arith.constant 0 : i32
    %dma_wait3A_362 = arith.constant 0 : i32
    %dma_wait3A_363 = tpu.memref_slice %arg3[%dma_wait3A_361, %dma_wait3A_362] : memref<8192x1024xf32, #tpu.memory_space<hbm>> -> memref<8x1024xf32, #tpu.memory_space<hbm>>
    %dma_wait3A_364 = arith.constant 0 : i32
    %dma_wait3A_365 = arith.constant 0 : i32
    %dma_wait3A_366 = tpu.memref_slice %arg6[%dma_wait3A_356, %dma_wait3A_364, %dma_wait3A_365] : memref<3x8x1024xf32, #tpu.memory_space<vmem>> -> memref<1x8x1024xf32, #tpu.memory_space<vmem>>
    %dma_wait3A_367 = tpu.memref_squeeze %dma_wait3A_366 : memref<1x8x1024xf32, #tpu.memory_space<vmem>> -> memref<8x1024xf32, #tpu.memory_space<vmem>>
    %dma_wait3A_368 = arith.constant 0 : i32
    %dma_wait3A_369 = arith.constant 0 : i32
    %dma_wait3A_370 = tpu.memref_slice %arg3[%dma_wait3A_368, %dma_wait3A_369] : memref<8192x1024xf32, #tpu.memory_space<hbm>> -> memref<8x1024xf32, #tpu.memory_space<hbm>>
    tpu.wait_dma2 semaphore(%arg8 : memref<!tpu.dma_semaphore, #tpu.memory_space<semaphore_mem>>) src(%dma_wait3A_370 : memref<8x1024xf32, #tpu.memory_space<hbm>>) dst(%dma_wait3A_367 : memref<8x1024xf32, #tpu.memory_space<vmem>>)
    %dma_wait3A_371 = arith.constant 1 : i32
    %dma_wait3A_372 = arith.constant 0 : i32
    %dma_wait3A_373 = arith.constant 0 : i32
    %dma_wait3A_374 = arith.constant 0 : i32
    %dma_wait3A_375 = tpu.memref_slice %arg5[%dma_wait3A_371, %dma_wait3A_372, %dma_wait3A_373, %dma_wait3A_374] : memref<3x4x8x1024xf32, #tpu.memory_space<vmem>> -> memref<1x4x8x1024xf32, #tpu.memory_space<vmem>>
    %dma_wait3A_376 = tpu.memref_squeeze %dma_wait3A_375 : memref<1x4x8x1024xf32, #tpu.memory_space<vmem>> -> memref<4x8x1024xf32, #tpu.memory_space<vmem>>
    %dma_wait3A_377 = arith.constant 0 : i32
    %dma_wait3A_378 = arith.constant 0 : i32
    %dma_wait3A_379 = arith.constant 0 : i32
    %dma_wait3A_380 = tpu.memref_slice %arg2[%dma_wait3A_377, %dma_wait3A_378, %dma_wait3A_379] : memref<4x8192x1024xf32, #tpu.memory_space<hbm>> -> memref<4x8x1024xf32, #tpu.memory_space<hbm>>
    %dma_wait3A_381 = arith.constant 0 : i32
    %dma_wait3A_382 = arith.constant 0 : i32
    %dma_wait3A_383 = arith.constant 0 : i32
    %dma_wait3A_384 = tpu.memref_slice %arg5[%dma_wait3A_371, %dma_wait3A_381, %dma_wait3A_382, %dma_wait3A_383] : memref<3x4x8x1024xf32, #tpu.memory_space<vmem>> -> memref<1x4x8x1024xf32, #tpu.memory_space<vmem>>
    %dma_wait3A_385 = tpu.memref_squeeze %dma_wait3A_384 : memref<1x4x8x1024xf32, #tpu.memory_space<vmem>> -> memref<4x8x1024xf32, #tpu.memory_space<vmem>>
    %dma_wait3A_386 = arith.constant 0 : i32
    %dma_wait3A_387 = arith.constant 0 : i32
    %dma_wait3A_388 = arith.constant 0 : i32
    %dma_wait3A_389 = tpu.memref_slice %arg2[%dma_wait3A_386, %dma_wait3A_387, %dma_wait3A_388] : memref<4x8192x1024xf32, #tpu.memory_space<hbm>> -> memref<4x8x1024xf32, #tpu.memory_space<hbm>>
    tpu.wait_dma2 semaphore(%arg8 : memref<!tpu.dma_semaphore, #tpu.memory_space<semaphore_mem>>) src(%dma_wait3A_389 : memref<4x8x1024xf32, #tpu.memory_space<hbm>>) dst(%dma_wait3A_385 : memref<4x8x1024xf32, #tpu.memory_space<vmem>>)
    %parallel_loop3A_390 = arith.constant 0 : i32
    %parallel_loop3A_391 = arith.constant 512 : i32
    %parallel_loop3A_392 = arith.constant 1 : i32
    scf.for %parallel_loop3A_1050 = %parallel_loop3A_390 to %parallel_loop3A_391 step %parallel_loop3A_392  : i32 {
      %parallel_loop3A_1051 = arith.constant 6 : i32
      %parallel_loop3A_1052 = arith.shrsi %parallel_loop3A_1050, %parallel_loop3A_1051 : i32
      %parallel_loop3A_1053 = arith.constant 63 : i32
      %parallel_loop3A_1054 = arith.andi %parallel_loop3A_1050, %parallel_loop3A_1053 : i32
      %parallel_loop3A_1055 = arith.constant 16 : i32
      %parallel_loop3A_1056 = arith.muli %parallel_loop3A_1054, %parallel_loop3A_1055 : i32
      %parallel_loop3A_1057 = arith.constant 1 : i32
      %parallel_loop3A_1058 = arith.index_cast %parallel_loop3A_1057 : i32 to index
      %parallel_loop3A_1059 = arith.index_cast %parallel_loop3A_1052 : i32 to index
      %parallel_loop3A_1060 = arith.index_cast %parallel_loop3A_1056 : i32 to index
      %parallel_loop3A_1061 = tpu.vector_load %arg6[%parallel_loop3A_1058, %parallel_loop3A_1059, %parallel_loop3A_1060] {strides = array<i32>} : memref<3x8x1024xf32, #tpu.memory_space<vmem>>, vector<1x1x16xf32>,
      %parallel_loop3A_1062 = vector.shape_cast %parallel_loop3A_1061 : vector<1x1x16xf32> to vector<16xf32>
      %parallel_loop3A_1063 = arith.constant 1 : i32
      %parallel_loop3A_1064 = arith.constant 0 : i32
      %parallel_loop3A_1065 = arith.index_cast %parallel_loop3A_1063 : i32 to index
      %parallel_loop3A_1066 = arith.index_cast %parallel_loop3A_1064 : i32 to index
      %parallel_loop3A_1067 = arith.index_cast %parallel_loop3A_1052 : i32 to index
      %parallel_loop3A_1068 = arith.index_cast %parallel_loop3A_1056 : i32 to index
      %parallel_loop3A_1069 = tpu.vector_load %arg5[%parallel_loop3A_1065, %parallel_loop3A_1066, %parallel_loop3A_1067, %parallel_loop3A_1068] {strides = array<i32>} : memref<3x4x8x1024xf32, #tpu.memory_space<vmem>>, vector<1x1x1x16xf32>,
      %parallel_loop3A_1070 = vector.shape_cast %parallel_loop3A_1069 : vector<1x1x1x16xf32> to vector<16xf32>
      %parallel_loop3A_1071 = vector.shape_cast %parallel_loop3A_1062 : vector<16xf32> to vector<1x1x1x16xf32>
      tpu.vector_store %arg5[%parallel_loop3A_1065, %parallel_loop3A_1066, %parallel_loop3A_1067, %parallel_loop3A_1068], %parallel_loop3A_1071 {add = true, strides = array<i32>} : memref<3x4x8x1024xf32, #tpu.memory_space<vmem>>, vector<1x1x1x16xf32>,
      %parallel_loop3A_1072 = arith.constant 1 : i32
      %parallel_loop3A_1073 = arith.constant 1 : i32
      %parallel_loop3A_1074 = arith.index_cast %parallel_loop3A_1072 : i32 to index
      %parallel_loop3A_1075 = arith.index_cast %parallel_loop3A_1073 : i32 to index
      %parallel_loop3A_1076 = arith.index_cast %parallel_loop3A_1052 : i32 to index
      %parallel_loop3A_1077 = arith.index_cast %parallel_loop3A_1056 : i32 to index
      %parallel_loop3A_1078 = tpu.vector_load %arg5[%parallel_loop3A_1074, %parallel_loop3A_1075, %parallel_loop3A_1076, %parallel_loop3A_1077] {strides = array<i32>} : memref<3x4x8x1024xf32, #tpu.memory_space<vmem>>, vector<1x1x1x16xf32>,
      %parallel_loop3A_1079 = vector.shape_cast %parallel_loop3A_1078 : vector<1x1x1x16xf32> to vector<16xf32>
      %parallel_loop3A_1080 = vector.shape_cast %parallel_loop3A_1062 : vector<16xf32> to vector<1x1x1x16xf32>
      tpu.vector_store %arg5[%parallel_loop3A_1074, %parallel_loop3A_1075, %parallel_loop3A_1076, %parallel_loop3A_1077], %parallel_loop3A_1080 {add = true, strides = array<i32>} : memref<3x4x8x1024xf32, #tpu.memory_space<vmem>>, vector<1x1x1x16xf32>,
      %parallel_loop3A_1081 = arith.constant 1 : i32
      %parallel_loop3A_1082 = arith.constant 2 : i32
      %parallel_loop3A_1083 = arith.index_cast %parallel_loop3A_1081 : i32 to index
      %parallel_loop3A_1084 = arith.index_cast %parallel_loop3A_1082 : i32 to index
      %parallel_loop3A_1085 = arith.index_cast %parallel_loop3A_1052 : i32 to index
      %parallel_loop3A_1086 = arith.index_cast %parallel_loop3A_1056 : i32 to index
      %parallel_loop3A_1087 = tpu.vector_load %arg5[%parallel_loop3A_1083, %parallel_loop3A_1084, %parallel_loop3A_1085, %parallel_loop3A_1086] {strides = array<i32>} : memref<3x4x8x1024xf32, #tpu.memory_space<vmem>>, vector<1x1x1x16xf32>,
      %parallel_loop3A_1088 = vector.shape_cast %parallel_loop3A_1087 : vector<1x1x1x16xf32> to vector<16xf32>
      %parallel_loop3A_1089 = vector.shape_cast %parallel_loop3A_1062 : vector<16xf32> to vector<1x1x1x16xf32>
      tpu.vector_store %arg5[%parallel_loop3A_1083, %parallel_loop3A_1084, %parallel_loop3A_1085, %parallel_loop3A_1086], %parallel_loop3A_1089 {add = true, strides = array<i32>} : memref<3x4x8x1024xf32, #tpu.memory_space<vmem>>, vector<1x1x1x16xf32>,
      %parallel_loop3A_1090 = arith.constant 1 : i32
      %parallel_loop3A_1091 = arith.constant 3 : i32
      %parallel_loop3A_1092 = arith.index_cast %parallel_loop3A_1090 : i32 to index
      %parallel_loop3A_1093 = arith.index_cast %parallel_loop3A_1091 : i32 to index
      %parallel_loop3A_1094 = arith.index_cast %parallel_loop3A_1052 : i32 to index
      %parallel_loop3A_1095 = arith.index_cast %parallel_loop3A_1056 : i32 to index
      %parallel_loop3A_1096 = tpu.vector_load %arg5[%parallel_loop3A_1092, %parallel_loop3A_1093, %parallel_loop3A_1094, %parallel_loop3A_1095] {strides = array<i32>} : memref<3x4x8x1024xf32, #tpu.memory_space<vmem>>, vector<1x1x1x16xf32>,
      %parallel_loop3A_1097 = vector.shape_cast %parallel_loop3A_1096 : vector<1x1x1x16xf32> to vector<16xf32>
      %parallel_loop3A_1098 = vector.shape_cast %parallel_loop3A_1062 : vector<16xf32> to vector<1x1x1x16xf32>
      tpu.vector_store %arg5[%parallel_loop3A_1092, %parallel_loop3A_1093, %parallel_loop3A_1094, %parallel_loop3A_1095], %parallel_loop3A_1098 {add = true, strides = array<i32>} : memref<3x4x8x1024xf32, #tpu.memory_space<vmem>>, vector<1x1x1x16xf32>,
    } {sc.loop_unroll_factor = 4 : i64, sc.parallel_access}
    %add3A_393 = arith.constant 8 : i32
    %add3A_394 = arith.addi %mul3A_2, %add3A_393 : i32
    %dma_start3A_395 = arith.constant 1 : i32
    %dma_start3A_396 = arith.constant 0 : i32
    %dma_start3A_397 = arith.constant 0 : i32
    %dma_start3A_398 = arith.constant 0 : i32
    %dma_start3A_399 = arith.constant 0 : i32
    %dma_start3A_400 = tpu.memref_slice %arg5[%dma_start3A_395, %dma_start3A_396, %dma_start3A_398, %dma_start3A_399] : memref<3x4x8x1024xf32, #tpu.memory_space<vmem>> -> memref<1x1x8x1024xf32, #tpu.memory_space<vmem>>
    %dma_start3A_401 = tpu.memref_squeeze %dma_start3A_400 : memref<1x1x8x1024xf32, #tpu.memory_space<vmem>> -> memref<8x1024xf32, #tpu.memory_space<vmem>>
    %dma_start3A_402 = arith.constant 0 : i32
    %dma_start3A_403 = tpu.memref_slice %arg4[%dma_start3A_397, %add3A_394, %dma_start3A_402] : memref<4x8192x1024xf32, #tpu.memory_space<hbm>> -> memref<1x8x1024xf32, #tpu.memory_space<hbm>>
    %dma_start3A_404 = tpu.memref_squeeze %dma_start3A_403 : memref<1x8x1024xf32, #tpu.memory_space<hbm>> -> memref<8x1024xf32, #tpu.memory_space<hbm>>
    %dma_start3A_405 = arith.constant 0 : i32
    %dma_start3A_406 = tpu.memref_slice %arg4[%dma_start3A_397, %add3A_394, %dma_start3A_405] : memref<4x8192x1024xf32, #tpu.memory_space<hbm>> -> memref<1x8x1024xf32, #tpu.memory_space<hbm>>
    %dma_start3A_407 = tpu.memref_squeeze %dma_start3A_406 : memref<1x8x1024xf32, #tpu.memory_space<hbm>> -> memref<8x1024xf32, #tpu.memory_space<hbm>>
    %dma_start3A_408 = arith.constant 0 : i32
    %dma_start3A_409 = arith.constant 0 : i32
    %dma_start3A_410 = tpu.memref_slice %arg5[%dma_start3A_395, %dma_start3A_396, %dma_start3A_408, %dma_start3A_409] : memref<3x4x8x1024xf32, #tpu.memory_space<vmem>> -> memref<1x1x8x1024xf32, #tpu.memory_space<vmem>>
    %dma_start3A_411 = tpu.memref_squeeze %dma_start3A_410 : memref<1x1x8x1024xf32, #tpu.memory_space<vmem>> -> memref<8x1024xf32, #tpu.memory_space<vmem>>
    tpu.enqueue_dma source(%dma_start3A_411 : memref<8x1024xf32, #tpu.memory_space<vmem>>) target(%dma_start3A_407 : memref<8x1024xf32, #tpu.memory_space<hbm>>) target_semaphore(%arg11 : memref<!tpu.dma_semaphore, #tpu.memory_space<semaphore_mem>>)
    %dma_start3A_412 = arith.constant 1 : i32
    %dma_start3A_413 = arith.constant 1 : i32
    %dma_start3A_414 = arith.constant 1 : i32
    %dma_start3A_415 = arith.constant 0 : i32
    %dma_start3A_416 = arith.constant 0 : i32
    %dma_start3A_417 = tpu.memref_slice %arg5[%dma_start3A_412, %dma_start3A_413, %dma_start3A_415, %dma_start3A_416] : memref<3x4x8x1024xf32, #tpu.memory_space<vmem>> -> memref<1x1x8x1024xf32, #tpu.memory_space<vmem>>
    %dma_start3A_418 = tpu.memref_squeeze %dma_start3A_417 : memref<1x1x8x1024xf32, #tpu.memory_space<vmem>> -> memref<8x1024xf32, #tpu.memory_space<vmem>>
    %dma_start3A_419 = arith.constant 0 : i32
    %dma_start3A_420 = tpu.memref_slice %arg4[%dma_start3A_414, %add3A_394, %dma_start3A_419] : memref<4x8192x1024xf32, #tpu.memory_space<hbm>> -> memref<1x8x1024xf32, #tpu.memory_space<hbm>>
    %dma_start3A_421 = tpu.memref_squeeze %dma_start3A_420 : memref<1x8x1024xf32, #tpu.memory_space<hbm>> -> memref<8x1024xf32, #tpu.memory_space<hbm>>
    %dma_start3A_422 = arith.constant 0 : i32
    %dma_start3A_423 = tpu.memref_slice %arg4[%dma_start3A_414, %add3A_394, %dma_start3A_422] : memref<4x8192x1024xf32, #tpu.memory_space<hbm>> -> memref<1x8x1024xf32, #tpu.memory_space<hbm>>
    %dma_start3A_424 = tpu.memref_squeeze %dma_start3A_423 : memref<1x8x1024xf32, #tpu.memory_space<hbm>> -> memref<8x1024xf32, #tpu.memory_space<hbm>>
    %dma_start3A_425 = arith.constant 0 : i32
    %dma_start3A_426 = arith.constant 0 : i32
    %dma_start3A_427 = tpu.memref_slice %arg5[%dma_start3A_412, %dma_start3A_413, %dma_start3A_425, %dma_start3A_426] : memref<3x4x8x1024xf32, #tpu.memory_space<vmem>> -> memref<1x1x8x1024xf32, #tpu.memory_space<vmem>>
    %dma_start3A_428 = tpu.memref_squeeze %dma_start3A_427 : memref<1x1x8x1024xf32, #tpu.memory_space<vmem>> -> memref<8x1024xf32, #tpu.memory_space<vmem>>
    tpu.enqueue_dma source(%dma_start3A_428 : memref<8x1024xf32, #tpu.memory_space<vmem>>) target(%dma_start3A_424 : memref<8x1024xf32, #tpu.memory_space<hbm>>) target_semaphore(%arg11 : memref<!tpu.dma_semaphore, #tpu.memory_space<semaphore_mem>>)
    %dma_start3A_429 = arith.constant 1 : i32
    %dma_start3A_430 = arith.constant 2 : i32
    %dma_start3A_431 = arith.constant 2 : i32
    %dma_start3A_432 = arith.constant 0 : i32
    %dma_start3A_433 = arith.constant 0 : i32
    %dma_start3A_434 = tpu.memref_slice %arg5[%dma_start3A_429, %dma_start3A_430, %dma_start3A_432, %dma_start3A_433] : memref<3x4x8x1024xf32, #tpu.memory_space<vmem>> -> memref<1x1x8x1024xf32, #tpu.memory_space<vmem>>
    %dma_start3A_435 = tpu.memref_squeeze %dma_start3A_434 : memref<1x1x8x1024xf32, #tpu.memory_space<vmem>> -> memref<8x1024xf32, #tpu.memory_space<vmem>>
    %dma_start3A_436 = arith.constant 0 : i32
    %dma_start3A_437 = tpu.memref_slice %arg4[%dma_start3A_431, %add3A_394, %dma_start3A_436] : memref<4x8192x1024xf32, #tpu.memory_space<hbm>> -> memref<1x8x1024xf32, #tpu.memory_space<hbm>>
    %dma_start3A_438 = tpu.memref_squeeze %dma_start3A_437 : memref<1x8x1024xf32, #tpu.memory_space<hbm>> -> memref<8x1024xf32, #tpu.memory_space<hbm>>
    %dma_start3A_439 = arith.constant 0 : i32
    %dma_start3A_440 = tpu.memref_slice %arg4[%dma_start3A_431, %add3A_394, %dma_start3A_439] : memref<4x8192x1024xf32, #tpu.memory_space<hbm>> -> memref<1x8x1024xf32, #tpu.memory_space<hbm>>
    %dma_start3A_441 = tpu.memref_squeeze %dma_start3A_440 : memref<1x8x1024xf32, #tpu.memory_space<hbm>> -> memref<8x1024xf32, #tpu.memory_space<hbm>>
    %dma_start3A_442 = arith.constant 0 : i32
    %dma_start3A_443 = arith.constant 0 : i32
    %dma_start3A_444 = tpu.memref_slice %arg5[%dma_start3A_429, %dma_start3A_430, %dma_start3A_442, %dma_start3A_443] : memref<3x4x8x1024xf32, #tpu.memory_space<vmem>> -> memref<1x1x8x1024xf32, #tpu.memory_space<vmem>>
    %dma_start3A_445 = tpu.memref_squeeze %dma_start3A_444 : memref<1x1x8x1024xf32, #tpu.memory_space<vmem>> -> memref<8x1024xf32, #tpu.memory_space<vmem>>
    tpu.enqueue_dma source(%dma_start3A_445 : memref<8x1024xf32, #tpu.memory_space<vmem>>) target(%dma_start3A_441 : memref<8x1024xf32, #tpu.memory_space<hbm>>) target_semaphore(%arg11 : memref<!tpu.dma_semaphore, #tpu.memory_space<semaphore_mem>>)
    %dma_start3A_446 = arith.constant 1 : i32
    %dma_start3A_447 = arith.constant 3 : i32
    %dma_start3A_448 = arith.constant 3 : i32
    %dma_start3A_449 = arith.constant 0 : i32
    %dma_start3A_450 = arith.constant 0 : i32
    %dma_start3A_451 = tpu.memref_slice %arg5[%dma_start3A_446, %dma_start3A_447, %dma_start3A_449, %dma_start3A_450] : memref<3x4x8x1024xf32, #tpu.memory_space<vmem>> -> memref<1x1x8x1024xf32, #tpu.memory_space<vmem>>
    %dma_start3A_452 = tpu.memref_squeeze %dma_start3A_451 : memref<1x1x8x1024xf32, #tpu.memory_space<vmem>> -> memref<8x1024xf32, #tpu.memory_space<vmem>>
    %dma_start3A_453 = arith.constant 0 : i32
    %dma_start3A_454 = tpu.memref_slice %arg4[%dma_start3A_448, %add3A_394, %dma_start3A_453] : memref<4x8192x1024xf32, #tpu.memory_space<hbm>> -> memref<1x8x1024xf32, #tpu.memory_space<hbm>>
    %dma_start3A_455 = tpu.memref_squeeze %dma_start3A_454 : memref<1x8x1024xf32, #tpu.memory_space<hbm>> -> memref<8x1024xf32, #tpu.memory_space<hbm>>
    %dma_start3A_456 = arith.constant 0 : i32
    %dma_start3A_457 = tpu.memref_slice %arg4[%dma_start3A_448, %add3A_394, %dma_start3A_456] : memref<4x8192x1024xf32, #tpu.memory_space<hbm>> -> memref<1x8x1024xf32, #tpu.memory_space<hbm>>
    %dma_start3A_458 = tpu.memref_squeeze %dma_start3A_457 : memref<1x8x1024xf32, #tpu.memory_space<hbm>> -> memref<8x1024xf32, #tpu.memory_space<hbm>>
    %dma_start3A_459 = arith.constant 0 : i32
    %dma_start3A_460 = arith.constant 0 : i32
    %dma_start3A_461 = tpu.memref_slice %arg5[%dma_start3A_446, %dma_start3A_447, %dma_start3A_459, %dma_start3A_460] : memref<3x4x8x1024xf32, #tpu.memory_space<vmem>> -> memref<1x1x8x1024xf32, #tpu.memory_space<vmem>>
    %dma_start3A_462 = tpu.memref_squeeze %dma_start3A_461 : memref<1x1x8x1024xf32, #tpu.memory_space<vmem>> -> memref<8x1024xf32, #tpu.memory_space<vmem>>
    tpu.enqueue_dma source(%dma_start3A_462 : memref<8x1024xf32, #tpu.memory_space<vmem>>) target(%dma_start3A_458 : memref<8x1024xf32, #tpu.memory_space<hbm>>) target_semaphore(%arg11 : memref<!tpu.dma_semaphore, #tpu.memory_space<semaphore_mem>>)
    %dma_wait3A_463 = arith.constant 0 : i32
    %dma_wait3A_464 = arith.constant 0 : i32
    %dma_wait3A_465 = arith.constant 0 : i32
    %dma_wait3A_466 = arith.constant 0 : i32
    %dma_wait3A_467 = tpu.memref_slice %arg5[%dma_wait3A_463, %dma_wait3A_464, %dma_wait3A_465, %dma_wait3A_466] : memref<3x4x8x1024xf32, #tpu.memory_space<vmem>> -> memref<1x4x8x1024xf32, #tpu.memory_space<vmem>>
    %dma_wait3A_468 = tpu.memref_squeeze %dma_wait3A_467 : memref<1x4x8x1024xf32, #tpu.memory_space<vmem>> -> memref<4x8x1024xf32, #tpu.memory_space<vmem>>
    %dma_wait3A_469 = arith.constant 0 : i32
    %dma_wait3A_470 = arith.constant 0 : i32
    %dma_wait3A_471 = arith.constant 0 : i32
    %dma_wait3A_472 = tpu.memref_slice %arg4[%dma_wait3A_469, %dma_wait3A_470, %dma_wait3A_471] : memref<4x8192x1024xf32, #tpu.memory_space<hbm>> -> memref<4x8x1024xf32, #tpu.memory_space<hbm>>
    %dma_wait3A_473 = arith.constant 0 : i32
    %dma_wait3A_474 = arith.constant 0 : i32
    %dma_wait3A_475 = arith.constant 0 : i32
    %dma_wait3A_476 = tpu.memref_slice %arg4[%dma_wait3A_473, %dma_wait3A_474, %dma_wait3A_475] : memref<4x8192x1024xf32, #tpu.memory_space<hbm>> -> memref<4x8x1024xf32, #tpu.memory_space<hbm>>
    %dma_wait3A_477 = arith.constant 0 : i32
    %dma_wait3A_478 = arith.constant 0 : i32
    %dma_wait3A_479 = arith.constant 0 : i32
    %dma_wait3A_480 = tpu.memref_slice %arg5[%dma_wait3A_463, %dma_wait3A_477, %dma_wait3A_478, %dma_wait3A_479] : memref<3x4x8x1024xf32, #tpu.memory_space<vmem>> -> memref<1x4x8x1024xf32, #tpu.memory_space<vmem>>
    %dma_wait3A_481 = tpu.memref_squeeze %dma_wait3A_480 : memref<1x4x8x1024xf32, #tpu.memory_space<vmem>> -> memref<4x8x1024xf32, #tpu.memory_space<vmem>>
    tpu.wait_dma2 semaphore(%arg10 : memref<!tpu.dma_semaphore, #tpu.memory_space<semaphore_mem>>) src(%dma_wait3A_481 : memref<4x8x1024xf32, #tpu.memory_space<vmem>>) dst(%dma_wait3A_476 : memref<4x8x1024xf32, #tpu.memory_space<hbm>>)
    %add3A_482 = arith.constant 24 : i32
    %add3A_483 = arith.addi %mul3A_2, %add3A_482 : i32
    %dma_start3A_484 = arith.constant 0 : i32
    %dma_start3A_485 = arith.constant 0 : i32
    %dma_start3A_486 = arith.constant 0 : i32
    %dma_start3A_487 = tpu.memref_slice %arg6[%dma_start3A_484, %dma_start3A_485, %dma_start3A_486] : memref<3x8x1024xf32, #tpu.memory_space<vmem>> -> memref<1x8x1024xf32, #tpu.memory_space<vmem>>
    %dma_start3A_488 = tpu.memref_squeeze %dma_start3A_487 : memref<1x8x1024xf32, #tpu.memory_space<vmem>> -> memref<8x1024xf32, #tpu.memory_space<vmem>>
    %dma_start3A_489 = arith.constant 0 : i32
    %dma_start3A_490 = tpu.memref_slice %arg3[%add3A_483, %dma_start3A_489] : memref<8192x1024xf32, #tpu.memory_space<hbm>> -> memref<8x1024xf32, #tpu.memory_space<hbm>>
    %dma_start3A_491 = arith.constant 0 : i32
    %dma_start3A_492 = arith.constant 0 : i32
    %dma_start3A_493 = tpu.memref_slice %arg6[%dma_start3A_484, %dma_start3A_491, %dma_start3A_492] : memref<3x8x1024xf32, #tpu.memory_space<vmem>> -> memref<1x8x1024xf32, #tpu.memory_space<vmem>>
    %dma_start3A_494 = tpu.memref_squeeze %dma_start3A_493 : memref<1x8x1024xf32, #tpu.memory_space<vmem>> -> memref<8x1024xf32, #tpu.memory_space<vmem>>
    %dma_start3A_495 = arith.constant 0 : i32
    %dma_start3A_496 = tpu.memref_slice %arg3[%add3A_483, %dma_start3A_495] : memref<8192x1024xf32, #tpu.memory_space<hbm>> -> memref<8x1024xf32, #tpu.memory_space<hbm>>
    tpu.enqueue_dma source(%dma_start3A_496 : memref<8x1024xf32, #tpu.memory_space<hbm>>) target(%dma_start3A_494 : memref<8x1024xf32, #tpu.memory_space<vmem>>) target_semaphore(%arg7 : memref<!tpu.dma_semaphore, #tpu.memory_space<semaphore_mem>>)
    %dma_start3A_497 = arith.constant 0 : i32
    %dma_start3A_498 = arith.constant 0 : i32
    %dma_start3A_499 = arith.constant 0 : i32
    %dma_start3A_500 = arith.constant 0 : i32
    %dma_start3A_501 = arith.constant 0 : i32
    %dma_start3A_502 = tpu.memref_slice %arg5[%dma_start3A_498, %dma_start3A_499, %dma_start3A_500, %dma_start3A_501] : memref<3x4x8x1024xf32, #tpu.memory_space<vmem>> -> memref<1x1x8x1024xf32, #tpu.memory_space<vmem>>
    %dma_start3A_503 = tpu.memref_squeeze %dma_start3A_502 : memref<1x1x8x1024xf32, #tpu.memory_space<vmem>> -> memref<8x1024xf32, #tpu.memory_space<vmem>>
    %dma_start3A_504 = arith.constant 0 : i32
    %dma_start3A_505 = tpu.memref_slice %arg2[%dma_start3A_497, %add3A_483, %dma_start3A_504] : memref<4x8192x1024xf32, #tpu.memory_space<hbm>> -> memref<1x8x1024xf32, #tpu.memory_space<hbm>>
    %dma_start3A_506 = tpu.memref_squeeze %dma_start3A_505 : memref<1x8x1024xf32, #tpu.memory_space<hbm>> -> memref<8x1024xf32, #tpu.memory_space<hbm>>
    %dma_start3A_507 = arith.constant 0 : i32
    %dma_start3A_508 = arith.constant 0 : i32
    %dma_start3A_509 = tpu.memref_slice %arg5[%dma_start3A_498, %dma_start3A_499, %dma_start3A_507, %dma_start3A_508] : memref<3x4x8x1024xf32, #tpu.memory_space<vmem>> -> memref<1x1x8x1024xf32, #tpu.memory_space<vmem>>
    %dma_start3A_510 = tpu.memref_squeeze %dma_start3A_509 : memref<1x1x8x1024xf32, #tpu.memory_space<vmem>> -> memref<8x1024xf32, #tpu.memory_space<vmem>>
    %dma_start3A_511 = arith.constant 0 : i32
    %dma_start3A_512 = tpu.memref_slice %arg2[%dma_start3A_497, %add3A_483, %dma_start3A_511] : memref<4x8192x1024xf32, #tpu.memory_space<hbm>> -> memref<1x8x1024xf32, #tpu.memory_space<hbm>>
    %dma_start3A_513 = tpu.memref_squeeze %dma_start3A_512 : memref<1x8x1024xf32, #tpu.memory_space<hbm>> -> memref<8x1024xf32, #tpu.memory_space<hbm>>
    tpu.enqueue_dma source(%dma_start3A_513 : memref<8x1024xf32, #tpu.memory_space<hbm>>) target(%dma_start3A_510 : memref<8x1024xf32, #tpu.memory_space<vmem>>) target_semaphore(%arg7 : memref<!tpu.dma_semaphore, #tpu.memory_space<semaphore_mem>>)
    %dma_start3A_514 = arith.constant 1 : i32
    %dma_start3A_515 = arith.constant 0 : i32
    %dma_start3A_516 = arith.constant 1 : i32
    %dma_start3A_517 = arith.constant 0 : i32
    %dma_start3A_518 = arith.constant 0 : i32
    %dma_start3A_519 = tpu.memref_slice %arg5[%dma_start3A_515, %dma_start3A_516, %dma_start3A_517, %dma_start3A_518] : memref<3x4x8x1024xf32, #tpu.memory_space<vmem>> -> memref<1x1x8x1024xf32, #tpu.memory_space<vmem>>
    %dma_start3A_520 = tpu.memref_squeeze %dma_start3A_519 : memref<1x1x8x1024xf32, #tpu.memory_space<vmem>> -> memref<8x1024xf32, #tpu.memory_space<vmem>>
    %dma_start3A_521 = arith.constant 0 : i32
    %dma_start3A_522 = tpu.memref_slice %arg2[%dma_start3A_514, %add3A_483, %dma_start3A_521] : memref<4x8192x1024xf32, #tpu.memory_space<hbm>> -> memref<1x8x1024xf32, #tpu.memory_space<hbm>>
    %dma_start3A_523 = tpu.memref_squeeze %dma_start3A_522 : memref<1x8x1024xf32, #tpu.memory_space<hbm>> -> memref<8x1024xf32, #tpu.memory_space<hbm>>
    %dma_start3A_524 = arith.constant 0 : i32
    %dma_start3A_525 = arith.constant 0 : i32
    %dma_start3A_526 = tpu.memref_slice %arg5[%dma_start3A_515, %dma_start3A_516, %dma_start3A_524, %dma_start3A_525] : memref<3x4x8x1024xf32, #tpu.memory_space<vmem>> -> memref<1x1x8x1024xf32, #tpu.memory_space<vmem>>
    %dma_start3A_527 = tpu.memref_squeeze %dma_start3A_526 : memref<1x1x8x1024xf32, #tpu.memory_space<vmem>> -> memref<8x1024xf32, #tpu.memory_space<vmem>>
    %dma_start3A_528 = arith.constant 0 : i32
    %dma_start3A_529 = tpu.memref_slice %arg2[%dma_start3A_514, %add3A_483, %dma_start3A_528] : memref<4x8192x1024xf32, #tpu.memory_space<hbm>> -> memref<1x8x1024xf32, #tpu.memory_space<hbm>>
    %dma_start3A_530 = tpu.memref_squeeze %dma_start3A_529 : memref<1x8x1024xf32, #tpu.memory_space<hbm>> -> memref<8x1024xf32, #tpu.memory_space<hbm>>
    tpu.enqueue_dma source(%dma_start3A_530 : memref<8x1024xf32, #tpu.memory_space<hbm>>) target(%dma_start3A_527 : memref<8x1024xf32, #tpu.memory_space<vmem>>) target_semaphore(%arg7 : memref<!tpu.dma_semaphore, #tpu.memory_space<semaphore_mem>>)
    %dma_start3A_531 = arith.constant 2 : i32
    %dma_start3A_532 = arith.constant 0 : i32
    %dma_start3A_533 = arith.constant 2 : i32
    %dma_start3A_534 = arith.constant 0 : i32
    %dma_start3A_535 = arith.constant 0 : i32
    %dma_start3A_536 = tpu.memref_slice %arg5[%dma_start3A_532, %dma_start3A_533, %dma_start3A_534, %dma_start3A_535] : memref<3x4x8x1024xf32, #tpu.memory_space<vmem>> -> memref<1x1x8x1024xf32, #tpu.memory_space<vmem>>
    %dma_start3A_537 = tpu.memref_squeeze %dma_start3A_536 : memref<1x1x8x1024xf32, #tpu.memory_space<vmem>> -> memref<8x1024xf32, #tpu.memory_space<vmem>>
    %dma_start3A_538 = arith.constant 0 : i32
    %dma_start3A_539 = tpu.memref_slice %arg2[%dma_start3A_531, %add3A_483, %dma_start3A_538] : memref<4x8192x1024xf32, #tpu.memory_space<hbm>> -> memref<1x8x1024xf32, #tpu.memory_space<hbm>>
    %dma_start3A_540 = tpu.memref_squeeze %dma_start3A_539 : memref<1x8x1024xf32, #tpu.memory_space<hbm>> -> memref<8x1024xf32, #tpu.memory_space<hbm>>
    %dma_start3A_541 = arith.constant 0 : i32
    %dma_start3A_542 = arith.constant 0 : i32
    %dma_start3A_543 = tpu.memref_slice %arg5[%dma_start3A_532, %dma_start3A_533, %dma_start3A_541, %dma_start3A_542] : memref<3x4x8x1024xf32, #tpu.memory_space<vmem>> -> memref<1x1x8x1024xf32, #tpu.memory_space<vmem>>
    %dma_start3A_544 = tpu.memref_squeeze %dma_start3A_543 : memref<1x1x8x1024xf32, #tpu.memory_space<vmem>> -> memref<8x1024xf32, #tpu.memory_space<vmem>>
    %dma_start3A_545 = arith.constant 0 : i32
    %dma_start3A_546 = tpu.memref_slice %arg2[%dma_start3A_531, %add3A_483, %dma_start3A_545] : memref<4x8192x1024xf32, #tpu.memory_space<hbm>> -> memref<1x8x1024xf32, #tpu.memory_space<hbm>>
    %dma_start3A_547 = tpu.memref_squeeze %dma_start3A_546 : memref<1x8x1024xf32, #tpu.memory_space<hbm>> -> memref<8x1024xf32, #tpu.memory_space<hbm>>
    tpu.enqueue_dma source(%dma_start3A_547 : memref<8x1024xf32, #tpu.memory_space<hbm>>) target(%dma_start3A_544 : memref<8x1024xf32, #tpu.memory_space<vmem>>) target_semaphore(%arg7 : memref<!tpu.dma_semaphore, #tpu.memory_space<semaphore_mem>>)
    %dma_start3A_548 = arith.constant 3 : i32
    %dma_start3A_549 = arith.constant 0 : i32
    %dma_start3A_550 = arith.constant 3 : i32
    %dma_start3A_551 = arith.constant 0 : i32
    %dma_start3A_552 = arith.constant 0 : i32
    %dma_start3A_553 = tpu.memref_slice %arg5[%dma_start3A_549, %dma_start3A_550, %dma_start3A_551, %dma_start3A_552] : memref<3x4x8x1024xf32, #tpu.memory_space<vmem>> -> memref<1x1x8x1024xf32, #tpu.memory_space<vmem>>
    %dma_start3A_554 = tpu.memref_squeeze %dma_start3A_553 : memref<1x1x8x1024xf32, #tpu.memory_space<vmem>> -> memref<8x1024xf32, #tpu.memory_space<vmem>>
    %dma_start3A_555 = arith.constant 0 : i32
    %dma_start3A_556 = tpu.memref_slice %arg2[%dma_start3A_548, %add3A_483, %dma_start3A_555] : memref<4x8192x1024xf32, #tpu.memory_space<hbm>> -> memref<1x8x1024xf32, #tpu.memory_space<hbm>>
    %dma_start3A_557 = tpu.memref_squeeze %dma_start3A_556 : memref<1x8x1024xf32, #tpu.memory_space<hbm>> -> memref<8x1024xf32, #tpu.memory_space<hbm>>
    %dma_start3A_558 = arith.constant 0 : i32
    %dma_start3A_559 = arith.constant 0 : i32
    %dma_start3A_560 = tpu.memref_slice %arg5[%dma_start3A_549, %dma_start3A_550, %dma_start3A_558, %dma_start3A_559] : memref<3x4x8x1024xf32, #tpu.memory_space<vmem>> -> memref<1x1x8x1024xf32, #tpu.memory_space<vmem>>
    %dma_start3A_561 = tpu.memref_squeeze %dma_start3A_560 : memref<1x1x8x1024xf32, #tpu.memory_space<vmem>> -> memref<8x1024xf32, #tpu.memory_space<vmem>>
    %dma_start3A_562 = arith.constant 0 : i32
    %dma_start3A_563 = tpu.memref_slice %arg2[%dma_start3A_548, %add3A_483, %dma_start3A_562] : memref<4x8192x1024xf32, #tpu.memory_space<hbm>> -> memref<1x8x1024xf32, #tpu.memory_space<hbm>>
    %dma_start3A_564 = tpu.memref_squeeze %dma_start3A_563 : memref<1x8x1024xf32, #tpu.memory_space<hbm>> -> memref<8x1024xf32, #tpu.memory_space<hbm>>
    tpu.enqueue_dma source(%dma_start3A_564 : memref<8x1024xf32, #tpu.memory_space<hbm>>) target(%dma_start3A_561 : memref<8x1024xf32, #tpu.memory_space<vmem>>) target_semaphore(%arg7 : memref<!tpu.dma_semaphore, #tpu.memory_space<semaphore_mem>>)
    %dma_wait3A_565 = arith.constant 2 : i32
    %dma_wait3A_566 = arith.constant 0 : i32
    %dma_wait3A_567 = arith.constant 0 : i32
    %dma_wait3A_568 = tpu.memref_slice %arg6[%dma_wait3A_565, %dma_wait3A_566, %dma_wait3A_567] : memref<3x8x1024xf32, #tpu.memory_space<vmem>> -> memref<1x8x1024xf32, #tpu.memory_space<vmem>>
    %dma_wait3A_569 = tpu.memref_squeeze %dma_wait3A_568 : memref<1x8x1024xf32, #tpu.memory_space<vmem>> -> memref<8x1024xf32, #tpu.memory_space<vmem>>
    %dma_wait3A_570 = arith.constant 0 : i32
    %dma_wait3A_571 = arith.constant 0 : i32
    %dma_wait3A_572 = tpu.memref_slice %arg3[%dma_wait3A_570, %dma_wait3A_571] : memref<8192x1024xf32, #tpu.memory_space<hbm>> -> memref<8x1024xf32, #tpu.memory_space<hbm>>
    %dma_wait3A_573 = arith.constant 0 : i32
    %dma_wait3A_574 = arith.constant 0 : i32
    %dma_wait3A_575 = tpu.memref_slice %arg6[%dma_wait3A_565, %dma_wait3A_573, %dma_wait3A_574] : memref<3x8x1024xf32, #tpu.memory_space<vmem>> -> memref<1x8x1024xf32, #tpu.memory_space<vmem>>
    %dma_wait3A_576 = tpu.memref_squeeze %dma_wait3A_575 : memref<1x8x1024xf32, #tpu.memory_space<vmem>> -> memref<8x1024xf32, #tpu.memory_space<vmem>>
    %dma_wait3A_577 = arith.constant 0 : i32
    %dma_wait3A_578 = arith.constant 0 : i32
    %dma_wait3A_579 = tpu.memref_slice %arg3[%dma_wait3A_577, %dma_wait3A_578] : memref<8192x1024xf32, #tpu.memory_space<hbm>> -> memref<8x1024xf32, #tpu.memory_space<hbm>>
    tpu.wait_dma2 semaphore(%arg9 : memref<!tpu.dma_semaphore, #tpu.memory_space<semaphore_mem>>) src(%dma_wait3A_579 : memref<8x1024xf32, #tpu.memory_space<hbm>>) dst(%dma_wait3A_576 : memref<8x1024xf32, #tpu.memory_space<vmem>>)
    %dma_wait3A_580 = arith.constant 2 : i32
    %dma_wait3A_581 = arith.constant 0 : i32
    %dma_wait3A_582 = arith.constant 0 : i32
    %dma_wait3A_583 = arith.constant 0 : i32
    %dma_wait3A_584 = tpu.memref_slice %arg5[%dma_wait3A_580, %dma_wait3A_581, %dma_wait3A_582, %dma_wait3A_583] : memref<3x4x8x1024xf32, #tpu.memory_space<vmem>> -> memref<1x4x8x1024xf32, #tpu.memory_space<vmem>>
    %dma_wait3A_585 = tpu.memref_squeeze %dma_wait3A_584 : memref<1x4x8x1024xf32, #tpu.memory_space<vmem>> -> memref<4x8x1024xf32, #tpu.memory_space<vmem>>
    %dma_wait3A_586 = arith.constant 0 : i32
    %dma_wait3A_587 = arith.constant 0 : i32
    %dma_wait3A_588 = arith.constant 0 : i32
    %dma_wait3A_589 = tpu.memref_slice %arg2[%dma_wait3A_586, %dma_wait3A_587, %dma_wait3A_588] : memref<4x8192x1024xf32, #tpu.memory_space<hbm>> -> memref<4x8x1024xf32, #tpu.memory_space<hbm>>
    %dma_wait3A_590 = arith.constant 0 : i32
    %dma_wait3A_591 = arith.constant 0 : i32
    %dma_wait3A_592 = arith.constant 0 : i32
    %dma_wait3A_593 = tpu.memref_slice %arg5[%dma_wait3A_580, %dma_wait3A_590, %dma_wait3A_591, %dma_wait3A_592] : memref<3x4x8x1024xf32, #tpu.memory_space<vmem>> -> memref<1x4x8x1024xf32, #tpu.memory_space<vmem>>
    %dma_wait3A_594 = tpu.memref_squeeze %dma_wait3A_593 : memref<1x4x8x1024xf32, #tpu.memory_space<vmem>> -> memref<4x8x1024xf32, #tpu.memory_space<vmem>>
    %dma_wait3A_595 = arith.constant 0 : i32
    %dma_wait3A_596 = arith.constant 0 : i32
    %dma_wait3A_597 = arith.constant 0 : i32
    %dma_wait3A_598 = tpu.memref_slice %arg2[%dma_wait3A_595, %dma_wait3A_596, %dma_wait3A_597] : memref<4x8192x1024xf32, #tpu.memory_space<hbm>> -> memref<4x8x1024xf32, #tpu.memory_space<hbm>>
    tpu.wait_dma2 semaphore(%arg9 : memref<!tpu.dma_semaphore, #tpu.memory_space<semaphore_mem>>) src(%dma_wait3A_598 : memref<4x8x1024xf32, #tpu.memory_space<hbm>>) dst(%dma_wait3A_594 : memref<4x8x1024xf32, #tpu.memory_space<vmem>>)
    %parallel_loop3A_599 = arith.constant 0 : i32
    %parallel_loop3A_600 = arith.constant 512 : i32
    %parallel_loop3A_601 = arith.constant 1 : i32
    scf.for %parallel_loop3A_1050 = %parallel_loop3A_599 to %parallel_loop3A_600 step %parallel_loop3A_601  : i32 {
      %parallel_loop3A_1051 = arith.constant 6 : i32
      %parallel_loop3A_1052 = arith.shrsi %parallel_loop3A_1050, %parallel_loop3A_1051 : i32
      %parallel_loop3A_1053 = arith.constant 63 : i32
      %parallel_loop3A_1054 = arith.andi %parallel_loop3A_1050, %parallel_loop3A_1053 : i32
      %parallel_loop3A_1055 = arith.constant 16 : i32
      %parallel_loop3A_1056 = arith.muli %parallel_loop3A_1054, %parallel_loop3A_1055 : i32
      %parallel_loop3A_1057 = arith.constant 2 : i32
      %parallel_loop3A_1058 = arith.index_cast %parallel_loop3A_1057 : i32 to index
      %parallel_loop3A_1059 = arith.index_cast %parallel_loop3A_1052 : i32 to index
      %parallel_loop3A_1060 = arith.index_cast %parallel_loop3A_1056 : i32 to index
      %parallel_loop3A_1061 = tpu.vector_load %arg6[%parallel_loop3A_1058, %parallel_loop3A_1059, %parallel_loop3A_1060] {strides = array<i32>} : memref<3x8x1024xf32, #tpu.memory_space<vmem>>, vector<1x1x16xf32>,
      %parallel_loop3A_1062 = vector.shape_cast %parallel_loop3A_1061 : vector<1x1x16xf32> to vector<16xf32>
      %parallel_loop3A_1063 = arith.constant 2 : i32
      %parallel_loop3A_1064 = arith.constant 0 : i32
      %parallel_loop3A_1065 = arith.index_cast %parallel_loop3A_1063 : i32 to index
      %parallel_loop3A_1066 = arith.index_cast %parallel_loop3A_1064 : i32 to index
      %parallel_loop3A_1067 = arith.index_cast %parallel_loop3A_1052 : i32 to index
      %parallel_loop3A_1068 = arith.index_cast %parallel_loop3A_1056 : i32 to index
      %parallel_loop3A_1069 = tpu.vector_load %arg5[%parallel_loop3A_1065, %parallel_loop3A_1066, %parallel_loop3A_1067, %parallel_loop3A_1068] {strides = array<i32>} : memref<3x4x8x1024xf32, #tpu.memory_space<vmem>>, vector<1x1x1x16xf32>,
      %parallel_loop3A_1070 = vector.shape_cast %parallel_loop3A_1069 : vector<1x1x1x16xf32> to vector<16xf32>
      %parallel_loop3A_1071 = vector.shape_cast %parallel_loop3A_1062 : vector<16xf32> to vector<1x1x1x16xf32>
      tpu.vector_store %arg5[%parallel_loop3A_1065, %parallel_loop3A_1066, %parallel_loop3A_1067, %parallel_loop3A_1068], %parallel_loop3A_1071 {add = true, strides = array<i32>} : memref<3x4x8x1024xf32, #tpu.memory_space<vmem>>, vector<1x1x1x16xf32>,
      %parallel_loop3A_1072 = arith.constant 2 : i32
      %parallel_loop3A_1073 = arith.constant 1 : i32
      %parallel_loop3A_1074 = arith.index_cast %parallel_loop3A_1072 : i32 to index
      %parallel_loop3A_1075 = arith.index_cast %parallel_loop3A_1073 : i32 to index
      %parallel_loop3A_1076 = arith.index_cast %parallel_loop3A_1052 : i32 to index
      %parallel_loop3A_1077 = arith.index_cast %parallel_loop3A_1056 : i32 to index
      %parallel_loop3A_1078 = tpu.vector_load %arg5[%parallel_loop3A_1074, %parallel_loop3A_1075, %parallel_loop3A_1076, %parallel_loop3A_1077] {strides = array<i32>} : memref<3x4x8x1024xf32, #tpu.memory_space<vmem>>, vector<1x1x1x16xf32>,
      %parallel_loop3A_1079 = vector.shape_cast %parallel_loop3A_1078 : vector<1x1x1x16xf32> to vector<16xf32>
      %parallel_loop3A_1080 = vector.shape_cast %parallel_loop3A_1062 : vector<16xf32> to vector<1x1x1x16xf32>
      tpu.vector_store %arg5[%parallel_loop3A_1074, %parallel_loop3A_1075, %parallel_loop3A_1076, %parallel_loop3A_1077], %parallel_loop3A_1080 {add = true, strides = array<i32>} : memref<3x4x8x1024xf32, #tpu.memory_space<vmem>>, vector<1x1x1x16xf32>,
      %parallel_loop3A_1081 = arith.constant 2 : i32
      %parallel_loop3A_1082 = arith.constant 2 : i32
      %parallel_loop3A_1083 = arith.index_cast %parallel_loop3A_1081 : i32 to index
      %parallel_loop3A_1084 = arith.index_cast %parallel_loop3A_1082 : i32 to index
      %parallel_loop3A_1085 = arith.index_cast %parallel_loop3A_1052 : i32 to index
      %parallel_loop3A_1086 = arith.index_cast %parallel_loop3A_1056 : i32 to index
      %parallel_loop3A_1087 = tpu.vector_load %arg5[%parallel_loop3A_1083, %parallel_loop3A_1084, %parallel_loop3A_1085, %parallel_loop3A_1086] {strides = array<i32>} : memref<3x4x8x1024xf32, #tpu.memory_space<vmem>>, vector<1x1x1x16xf32>,
      %parallel_loop3A_1088 = vector.shape_cast %parallel_loop3A_1087 : vector<1x1x1x16xf32> to vector<16xf32>
      %parallel_loop3A_1089 = vector.shape_cast %parallel_loop3A_1062 : vector<16xf32> to vector<1x1x1x16xf32>
      tpu.vector_store %arg5[%parallel_loop3A_1083, %parallel_loop3A_1084, %parallel_loop3A_1085, %parallel_loop3A_1086], %parallel_loop3A_1089 {add = true, strides = array<i32>} : memref<3x4x8x1024xf32, #tpu.memory_space<vmem>>, vector<1x1x1x16xf32>,
      %parallel_loop3A_1090 = arith.constant 2 : i32
      %parallel_loop3A_1091 = arith.constant 3 : i32
      %parallel_loop3A_1092 = arith.index_cast %parallel_loop3A_1090 : i32 to index
      %parallel_loop3A_1093 = arith.index_cast %parallel_loop3A_1091 : i32 to index
      %parallel_loop3A_1094 = arith.index_cast %parallel_loop3A_1052 : i32 to index
      %parallel_loop3A_1095 = arith.index_cast %parallel_loop3A_1056 : i32 to index
      %parallel_loop3A_1096 = tpu.vector_load %arg5[%parallel_loop3A_1092, %parallel_loop3A_1093, %parallel_loop3A_1094, %parallel_loop3A_1095] {strides = array<i32>} : memref<3x4x8x1024xf32, #tpu.memory_space<vmem>>, vector<1x1x1x16xf32>,
      %parallel_loop3A_1097 = vector.shape_cast %parallel_loop3A_1096 : vector<1x1x1x16xf32> to vector<16xf32>
      %parallel_loop3A_1098 = vector.shape_cast %parallel_loop3A_1062 : vector<16xf32> to vector<1x1x1x16xf32>
      tpu.vector_store %arg5[%parallel_loop3A_1092, %parallel_loop3A_1093, %parallel_loop3A_1094, %parallel_loop3A_1095], %parallel_loop3A_1098 {add = true, strides = array<i32>} : memref<3x4x8x1024xf32, #tpu.memory_space<vmem>>, vector<1x1x1x16xf32>,
    } {sc.loop_unroll_factor = 4 : i64, sc.parallel_access}
    %add3A_602 = arith.constant 16 : i32
    %add3A_603 = arith.addi %mul3A_2, %add3A_602 : i32
    %dma_start3A_604 = arith.constant 2 : i32
    %dma_start3A_605 = arith.constant 0 : i32
    %dma_start3A_606 = arith.constant 0 : i32
    %dma_start3A_607 = arith.constant 0 : i32
    %dma_start3A_608 = arith.constant 0 : i32
    %dma_start3A_609 = tpu.memref_slice %arg5[%dma_start3A_604, %dma_start3A_605, %dma_start3A_607, %dma_start3A_608] : memref<3x4x8x1024xf32, #tpu.memory_space<vmem>> -> memref<1x1x8x1024xf32, #tpu.memory_space<vmem>>
    %dma_start3A_610 = tpu.memref_squeeze %dma_start3A_609 : memref<1x1x8x1024xf32, #tpu.memory_space<vmem>> -> memref<8x1024xf32, #tpu.memory_space<vmem>>
    %dma_start3A_611 = arith.constant 0 : i32
    %dma_start3A_612 = tpu.memref_slice %arg4[%dma_start3A_606, %add3A_603, %dma_start3A_611] : memref<4x8192x1024xf32, #tpu.memory_space<hbm>> -> memref<1x8x1024xf32, #tpu.memory_space<hbm>>
    %dma_start3A_613 = tpu.memref_squeeze %dma_start3A_612 : memref<1x8x1024xf32, #tpu.memory_space<hbm>> -> memref<8x1024xf32, #tpu.memory_space<hbm>>
    %dma_start3A_614 = arith.constant 0 : i32
    %dma_start3A_615 = tpu.memref_slice %arg4[%dma_start3A_606, %add3A_603, %dma_start3A_614] : memref<4x8192x1024xf32, #tpu.memory_space<hbm>> -> memref<1x8x1024xf32, #tpu.memory_space<hbm>>
    %dma_start3A_616 = tpu.memref_squeeze %dma_start3A_615 : memref<1x8x1024xf32, #tpu.memory_space<hbm>> -> memref<8x1024xf32, #tpu.memory_space<hbm>>
    %dma_start3A_617 = arith.constant 0 : i32
    %dma_start3A_618 = arith.constant 0 : i32
    %dma_start3A_619 = tpu.memref_slice %arg5[%dma_start3A_604, %dma_start3A_605, %dma_start3A_617, %dma_start3A_618] : memref<3x4x8x1024xf32, #tpu.memory_space<vmem>> -> memref<1x1x8x1024xf32, #tpu.memory_space<vmem>>
    %dma_start3A_620 = tpu.memref_squeeze %dma_start3A_619 : memref<1x1x8x1024xf32, #tpu.memory_space<vmem>> -> memref<8x1024xf32, #tpu.memory_space<vmem>>
    tpu.enqueue_dma source(%dma_start3A_620 : memref<8x1024xf32, #tpu.memory_space<vmem>>) target(%dma_start3A_616 : memref<8x1024xf32, #tpu.memory_space<hbm>>) target_semaphore(%arg12 : memref<!tpu.dma_semaphore, #tpu.memory_space<semaphore_mem>>)
    %dma_start3A_621 = arith.constant 2 : i32
    %dma_start3A_622 = arith.constant 1 : i32
    %dma_start3A_623 = arith.constant 1 : i32
    %dma_start3A_624 = arith.constant 0 : i32
    %dma_start3A_625 = arith.constant 0 : i32
    %dma_start3A_626 = tpu.memref_slice %arg5[%dma_start3A_621, %dma_start3A_622, %dma_start3A_624, %dma_start3A_625] : memref<3x4x8x1024xf32, #tpu.memory_space<vmem>> -> memref<1x1x8x1024xf32, #tpu.memory_space<vmem>>
    %dma_start3A_627 = tpu.memref_squeeze %dma_start3A_626 : memref<1x1x8x1024xf32, #tpu.memory_space<vmem>> -> memref<8x1024xf32, #tpu.memory_space<vmem>>
    %dma_start3A_628 = arith.constant 0 : i32
    %dma_start3A_629 = tpu.memref_slice %arg4[%dma_start3A_623, %add3A_603, %dma_start3A_628] : memref<4x8192x1024xf32, #tpu.memory_space<hbm>> -> memref<1x8x1024xf32, #tpu.memory_space<hbm>>
    %dma_start3A_630 = tpu.memref_squeeze %dma_start3A_629 : memref<1x8x1024xf32, #tpu.memory_space<hbm>> -> memref<8x1024xf32, #tpu.memory_space<hbm>>
    %dma_start3A_631 = arith.constant 0 : i32
    %dma_start3A_632 = tpu.memref_slice %arg4[%dma_start3A_623, %add3A_603, %dma_start3A_631] : memref<4x8192x1024xf32, #tpu.memory_space<hbm>> -> memref<1x8x1024xf32, #tpu.memory_space<hbm>>
    %dma_start3A_633 = tpu.memref_squeeze %dma_start3A_632 : memref<1x8x1024xf32, #tpu.memory_space<hbm>> -> memref<8x1024xf32, #tpu.memory_space<hbm>>
    %dma_start3A_634 = arith.constant 0 : i32
    %dma_start3A_635 = arith.constant 0 : i32
    %dma_start3A_636 = tpu.memref_slice %arg5[%dma_start3A_621, %dma_start3A_622, %dma_start3A_634, %dma_start3A_635] : memref<3x4x8x1024xf32, #tpu.memory_space<vmem>> -> memref<1x1x8x1024xf32, #tpu.memory_space<vmem>>
    %dma_start3A_637 = tpu.memref_squeeze %dma_start3A_636 : memref<1x1x8x1024xf32, #tpu.memory_space<vmem>> -> memref<8x1024xf32, #tpu.memory_space<vmem>>
    tpu.enqueue_dma source(%dma_start3A_637 : memref<8x1024xf32, #tpu.memory_space<vmem>>) target(%dma_start3A_633 : memref<8x1024xf32, #tpu.memory_space<hbm>>) target_semaphore(%arg12 : memref<!tpu.dma_semaphore, #tpu.memory_space<semaphore_mem>>)
    %dma_start3A_638 = arith.constant 2 : i32
    %dma_start3A_639 = arith.constant 2 : i32
    %dma_start3A_640 = arith.constant 2 : i32
    %dma_start3A_641 = arith.constant 0 : i32
    %dma_start3A_642 = arith.constant 0 : i32
    %dma_start3A_643 = tpu.memref_slice %arg5[%dma_start3A_638, %dma_start3A_639, %dma_start3A_641, %dma_start3A_642] : memref<3x4x8x1024xf32, #tpu.memory_space<vmem>> -> memref<1x1x8x1024xf32, #tpu.memory_space<vmem>>
    %dma_start3A_644 = tpu.memref_squeeze %dma_start3A_643 : memref<1x1x8x1024xf32, #tpu.memory_space<vmem>> -> memref<8x1024xf32, #tpu.memory_space<vmem>>
    %dma_start3A_645 = arith.constant 0 : i32
    %dma_start3A_646 = tpu.memref_slice %arg4[%dma_start3A_640, %add3A_603, %dma_start3A_645] : memref<4x8192x1024xf32, #tpu.memory_space<hbm>> -> memref<1x8x1024xf32, #tpu.memory_space<hbm>>
    %dma_start3A_647 = tpu.memref_squeeze %dma_start3A_646 : memref<1x8x1024xf32, #tpu.memory_space<hbm>> -> memref<8x1024xf32, #tpu.memory_space<hbm>>
    %dma_start3A_648 = arith.constant 0 : i32
    %dma_start3A_649 = tpu.memref_slice %arg4[%dma_start3A_640, %add3A_603, %dma_start3A_648] : memref<4x8192x1024xf32, #tpu.memory_space<hbm>> -> memref<1x8x1024xf32, #tpu.memory_space<hbm>>
    %dma_start3A_650 = tpu.memref_squeeze %dma_start3A_649 : memref<1x8x1024xf32, #tpu.memory_space<hbm>> -> memref<8x1024xf32, #tpu.memory_space<hbm>>
    %dma_start3A_651 = arith.constant 0 : i32
    %dma_start3A_652 = arith.constant 0 : i32
    %dma_start3A_653 = tpu.memref_slice %arg5[%dma_start3A_638, %dma_start3A_639, %dma_start3A_651, %dma_start3A_652] : memref<3x4x8x1024xf32, #tpu.memory_space<vmem>> -> memref<1x1x8x1024xf32, #tpu.memory_space<vmem>>
    %dma_start3A_654 = tpu.memref_squeeze %dma_start3A_653 : memref<1x1x8x1024xf32, #tpu.memory_space<vmem>> -> memref<8x1024xf32, #tpu.memory_space<vmem>>
    tpu.enqueue_dma source(%dma_start3A_654 : memref<8x1024xf32, #tpu.memory_space<vmem>>) target(%dma_start3A_650 : memref<8x1024xf32, #tpu.memory_space<hbm>>) target_semaphore(%arg12 : memref<!tpu.dma_semaphore, #tpu.memory_space<semaphore_mem>>)
    %dma_start3A_655 = arith.constant 2 : i32
    %dma_start3A_656 = arith.constant 3 : i32
    %dma_start3A_657 = arith.constant 3 : i32
    %dma_start3A_658 = arith.constant 0 : i32
    %dma_start3A_659 = arith.constant 0 : i32
    %dma_start3A_660 = tpu.memref_slice %arg5[%dma_start3A_655, %dma_start3A_656, %dma_start3A_658, %dma_start3A_659] : memref<3x4x8x1024xf32, #tpu.memory_space<vmem>> -> memref<1x1x8x1024xf32, #tpu.memory_space<vmem>>
    %dma_start3A_661 = tpu.memref_squeeze %dma_start3A_660 : memref<1x1x8x1024xf32, #tpu.memory_space<vmem>> -> memref<8x1024xf32, #tpu.memory_space<vmem>>
    %dma_start3A_662 = arith.constant 0 : i32
    %dma_start3A_663 = tpu.memref_slice %arg4[%dma_start3A_657, %add3A_603, %dma_start3A_662] : memref<4x8192x1024xf32, #tpu.memory_space<hbm>> -> memref<1x8x1024xf32, #tpu.memory_space<hbm>>
    %dma_start3A_664 = tpu.memref_squeeze %dma_start3A_663 : memref<1x8x1024xf32, #tpu.memory_space<hbm>> -> memref<8x1024xf32, #tpu.memory_space<hbm>>
    %dma_start3A_665 = arith.constant 0 : i32
    %dma_start3A_666 = tpu.memref_slice %arg4[%dma_start3A_657, %add3A_603, %dma_start3A_665] : memref<4x8192x1024xf32, #tpu.memory_space<hbm>> -> memref<1x8x1024xf32, #tpu.memory_space<hbm>>
    %dma_start3A_667 = tpu.memref_squeeze %dma_start3A_666 : memref<1x8x1024xf32, #tpu.memory_space<hbm>> -> memref<8x1024xf32, #tpu.memory_space<hbm>>
    %dma_start3A_668 = arith.constant 0 : i32
    %dma_start3A_669 = arith.constant 0 : i32
    %dma_start3A_670 = tpu.memref_slice %arg5[%dma_start3A_655, %dma_start3A_656, %dma_start3A_668, %dma_start3A_669] : memref<3x4x8x1024xf32, #tpu.memory_space<vmem>> -> memref<1x1x8x1024xf32, #tpu.memory_space<vmem>>
    %dma_start3A_671 = tpu.memref_squeeze %dma_start3A_670 : memref<1x1x8x1024xf32, #tpu.memory_space<vmem>> -> memref<8x1024xf32, #tpu.memory_space<vmem>>
    tpu.enqueue_dma source(%dma_start3A_671 : memref<8x1024xf32, #tpu.memory_space<vmem>>) target(%dma_start3A_667 : memref<8x1024xf32, #tpu.memory_space<hbm>>) target_semaphore(%arg12 : memref<!tpu.dma_semaphore, #tpu.memory_space<semaphore_mem>>)
    %dma_wait3A_672 = arith.constant 1 : i32
    %dma_wait3A_673 = arith.constant 0 : i32
    %dma_wait3A_674 = arith.constant 0 : i32
    %dma_wait3A_675 = arith.constant 0 : i32
    %dma_wait3A_676 = tpu.memref_slice %arg5[%dma_wait3A_672, %dma_wait3A_673, %dma_wait3A_674, %dma_wait3A_675] : memref<3x4x8x1024xf32, #tpu.memory_space<vmem>> -> memref<1x4x8x1024xf32, #tpu.memory_space<vmem>>
    %dma_wait3A_677 = tpu.memref_squeeze %dma_wait3A_676 : memref<1x4x8x1024xf32, #tpu.memory_space<vmem>> -> memref<4x8x1024xf32, #tpu.memory_space<vmem>>
    %dma_wait3A_678 = arith.constant 0 : i32
    %dma_wait3A_679 = arith.constant 0 : i32
    %dma_wait3A_680 = arith.constant 0 : i32
    %dma_wait3A_681 = tpu.memref_slice %arg4[%dma_wait3A_678, %dma_wait3A_679, %dma_wait3A_680] : memref<4x8192x1024xf32, #tpu.memory_space<hbm>> -> memref<4x8x1024xf32, #tpu.memory_space<hbm>>
    %dma_wait3A_682 = arith.constant 0 : i32
    %dma_wait3A_683 = arith.constant 0 : i32
    %dma_wait3A_684 = arith.constant 0 : i32
    %dma_wait3A_685 = tpu.memref_slice %arg4[%dma_wait3A_682, %dma_wait3A_683, %dma_wait3A_684] : memref<4x8192x1024xf32, #tpu.memory_space<hbm>> -> memref<4x8x1024xf32, #tpu.memory_space<hbm>>
    %dma_wait3A_686 = arith.constant 0 : i32
    %dma_wait3A_687 = arith.constant 0 : i32
    %dma_wait3A_688 = arith.constant 0 : i32
    %dma_wait3A_689 = tpu.memref_slice %arg5[%dma_wait3A_672, %dma_wait3A_686, %dma_wait3A_687, %dma_wait3A_688] : memref<3x4x8x1024xf32, #tpu.memory_space<vmem>> -> memref<1x4x8x1024xf32, #tpu.memory_space<vmem>>
    %dma_wait3A_690 = tpu.memref_squeeze %dma_wait3A_689 : memref<1x4x8x1024xf32, #tpu.memory_space<vmem>> -> memref<4x8x1024xf32, #tpu.memory_space<vmem>>
    tpu.wait_dma2 semaphore(%arg11 : memref<!tpu.dma_semaphore, #tpu.memory_space<semaphore_mem>>) src(%dma_wait3A_690 : memref<4x8x1024xf32, #tpu.memory_space<vmem>>) dst(%dma_wait3A_685 : memref<4x8x1024xf32, #tpu.memory_space<hbm>>)
    %add3A_691 = arith.constant 32 : i32
    %add3A_692 = arith.addi %mul3A_2, %add3A_691 : i32
    %dma_start3A_693 = arith.constant 1 : i32
    %dma_start3A_694 = arith.constant 0 : i32
    %dma_start3A_695 = arith.constant 0 : i32
    %dma_start3A_696 = tpu.memref_slice %arg6[%dma_start3A_693, %dma_start3A_694, %dma_start3A_695] : memref<3x8x1024xf32, #tpu.memory_space<vmem>> -> memref<1x8x1024xf32, #tpu.memory_space<vmem>>
    %dma_start3A_697 = tpu.memref_squeeze %dma_start3A_696 : memref<1x8x1024xf32, #tpu.memory_space<vmem>> -> memref<8x1024xf32, #tpu.memory_space<vmem>>
    %dma_start3A_698 = arith.constant 0 : i32
    %dma_start3A_699 = tpu.memref_slice %arg3[%add3A_692, %dma_start3A_698] : memref<8192x1024xf32, #tpu.memory_space<hbm>> -> memref<8x1024xf32, #tpu.memory_space<hbm>>
    %dma_start3A_700 = arith.constant 0 : i32
    %dma_start3A_701 = arith.constant 0 : i32
    %dma_start3A_702 = tpu.memref_slice %arg6[%dma_start3A_693, %dma_start3A_700, %dma_start3A_701] : memref<3x8x1024xf32, #tpu.memory_space<vmem>> -> memref<1x8x1024xf32, #tpu.memory_space<vmem>>
    %dma_start3A_703 = tpu.memref_squeeze %dma_start3A_702 : memref<1x8x1024xf32, #tpu.memory_space<vmem>> -> memref<8x1024xf32, #tpu.memory_space<vmem>>
    %dma_start3A_704 = arith.constant 0 : i32
    %dma_start3A_705 = tpu.memref_slice %arg3[%add3A_692, %dma_start3A_704] : memref<8192x1024xf32, #tpu.memory_space<hbm>> -> memref<8x1024xf32, #tpu.memory_space<hbm>>
    tpu.enqueue_dma source(%dma_start3A_705 : memref<8x1024xf32, #tpu.memory_space<hbm>>) target(%dma_start3A_703 : memref<8x1024xf32, #tpu.memory_space<vmem>>) target_semaphore(%arg8 : memref<!tpu.dma_semaphore, #tpu.memory_space<semaphore_mem>>)
    %dma_start3A_706 = arith.constant 0 : i32
    %dma_start3A_707 = arith.constant 1 : i32
    %dma_start3A_708 = arith.constant 0 : i32
    %dma_start3A_709 = arith.constant 0 : i32
    %dma_start3A_710 = arith.constant 0 : i32
    %dma_start3A_711 = tpu.memref_slice %arg5[%dma_start3A_707, %dma_start3A_708, %dma_start3A_709, %dma_start3A_710] : memref<3x4x8x1024xf32, #tpu.memory_space<vmem>> -> memref<1x1x8x1024xf32, #tpu.memory_space<vmem>>
    %dma_start3A_712 = tpu.memref_squeeze %dma_start3A_711 : memref<1x1x8x1024xf32, #tpu.memory_space<vmem>> -> memref<8x1024xf32, #tpu.memory_space<vmem>>
    %dma_start3A_713 = arith.constant 0 : i32
    %dma_start3A_714 = tpu.memref_slice %arg2[%dma_start3A_706, %add3A_692, %dma_start3A_713] : memref<4x8192x1024xf32, #tpu.memory_space<hbm>> -> memref<1x8x1024xf32, #tpu.memory_space<hbm>>
    %dma_start3A_715 = tpu.memref_squeeze %dma_start3A_714 : memref<1x8x1024xf32, #tpu.memory_space<hbm>> -> memref<8x1024xf32, #tpu.memory_space<hbm>>
    %dma_start3A_716 = arith.constant 0 : i32
    %dma_start3A_717 = arith.constant 0 : i32
    %dma_start3A_718 = tpu.memref_slice %arg5[%dma_start3A_707, %dma_start3A_708, %dma_start3A_716, %dma_start3A_717] : memref<3x4x8x1024xf32, #tpu.memory_space<vmem>> -> memref<1x1x8x1024xf32, #tpu.memory_space<vmem>>
    %dma_start3A_719 = tpu.memref_squeeze %dma_start3A_718 : memref<1x1x8x1024xf32, #tpu.memory_space<vmem>> -> memref<8x1024xf32, #tpu.memory_space<vmem>>
    %dma_start3A_720 = arith.constant 0 : i32
    %dma_start3A_721 = tpu.memref_slice %arg2[%dma_start3A_706, %add3A_692, %dma_start3A_720] : memref<4x8192x1024xf32, #tpu.memory_space<hbm>> -> memref<1x8x1024xf32, #tpu.memory_space<hbm>>
    %dma_start3A_722 = tpu.memref_squeeze %dma_start3A_721 : memref<1x8x1024xf32, #tpu.memory_space<hbm>> -> memref<8x1024xf32, #tpu.memory_space<hbm>>
    tpu.enqueue_dma source(%dma_start3A_722 : memref<8x1024xf32, #tpu.memory_space<hbm>>) target(%dma_start3A_719 : memref<8x1024xf32, #tpu.memory_space<vmem>>) target_semaphore(%arg8 : memref<!tpu.dma_semaphore, #tpu.memory_space<semaphore_mem>>)
    %dma_start3A_723 = arith.constant 1 : i32
    %dma_start3A_724 = arith.constant 1 : i32
    %dma_start3A_725 = arith.constant 1 : i32
    %dma_start3A_726 = arith.constant 0 : i32
    %dma_start3A_727 = arith.constant 0 : i32
    %dma_start3A_728 = tpu.memref_slice %arg5[%dma_start3A_724, %dma_start3A_725, %dma_start3A_726, %dma_start3A_727] : memref<3x4x8x1024xf32, #tpu.memory_space<vmem>> -> memref<1x1x8x1024xf32, #tpu.memory_space<vmem>>
    %dma_start3A_729 = tpu.memref_squeeze %dma_start3A_728 : memref<1x1x8x1024xf32, #tpu.memory_space<vmem>> -> memref<8x1024xf32, #tpu.memory_space<vmem>>
    %dma_start3A_730 = arith.constant 0 : i32
    %dma_start3A_731 = tpu.memref_slice %arg2[%dma_start3A_723, %add3A_692, %dma_start3A_730] : memref<4x8192x1024xf32, #tpu.memory_space<hbm>> -> memref<1x8x1024xf32, #tpu.memory_space<hbm>>
    %dma_start3A_732 = tpu.memref_squeeze %dma_start3A_731 : memref<1x8x1024xf32, #tpu.memory_space<hbm>> -> memref<8x1024xf32, #tpu.memory_space<hbm>>
    %dma_start3A_733 = arith.constant 0 : i32
    %dma_start3A_734 = arith.constant 0 : i32
    %dma_start3A_735 = tpu.memref_slice %arg5[%dma_start3A_724, %dma_start3A_725, %dma_start3A_733, %dma_start3A_734] : memref<3x4x8x1024xf32, #tpu.memory_space<vmem>> -> memref<1x1x8x1024xf32, #tpu.memory_space<vmem>>
    %dma_start3A_736 = tpu.memref_squeeze %dma_start3A_735 : memref<1x1x8x1024xf32, #tpu.memory_space<vmem>> -> memref<8x1024xf32, #tpu.memory_space<vmem>>
    %dma_start3A_737 = arith.constant 0 : i32
    %dma_start3A_738 = tpu.memref_slice %arg2[%dma_start3A_723, %add3A_692, %dma_start3A_737] : memref<4x8192x1024xf32, #tpu.memory_space<hbm>> -> memref<1x8x1024xf32, #tpu.memory_space<hbm>>
    %dma_start3A_739 = tpu.memref_squeeze %dma_start3A_738 : memref<1x8x1024xf32, #tpu.memory_space<hbm>> -> memref<8x1024xf32, #tpu.memory_space<hbm>>
    tpu.enqueue_dma source(%dma_start3A_739 : memref<8x1024xf32, #tpu.memory_space<hbm>>) target(%dma_start3A_736 : memref<8x1024xf32, #tpu.memory_space<vmem>>) target_semaphore(%arg8 : memref<!tpu.dma_semaphore, #tpu.memory_space<semaphore_mem>>)
    %dma_start3A_740 = arith.constant 2 : i32
    %dma_start3A_741 = arith.constant 1 : i32
    %dma_start3A_742 = arith.constant 2 : i32
    %dma_start3A_743 = arith.constant 0 : i32
    %dma_start3A_744 = arith.constant 0 : i32
    %dma_start3A_745 = tpu.memref_slice %arg5[%dma_start3A_741, %dma_start3A_742, %dma_start3A_743, %dma_start3A_744] : memref<3x4x8x1024xf32, #tpu.memory_space<vmem>> -> memref<1x1x8x1024xf32, #tpu.memory_space<vmem>>
    %dma_start3A_746 = tpu.memref_squeeze %dma_start3A_745 : memref<1x1x8x1024xf32, #tpu.memory_space<vmem>> -> memref<8x1024xf32, #tpu.memory_space<vmem>>
    %dma_start3A_747 = arith.constant 0 : i32
    %dma_start3A_748 = tpu.memref_slice %arg2[%dma_start3A_740, %add3A_692, %dma_start3A_747] : memref<4x8192x1024xf32, #tpu.memory_space<hbm>> -> memref<1x8x1024xf32, #tpu.memory_space<hbm>>
    %dma_start3A_749 = tpu.memref_squeeze %dma_start3A_748 : memref<1x8x1024xf32, #tpu.memory_space<hbm>> -> memref<8x1024xf32, #tpu.memory_space<hbm>>
    %dma_start3A_750 = arith.constant 0 : i32
    %dma_start3A_751 = arith.constant 0 : i32
    %dma_start3A_752 = tpu.memref_slice %arg5[%dma_start3A_741, %dma_start3A_742, %dma_start3A_750, %dma_start3A_751] : memref<3x4x8x1024xf32, #tpu.memory_space<vmem>> -> memref<1x1x8x1024xf32, #tpu.memory_space<vmem>>
    %dma_start3A_753 = tpu.memref_squeeze %dma_start3A_752 : memref<1x1x8x1024xf32, #tpu.memory_space<vmem>> -> memref<8x1024xf32, #tpu.memory_space<vmem>>
    %dma_start3A_754 = arith.constant 0 : i32
    %dma_start3A_755 = tpu.memref_slice %arg2[%dma_start3A_740, %add3A_692, %dma_start3A_754] : memref<4x8192x1024xf32, #tpu.memory_space<hbm>> -> memref<1x8x1024xf32, #tpu.memory_space<hbm>>
    %dma_start3A_756 = tpu.memref_squeeze %dma_start3A_755 : memref<1x8x1024xf32, #tpu.memory_space<hbm>> -> memref<8x1024xf32, #tpu.memory_space<hbm>>
    tpu.enqueue_dma source(%dma_start3A_756 : memref<8x1024xf32, #tpu.memory_space<hbm>>) target(%dma_start3A_753 : memref<8x1024xf32, #tpu.memory_space<vmem>>) target_semaphore(%arg8 : memref<!tpu.dma_semaphore, #tpu.memory_space<semaphore_mem>>)
    %dma_start3A_757 = arith.constant 3 : i32
    %dma_start3A_758 = arith.constant 1 : i32
    %dma_start3A_759 = arith.constant 3 : i32
    %dma_start3A_760 = arith.constant 0 : i32
    %dma_start3A_761 = arith.constant 0 : i32
    %dma_start3A_762 = tpu.memref_slice %arg5[%dma_start3A_758, %dma_start3A_759, %dma_start3A_760, %dma_start3A_761] : memref<3x4x8x1024xf32, #tpu.memory_space<vmem>> -> memref<1x1x8x1024xf32, #tpu.memory_space<vmem>>
    %dma_start3A_763 = tpu.memref_squeeze %dma_start3A_762 : memref<1x1x8x1024xf32, #tpu.memory_space<vmem>> -> memref<8x1024xf32, #tpu.memory_space<vmem>>
    %dma_start3A_764 = arith.constant 0 : i32
    %dma_start3A_765 = tpu.memref_slice %arg2[%dma_start3A_757, %add3A_692, %dma_start3A_764] : memref<4x8192x1024xf32, #tpu.memory_space<hbm>> -> memref<1x8x1024xf32, #tpu.memory_space<hbm>>
    %dma_start3A_766 = tpu.memref_squeeze %dma_start3A_765 : memref<1x8x1024xf32, #tpu.memory_space<hbm>> -> memref<8x1024xf32, #tpu.memory_space<hbm>>
    %dma_start3A_767 = arith.constant 0 : i32
    %dma_start3A_768 = arith.constant 0 : i32
    %dma_start3A_769 = tpu.memref_slice %arg5[%dma_start3A_758, %dma_start3A_759, %dma_start3A_767, %dma_start3A_768] : memref<3x4x8x1024xf32, #tpu.memory_space<vmem>> -> memref<1x1x8x1024xf32, #tpu.memory_space<vmem>>
    %dma_start3A_770 = tpu.memref_squeeze %dma_start3A_769 : memref<1x1x8x1024xf32, #tpu.memory_space<vmem>> -> memref<8x1024xf32, #tpu.memory_space<vmem>>
    %dma_start3A_771 = arith.constant 0 : i32
    %dma_start3A_772 = tpu.memref_slice %arg2[%dma_start3A_757, %add3A_692, %dma_start3A_771] : memref<4x8192x1024xf32, #tpu.memory_space<hbm>> -> memref<1x8x1024xf32, #tpu.memory_space<hbm>>
    %dma_start3A_773 = tpu.memref_squeeze %dma_start3A_772 : memref<1x8x1024xf32, #tpu.memory_space<hbm>> -> memref<8x1024xf32, #tpu.memory_space<hbm>>
    tpu.enqueue_dma source(%dma_start3A_773 : memref<8x1024xf32, #tpu.memory_space<hbm>>) target(%dma_start3A_770 : memref<8x1024xf32, #tpu.memory_space<vmem>>) target_semaphore(%arg8 : memref<!tpu.dma_semaphore, #tpu.memory_space<semaphore_mem>>)
    %scan3A = arith.constant 0 : i32
    %scan3A_774 = arith.constant 0 : i32
    %scan3A_775 = arith.constant 9 : i32
    %scan3A_776 = arith.addi %scan3A_774, %scan3A_775 : i32
    %scan3A_777 = arith.constant 1 : i32
    scf.for %scan3A_1050 = %scan3A_774 to %scan3A_776 step %scan3A_777  : i32 {
      %mul3A_1051 = arith.constant 3 : i32
      %mul3A_1052 = arith.muli %mul3A_1051, %scan3A_1050 : i32
      %add3A_1053 = arith.constant 3 : i32
      %add3A_1054 = arith.addi %mul3A_1052, %add3A_1053 : i32
      %add3A_1055 = arith.constant 0 : i32
      %add3A_1056 = arith.addi %add3A_1054, %add3A_1055 : i32
      %dma_wait3A_1057 = arith.constant 0 : i32
      %dma_wait3A_1058 = arith.constant 0 : i32
      %dma_wait3A_1059 = arith.constant 0 : i32
      %dma_wait3A_1060 = tpu.memref_slice %arg6[%dma_wait3A_1057, %dma_wait3A_1058, %dma_wait3A_1059] : memref<3x8x1024xf32, #tpu.memory_space<vmem>> -> memref<1x8x1024xf32, #tpu.memory_space<vmem>>
      %dma_wait3A_1061 = tpu.memref_squeeze %dma_wait3A_1060 : memref<1x8x1024xf32, #tpu.memory_space<vmem>> -> memref<8x1024xf32, #tpu.memory_space<vmem>>
      %dma_wait3A_1062 = arith.constant 0 : i32
      %dma_wait3A_1063 = arith.constant 0 : i32
      %dma_wait3A_1064 = tpu.memref_slice %arg3[%dma_wait3A_1062, %dma_wait3A_1063] : memref<8192x1024xf32, #tpu.memory_space<hbm>> -> memref<8x1024xf32, #tpu.memory_space<hbm>>
      %dma_wait3A_1065 = arith.constant 0 : i32
      %dma_wait3A_1066 = arith.constant 0 : i32
      %dma_wait3A_1067 = tpu.memref_slice %arg6[%dma_wait3A_1057, %dma_wait3A_1065, %dma_wait3A_1066] : memref<3x8x1024xf32, #tpu.memory_space<vmem>> -> memref<1x8x1024xf32, #tpu.memory_space<vmem>>
      %dma_wait3A_1068 = tpu.memref_squeeze %dma_wait3A_1067 : memref<1x8x1024xf32, #tpu.memory_space<vmem>> -> memref<8x1024xf32, #tpu.memory_space<vmem>>
      %dma_wait3A_1069 = arith.constant 0 : i32
      %dma_wait3A_1070 = arith.constant 0 : i32
      %dma_wait3A_1071 = tpu.memref_slice %arg3[%dma_wait3A_1069, %dma_wait3A_1070] : memref<8192x1024xf32, #tpu.memory_space<hbm>> -> memref<8x1024xf32, #tpu.memory_space<hbm>>
      tpu.wait_dma2 semaphore(%arg7 : memref<!tpu.dma_semaphore, #tpu.memory_space<semaphore_mem>>) src(%dma_wait3A_1071 : memref<8x1024xf32, #tpu.memory_space<hbm>>) dst(%dma_wait3A_1068 : memref<8x1024xf32, #tpu.memory_space<vmem>>)
      %dma_wait3A_1072 = arith.constant 0 : i32
      %dma_wait3A_1073 = arith.constant 0 : i32
      %dma_wait3A_1074 = arith.constant 0 : i32
      %dma_wait3A_1075 = arith.constant 0 : i32
      %dma_wait3A_1076 = tpu.memref_slice %arg5[%dma_wait3A_1072, %dma_wait3A_1073, %dma_wait3A_1074, %dma_wait3A_1075] : memref<3x4x8x1024xf32, #tpu.memory_space<vmem>> -> memref<1x4x8x1024xf32, #tpu.memory_space<vmem>>
      %dma_wait3A_1077 = tpu.memref_squeeze %dma_wait3A_1076 : memref<1x4x8x1024xf32, #tpu.memory_space<vmem>> -> memref<4x8x1024xf32, #tpu.memory_space<vmem>>
      %dma_wait3A_1078 = arith.constant 0 : i32
      %dma_wait3A_1079 = arith.constant 0 : i32
      %dma_wait3A_1080 = arith.constant 0 : i32
      %dma_wait3A_1081 = tpu.memref_slice %arg2[%dma_wait3A_1078, %dma_wait3A_1079, %dma_wait3A_1080] : memref<4x8192x1024xf32, #tpu.memory_space<hbm>> -> memref<4x8x1024xf32, #tpu.memory_space<hbm>>
      %dma_wait3A_1082 = arith.constant 0 : i32
      %dma_wait3A_1083 = arith.constant 0 : i32
      %dma_wait3A_1084 = arith.constant 0 : i32
      %dma_wait3A_1085 = tpu.memref_slice %arg5[%dma_wait3A_1072, %dma_wait3A_1082, %dma_wait3A_1083, %dma_wait3A_1084] : memref<3x4x8x1024xf32, #tpu.memory_space<vmem>> -> memref<1x4x8x1024xf32, #tpu.memory_space<vmem>>
      %dma_wait3A_1086 = tpu.memref_squeeze %dma_wait3A_1085 : memref<1x4x8x1024xf32, #tpu.memory_space<vmem>> -> memref<4x8x1024xf32, #tpu.memory_space<vmem>>
      %dma_wait3A_1087 = arith.constant 0 : i32
      %dma_wait3A_1088 = arith.constant 0 : i32
      %dma_wait3A_1089 = arith.constant 0 : i32
      %dma_wait3A_1090 = tpu.memref_slice %arg2[%dma_wait3A_1087, %dma_wait3A_1088, %dma_wait3A_1089] : memref<4x8192x1024xf32, #tpu.memory_space<hbm>> -> memref<4x8x1024xf32, #tpu.memory_space<hbm>>
      tpu.wait_dma2 semaphore(%arg7 : memref<!tpu.dma_semaphore, #tpu.memory_space<semaphore_mem>>) src(%dma_wait3A_1090 : memref<4x8x1024xf32, #tpu.memory_space<hbm>>) dst(%dma_wait3A_1086 : memref<4x8x1024xf32, #tpu.memory_space<vmem>>)
      %parallel_loop3A_1091 = arith.constant 0 : i32
      %parallel_loop3A_1092 = arith.constant 512 : i32
      %parallel_loop3A_1093 = arith.constant 1 : i32
      scf.for %parallel_loop3A_1706 = %parallel_loop3A_1091 to %parallel_loop3A_1092 step %parallel_loop3A_1093  : i32 {
        %parallel_loop3A_1707 = arith.constant 6 : i32
        %parallel_loop3A_1708 = arith.shrsi %parallel_loop3A_1706, %parallel_loop3A_1707 : i32
        %parallel_loop3A_1709 = arith.constant 63 : i32
        %parallel_loop3A_1710 = arith.andi %parallel_loop3A_1706, %parallel_loop3A_1709 : i32
        %parallel_loop3A_1711 = arith.constant 16 : i32
        %parallel_loop3A_1712 = arith.muli %parallel_loop3A_1710, %parallel_loop3A_1711 : i32
        %parallel_loop3A_1713 = arith.constant 0 : i32
        %parallel_loop3A_1714 = arith.index_cast %parallel_loop3A_1713 : i32 to index
        %parallel_loop3A_1715 = arith.index_cast %parallel_loop3A_1708 : i32 to index
        %parallel_loop3A_1716 = arith.index_cast %parallel_loop3A_1712 : i32 to index
        %parallel_loop3A_1717 = tpu.vector_load %arg6[%parallel_loop3A_1714, %parallel_loop3A_1715, %parallel_loop3A_1716] {strides = array<i32>} : memref<3x8x1024xf32, #tpu.memory_space<vmem>>, vector<1x1x16xf32>,
        %parallel_loop3A_1718 = vector.shape_cast %parallel_loop3A_1717 : vector<1x1x16xf32> to vector<16xf32>
        %parallel_loop3A_1719 = arith.constant 0 : i32
        %parallel_loop3A_1720 = arith.constant 0 : i32
        %parallel_loop3A_1721 = arith.index_cast %parallel_loop3A_1719 : i32 to index
        %parallel_loop3A_1722 = arith.index_cast %parallel_loop3A_1720 : i32 to index
        %parallel_loop3A_1723 = arith.index_cast %parallel_loop3A_1708 : i32 to index
        %parallel_loop3A_1724 = arith.index_cast %parallel_loop3A_1712 : i32 to index
        %parallel_loop3A_1725 = tpu.vector_load %arg5[%parallel_loop3A_1721, %parallel_loop3A_1722, %parallel_loop3A_1723, %parallel_loop3A_1724] {strides = array<i32>} : memref<3x4x8x1024xf32, #tpu.memory_space<vmem>>, vector<1x1x1x16xf32>,
        %parallel_loop3A_1726 = vector.shape_cast %parallel_loop3A_1725 : vector<1x1x1x16xf32> to vector<16xf32>
        %parallel_loop3A_1727 = vector.shape_cast %parallel_loop3A_1718 : vector<16xf32> to vector<1x1x1x16xf32>
        tpu.vector_store %arg5[%parallel_loop3A_1721, %parallel_loop3A_1722, %parallel_loop3A_1723, %parallel_loop3A_1724], %parallel_loop3A_1727 {add = true, strides = array<i32>} : memref<3x4x8x1024xf32, #tpu.memory_space<vmem>>, vector<1x1x1x16xf32>,
        %parallel_loop3A_1728 = arith.constant 0 : i32
        %parallel_loop3A_1729 = arith.constant 1 : i32
        %parallel_loop3A_1730 = arith.index_cast %parallel_loop3A_1728 : i32 to index
        %parallel_loop3A_1731 = arith.index_cast %parallel_loop3A_1729 : i32 to index
        %parallel_loop3A_1732 = arith.index_cast %parallel_loop3A_1708 : i32 to index
        %parallel_loop3A_1733 = arith.index_cast %parallel_loop3A_1712 : i32 to index
        %parallel_loop3A_1734 = tpu.vector_load %arg5[%parallel_loop3A_1730, %parallel_loop3A_1731, %parallel_loop3A_1732, %parallel_loop3A_1733] {strides = array<i32>} : memref<3x4x8x1024xf32, #tpu.memory_space<vmem>>, vector<1x1x1x16xf32>,
        %parallel_loop3A_1735 = vector.shape_cast %parallel_loop3A_1734 : vector<1x1x1x16xf32> to vector<16xf32>
        %parallel_loop3A_1736 = vector.shape_cast %parallel_loop3A_1718 : vector<16xf32> to vector<1x1x1x16xf32>
        tpu.vector_store %arg5[%parallel_loop3A_1730, %parallel_loop3A_1731, %parallel_loop3A_1732, %parallel_loop3A_1733], %parallel_loop3A_1736 {add = true, strides = array<i32>} : memref<3x4x8x1024xf32, #tpu.memory_space<vmem>>, vector<1x1x1x16xf32>,
        %parallel_loop3A_1737 = arith.constant 0 : i32
        %parallel_loop3A_1738 = arith.constant 2 : i32
        %parallel_loop3A_1739 = arith.index_cast %parallel_loop3A_1737 : i32 to index
        %parallel_loop3A_1740 = arith.index_cast %parallel_loop3A_1738 : i32 to index
        %parallel_loop3A_1741 = arith.index_cast %parallel_loop3A_1708 : i32 to index
        %parallel_loop3A_1742 = arith.index_cast %parallel_loop3A_1712 : i32 to index
        %parallel_loop3A_1743 = tpu.vector_load %arg5[%parallel_loop3A_1739, %parallel_loop3A_1740, %parallel_loop3A_1741, %parallel_loop3A_1742] {strides = array<i32>} : memref<3x4x8x1024xf32, #tpu.memory_space<vmem>>, vector<1x1x1x16xf32>,
        %parallel_loop3A_1744 = vector.shape_cast %parallel_loop3A_1743 : vector<1x1x1x16xf32> to vector<16xf32>
        %parallel_loop3A_1745 = vector.shape_cast %parallel_loop3A_1718 : vector<16xf32> to vector<1x1x1x16xf32>
        tpu.vector_store %arg5[%parallel_loop3A_1739, %parallel_loop3A_1740, %parallel_loop3A_1741, %parallel_loop3A_1742], %parallel_loop3A_1745 {add = true, strides = array<i32>} : memref<3x4x8x1024xf32, #tpu.memory_space<vmem>>, vector<1x1x1x16xf32>,
        %parallel_loop3A_1746 = arith.constant 0 : i32
        %parallel_loop3A_1747 = arith.constant 3 : i32
        %parallel_loop3A_1748 = arith.index_cast %parallel_loop3A_1746 : i32 to index
        %parallel_loop3A_1749 = arith.index_cast %parallel_loop3A_1747 : i32 to index
        %parallel_loop3A_1750 = arith.index_cast %parallel_loop3A_1708 : i32 to index
        %parallel_loop3A_1751 = arith.index_cast %parallel_loop3A_1712 : i32 to index
        %parallel_loop3A_1752 = tpu.vector_load %arg5[%parallel_loop3A_1748, %parallel_loop3A_1749, %parallel_loop3A_1750, %parallel_loop3A_1751] {strides = array<i32>} : memref<3x4x8x1024xf32, #tpu.memory_space<vmem>>, vector<1x1x1x16xf32>,
        %parallel_loop3A_1753 = vector.shape_cast %parallel_loop3A_1752 : vector<1x1x1x16xf32> to vector<16xf32>
        %parallel_loop3A_1754 = vector.shape_cast %parallel_loop3A_1718 : vector<16xf32> to vector<1x1x1x16xf32>
        tpu.vector_store %arg5[%parallel_loop3A_1748, %parallel_loop3A_1749, %parallel_loop3A_1750, %parallel_loop3A_1751], %parallel_loop3A_1754 {add = true, strides = array<i32>} : memref<3x4x8x1024xf32, #tpu.memory_space<vmem>>, vector<1x1x1x16xf32>,
      } {sc.loop_unroll_factor = 4 : i64, sc.parallel_access}
      %mul3A_1094 = arith.constant 8 : i32
      %mul3A_1095 = arith.muli %add3A_1056, %mul3A_1094 : i32
      %add3A_1096 = arith.addi %mul3A_2, %mul3A_1095 : i32
      %dma_start3A_1097 = arith.constant 0 : i32
      %dma_start3A_1098 = arith.constant 0 : i32
      %dma_start3A_1099 = arith.constant 0 : i32
      %dma_start3A_1100 = arith.constant 0 : i32
      %dma_start3A_1101 = arith.constant 0 : i32
      %dma_start3A_1102 = tpu.memref_slice %arg5[%dma_start3A_1097, %dma_start3A_1098, %dma_start3A_1100, %dma_start3A_1101] : memref<3x4x8x1024xf32, #tpu.memory_space<vmem>> -> memref<1x1x8x1024xf32, #tpu.memory_space<vmem>>
      %dma_start3A_1103 = tpu.memref_squeeze %dma_start3A_1102 : memref<1x1x8x1024xf32, #tpu.memory_space<vmem>> -> memref<8x1024xf32, #tpu.memory_space<vmem>>
      %dma_start3A_1104 = arith.constant 0 : i32
      %dma_start3A_1105 = tpu.memref_slice %arg4[%dma_start3A_1099, %add3A_1096, %dma_start3A_1104] : memref<4x8192x1024xf32, #tpu.memory_space<hbm>> -> memref<1x8x1024xf32, #tpu.memory_space<hbm>>
      %dma_start3A_1106 = tpu.memref_squeeze %dma_start3A_1105 : memref<1x8x1024xf32, #tpu.memory_space<hbm>> -> memref<8x1024xf32, #tpu.memory_space<hbm>>
      %dma_start3A_1107 = arith.constant 0 : i32
      %dma_start3A_1108 = tpu.memref_slice %arg4[%dma_start3A_1099, %add3A_1096, %dma_start3A_1107] : memref<4x8192x1024xf32, #tpu.memory_space<hbm>> -> memref<1x8x1024xf32, #tpu.memory_space<hbm>>
      %dma_start3A_1109 = tpu.memref_squeeze %dma_start3A_1108 : memref<1x8x1024xf32, #tpu.memory_space<hbm>> -> memref<8x1024xf32, #tpu.memory_space<hbm>>
      %dma_start3A_1110 = arith.constant 0 : i32
      %dma_start3A_1111 = arith.constant 0 : i32
      %dma_start3A_1112 = tpu.memref_slice %arg5[%dma_start3A_1097, %dma_start3A_1098, %dma_start3A_1110, %dma_start3A_1111] : memref<3x4x8x1024xf32, #tpu.memory_space<vmem>> -> memref<1x1x8x1024xf32, #tpu.memory_space<vmem>>
      %dma_start3A_1113 = tpu.memref_squeeze %dma_start3A_1112 : memref<1x1x8x1024xf32, #tpu.memory_space<vmem>> -> memref<8x1024xf32, #tpu.memory_space<vmem>>
      tpu.enqueue_dma source(%dma_start3A_1113 : memref<8x1024xf32, #tpu.memory_space<vmem>>) target(%dma_start3A_1109 : memref<8x1024xf32, #tpu.memory_space<hbm>>) target_semaphore(%arg10 : memref<!tpu.dma_semaphore, #tpu.memory_space<semaphore_mem>>)
      %dma_start3A_1114 = arith.constant 0 : i32
      %dma_start3A_1115 = arith.constant 1 : i32
      %dma_start3A_1116 = arith.constant 1 : i32
      %dma_start3A_1117 = arith.constant 0 : i32
      %dma_start3A_1118 = arith.constant 0 : i32
      %dma_start3A_1119 = tpu.memref_slice %arg5[%dma_start3A_1114, %dma_start3A_1115, %dma_start3A_1117, %dma_start3A_1118] : memref<3x4x8x1024xf32, #tpu.memory_space<vmem>> -> memref<1x1x8x1024xf32, #tpu.memory_space<vmem>>
      %dma_start3A_1120 = tpu.memref_squeeze %dma_start3A_1119 : memref<1x1x8x1024xf32, #tpu.memory_space<vmem>> -> memref<8x1024xf32, #tpu.memory_space<vmem>>
      %dma_start3A_1121 = arith.constant 0 : i32
      %dma_start3A_1122 = tpu.memref_slice %arg4[%dma_start3A_1116, %add3A_1096, %dma_start3A_1121] : memref<4x8192x1024xf32, #tpu.memory_space<hbm>> -> memref<1x8x1024xf32, #tpu.memory_space<hbm>>
      %dma_start3A_1123 = tpu.memref_squeeze %dma_start3A_1122 : memref<1x8x1024xf32, #tpu.memory_space<hbm>> -> memref<8x1024xf32, #tpu.memory_space<hbm>>
      %dma_start3A_1124 = arith.constant 0 : i32
      %dma_start3A_1125 = tpu.memref_slice %arg4[%dma_start3A_1116, %add3A_1096, %dma_start3A_1124] : memref<4x8192x1024xf32, #tpu.memory_space<hbm>> -> memref<1x8x1024xf32, #tpu.memory_space<hbm>>
      %dma_start3A_1126 = tpu.memref_squeeze %dma_start3A_1125 : memref<1x8x1024xf32, #tpu.memory_space<hbm>> -> memref<8x1024xf32, #tpu.memory_space<hbm>>
      %dma_start3A_1127 = arith.constant 0 : i32
      %dma_start3A_1128 = arith.constant 0 : i32
      %dma_start3A_1129 = tpu.memref_slice %arg5[%dma_start3A_1114, %dma_start3A_1115, %dma_start3A_1127, %dma_start3A_1128] : memref<3x4x8x1024xf32, #tpu.memory_space<vmem>> -> memref<1x1x8x1024xf32, #tpu.memory_space<vmem>>
      %dma_start3A_1130 = tpu.memref_squeeze %dma_start3A_1129 : memref<1x1x8x1024xf32, #tpu.memory_space<vmem>> -> memref<8x1024xf32, #tpu.memory_space<vmem>>
      tpu.enqueue_dma source(%dma_start3A_1130 : memref<8x1024xf32, #tpu.memory_space<vmem>>) target(%dma_start3A_1126 : memref<8x1024xf32, #tpu.memory_space<hbm>>) target_semaphore(%arg10 : memref<!tpu.dma_semaphore, #tpu.memory_space<semaphore_mem>>)
      %dma_start3A_1131 = arith.constant 0 : i32
      %dma_start3A_1132 = arith.constant 2 : i32
      %dma_start3A_1133 = arith.constant 2 : i32
      %dma_start3A_1134 = arith.constant 0 : i32
      %dma_start3A_1135 = arith.constant 0 : i32
      %dma_start3A_1136 = tpu.memref_slice %arg5[%dma_start3A_1131, %dma_start3A_1132, %dma_start3A_1134, %dma_start3A_1135] : memref<3x4x8x1024xf32, #tpu.memory_space<vmem>> -> memref<1x1x8x1024xf32, #tpu.memory_space<vmem>>
      %dma_start3A_1137 = tpu.memref_squeeze %dma_start3A_1136 : memref<1x1x8x1024xf32, #tpu.memory_space<vmem>> -> memref<8x1024xf32, #tpu.memory_space<vmem>>
      %dma_start3A_1138 = arith.constant 0 : i32
      %dma_start3A_1139 = tpu.memref_slice %arg4[%dma_start3A_1133, %add3A_1096, %dma_start3A_1138] : memref<4x8192x1024xf32, #tpu.memory_space<hbm>> -> memref<1x8x1024xf32, #tpu.memory_space<hbm>>
      %dma_start3A_1140 = tpu.memref_squeeze %dma_start3A_1139 : memref<1x8x1024xf32, #tpu.memory_space<hbm>> -> memref<8x1024xf32, #tpu.memory_space<hbm>>
      %dma_start3A_1141 = arith.constant 0 : i32
      %dma_start3A_1142 = tpu.memref_slice %arg4[%dma_start3A_1133, %add3A_1096, %dma_start3A_1141] : memref<4x8192x1024xf32, #tpu.memory_space<hbm>> -> memref<1x8x1024xf32, #tpu.memory_space<hbm>>
      %dma_start3A_1143 = tpu.memref_squeeze %dma_start3A_1142 : memref<1x8x1024xf32, #tpu.memory_space<hbm>> -> memref<8x1024xf32, #tpu.memory_space<hbm>>
      %dma_start3A_1144 = arith.constant 0 : i32
      %dma_start3A_1145 = arith.constant 0 : i32
      %dma_start3A_1146 = tpu.memref_slice %arg5[%dma_start3A_1131, %dma_start3A_1132, %dma_start3A_1144, %dma_start3A_1145] : memref<3x4x8x1024xf32, #tpu.memory_space<vmem>> -> memref<1x1x8x1024xf32, #tpu.memory_space<vmem>>
      %dma_start3A_1147 = tpu.memref_squeeze %dma_start3A_1146 : memref<1x1x8x1024xf32, #tpu.memory_space<vmem>> -> memref<8x1024xf32, #tpu.memory_space<vmem>>
      tpu.enqueue_dma source(%dma_start3A_1147 : memref<8x1024xf32, #tpu.memory_space<vmem>>) target(%dma_start3A_1143 : memref<8x1024xf32, #tpu.memory_space<hbm>>) target_semaphore(%arg10 : memref<!tpu.dma_semaphore, #tpu.memory_space<semaphore_mem>>)
      %dma_start3A_1148 = arith.constant 0 : i32
      %dma_start3A_1149 = arith.constant 3 : i32
      %dma_start3A_1150 = arith.constant 3 : i32
      %dma_start3A_1151 = arith.constant 0 : i32
      %dma_start3A_1152 = arith.constant 0 : i32
      %dma_start3A_1153 = tpu.memref_slice %arg5[%dma_start3A_1148, %dma_start3A_1149, %dma_start3A_1151, %dma_start3A_1152] : memref<3x4x8x1024xf32, #tpu.memory_space<vmem>> -> memref<1x1x8x1024xf32, #tpu.memory_space<vmem>>
      %dma_start3A_1154 = tpu.memref_squeeze %dma_start3A_1153 : memref<1x1x8x1024xf32, #tpu.memory_space<vmem>> -> memref<8x1024xf32, #tpu.memory_space<vmem>>
      %dma_start3A_1155 = arith.constant 0 : i32
      %dma_start3A_1156 = tpu.memref_slice %arg4[%dma_start3A_1150, %add3A_1096, %dma_start3A_1155] : memref<4x8192x1024xf32, #tpu.memory_space<hbm>> -> memref<1x8x1024xf32, #tpu.memory_space<hbm>>
      %dma_start3A_1157 = tpu.memref_squeeze %dma_start3A_1156 : memref<1x8x1024xf32, #tpu.memory_space<hbm>> -> memref<8x1024xf32, #tpu.memory_space<hbm>>
      %dma_start3A_1158 = arith.constant 0 : i32
      %dma_start3A_1159 = tpu.memref_slice %arg4[%dma_start3A_1150, %add3A_1096, %dma_start3A_1158] : memref<4x8192x1024xf32, #tpu.memory_space<hbm>> -> memref<1x8x1024xf32, #tpu.memory_space<hbm>>
      %dma_start3A_1160 = tpu.memref_squeeze %dma_start3A_1159 : memref<1x8x1024xf32, #tpu.memory_space<hbm>> -> memref<8x1024xf32, #tpu.memory_space<hbm>>
      %dma_start3A_1161 = arith.constant 0 : i32
      %dma_start3A_1162 = arith.constant 0 : i32
      %dma_start3A_1163 = tpu.memref_slice %arg5[%dma_start3A_1148, %dma_start3A_1149, %dma_start3A_1161, %dma_start3A_1162] : memref<3x4x8x1024xf32, #tpu.memory_space<vmem>> -> memref<1x1x8x1024xf32, #tpu.memory_space<vmem>>
      %dma_start3A_1164 = tpu.memref_squeeze %dma_start3A_1163 : memref<1x1x8x1024xf32, #tpu.memory_space<vmem>> -> memref<8x1024xf32, #tpu.memory_space<vmem>>
      tpu.enqueue_dma source(%dma_start3A_1164 : memref<8x1024xf32, #tpu.memory_space<vmem>>) target(%dma_start3A_1160 : memref<8x1024xf32, #tpu.memory_space<hbm>>) target_semaphore(%arg10 : memref<!tpu.dma_semaphore, #tpu.memory_space<semaphore_mem>>)
      %dma_wait3A_1165 = arith.constant 2 : i32
      %dma_wait3A_1166 = arith.constant 0 : i32
      %dma_wait3A_1167 = arith.constant 0 : i32
      %dma_wait3A_1168 = arith.constant 0 : i32
      %dma_wait3A_1169 = tpu.memref_slice %arg5[%dma_wait3A_1165, %dma_wait3A_1166, %dma_wait3A_1167, %dma_wait3A_1168] : memref<3x4x8x1024xf32, #tpu.memory_space<vmem>> -> memref<1x4x8x1024xf32, #tpu.memory_space<vmem>>
      %dma_wait3A_1170 = tpu.memref_squeeze %dma_wait3A_1169 : memref<1x4x8x1024xf32, #tpu.memory_space<vmem>> -> memref<4x8x1024xf32, #tpu.memory_space<vmem>>
      %dma_wait3A_1171 = arith.constant 0 : i32
      %dma_wait3A_1172 = arith.constant 0 : i32
      %dma_wait3A_1173 = arith.constant 0 : i32
      %dma_wait3A_1174 = tpu.memref_slice %arg4[%dma_wait3A_1171, %dma_wait3A_1172, %dma_wait3A_1173] : memref<4x8192x1024xf32, #tpu.memory_space<hbm>> -> memref<4x8x1024xf32, #tpu.memory_space<hbm>>
      %dma_wait3A_1175 = arith.constant 0 : i32
      %dma_wait3A_1176 = arith.constant 0 : i32
      %dma_wait3A_1177 = arith.constant 0 : i32
      %dma_wait3A_1178 = tpu.memref_slice %arg4[%dma_wait3A_1175, %dma_wait3A_1176, %dma_wait3A_1177] : memref<4x8192x1024xf32, #tpu.memory_space<hbm>> -> memref<4x8x1024xf32, #tpu.memory_space<hbm>>
      %dma_wait3A_1179 = arith.constant 0 : i32
      %dma_wait3A_1180 = arith.constant 0 : i32
      %dma_wait3A_1181 = arith.constant 0 : i32
      %dma_wait3A_1182 = tpu.memref_slice %arg5[%dma_wait3A_1165, %dma_wait3A_1179, %dma_wait3A_1180, %dma_wait3A_1181] : memref<3x4x8x1024xf32, #tpu.memory_space<vmem>> -> memref<1x4x8x1024xf32, #tpu.memory_space<vmem>>
      %dma_wait3A_1183 = tpu.memref_squeeze %dma_wait3A_1182 : memref<1x4x8x1024xf32, #tpu.memory_space<vmem>> -> memref<4x8x1024xf32, #tpu.memory_space<vmem>>
      tpu.wait_dma2 semaphore(%arg12 : memref<!tpu.dma_semaphore, #tpu.memory_space<semaphore_mem>>) src(%dma_wait3A_1183 : memref<4x8x1024xf32, #tpu.memory_space<vmem>>) dst(%dma_wait3A_1178 : memref<4x8x1024xf32, #tpu.memory_space<hbm>>)
      %add3A_1184 = arith.constant 0 : i32
      %add3A_1185 = arith.addi %add3A_1054, %add3A_1184 : i32
      %add3A_1186 = arith.constant 2 : i32
      %add3A_1187 = arith.addi %add3A_1185, %add3A_1186 : i32
      %mul3A_1188 = arith.constant 8 : i32
      %mul3A_1189 = arith.muli %add3A_1187, %mul3A_1188 : i32
      %add3A_1190 = arith.addi %mul3A_2, %mul3A_1189 : i32
      %dma_start3A_1191 = arith.constant 2 : i32
      %dma_start3A_1192 = arith.constant 0 : i32
      %dma_start3A_1193 = arith.constant 0 : i32
      %dma_start3A_1194 = tpu.memref_slice %arg6[%dma_start3A_1191, %dma_start3A_1192, %dma_start3A_1193] : memref<3x8x1024xf32, #tpu.memory_space<vmem>> -> memref<1x8x1024xf32, #tpu.memory_space<vmem>>
      %dma_start3A_1195 = tpu.memref_squeeze %dma_start3A_1194 : memref<1x8x1024xf32, #tpu.memory_space<vmem>> -> memref<8x1024xf32, #tpu.memory_space<vmem>>
      %dma_start3A_1196 = arith.constant 0 : i32
      %dma_start3A_1197 = tpu.memref_slice %arg3[%add3A_1190, %dma_start3A_1196] : memref<8192x1024xf32, #tpu.memory_space<hbm>> -> memref<8x1024xf32, #tpu.memory_space<hbm>>
      %dma_start3A_1198 = arith.constant 0 : i32
      %dma_start3A_1199 = arith.constant 0 : i32
      %dma_start3A_1200 = tpu.memref_slice %arg6[%dma_start3A_1191, %dma_start3A_1198, %dma_start3A_1199] : memref<3x8x1024xf32, #tpu.memory_space<vmem>> -> memref<1x8x1024xf32, #tpu.memory_space<vmem>>
      %dma_start3A_1201 = tpu.memref_squeeze %dma_start3A_1200 : memref<1x8x1024xf32, #tpu.memory_space<vmem>> -> memref<8x1024xf32, #tpu.memory_space<vmem>>
      %dma_start3A_1202 = arith.constant 0 : i32
      %dma_start3A_1203 = tpu.memref_slice %arg3[%add3A_1190, %dma_start3A_1202] : memref<8192x1024xf32, #tpu.memory_space<hbm>> -> memref<8x1024xf32, #tpu.memory_space<hbm>>
      tpu.enqueue_dma source(%dma_start3A_1203 : memref<8x1024xf32, #tpu.memory_space<hbm>>) target(%dma_start3A_1201 : memref<8x1024xf32, #tpu.memory_space<vmem>>) target_semaphore(%arg9 : memref<!tpu.dma_semaphore, #tpu.memory_space<semaphore_mem>>)
      %dma_start3A_1204 = arith.constant 0 : i32
      %dma_start3A_1205 = arith.constant 2 : i32
      %dma_start3A_1206 = arith.constant 0 : i32
      %dma_start3A_1207 = arith.constant 0 : i32
      %dma_start3A_1208 = arith.constant 0 : i32
      %dma_start3A_1209 = tpu.memref_slice %arg5[%dma_start3A_1205, %dma_start3A_1206, %dma_start3A_1207, %dma_start3A_1208] : memref<3x4x8x1024xf32, #tpu.memory_space<vmem>> -> memref<1x1x8x1024xf32, #tpu.memory_space<vmem>>
      %dma_start3A_1210 = tpu.memref_squeeze %dma_start3A_1209 : memref<1x1x8x1024xf32, #tpu.memory_space<vmem>> -> memref<8x1024xf32, #tpu.memory_space<vmem>>
      %dma_start3A_1211 = arith.constant 0 : i32
      %dma_start3A_1212 = tpu.memref_slice %arg2[%dma_start3A_1204, %add3A_1190, %dma_start3A_1211] : memref<4x8192x1024xf32, #tpu.memory_space<hbm>> -> memref<1x8x1024xf32, #tpu.memory_space<hbm>>
      %dma_start3A_1213 = tpu.memref_squeeze %dma_start3A_1212 : memref<1x8x1024xf32, #tpu.memory_space<hbm>> -> memref<8x1024xf32, #tpu.memory_space<hbm>>
      %dma_start3A_1214 = arith.constant 0 : i32
      %dma_start3A_1215 = arith.constant 0 : i32
      %dma_start3A_1216 = tpu.memref_slice %arg5[%dma_start3A_1205, %dma_start3A_1206, %dma_start3A_1214, %dma_start3A_1215] : memref<3x4x8x1024xf32, #tpu.memory_space<vmem>> -> memref<1x1x8x1024xf32, #tpu.memory_space<vmem>>
      %dma_start3A_1217 = tpu.memref_squeeze %dma_start3A_1216 : memref<1x1x8x1024xf32, #tpu.memory_space<vmem>> -> memref<8x1024xf32, #tpu.memory_space<vmem>>
      %dma_start3A_1218 = arith.constant 0 : i32
      %dma_start3A_1219 = tpu.memref_slice %arg2[%dma_start3A_1204, %add3A_1190, %dma_start3A_1218] : memref<4x8192x1024xf32, #tpu.memory_space<hbm>> -> memref<1x8x1024xf32, #tpu.memory_space<hbm>>
      %dma_start3A_1220 = tpu.memref_squeeze %dma_start3A_1219 : memref<1x8x1024xf32, #tpu.memory_space<hbm>> -> memref<8x1024xf32, #tpu.memory_space<hbm>>
      tpu.enqueue_dma source(%dma_start3A_1220 : memref<8x1024xf32, #tpu.memory_space<hbm>>) target(%dma_start3A_1217 : memref<8x1024xf32, #tpu.memory_space<vmem>>) target_semaphore(%arg9 : memref<!tpu.dma_semaphore, #tpu.memory_space<semaphore_mem>>)
      %dma_start3A_1221 = arith.constant 1 : i32
      %dma_start3A_1222 = arith.constant 2 : i32
      %dma_start3A_1223 = arith.constant 1 : i32
      %dma_start3A_1224 = arith.constant 0 : i32
      %dma_start3A_1225 = arith.constant 0 : i32
      %dma_start3A_1226 = tpu.memref_slice %arg5[%dma_start3A_1222, %dma_start3A_1223, %dma_start3A_1224, %dma_start3A_1225] : memref<3x4x8x1024xf32, #tpu.memory_space<vmem>> -> memref<1x1x8x1024xf32, #tpu.memory_space<vmem>>
      %dma_start3A_1227 = tpu.memref_squeeze %dma_start3A_1226 : memref<1x1x8x1024xf32, #tpu.memory_space<vmem>> -> memref<8x1024xf32, #tpu.memory_space<vmem>>
      %dma_start3A_1228 = arith.constant 0 : i32
      %dma_start3A_1229 = tpu.memref_slice %arg2[%dma_start3A_1221, %add3A_1190, %dma_start3A_1228] : memref<4x8192x1024xf32, #tpu.memory_space<hbm>> -> memref<1x8x1024xf32, #tpu.memory_space<hbm>>
      %dma_start3A_1230 = tpu.memref_squeeze %dma_start3A_1229 : memref<1x8x1024xf32, #tpu.memory_space<hbm>> -> memref<8x1024xf32, #tpu.memory_space<hbm>>
      %dma_start3A_1231 = arith.constant 0 : i32
      %dma_start3A_1232 = arith.constant 0 : i32
      %dma_start3A_1233 = tpu.memref_slice %arg5[%dma_start3A_1222, %dma_start3A_1223, %dma_start3A_1231, %dma_start3A_1232] : memref<3x4x8x1024xf32, #tpu.memory_space<vmem>> -> memref<1x1x8x1024xf32, #tpu.memory_space<vmem>>
      %dma_start3A_1234 = tpu.memref_squeeze %dma_start3A_1233 : memref<1x1x8x1024xf32, #tpu.memory_space<vmem>> -> memref<8x1024xf32, #tpu.memory_space<vmem>>
      %dma_start3A_1235 = arith.constant 0 : i32
      %dma_start3A_1236 = tpu.memref_slice %arg2[%dma_start3A_1221, %add3A_1190, %dma_start3A_1235] : memref<4x8192x1024xf32, #tpu.memory_space<hbm>> -> memref<1x8x1024xf32, #tpu.memory_space<hbm>>
      %dma_start3A_1237 = tpu.memref_squeeze %dma_start3A_1236 : memref<1x8x1024xf32, #tpu.memory_space<hbm>> -> memref<8x1024xf32, #tpu.memory_space<hbm>>
      tpu.enqueue_dma source(%dma_start3A_1237 : memref<8x1024xf32, #tpu.memory_space<hbm>>) target(%dma_start3A_1234 : memref<8x1024xf32, #tpu.memory_space<vmem>>) target_semaphore(%arg9 : memref<!tpu.dma_semaphore, #tpu.memory_space<semaphore_mem>>)
      %dma_start3A_1238 = arith.constant 2 : i32
      %dma_start3A_1239 = arith.constant 2 : i32
      %dma_start3A_1240 = arith.constant 2 : i32
      %dma_start3A_1241 = arith.constant 0 : i32
      %dma_start3A_1242 = arith.constant 0 : i32
      %dma_start3A_1243 = tpu.memref_slice %arg5[%dma_start3A_1239, %dma_start3A_1240, %dma_start3A_1241, %dma_start3A_1242] : memref<3x4x8x1024xf32, #tpu.memory_space<vmem>> -> memref<1x1x8x1024xf32, #tpu.memory_space<vmem>>
      %dma_start3A_1244 = tpu.memref_squeeze %dma_start3A_1243 : memref<1x1x8x1024xf32, #tpu.memory_space<vmem>> -> memref<8x1024xf32, #tpu.memory_space<vmem>>
      %dma_start3A_1245 = arith.constant 0 : i32
      %dma_start3A_1246 = tpu.memref_slice %arg2[%dma_start3A_1238, %add3A_1190, %dma_start3A_1245] : memref<4x8192x1024xf32, #tpu.memory_space<hbm>> -> memref<1x8x1024xf32, #tpu.memory_space<hbm>>
      %dma_start3A_1247 = tpu.memref_squeeze %dma_start3A_1246 : memref<1x8x1024xf32, #tpu.memory_space<hbm>> -> memref<8x1024xf32, #tpu.memory_space<hbm>>
      %dma_start3A_1248 = arith.constant 0 : i32
      %dma_start3A_1249 = arith.constant 0 : i32
      %dma_start3A_1250 = tpu.memref_slice %arg5[%dma_start3A_1239, %dma_start3A_1240, %dma_start3A_1248, %dma_start3A_1249] : memref<3x4x8x1024xf32, #tpu.memory_space<vmem>> -> memref<1x1x8x1024xf32, #tpu.memory_space<vmem>>
      %dma_start3A_1251 = tpu.memref_squeeze %dma_start3A_1250 : memref<1x1x8x1024xf32, #tpu.memory_space<vmem>> -> memref<8x1024xf32, #tpu.memory_space<vmem>>
      %dma_start3A_1252 = arith.constant 0 : i32
      %dma_start3A_1253 = tpu.memref_slice %arg2[%dma_start3A_1238, %add3A_1190, %dma_start3A_1252] : memref<4x8192x1024xf32, #tpu.memory_space<hbm>> -> memref<1x8x1024xf32, #tpu.memory_space<hbm>>
      %dma_start3A_1254 = tpu.memref_squeeze %dma_start3A_1253 : memref<1x8x1024xf32, #tpu.memory_space<hbm>> -> memref<8x1024xf32, #tpu.memory_space<hbm>>
      tpu.enqueue_dma source(%dma_start3A_1254 : memref<8x1024xf32, #tpu.memory_space<hbm>>) target(%dma_start3A_1251 : memref<8x1024xf32, #tpu.memory_space<vmem>>) target_semaphore(%arg9 : memref<!tpu.dma_semaphore, #tpu.memory_space<semaphore_mem>>)
      %dma_start3A_1255 = arith.constant 3 : i32
      %dma_start3A_1256 = arith.constant 2 : i32
      %dma_start3A_1257 = arith.constant 3 : i32
      %dma_start3A_1258 = arith.constant 0 : i32
      %dma_start3A_1259 = arith.constant 0 : i32
      %dma_start3A_1260 = tpu.memref_slice %arg5[%dma_start3A_1256, %dma_start3A_1257, %dma_start3A_1258, %dma_start3A_1259] : memref<3x4x8x1024xf32, #tpu.memory_space<vmem>> -> memref<1x1x8x1024xf32, #tpu.memory_space<vmem>>
      %dma_start3A_1261 = tpu.memref_squeeze %dma_start3A_1260 : memref<1x1x8x1024xf32, #tpu.memory_space<vmem>> -> memref<8x1024xf32, #tpu.memory_space<vmem>>
      %dma_start3A_1262 = arith.constant 0 : i32
      %dma_start3A_1263 = tpu.memref_slice %arg2[%dma_start3A_1255, %add3A_1190, %dma_start3A_1262] : memref<4x8192x1024xf32, #tpu.memory_space<hbm>> -> memref<1x8x1024xf32, #tpu.memory_space<hbm>>
      %dma_start3A_1264 = tpu.memref_squeeze %dma_start3A_1263 : memref<1x8x1024xf32, #tpu.memory_space<hbm>> -> memref<8x1024xf32, #tpu.memory_space<hbm>>
      %dma_start3A_1265 = arith.constant 0 : i32
      %dma_start3A_1266 = arith.constant 0 : i32
      %dma_start3A_1267 = tpu.memref_slice %arg5[%dma_start3A_1256, %dma_start3A_1257, %dma_start3A_1265, %dma_start3A_1266] : memref<3x4x8x1024xf32, #tpu.memory_space<vmem>> -> memref<1x1x8x1024xf32, #tpu.memory_space<vmem>>
      %dma_start3A_1268 = tpu.memref_squeeze %dma_start3A_1267 : memref<1x1x8x1024xf32, #tpu.memory_space<vmem>> -> memref<8x1024xf32, #tpu.memory_space<vmem>>
      %dma_start3A_1269 = arith.constant 0 : i32
      %dma_start3A_1270 = tpu.memref_slice %arg2[%dma_start3A_1255, %add3A_1190, %dma_start3A_1269] : memref<4x8192x1024xf32, #tpu.memory_space<hbm>> -> memref<1x8x1024xf32, #tpu.memory_space<hbm>>
      %dma_start3A_1271 = tpu.memref_squeeze %dma_start3A_1270 : memref<1x8x1024xf32, #tpu.memory_space<hbm>> -> memref<8x1024xf32, #tpu.memory_space<hbm>>
      tpu.enqueue_dma source(%dma_start3A_1271 : memref<8x1024xf32, #tpu.memory_space<hbm>>) target(%dma_start3A_1268 : memref<8x1024xf32, #tpu.memory_space<vmem>>) target_semaphore(%arg9 : memref<!tpu.dma_semaphore, #tpu.memory_space<semaphore_mem>>)
      %add3A_1272 = arith.constant 1 : i32
      %add3A_1273 = arith.addi %add3A_1054, %add3A_1272 : i32
      %dma_wait3A_1274 = arith.constant 1 : i32
      %dma_wait3A_1275 = arith.constant 0 : i32
      %dma_wait3A_1276 = arith.constant 0 : i32
      %dma_wait3A_1277 = tpu.memref_slice %arg6[%dma_wait3A_1274, %dma_wait3A_1275, %dma_wait3A_1276] : memref<3x8x1024xf32, #tpu.memory_space<vmem>> -> memref<1x8x1024xf32, #tpu.memory_space<vmem>>
      %dma_wait3A_1278 = tpu.memref_squeeze %dma_wait3A_1277 : memref<1x8x1024xf32, #tpu.memory_space<vmem>> -> memref<8x1024xf32, #tpu.memory_space<vmem>>
      %dma_wait3A_1279 = arith.constant 0 : i32
      %dma_wait3A_1280 = arith.constant 0 : i32
      %dma_wait3A_1281 = tpu.memref_slice %arg3[%dma_wait3A_1279, %dma_wait3A_1280] : memref<8192x1024xf32, #tpu.memory_space<hbm>> -> memref<8x1024xf32, #tpu.memory_space<hbm>>
      %dma_wait3A_1282 = arith.constant 0 : i32
      %dma_wait3A_1283 = arith.constant 0 : i32
      %dma_wait3A_1284 = tpu.memref_slice %arg6[%dma_wait3A_1274, %dma_wait3A_1282, %dma_wait3A_1283] : memref<3x8x1024xf32, #tpu.memory_space<vmem>> -> memref<1x8x1024xf32, #tpu.memory_space<vmem>>
      %dma_wait3A_1285 = tpu.memref_squeeze %dma_wait3A_1284 : memref<1x8x1024xf32, #tpu.memory_space<vmem>> -> memref<8x1024xf32, #tpu.memory_space<vmem>>
      %dma_wait3A_1286 = arith.constant 0 : i32
      %dma_wait3A_1287 = arith.constant 0 : i32
      %dma_wait3A_1288 = tpu.memref_slice %arg3[%dma_wait3A_1286, %dma_wait3A_1287] : memref<8192x1024xf32, #tpu.memory_space<hbm>> -> memref<8x1024xf32, #tpu.memory_space<hbm>>
      tpu.wait_dma2 semaphore(%arg8 : memref<!tpu.dma_semaphore, #tpu.memory_space<semaphore_mem>>) src(%dma_wait3A_1288 : memref<8x1024xf32, #tpu.memory_space<hbm>>) dst(%dma_wait3A_1285 : memref<8x1024xf32, #tpu.memory_space<vmem>>)
      %dma_wait3A_1289 = arith.constant 1 : i32
      %dma_wait3A_1290 = arith.constant 0 : i32
      %dma_wait3A_1291 = arith.constant 0 : i32
      %dma_wait3A_1292 = arith.constant 0 : i32
      %dma_wait3A_1293 = tpu.memref_slice %arg5[%dma_wait3A_1289, %dma_wait3A_1290, %dma_wait3A_1291, %dma_wait3A_1292] : memref<3x4x8x1024xf32, #tpu.memory_space<vmem>> -> memref<1x4x8x1024xf32, #tpu.memory_space<vmem>>
      %dma_wait3A_1294 = tpu.memref_squeeze %dma_wait3A_1293 : memref<1x4x8x1024xf32, #tpu.memory_space<vmem>> -> memref<4x8x1024xf32, #tpu.memory_space<vmem>>
      %dma_wait3A_1295 = arith.constant 0 : i32
      %dma_wait3A_1296 = arith.constant 0 : i32
      %dma_wait3A_1297 = arith.constant 0 : i32
      %dma_wait3A_1298 = tpu.memref_slice %arg2[%dma_wait3A_1295, %dma_wait3A_1296, %dma_wait3A_1297] : memref<4x8192x1024xf32, #tpu.memory_space<hbm>> -> memref<4x8x1024xf32, #tpu.memory_space<hbm>>
      %dma_wait3A_1299 = arith.constant 0 : i32
      %dma_wait3A_1300 = arith.constant 0 : i32
      %dma_wait3A_1301 = arith.constant 0 : i32
      %dma_wait3A_1302 = tpu.memref_slice %arg5[%dma_wait3A_1289, %dma_wait3A_1299, %dma_wait3A_1300, %dma_wait3A_1301] : memref<3x4x8x1024xf32, #tpu.memory_space<vmem>> -> memref<1x4x8x1024xf32, #tpu.memory_space<vmem>>
      %dma_wait3A_1303 = tpu.memref_squeeze %dma_wait3A_1302 : memref<1x4x8x1024xf32, #tpu.memory_space<vmem>> -> memref<4x8x1024xf32, #tpu.memory_space<vmem>>
      %dma_wait3A_1304 = arith.constant 0 : i32
      %dma_wait3A_1305 = arith.constant 0 : i32
      %dma_wait3A_1306 = arith.constant 0 : i32
      %dma_wait3A_1307 = tpu.memref_slice %arg2[%dma_wait3A_1304, %dma_wait3A_1305, %dma_wait3A_1306] : memref<4x8192x1024xf32, #tpu.memory_space<hbm>> -> memref<4x8x1024xf32, #tpu.memory_space<hbm>>
      tpu.wait_dma2 semaphore(%arg8 : memref<!tpu.dma_semaphore, #tpu.memory_space<semaphore_mem>>) src(%dma_wait3A_1307 : memref<4x8x1024xf32, #tpu.memory_space<hbm>>) dst(%dma_wait3A_1303 : memref<4x8x1024xf32, #tpu.memory_space<vmem>>)
      %parallel_loop3A_1308 = arith.constant 0 : i32
      %parallel_loop3A_1309 = arith.constant 512 : i32
      %parallel_loop3A_1310 = arith.constant 1 : i32
      scf.for %parallel_loop3A_1706 = %parallel_loop3A_1308 to %parallel_loop3A_1309 step %parallel_loop3A_1310  : i32 {
        %parallel_loop3A_1707 = arith.constant 6 : i32
        %parallel_loop3A_1708 = arith.shrsi %parallel_loop3A_1706, %parallel_loop3A_1707 : i32
        %parallel_loop3A_1709 = arith.constant 63 : i32
        %parallel_loop3A_1710 = arith.andi %parallel_loop3A_1706, %parallel_loop3A_1709 : i32
        %parallel_loop3A_1711 = arith.constant 16 : i32
        %parallel_loop3A_1712 = arith.muli %parallel_loop3A_1710, %parallel_loop3A_1711 : i32
        %parallel_loop3A_1713 = arith.constant 1 : i32
        %parallel_loop3A_1714 = arith.index_cast %parallel_loop3A_1713 : i32 to index
        %parallel_loop3A_1715 = arith.index_cast %parallel_loop3A_1708 : i32 to index
        %parallel_loop3A_1716 = arith.index_cast %parallel_loop3A_1712 : i32 to index
        %parallel_loop3A_1717 = tpu.vector_load %arg6[%parallel_loop3A_1714, %parallel_loop3A_1715, %parallel_loop3A_1716] {strides = array<i32>} : memref<3x8x1024xf32, #tpu.memory_space<vmem>>, vector<1x1x16xf32>,
        %parallel_loop3A_1718 = vector.shape_cast %parallel_loop3A_1717 : vector<1x1x16xf32> to vector<16xf32>
        %parallel_loop3A_1719 = arith.constant 1 : i32
        %parallel_loop3A_1720 = arith.constant 0 : i32
        %parallel_loop3A_1721 = arith.index_cast %parallel_loop3A_1719 : i32 to index
        %parallel_loop3A_1722 = arith.index_cast %parallel_loop3A_1720 : i32 to index
        %parallel_loop3A_1723 = arith.index_cast %parallel_loop3A_1708 : i32 to index
        %parallel_loop3A_1724 = arith.index_cast %parallel_loop3A_1712 : i32 to index
        %parallel_loop3A_1725 = tpu.vector_load %arg5[%parallel_loop3A_1721, %parallel_loop3A_1722, %parallel_loop3A_1723, %parallel_loop3A_1724] {strides = array<i32>} : memref<3x4x8x1024xf32, #tpu.memory_space<vmem>>, vector<1x1x1x16xf32>,
        %parallel_loop3A_1726 = vector.shape_cast %parallel_loop3A_1725 : vector<1x1x1x16xf32> to vector<16xf32>
        %parallel_loop3A_1727 = vector.shape_cast %parallel_loop3A_1718 : vector<16xf32> to vector<1x1x1x16xf32>
        tpu.vector_store %arg5[%parallel_loop3A_1721, %parallel_loop3A_1722, %parallel_loop3A_1723, %parallel_loop3A_1724], %parallel_loop3A_1727 {add = true, strides = array<i32>} : memref<3x4x8x1024xf32, #tpu.memory_space<vmem>>, vector<1x1x1x16xf32>,
        %parallel_loop3A_1728 = arith.constant 1 : i32
        %parallel_loop3A_1729 = arith.constant 1 : i32
        %parallel_loop3A_1730 = arith.index_cast %parallel_loop3A_1728 : i32 to index
        %parallel_loop3A_1731 = arith.index_cast %parallel_loop3A_1729 : i32 to index
        %parallel_loop3A_1732 = arith.index_cast %parallel_loop3A_1708 : i32 to index
        %parallel_loop3A_1733 = arith.index_cast %parallel_loop3A_1712 : i32 to index
        %parallel_loop3A_1734 = tpu.vector_load %arg5[%parallel_loop3A_1730, %parallel_loop3A_1731, %parallel_loop3A_1732, %parallel_loop3A_1733] {strides = array<i32>} : memref<3x4x8x1024xf32, #tpu.memory_space<vmem>>, vector<1x1x1x16xf32>,
        %parallel_loop3A_1735 = vector.shape_cast %parallel_loop3A_1734 : vector<1x1x1x16xf32> to vector<16xf32>
        %parallel_loop3A_1736 = vector.shape_cast %parallel_loop3A_1718 : vector<16xf32> to vector<1x1x1x16xf32>
        tpu.vector_store %arg5[%parallel_loop3A_1730, %parallel_loop3A_1731, %parallel_loop3A_1732, %parallel_loop3A_1733], %parallel_loop3A_1736 {add = true, strides = array<i32>} : memref<3x4x8x1024xf32, #tpu.memory_space<vmem>>, vector<1x1x1x16xf32>,
        %parallel_loop3A_1737 = arith.constant 1 : i32
        %parallel_loop3A_1738 = arith.constant 2 : i32
        %parallel_loop3A_1739 = arith.index_cast %parallel_loop3A_1737 : i32 to index
        %parallel_loop3A_1740 = arith.index_cast %parallel_loop3A_1738 : i32 to index
        %parallel_loop3A_1741 = arith.index_cast %parallel_loop3A_1708 : i32 to index
        %parallel_loop3A_1742 = arith.index_cast %parallel_loop3A_1712 : i32 to index
        %parallel_loop3A_1743 = tpu.vector_load %arg5[%parallel_loop3A_1739, %parallel_loop3A_1740, %parallel_loop3A_1741, %parallel_loop3A_1742] {strides = array<i32>} : memref<3x4x8x1024xf32, #tpu.memory_space<vmem>>, vector<1x1x1x16xf32>,
        %parallel_loop3A_1744 = vector.shape_cast %parallel_loop3A_1743 : vector<1x1x1x16xf32> to vector<16xf32>
        %parallel_loop3A_1745 = vector.shape_cast %parallel_loop3A_1718 : vector<16xf32> to vector<1x1x1x16xf32>
        tpu.vector_store %arg5[%parallel_loop3A_1739, %parallel_loop3A_1740, %parallel_loop3A_1741, %parallel_loop3A_1742], %parallel_loop3A_1745 {add = true, strides = array<i32>} : memref<3x4x8x1024xf32, #tpu.memory_space<vmem>>, vector<1x1x1x16xf32>,
        %parallel_loop3A_1746 = arith.constant 1 : i32
        %parallel_loop3A_1747 = arith.constant 3 : i32
        %parallel_loop3A_1748 = arith.index_cast %parallel_loop3A_1746 : i32 to index
        %parallel_loop3A_1749 = arith.index_cast %parallel_loop3A_1747 : i32 to index
        %parallel_loop3A_1750 = arith.index_cast %parallel_loop3A_1708 : i32 to index
        %parallel_loop3A_1751 = arith.index_cast %parallel_loop3A_1712 : i32 to index
        %parallel_loop3A_1752 = tpu.vector_load %arg5[%parallel_loop3A_1748, %parallel_loop3A_1749, %parallel_loop3A_1750, %parallel_loop3A_1751] {strides = array<i32>} : memref<3x4x8x1024xf32, #tpu.memory_space<vmem>>, vector<1x1x1x16xf32>,
        %parallel_loop3A_1753 = vector.shape_cast %parallel_loop3A_1752 : vector<1x1x1x16xf32> to vector<16xf32>
        %parallel_loop3A_1754 = vector.shape_cast %parallel_loop3A_1718 : vector<16xf32> to vector<1x1x1x16xf32>
        tpu.vector_store %arg5[%parallel_loop3A_1748, %parallel_loop3A_1749, %parallel_loop3A_1750, %parallel_loop3A_1751], %parallel_loop3A_1754 {add = true, strides = array<i32>} : memref<3x4x8x1024xf32, #tpu.memory_space<vmem>>, vector<1x1x1x16xf32>,
      } {sc.loop_unroll_factor = 4 : i64, sc.parallel_access}
      %mul3A_1311 = arith.constant 8 : i32
      %mul3A_1312 = arith.muli %add3A_1273, %mul3A_1311 : i32
      %add3A_1313 = arith.addi %mul3A_2, %mul3A_1312 : i32
      %dma_start3A_1314 = arith.constant 1 : i32
      %dma_start3A_1315 = arith.constant 0 : i32
      %dma_start3A_1316 = arith.constant 0 : i32
      %dma_start3A_1317 = arith.constant 0 : i32
      %dma_start3A_1318 = arith.constant 0 : i32
      %dma_start3A_1319 = tpu.memref_slice %arg5[%dma_start3A_1314, %dma_start3A_1315, %dma_start3A_1317, %dma_start3A_1318] : memref<3x4x8x1024xf32, #tpu.memory_space<vmem>> -> memref<1x1x8x1024xf32, #tpu.memory_space<vmem>>
      %dma_start3A_1320 = tpu.memref_squeeze %dma_start3A_1319 : memref<1x1x8x1024xf32, #tpu.memory_space<vmem>> -> memref<8x1024xf32, #tpu.memory_space<vmem>>
      %dma_start3A_1321 = arith.constant 0 : i32
      %dma_start3A_1322 = tpu.memref_slice %arg4[%dma_start3A_1316, %add3A_1313, %dma_start3A_1321] : memref<4x8192x1024xf32, #tpu.memory_space<hbm>> -> memref<1x8x1024xf32, #tpu.memory_space<hbm>>
      %dma_start3A_1323 = tpu.memref_squeeze %dma_start3A_1322 : memref<1x8x1024xf32, #tpu.memory_space<hbm>> -> memref<8x1024xf32, #tpu.memory_space<hbm>>
      %dma_start3A_1324 = arith.constant 0 : i32
      %dma_start3A_1325 = tpu.memref_slice %arg4[%dma_start3A_1316, %add3A_1313, %dma_start3A_1324] : memref<4x8192x1024xf32, #tpu.memory_space<hbm>> -> memref<1x8x1024xf32, #tpu.memory_space<hbm>>
      %dma_start3A_1326 = tpu.memref_squeeze %dma_start3A_1325 : memref<1x8x1024xf32, #tpu.memory_space<hbm>> -> memref<8x1024xf32, #tpu.memory_space<hbm>>
      %dma_start3A_1327 = arith.constant 0 : i32
      %dma_start3A_1328 = arith.constant 0 : i32
      %dma_start3A_1329 = tpu.memref_slice %arg5[%dma_start3A_1314, %dma_start3A_1315, %dma_start3A_1327, %dma_start3A_1328] : memref<3x4x8x1024xf32, #tpu.memory_space<vmem>> -> memref<1x1x8x1024xf32, #tpu.memory_space<vmem>>
      %dma_start3A_1330 = tpu.memref_squeeze %dma_start3A_1329 : memref<1x1x8x1024xf32, #tpu.memory_space<vmem>> -> memref<8x1024xf32, #tpu.memory_space<vmem>>
      tpu.enqueue_dma source(%dma_start3A_1330 : memref<8x1024xf32, #tpu.memory_space<vmem>>) target(%dma_start3A_1326 : memref<8x1024xf32, #tpu.memory_space<hbm>>) target_semaphore(%arg11 : memref<!tpu.dma_semaphore, #tpu.memory_space<semaphore_mem>>)
      %dma_start3A_1331 = arith.constant 1 : i32
      %dma_start3A_1332 = arith.constant 1 : i32
      %dma_start3A_1333 = arith.constant 1 : i32
      %dma_start3A_1334 = arith.constant 0 : i32
      %dma_start3A_1335 = arith.constant 0 : i32
      %dma_start3A_1336 = tpu.memref_slice %arg5[%dma_start3A_1331, %dma_start3A_1332, %dma_start3A_1334, %dma_start3A_1335] : memref<3x4x8x1024xf32, #tpu.memory_space<vmem>> -> memref<1x1x8x1024xf32, #tpu.memory_space<vmem>>
      %dma_start3A_1337 = tpu.memref_squeeze %dma_start3A_1336 : memref<1x1x8x1024xf32, #tpu.memory_space<vmem>> -> memref<8x1024xf32, #tpu.memory_space<vmem>>
      %dma_start3A_1338 = arith.constant 0 : i32
      %dma_start3A_1339 = tpu.memref_slice %arg4[%dma_start3A_1333, %add3A_1313, %dma_start3A_1338] : memref<4x8192x1024xf32, #tpu.memory_space<hbm>> -> memref<1x8x1024xf32, #tpu.memory_space<hbm>>
      %dma_start3A_1340 = tpu.memref_squeeze %dma_start3A_1339 : memref<1x8x1024xf32, #tpu.memory_space<hbm>> -> memref<8x1024xf32, #tpu.memory_space<hbm>>
      %dma_start3A_1341 = arith.constant 0 : i32
      %dma_start3A_1342 = tpu.memref_slice %arg4[%dma_start3A_1333, %add3A_1313, %dma_start3A_1341] : memref<4x8192x1024xf32, #tpu.memory_space<hbm>> -> memref<1x8x1024xf32, #tpu.memory_space<hbm>>
      %dma_start3A_1343 = tpu.memref_squeeze %dma_start3A_1342 : memref<1x8x1024xf32, #tpu.memory_space<hbm>> -> memref<8x1024xf32, #tpu.memory_space<hbm>>
      %dma_start3A_1344 = arith.constant 0 : i32
      %dma_start3A_1345 = arith.constant 0 : i32
      %dma_start3A_1346 = tpu.memref_slice %arg5[%dma_start3A_1331, %dma_start3A_1332, %dma_start3A_1344, %dma_start3A_1345] : memref<3x4x8x1024xf32, #tpu.memory_space<vmem>> -> memref<1x1x8x1024xf32, #tpu.memory_space<vmem>>
      %dma_start3A_1347 = tpu.memref_squeeze %dma_start3A_1346 : memref<1x1x8x1024xf32, #tpu.memory_space<vmem>> -> memref<8x1024xf32, #tpu.memory_space<vmem>>
      tpu.enqueue_dma source(%dma_start3A_1347 : memref<8x1024xf32, #tpu.memory_space<vmem>>) target(%dma_start3A_1343 : memref<8x1024xf32, #tpu.memory_space<hbm>>) target_semaphore(%arg11 : memref<!tpu.dma_semaphore, #tpu.memory_space<semaphore_mem>>)
      %dma_start3A_1348 = arith.constant 1 : i32
      %dma_start3A_1349 = arith.constant 2 : i32
      %dma_start3A_1350 = arith.constant 2 : i32
      %dma_start3A_1351 = arith.constant 0 : i32
      %dma_start3A_1352 = arith.constant 0 : i32
      %dma_start3A_1353 = tpu.memref_slice %arg5[%dma_start3A_1348, %dma_start3A_1349, %dma_start3A_1351, %dma_start3A_1352] : memref<3x4x8x1024xf32, #tpu.memory_space<vmem>> -> memref<1x1x8x1024xf32, #tpu.memory_space<vmem>>
      %dma_start3A_1354 = tpu.memref_squeeze %dma_start3A_1353 : memref<1x1x8x1024xf32, #tpu.memory_space<vmem>> -> memref<8x1024xf32, #tpu.memory_space<vmem>>
      %dma_start3A_1355 = arith.constant 0 : i32
      %dma_start3A_1356 = tpu.memref_slice %arg4[%dma_start3A_1350, %add3A_1313, %dma_start3A_1355] : memref<4x8192x1024xf32, #tpu.memory_space<hbm>> -> memref<1x8x1024xf32, #tpu.memory_space<hbm>>
      %dma_start3A_1357 = tpu.memref_squeeze %dma_start3A_1356 : memref<1x8x1024xf32, #tpu.memory_space<hbm>> -> memref<8x1024xf32, #tpu.memory_space<hbm>>
      %dma_start3A_1358 = arith.constant 0 : i32
      %dma_start3A_1359 = tpu.memref_slice %arg4[%dma_start3A_1350, %add3A_1313, %dma_start3A_1358] : memref<4x8192x1024xf32, #tpu.memory_space<hbm>> -> memref<1x8x1024xf32, #tpu.memory_space<hbm>>
      %dma_start3A_1360 = tpu.memref_squeeze %dma_start3A_1359 : memref<1x8x1024xf32, #tpu.memory_space<hbm>> -> memref<8x1024xf32, #tpu.memory_space<hbm>>
      %dma_start3A_1361 = arith.constant 0 : i32
      %dma_start3A_1362 = arith.constant 0 : i32
      %dma_start3A_1363 = tpu.memref_slice %arg5[%dma_start3A_1348, %dma_start3A_1349, %dma_start3A_1361, %dma_start3A_1362] : memref<3x4x8x1024xf32, #tpu.memory_space<vmem>> -> memref<1x1x8x1024xf32, #tpu.memory_space<vmem>>
      %dma_start3A_1364 = tpu.memref_squeeze %dma_start3A_1363 : memref<1x1x8x1024xf32, #tpu.memory_space<vmem>> -> memref<8x1024xf32, #tpu.memory_space<vmem>>
      tpu.enqueue_dma source(%dma_start3A_1364 : memref<8x1024xf32, #tpu.memory_space<vmem>>) target(%dma_start3A_1360 : memref<8x1024xf32, #tpu.memory_space<hbm>>) target_semaphore(%arg11 : memref<!tpu.dma_semaphore, #tpu.memory_space<semaphore_mem>>)
      %dma_start3A_1365 = arith.constant 1 : i32
      %dma_start3A_1366 = arith.constant 3 : i32
      %dma_start3A_1367 = arith.constant 3 : i32
      %dma_start3A_1368 = arith.constant 0 : i32
      %dma_start3A_1369 = arith.constant 0 : i32
      %dma_start3A_1370 = tpu.memref_slice %arg5[%dma_start3A_1365, %dma_start3A_1366, %dma_start3A_1368, %dma_start3A_1369] : memref<3x4x8x1024xf32, #tpu.memory_space<vmem>> -> memref<1x1x8x1024xf32, #tpu.memory_space<vmem>>
      %dma_start3A_1371 = tpu.memref_squeeze %dma_start3A_1370 : memref<1x1x8x1024xf32, #tpu.memory_space<vmem>> -> memref<8x1024xf32, #tpu.memory_space<vmem>>
      %dma_start3A_1372 = arith.constant 0 : i32
      %dma_start3A_1373 = tpu.memref_slice %arg4[%dma_start3A_1367, %add3A_1313, %dma_start3A_1372] : memref<4x8192x1024xf32, #tpu.memory_space<hbm>> -> memref<1x8x1024xf32, #tpu.memory_space<hbm>>
      %dma_start3A_1374 = tpu.memref_squeeze %dma_start3A_1373 : memref<1x8x1024xf32, #tpu.memory_space<hbm>> -> memref<8x1024xf32, #tpu.memory_space<hbm>>
      %dma_start3A_1375 = arith.constant 0 : i32
      %dma_start3A_1376 = tpu.memref_slice %arg4[%dma_start3A_1367, %add3A_1313, %dma_start3A_1375] : memref<4x8192x1024xf32, #tpu.memory_space<hbm>> -> memref<1x8x1024xf32, #tpu.memory_space<hbm>>
      %dma_start3A_1377 = tpu.memref_squeeze %dma_start3A_1376 : memref<1x8x1024xf32, #tpu.memory_space<hbm>> -> memref<8x1024xf32, #tpu.memory_space<hbm>>
      %dma_start3A_1378 = arith.constant 0 : i32
      %dma_start3A_1379 = arith.constant 0 : i32
      %dma_start3A_1380 = tpu.memref_slice %arg5[%dma_start3A_1365, %dma_start3A_1366, %dma_start3A_1378, %dma_start3A_1379] : memref<3x4x8x1024xf32, #tpu.memory_space<vmem>> -> memref<1x1x8x1024xf32, #tpu.memory_space<vmem>>
      %dma_start3A_1381 = tpu.memref_squeeze %dma_start3A_1380 : memref<1x1x8x1024xf32, #tpu.memory_space<vmem>> -> memref<8x1024xf32, #tpu.memory_space<vmem>>
      tpu.enqueue_dma source(%dma_start3A_1381 : memref<8x1024xf32, #tpu.memory_space<vmem>>) target(%dma_start3A_1377 : memref<8x1024xf32, #tpu.memory_space<hbm>>) target_semaphore(%arg11 : memref<!tpu.dma_semaphore, #tpu.memory_space<semaphore_mem>>)
      %dma_wait3A_1382 = arith.constant 0 : i32
      %dma_wait3A_1383 = arith.constant 0 : i32
      %dma_wait3A_1384 = arith.constant 0 : i32
      %dma_wait3A_1385 = arith.constant 0 : i32
      %dma_wait3A_1386 = tpu.memref_slice %arg5[%dma_wait3A_1382, %dma_wait3A_1383, %dma_wait3A_1384, %dma_wait3A_1385] : memref<3x4x8x1024xf32, #tpu.memory_space<vmem>> -> memref<1x4x8x1024xf32, #tpu.memory_space<vmem>>
      %dma_wait3A_1387 = tpu.memref_squeeze %dma_wait3A_1386 : memref<1x4x8x1024xf32, #tpu.memory_space<vmem>> -> memref<4x8x1024xf32, #tpu.memory_space<vmem>>
      %dma_wait3A_1388 = arith.constant 0 : i32
      %dma_wait3A_1389 = arith.constant 0 : i32
      %dma_wait3A_1390 = arith.constant 0 : i32
      %dma_wait3A_1391 = tpu.memref_slice %arg4[%dma_wait3A_1388, %dma_wait3A_1389, %dma_wait3A_1390] : memref<4x8192x1024xf32, #tpu.memory_space<hbm>> -> memref<4x8x1024xf32, #tpu.memory_space<hbm>>
      %dma_wait3A_1392 = arith.constant 0 : i32
      %dma_wait3A_1393 = arith.constant 0 : i32
      %dma_wait3A_1394 = arith.constant 0 : i32
      %dma_wait3A_1395 = tpu.memref_slice %arg4[%dma_wait3A_1392, %dma_wait3A_1393, %dma_wait3A_1394] : memref<4x8192x1024xf32, #tpu.memory_space<hbm>> -> memref<4x8x1024xf32, #tpu.memory_space<hbm>>
      %dma_wait3A_1396 = arith.constant 0 : i32
      %dma_wait3A_1397 = arith.constant 0 : i32
      %dma_wait3A_1398 = arith.constant 0 : i32
      %dma_wait3A_1399 = tpu.memref_slice %arg5[%dma_wait3A_1382, %dma_wait3A_1396, %dma_wait3A_1397, %dma_wait3A_1398] : memref<3x4x8x1024xf32, #tpu.memory_space<vmem>> -> memref<1x4x8x1024xf32, #tpu.memory_space<vmem>>
      %dma_wait3A_1400 = tpu.memref_squeeze %dma_wait3A_1399 : memref<1x4x8x1024xf32, #tpu.memory_space<vmem>> -> memref<4x8x1024xf32, #tpu.memory_space<vmem>>
      tpu.wait_dma2 semaphore(%arg10 : memref<!tpu.dma_semaphore, #tpu.memory_space<semaphore_mem>>) src(%dma_wait3A_1400 : memref<4x8x1024xf32, #tpu.memory_space<vmem>>) dst(%dma_wait3A_1395 : memref<4x8x1024xf32, #tpu.memory_space<hbm>>)
      %add3A_1401 = arith.constant 1 : i32
      %add3A_1402 = arith.addi %add3A_1054, %add3A_1401 : i32
      %add3A_1403 = arith.constant 2 : i32
      %add3A_1404 = arith.addi %add3A_1402, %add3A_1403 : i32
      %mul3A_1405 = arith.constant 8 : i32
      %mul3A_1406 = arith.muli %add3A_1404, %mul3A_1405 : i32
      %add3A_1407 = arith.addi %mul3A_2, %mul3A_1406 : i32
      %dma_start3A_1408 = arith.constant 0 : i32
      %dma_start3A_1409 = arith.constant 0 : i32
      %dma_start3A_1410 = arith.constant 0 : i32
      %dma_start3A_1411 = tpu.memref_slice %arg6[%dma_start3A_1408, %dma_start3A_1409, %dma_start3A_1410] : memref<3x8x1024xf32, #tpu.memory_space<vmem>> -> memref<1x8x1024xf32, #tpu.memory_space<vmem>>
      %dma_start3A_1412 = tpu.memref_squeeze %dma_start3A_1411 : memref<1x8x1024xf32, #tpu.memory_space<vmem>> -> memref<8x1024xf32, #tpu.memory_space<vmem>>
      %dma_start3A_1413 = arith.constant 0 : i32
      %dma_start3A_1414 = tpu.memref_slice %arg3[%add3A_1407, %dma_start3A_1413] : memref<8192x1024xf32, #tpu.memory_space<hbm>> -> memref<8x1024xf32, #tpu.memory_space<hbm>>
      %dma_start3A_1415 = arith.constant 0 : i32
      %dma_start3A_1416 = arith.constant 0 : i32
      %dma_start3A_1417 = tpu.memref_slice %arg6[%dma_start3A_1408, %dma_start3A_1415, %dma_start3A_1416] : memref<3x8x1024xf32, #tpu.memory_space<vmem>> -> memref<1x8x1024xf32, #tpu.memory_space<vmem>>
      %dma_start3A_1418 = tpu.memref_squeeze %dma_start3A_1417 : memref<1x8x1024xf32, #tpu.memory_space<vmem>> -> memref<8x1024xf32, #tpu.memory_space<vmem>>
      %dma_start3A_1419 = arith.constant 0 : i32
      %dma_start3A_1420 = tpu.memref_slice %arg3[%add3A_1407, %dma_start3A_1419] : memref<8192x1024xf32, #tpu.memory_space<hbm>> -> memref<8x1024xf32, #tpu.memory_space<hbm>>
      tpu.enqueue_dma source(%dma_start3A_1420 : memref<8x1024xf32, #tpu.memory_space<hbm>>) target(%dma_start3A_1418 : memref<8x1024xf32, #tpu.memory_space<vmem>>) target_semaphore(%arg7 : memref<!tpu.dma_semaphore, #tpu.memory_space<semaphore_mem>>)
      %dma_start3A_1421 = arith.constant 0 : i32
      %dma_start3A_1422 = arith.constant 0 : i32
      %dma_start3A_1423 = arith.constant 0 : i32
      %dma_start3A_1424 = arith.constant 0 : i32
      %dma_start3A_1425 = arith.constant 0 : i32
      %dma_start3A_1426 = tpu.memref_slice %arg5[%dma_start3A_1422, %dma_start3A_1423, %dma_start3A_1424, %dma_start3A_1425] : memref<3x4x8x1024xf32, #tpu.memory_space<vmem>> -> memref<1x1x8x1024xf32, #tpu.memory_space<vmem>>
      %dma_start3A_1427 = tpu.memref_squeeze %dma_start3A_1426 : memref<1x1x8x1024xf32, #tpu.memory_space<vmem>> -> memref<8x1024xf32, #tpu.memory_space<vmem>>
      %dma_start3A_1428 = arith.constant 0 : i32
      %dma_start3A_1429 = tpu.memref_slice %arg2[%dma_start3A_1421, %add3A_1407, %dma_start3A_1428] : memref<4x8192x1024xf32, #tpu.memory_space<hbm>> -> memref<1x8x1024xf32, #tpu.memory_space<hbm>>
      %dma_start3A_1430 = tpu.memref_squeeze %dma_start3A_1429 : memref<1x8x1024xf32, #tpu.memory_space<hbm>> -> memref<8x1024xf32, #tpu.memory_space<hbm>>
      %dma_start3A_1431 = arith.constant 0 : i32
      %dma_start3A_1432 = arith.constant 0 : i32
      %dma_start3A_1433 = tpu.memref_slice %arg5[%dma_start3A_1422, %dma_start3A_1423, %dma_start3A_1431, %dma_start3A_1432] : memref<3x4x8x1024xf32, #tpu.memory_space<vmem>> -> memref<1x1x8x1024xf32, #tpu.memory_space<vmem>>
      %dma_start3A_1434 = tpu.memref_squeeze %dma_start3A_1433 : memref<1x1x8x1024xf32, #tpu.memory_space<vmem>> -> memref<8x1024xf32, #tpu.memory_space<vmem>>
      %dma_start3A_1435 = arith.constant 0 : i32
      %dma_start3A_1436 = tpu.memref_slice %arg2[%dma_start3A_1421, %add3A_1407, %dma_start3A_1435] : memref<4x8192x1024xf32, #tpu.memory_space<hbm>> -> memref<1x8x1024xf32, #tpu.memory_space<hbm>>
      %dma_start3A_1437 = tpu.memref_squeeze %dma_start3A_1436 : memref<1x8x1024xf32, #tpu.memory_space<hbm>> -> memref<8x1024xf32, #tpu.memory_space<hbm>>
      tpu.enqueue_dma source(%dma_start3A_1437 : memref<8x1024xf32, #tpu.memory_space<hbm>>) target(%dma_start3A_1434 : memref<8x1024xf32, #tpu.memory_space<vmem>>) target_semaphore(%arg7 : memref<!tpu.dma_semaphore, #tpu.memory_space<semaphore_mem>>)
      %dma_start3A_1438 = arith.constant 1 : i32
      %dma_start3A_1439 = arith.constant 0 : i32
      %dma_start3A_1440 = arith.constant 1 : i32
      %dma_start3A_1441 = arith.constant 0 : i32
      %dma_start3A_1442 = arith.constant 0 : i32
      %dma_start3A_1443 = tpu.memref_slice %arg5[%dma_start3A_1439, %dma_start3A_1440, %dma_start3A_1441, %dma_start3A_1442] : memref<3x4x8x1024xf32, #tpu.memory_space<vmem>> -> memref<1x1x8x1024xf32, #tpu.memory_space<vmem>>
      %dma_start3A_1444 = tpu.memref_squeeze %dma_start3A_1443 : memref<1x1x8x1024xf32, #tpu.memory_space<vmem>> -> memref<8x1024xf32, #tpu.memory_space<vmem>>
      %dma_start3A_1445 = arith.constant 0 : i32
      %dma_start3A_1446 = tpu.memref_slice %arg2[%dma_start3A_1438, %add3A_1407, %dma_start3A_1445] : memref<4x8192x1024xf32, #tpu.memory_space<hbm>> -> memref<1x8x1024xf32, #tpu.memory_space<hbm>>
      %dma_start3A_1447 = tpu.memref_squeeze %dma_start3A_1446 : memref<1x8x1024xf32, #tpu.memory_space<hbm>> -> memref<8x1024xf32, #tpu.memory_space<hbm>>
      %dma_start3A_1448 = arith.constant 0 : i32
      %dma_start3A_1449 = arith.constant 0 : i32
      %dma_start3A_1450 = tpu.memref_slice %arg5[%dma_start3A_1439, %dma_start3A_1440, %dma_start3A_1448, %dma_start3A_1449] : memref<3x4x8x1024xf32, #tpu.memory_space<vmem>> -> memref<1x1x8x1024xf32, #tpu.memory_space<vmem>>
      %dma_start3A_1451 = tpu.memref_squeeze %dma_start3A_1450 : memref<1x1x8x1024xf32, #tpu.memory_space<vmem>> -> memref<8x1024xf32, #tpu.memory_space<vmem>>
      %dma_start3A_1452 = arith.constant 0 : i32
      %dma_start3A_1453 = tpu.memref_slice %arg2[%dma_start3A_1438, %add3A_1407, %dma_start3A_1452] : memref<4x8192x1024xf32, #tpu.memory_space<hbm>> -> memref<1x8x1024xf32, #tpu.memory_space<hbm>>
      %dma_start3A_1454 = tpu.memref_squeeze %dma_start3A_1453 : memref<1x8x1024xf32, #tpu.memory_space<hbm>> -> memref<8x1024xf32, #tpu.memory_space<hbm>>
      tpu.enqueue_dma source(%dma_start3A_1454 : memref<8x1024xf32, #tpu.memory_space<hbm>>) target(%dma_start3A_1451 : memref<8x1024xf32, #tpu.memory_space<vmem>>) target_semaphore(%arg7 : memref<!tpu.dma_semaphore, #tpu.memory_space<semaphore_mem>>)
      %dma_start3A_1455 = arith.constant 2 : i32
      %dma_start3A_1456 = arith.constant 0 : i32
      %dma_start3A_1457 = arith.constant 2 : i32
      %dma_start3A_1458 = arith.constant 0 : i32
      %dma_start3A_1459 = arith.constant 0 : i32
      %dma_start3A_1460 = tpu.memref_slice %arg5[%dma_start3A_1456, %dma_start3A_1457, %dma_start3A_1458, %dma_start3A_1459] : memref<3x4x8x1024xf32, #tpu.memory_space<vmem>> -> memref<1x1x8x1024xf32, #tpu.memory_space<vmem>>
      %dma_start3A_1461 = tpu.memref_squeeze %dma_start3A_1460 : memref<1x1x8x1024xf32, #tpu.memory_space<vmem>> -> memref<8x1024xf32, #tpu.memory_space<vmem>>
      %dma_start3A_1462 = arith.constant 0 : i32
      %dma_start3A_1463 = tpu.memref_slice %arg2[%dma_start3A_1455, %add3A_1407, %dma_start3A_1462] : memref<4x8192x1024xf32, #tpu.memory_space<hbm>> -> memref<1x8x1024xf32, #tpu.memory_space<hbm>>
      %dma_start3A_1464 = tpu.memref_squeeze %dma_start3A_1463 : memref<1x8x1024xf32, #tpu.memory_space<hbm>> -> memref<8x1024xf32, #tpu.memory_space<hbm>>
      %dma_start3A_1465 = arith.constant 0 : i32
      %dma_start3A_1466 = arith.constant 0 : i32
      %dma_start3A_1467 = tpu.memref_slice %arg5[%dma_start3A_1456, %dma_start3A_1457, %dma_start3A_1465, %dma_start3A_1466] : memref<3x4x8x1024xf32, #tpu.memory_space<vmem>> -> memref<1x1x8x1024xf32, #tpu.memory_space<vmem>>
      %dma_start3A_1468 = tpu.memref_squeeze %dma_start3A_1467 : memref<1x1x8x1024xf32, #tpu.memory_space<vmem>> -> memref<8x1024xf32, #tpu.memory_space<vmem>>
      %dma_start3A_1469 = arith.constant 0 : i32
      %dma_start3A_1470 = tpu.memref_slice %arg2[%dma_start3A_1455, %add3A_1407, %dma_start3A_1469] : memref<4x8192x1024xf32, #tpu.memory_space<hbm>> -> memref<1x8x1024xf32, #tpu.memory_space<hbm>>
      %dma_start3A_1471 = tpu.memref_squeeze %dma_start3A_1470 : memref<1x8x1024xf32, #tpu.memory_space<hbm>> -> memref<8x1024xf32, #tpu.memory_space<hbm>>
      tpu.enqueue_dma source(%dma_start3A_1471 : memref<8x1024xf32, #tpu.memory_space<hbm>>) target(%dma_start3A_1468 : memref<8x1024xf32, #tpu.memory_space<vmem>>) target_semaphore(%arg7 : memref<!tpu.dma_semaphore, #tpu.memory_space<semaphore_mem>>)
      %dma_start3A_1472 = arith.constant 3 : i32
      %dma_start3A_1473 = arith.constant 0 : i32
      %dma_start3A_1474 = arith.constant 3 : i32
      %dma_start3A_1475 = arith.constant 0 : i32
      %dma_start3A_1476 = arith.constant 0 : i32
      %dma_start3A_1477 = tpu.memref_slice %arg5[%dma_start3A_1473, %dma_start3A_1474, %dma_start3A_1475, %dma_start3A_1476] : memref<3x4x8x1024xf32, #tpu.memory_space<vmem>> -> memref<1x1x8x1024xf32, #tpu.memory_space<vmem>>
      %dma_start3A_1478 = tpu.memref_squeeze %dma_start3A_1477 : memref<1x1x8x1024xf32, #tpu.memory_space<vmem>> -> memref<8x1024xf32, #tpu.memory_space<vmem>>
      %dma_start3A_1479 = arith.constant 0 : i32
      %dma_start3A_1480 = tpu.memref_slice %arg2[%dma_start3A_1472, %add3A_1407, %dma_start3A_1479] : memref<4x8192x1024xf32, #tpu.memory_space<hbm>> -> memref<1x8x1024xf32, #tpu.memory_space<hbm>>
      %dma_start3A_1481 = tpu.memref_squeeze %dma_start3A_1480 : memref<1x8x1024xf32, #tpu.memory_space<hbm>> -> memref<8x1024xf32, #tpu.memory_space<hbm>>
      %dma_start3A_1482 = arith.constant 0 : i32
      %dma_start3A_1483 = arith.constant 0 : i32
      %dma_start3A_1484 = tpu.memref_slice %arg5[%dma_start3A_1473, %dma_start3A_1474, %dma_start3A_1482, %dma_start3A_1483] : memref<3x4x8x1024xf32, #tpu.memory_space<vmem>> -> memref<1x1x8x1024xf32, #tpu.memory_space<vmem>>
      %dma_start3A_1485 = tpu.memref_squeeze %dma_start3A_1484 : memref<1x1x8x1024xf32, #tpu.memory_space<vmem>> -> memref<8x1024xf32, #tpu.memory_space<vmem>>
      %dma_start3A_1486 = arith.constant 0 : i32
      %dma_start3A_1487 = tpu.memref_slice %arg2[%dma_start3A_1472, %add3A_1407, %dma_start3A_1486] : memref<4x8192x1024xf32, #tpu.memory_space<hbm>> -> memref<1x8x1024xf32, #tpu.memory_space<hbm>>
      %dma_start3A_1488 = tpu.memref_squeeze %dma_start3A_1487 : memref<1x8x1024xf32, #tpu.memory_space<hbm>> -> memref<8x1024xf32, #tpu.memory_space<hbm>>
      tpu.enqueue_dma source(%dma_start3A_1488 : memref<8x1024xf32, #tpu.memory_space<hbm>>) target(%dma_start3A_1485 : memref<8x1024xf32, #tpu.memory_space<vmem>>) target_semaphore(%arg7 : memref<!tpu.dma_semaphore, #tpu.memory_space<semaphore_mem>>)
      %add3A_1489 = arith.constant 2 : i32
      %add3A_1490 = arith.addi %add3A_1054, %add3A_1489 : i32
      %dma_wait3A_1491 = arith.constant 2 : i32
      %dma_wait3A_1492 = arith.constant 0 : i32
      %dma_wait3A_1493 = arith.constant 0 : i32
      %dma_wait3A_1494 = tpu.memref_slice %arg6[%dma_wait3A_1491, %dma_wait3A_1492, %dma_wait3A_1493] : memref<3x8x1024xf32, #tpu.memory_space<vmem>> -> memref<1x8x1024xf32, #tpu.memory_space<vmem>>
      %dma_wait3A_1495 = tpu.memref_squeeze %dma_wait3A_1494 : memref<1x8x1024xf32, #tpu.memory_space<vmem>> -> memref<8x1024xf32, #tpu.memory_space<vmem>>
      %dma_wait3A_1496 = arith.constant 0 : i32
      %dma_wait3A_1497 = arith.constant 0 : i32
      %dma_wait3A_1498 = tpu.memref_slice %arg3[%dma_wait3A_1496, %dma_wait3A_1497] : memref<8192x1024xf32, #tpu.memory_space<hbm>> -> memref<8x1024xf32, #tpu.memory_space<hbm>>
      %dma_wait3A_1499 = arith.constant 0 : i32
      %dma_wait3A_1500 = arith.constant 0 : i32
      %dma_wait3A_1501 = tpu.memref_slice %arg6[%dma_wait3A_1491, %dma_wait3A_1499, %dma_wait3A_1500] : memref<3x8x1024xf32, #tpu.memory_space<vmem>> -> memref<1x8x1024xf32, #tpu.memory_space<vmem>>
      %dma_wait3A_1502 = tpu.memref_squeeze %dma_wait3A_1501 : memref<1x8x1024xf32, #tpu.memory_space<vmem>> -> memref<8x1024xf32, #tpu.memory_space<vmem>>
      %dma_wait3A_1503 = arith.constant 0 : i32
      %dma_wait3A_1504 = arith.constant 0 : i32
      %dma_wait3A_1505 = tpu.memref_slice %arg3[%dma_wait3A_1503, %dma_wait3A_1504] : memref<8192x1024xf32, #tpu.memory_space<hbm>> -> memref<8x1024xf32, #tpu.memory_space<hbm>>
      tpu.wait_dma2 semaphore(%arg9 : memref<!tpu.dma_semaphore, #tpu.memory_space<semaphore_mem>>) src(%dma_wait3A_1505 : memref<8x1024xf32, #tpu.memory_space<hbm>>) dst(%dma_wait3A_1502 : memref<8x1024xf32, #tpu.memory_space<vmem>>)
      %dma_wait3A_1506 = arith.constant 2 : i32
      %dma_wait3A_1507 = arith.constant 0 : i32
      %dma_wait3A_1508 = arith.constant 0 : i32
      %dma_wait3A_1509 = arith.constant 0 : i32
      %dma_wait3A_1510 = tpu.memref_slice %arg5[%dma_wait3A_1506, %dma_wait3A_1507, %dma_wait3A_1508, %dma_wait3A_1509] : memref<3x4x8x1024xf32, #tpu.memory_space<vmem>> -> memref<1x4x8x1024xf32, #tpu.memory_space<vmem>>
      %dma_wait3A_1511 = tpu.memref_squeeze %dma_wait3A_1510 : memref<1x4x8x1024xf32, #tpu.memory_space<vmem>> -> memref<4x8x1024xf32, #tpu.memory_space<vmem>>
      %dma_wait3A_1512 = arith.constant 0 : i32
      %dma_wait3A_1513 = arith.constant 0 : i32
      %dma_wait3A_1514 = arith.constant 0 : i32
      %dma_wait3A_1515 = tpu.memref_slice %arg2[%dma_wait3A_1512, %dma_wait3A_1513, %dma_wait3A_1514] : memref<4x8192x1024xf32, #tpu.memory_space<hbm>> -> memref<4x8x1024xf32, #tpu.memory_space<hbm>>
      %dma_wait3A_1516 = arith.constant 0 : i32
      %dma_wait3A_1517 = arith.constant 0 : i32
      %dma_wait3A_1518 = arith.constant 0 : i32
      %dma_wait3A_1519 = tpu.memref_slice %arg5[%dma_wait3A_1506, %dma_wait3A_1516, %dma_wait3A_1517, %dma_wait3A_1518] : memref<3x4x8x1024xf32, #tpu.memory_space<vmem>> -> memref<1x4x8x1024xf32, #tpu.memory_space<vmem>>
      %dma_wait3A_1520 = tpu.memref_squeeze %dma_wait3A_1519 : memref<1x4x8x1024xf32, #tpu.memory_space<vmem>> -> memref<4x8x1024xf32, #tpu.memory_space<vmem>>
      %dma_wait3A_1521 = arith.constant 0 : i32
      %dma_wait3A_1522 = arith.constant 0 : i32
      %dma_wait3A_1523 = arith.constant 0 : i32
      %dma_wait3A_1524 = tpu.memref_slice %arg2[%dma_wait3A_1521, %dma_wait3A_1522, %dma_wait3A_1523] : memref<4x8192x1024xf32, #tpu.memory_space<hbm>> -> memref<4x8x1024xf32, #tpu.memory_space<hbm>>
      tpu.wait_dma2 semaphore(%arg9 : memref<!tpu.dma_semaphore, #tpu.memory_space<semaphore_mem>>) src(%dma_wait3A_1524 : memref<4x8x1024xf32, #tpu.memory_space<hbm>>) dst(%dma_wait3A_1520 : memref<4x8x1024xf32, #tpu.memory_space<vmem>>)
      %parallel_loop3A_1525 = arith.constant 0 : i32
      %parallel_loop3A_1526 = arith.constant 512 : i32
      %parallel_loop3A_1527 = arith.constant 1 : i32
      scf.for %parallel_loop3A_1706 = %parallel_loop3A_1525 to %parallel_loop3A_1526 step %parallel_loop3A_1527  : i32 {
        %parallel_loop3A_1707 = arith.constant 6 : i32
        %parallel_loop3A_1708 = arith.shrsi %parallel_loop3A_1706, %parallel_loop3A_1707 : i32
        %parallel_loop3A_1709 = arith.constant 63 : i32
        %parallel_loop3A_1710 = arith.andi %parallel_loop3A_1706, %parallel_loop3A_1709 : i32
        %parallel_loop3A_1711 = arith.constant 16 : i32
        %parallel_loop3A_1712 = arith.muli %parallel_loop3A_1710, %parallel_loop3A_1711 : i32
        %parallel_loop3A_1713 = arith.constant 2 : i32
        %parallel_loop3A_1714 = arith.index_cast %parallel_loop3A_1713 : i32 to index
        %parallel_loop3A_1715 = arith.index_cast %parallel_loop3A_1708 : i32 to index
        %parallel_loop3A_1716 = arith.index_cast %parallel_loop3A_1712 : i32 to index
        %parallel_loop3A_1717 = tpu.vector_load %arg6[%parallel_loop3A_1714, %parallel_loop3A_1715, %parallel_loop3A_1716] {strides = array<i32>} : memref<3x8x1024xf32, #tpu.memory_space<vmem>>, vector<1x1x16xf32>,
        %parallel_loop3A_1718 = vector.shape_cast %parallel_loop3A_1717 : vector<1x1x16xf32> to vector<16xf32>
        %parallel_loop3A_1719 = arith.constant 2 : i32
        %parallel_loop3A_1720 = arith.constant 0 : i32
        %parallel_loop3A_1721 = arith.index_cast %parallel_loop3A_1719 : i32 to index
        %parallel_loop3A_1722 = arith.index_cast %parallel_loop3A_1720 : i32 to index
        %parallel_loop3A_1723 = arith.index_cast %parallel_loop3A_1708 : i32 to index
        %parallel_loop3A_1724 = arith.index_cast %parallel_loop3A_1712 : i32 to index
        %parallel_loop3A_1725 = tpu.vector_load %arg5[%parallel_loop3A_1721, %parallel_loop3A_1722, %parallel_loop3A_1723, %parallel_loop3A_1724] {strides = array<i32>} : memref<3x4x8x1024xf32, #tpu.memory_space<vmem>>, vector<1x1x1x16xf32>,
        %parallel_loop3A_1726 = vector.shape_cast %parallel_loop3A_1725 : vector<1x1x1x16xf32> to vector<16xf32>
        %parallel_loop3A_1727 = vector.shape_cast %parallel_loop3A_1718 : vector<16xf32> to vector<1x1x1x16xf32>
        tpu.vector_store %arg5[%parallel_loop3A_1721, %parallel_loop3A_1722, %parallel_loop3A_1723, %parallel_loop3A_1724], %parallel_loop3A_1727 {add = true, strides = array<i32>} : memref<3x4x8x1024xf32, #tpu.memory_space<vmem>>, vector<1x1x1x16xf32>,
        %parallel_loop3A_1728 = arith.constant 2 : i32
        %parallel_loop3A_1729 = arith.constant 1 : i32
        %parallel_loop3A_1730 = arith.index_cast %parallel_loop3A_1728 : i32 to index
        %parallel_loop3A_1731 = arith.index_cast %parallel_loop3A_1729 : i32 to index
        %parallel_loop3A_1732 = arith.index_cast %parallel_loop3A_1708 : i32 to index
        %parallel_loop3A_1733 = arith.index_cast %parallel_loop3A_1712 : i32 to index
        %parallel_loop3A_1734 = tpu.vector_load %arg5[%parallel_loop3A_1730, %parallel_loop3A_1731, %parallel_loop3A_1732, %parallel_loop3A_1733] {strides = array<i32>} : memref<3x4x8x1024xf32, #tpu.memory_space<vmem>>, vector<1x1x1x16xf32>,
        %parallel_loop3A_1735 = vector.shape_cast %parallel_loop3A_1734 : vector<1x1x1x16xf32> to vector<16xf32>
        %parallel_loop3A_1736 = vector.shape_cast %parallel_loop3A_1718 : vector<16xf32> to vector<1x1x1x16xf32>
        tpu.vector_store %arg5[%parallel_loop3A_1730, %parallel_loop3A_1731, %parallel_loop3A_1732, %parallel_loop3A_1733], %parallel_loop3A_1736 {add = true, strides = array<i32>} : memref<3x4x8x1024xf32, #tpu.memory_space<vmem>>, vector<1x1x1x16xf32>,
        %parallel_loop3A_1737 = arith.constant 2 : i32
        %parallel_loop3A_1738 = arith.constant 2 : i32
        %parallel_loop3A_1739 = arith.index_cast %parallel_loop3A_1737 : i32 to index
        %parallel_loop3A_1740 = arith.index_cast %parallel_loop3A_1738 : i32 to index
        %parallel_loop3A_1741 = arith.index_cast %parallel_loop3A_1708 : i32 to index
        %parallel_loop3A_1742 = arith.index_cast %parallel_loop3A_1712 : i32 to index
        %parallel_loop3A_1743 = tpu.vector_load %arg5[%parallel_loop3A_1739, %parallel_loop3A_1740, %parallel_loop3A_1741, %parallel_loop3A_1742] {strides = array<i32>} : memref<3x4x8x1024xf32, #tpu.memory_space<vmem>>, vector<1x1x1x16xf32>,
        %parallel_loop3A_1744 = vector.shape_cast %parallel_loop3A_1743 : vector<1x1x1x16xf32> to vector<16xf32>
        %parallel_loop3A_1745 = vector.shape_cast %parallel_loop3A_1718 : vector<16xf32> to vector<1x1x1x16xf32>
        tpu.vector_store %arg5[%parallel_loop3A_1739, %parallel_loop3A_1740, %parallel_loop3A_1741, %parallel_loop3A_1742], %parallel_loop3A_1745 {add = true, strides = array<i32>} : memref<3x4x8x1024xf32, #tpu.memory_space<vmem>>, vector<1x1x1x16xf32>,
        %parallel_loop3A_1746 = arith.constant 2 : i32
        %parallel_loop3A_1747 = arith.constant 3 : i32
        %parallel_loop3A_1748 = arith.index_cast %parallel_loop3A_1746 : i32 to index
        %parallel_loop3A_1749 = arith.index_cast %parallel_loop3A_1747 : i32 to index
        %parallel_loop3A_1750 = arith.index_cast %parallel_loop3A_1708 : i32 to index
        %parallel_loop3A_1751 = arith.index_cast %parallel_loop3A_1712 : i32 to index
        %parallel_loop3A_1752 = tpu.vector_load %arg5[%parallel_loop3A_1748, %parallel_loop3A_1749, %parallel_loop3A_1750, %parallel_loop3A_1751] {strides = array<i32>} : memref<3x4x8x1024xf32, #tpu.memory_space<vmem>>, vector<1x1x1x16xf32>,
        %parallel_loop3A_1753 = vector.shape_cast %parallel_loop3A_1752 : vector<1x1x1x16xf32> to vector<16xf32>
        %parallel_loop3A_1754 = vector.shape_cast %parallel_loop3A_1718 : vector<16xf32> to vector<1x1x1x16xf32>
        tpu.vector_store %arg5[%parallel_loop3A_1748, %parallel_loop3A_1749, %parallel_loop3A_1750, %parallel_loop3A_1751], %parallel_loop3A_1754 {add = true, strides = array<i32>} : memref<3x4x8x1024xf32, #tpu.memory_space<vmem>>, vector<1x1x1x16xf32>,
      } {sc.loop_unroll_factor = 4 : i64, sc.parallel_access}
      %mul3A_1528 = arith.constant 8 : i32
      %mul3A_1529 = arith.muli %add3A_1490, %mul3A_1528 : i32
      %add3A_1530 = arith.addi %mul3A_2, %mul3A_1529 : i32
      %dma_start3A_1531 = arith.constant 2 : i32
      %dma_start3A_1532 = arith.constant 0 : i32
      %dma_start3A_1533 = arith.constant 0 : i32
      %dma_start3A_1534 = arith.constant 0 : i32
      %dma_start3A_1535 = arith.constant 0 : i32
      %dma_start3A_1536 = tpu.memref_slice %arg5[%dma_start3A_1531, %dma_start3A_1532, %dma_start3A_1534, %dma_start3A_1535] : memref<3x4x8x1024xf32, #tpu.memory_space<vmem>> -> memref<1x1x8x1024xf32, #tpu.memory_space<vmem>>
      %dma_start3A_1537 = tpu.memref_squeeze %dma_start3A_1536 : memref<1x1x8x1024xf32, #tpu.memory_space<vmem>> -> memref<8x1024xf32, #tpu.memory_space<vmem>>
      %dma_start3A_1538 = arith.constant 0 : i32
      %dma_start3A_1539 = tpu.memref_slice %arg4[%dma_start3A_1533, %add3A_1530, %dma_start3A_1538] : memref<4x8192x1024xf32, #tpu.memory_space<hbm>> -> memref<1x8x1024xf32, #tpu.memory_space<hbm>>
      %dma_start3A_1540 = tpu.memref_squeeze %dma_start3A_1539 : memref<1x8x1024xf32, #tpu.memory_space<hbm>> -> memref<8x1024xf32, #tpu.memory_space<hbm>>
      %dma_start3A_1541 = arith.constant 0 : i32
      %dma_start3A_1542 = tpu.memref_slice %arg4[%dma_start3A_1533, %add3A_1530, %dma_start3A_1541] : memref<4x8192x1024xf32, #tpu.memory_space<hbm>> -> memref<1x8x1024xf32, #tpu.memory_space<hbm>>
      %dma_start3A_1543 = tpu.memref_squeeze %dma_start3A_1542 : memref<1x8x1024xf32, #tpu.memory_space<hbm>> -> memref<8x1024xf32, #tpu.memory_space<hbm>>
      %dma_start3A_1544 = arith.constant 0 : i32
      %dma_start3A_1545 = arith.constant 0 : i32
      %dma_start3A_1546 = tpu.memref_slice %arg5[%dma_start3A_1531, %dma_start3A_1532, %dma_start3A_1544, %dma_start3A_1545] : memref<3x4x8x1024xf32, #tpu.memory_space<vmem>> -> memref<1x1x8x1024xf32, #tpu.memory_space<vmem>>
      %dma_start3A_1547 = tpu.memref_squeeze %dma_start3A_1546 : memref<1x1x8x1024xf32, #tpu.memory_space<vmem>> -> memref<8x1024xf32, #tpu.memory_space<vmem>>
      tpu.enqueue_dma source(%dma_start3A_1547 : memref<8x1024xf32, #tpu.memory_space<vmem>>) target(%dma_start3A_1543 : memref<8x1024xf32, #tpu.memory_space<hbm>>) target_semaphore(%arg12 : memref<!tpu.dma_semaphore, #tpu.memory_space<semaphore_mem>>)
      %dma_start3A_1548 = arith.constant 2 : i32
      %dma_start3A_1549 = arith.constant 1 : i32
      %dma_start3A_1550 = arith.constant 1 : i32
      %dma_start3A_1551 = arith.constant 0 : i32
      %dma_start3A_1552 = arith.constant 0 : i32
      %dma_start3A_1553 = tpu.memref_slice %arg5[%dma_start3A_1548, %dma_start3A_1549, %dma_start3A_1551, %dma_start3A_1552] : memref<3x4x8x1024xf32, #tpu.memory_space<vmem>> -> memref<1x1x8x1024xf32, #tpu.memory_space<vmem>>
      %dma_start3A_1554 = tpu.memref_squeeze %dma_start3A_1553 : memref<1x1x8x1024xf32, #tpu.memory_space<vmem>> -> memref<8x1024xf32, #tpu.memory_space<vmem>>
      %dma_start3A_1555 = arith.constant 0 : i32
      %dma_start3A_1556 = tpu.memref_slice %arg4[%dma_start3A_1550, %add3A_1530, %dma_start3A_1555] : memref<4x8192x1024xf32, #tpu.memory_space<hbm>> -> memref<1x8x1024xf32, #tpu.memory_space<hbm>>
      %dma_start3A_1557 = tpu.memref_squeeze %dma_start3A_1556 : memref<1x8x1024xf32, #tpu.memory_space<hbm>> -> memref<8x1024xf32, #tpu.memory_space<hbm>>
      %dma_start3A_1558 = arith.constant 0 : i32
      %dma_start3A_1559 = tpu.memref_slice %arg4[%dma_start3A_1550, %add3A_1530, %dma_start3A_1558] : memref<4x8192x1024xf32, #tpu.memory_space<hbm>> -> memref<1x8x1024xf32, #tpu.memory_space<hbm>>
      %dma_start3A_1560 = tpu.memref_squeeze %dma_start3A_1559 : memref<1x8x1024xf32, #tpu.memory_space<hbm>> -> memref<8x1024xf32, #tpu.memory_space<hbm>>
      %dma_start3A_1561 = arith.constant 0 : i32
      %dma_start3A_1562 = arith.constant 0 : i32
      %dma_start3A_1563 = tpu.memref_slice %arg5[%dma_start3A_1548, %dma_start3A_1549, %dma_start3A_1561, %dma_start3A_1562] : memref<3x4x8x1024xf32, #tpu.memory_space<vmem>> -> memref<1x1x8x1024xf32, #tpu.memory_space<vmem>>
      %dma_start3A_1564 = tpu.memref_squeeze %dma_start3A_1563 : memref<1x1x8x1024xf32, #tpu.memory_space<vmem>> -> memref<8x1024xf32, #tpu.memory_space<vmem>>
      tpu.enqueue_dma source(%dma_start3A_1564 : memref<8x1024xf32, #tpu.memory_space<vmem>>) target(%dma_start3A_1560 : memref<8x1024xf32, #tpu.memory_space<hbm>>) target_semaphore(%arg12 : memref<!tpu.dma_semaphore, #tpu.memory_space<semaphore_mem>>)
      %dma_start3A_1565 = arith.constant 2 : i32
      %dma_start3A_1566 = arith.constant 2 : i32
      %dma_start3A_1567 = arith.constant 2 : i32
      %dma_start3A_1568 = arith.constant 0 : i32
      %dma_start3A_1569 = arith.constant 0 : i32
      %dma_start3A_1570 = tpu.memref_slice %arg5[%dma_start3A_1565, %dma_start3A_1566, %dma_start3A_1568, %dma_start3A_1569] : memref<3x4x8x1024xf32, #tpu.memory_space<vmem>> -> memref<1x1x8x1024xf32, #tpu.memory_space<vmem>>
      %dma_start3A_1571 = tpu.memref_squeeze %dma_start3A_1570 : memref<1x1x8x1024xf32, #tpu.memory_space<vmem>> -> memref<8x1024xf32, #tpu.memory_space<vmem>>
      %dma_start3A_1572 = arith.constant 0 : i32
      %dma_start3A_1573 = tpu.memref_slice %arg4[%dma_start3A_1567, %add3A_1530, %dma_start3A_1572] : memref<4x8192x1024xf32, #tpu.memory_space<hbm>> -> memref<1x8x1024xf32, #tpu.memory_space<hbm>>
      %dma_start3A_1574 = tpu.memref_squeeze %dma_start3A_1573 : memref<1x8x1024xf32, #tpu.memory_space<hbm>> -> memref<8x1024xf32, #tpu.memory_space<hbm>>
      %dma_start3A_1575 = arith.constant 0 : i32
      %dma_start3A_1576 = tpu.memref_slice %arg4[%dma_start3A_1567, %add3A_1530, %dma_start3A_1575] : memref<4x8192x1024xf32, #tpu.memory_space<hbm>> -> memref<1x8x1024xf32, #tpu.memory_space<hbm>>
      %dma_start3A_1577 = tpu.memref_squeeze %dma_start3A_1576 : memref<1x8x1024xf32, #tpu.memory_space<hbm>> -> memref<8x1024xf32, #tpu.memory_space<hbm>>
      %dma_start3A_1578 = arith.constant 0 : i32
      %dma_start3A_1579 = arith.constant 0 : i32
      %dma_start3A_1580 = tpu.memref_slice %arg5[%dma_start3A_1565, %dma_start3A_1566, %dma_start3A_1578, %dma_start3A_1579] : memref<3x4x8x1024xf32, #tpu.memory_space<vmem>> -> memref<1x1x8x1024xf32, #tpu.memory_space<vmem>>
      %dma_start3A_1581 = tpu.memref_squeeze %dma_start3A_1580 : memref<1x1x8x1024xf32, #tpu.memory_space<vmem>> -> memref<8x1024xf32, #tpu.memory_space<vmem>>
      tpu.enqueue_dma source(%dma_start3A_1581 : memref<8x1024xf32, #tpu.memory_space<vmem>>) target(%dma_start3A_1577 : memref<8x1024xf32, #tpu.memory_space<hbm>>) target_semaphore(%arg12 : memref<!tpu.dma_semaphore, #tpu.memory_space<semaphore_mem>>)
      %dma_start3A_1582 = arith.constant 2 : i32
      %dma_start3A_1583 = arith.constant 3 : i32
      %dma_start3A_1584 = arith.constant 3 : i32
      %dma_start3A_1585 = arith.constant 0 : i32
      %dma_start3A_1586 = arith.constant 0 : i32
      %dma_start3A_1587 = tpu.memref_slice %arg5[%dma_start3A_1582, %dma_start3A_1583, %dma_start3A_1585, %dma_start3A_1586] : memref<3x4x8x1024xf32, #tpu.memory_space<vmem>> -> memref<1x1x8x1024xf32, #tpu.memory_space<vmem>>
      %dma_start3A_1588 = tpu.memref_squeeze %dma_start3A_1587 : memref<1x1x8x1024xf32, #tpu.memory_space<vmem>> -> memref<8x1024xf32, #tpu.memory_space<vmem>>
      %dma_start3A_1589 = arith.constant 0 : i32
      %dma_start3A_1590 = tpu.memref_slice %arg4[%dma_start3A_1584, %add3A_1530, %dma_start3A_1589] : memref<4x8192x1024xf32, #tpu.memory_space<hbm>> -> memref<1x8x1024xf32, #tpu.memory_space<hbm>>
      %dma_start3A_1591 = tpu.memref_squeeze %dma_start3A_1590 : memref<1x8x1024xf32, #tpu.memory_space<hbm>> -> memref<8x1024xf32, #tpu.memory_space<hbm>>
      %dma_start3A_1592 = arith.constant 0 : i32
      %dma_start3A_1593 = tpu.memref_slice %arg4[%dma_start3A_1584, %add3A_1530, %dma_start3A_1592] : memref<4x8192x1024xf32, #tpu.memory_space<hbm>> -> memref<1x8x1024xf32, #tpu.memory_space<hbm>>
      %dma_start3A_1594 = tpu.memref_squeeze %dma_start3A_1593 : memref<1x8x1024xf32, #tpu.memory_space<hbm>> -> memref<8x1024xf32, #tpu.memory_space<hbm>>
      %dma_start3A_1595 = arith.constant 0 : i32
      %dma_start3A_1596 = arith.constant 0 : i32
      %dma_start3A_1597 = tpu.memref_slice %arg5[%dma_start3A_1582, %dma_start3A_1583, %dma_start3A_1595, %dma_start3A_1596] : memref<3x4x8x1024xf32, #tpu.memory_space<vmem>> -> memref<1x1x8x1024xf32, #tpu.memory_space<vmem>>
      %dma_start3A_1598 = tpu.memref_squeeze %dma_start3A_1597 : memref<1x1x8x1024xf32, #tpu.memory_space<vmem>> -> memref<8x1024xf32, #tpu.memory_space<vmem>>
      tpu.enqueue_dma source(%dma_start3A_1598 : memref<8x1024xf32, #tpu.memory_space<vmem>>) target(%dma_start3A_1594 : memref<8x1024xf32, #tpu.memory_space<hbm>>) target_semaphore(%arg12 : memref<!tpu.dma_semaphore, #tpu.memory_space<semaphore_mem>>)
      %dma_wait3A_1599 = arith.constant 1 : i32
      %dma_wait3A_1600 = arith.constant 0 : i32
      %dma_wait3A_1601 = arith.constant 0 : i32
      %dma_wait3A_1602 = arith.constant 0 : i32
      %dma_wait3A_1603 = tpu.memref_slice %arg5[%dma_wait3A_1599, %dma_wait3A_1600, %dma_wait3A_1601, %dma_wait3A_1602] : memref<3x4x8x1024xf32, #tpu.memory_space<vmem>> -> memref<1x4x8x1024xf32, #tpu.memory_space<vmem>>
      %dma_wait3A_1604 = tpu.memref_squeeze %dma_wait3A_1603 : memref<1x4x8x1024xf32, #tpu.memory_space<vmem>> -> memref<4x8x1024xf32, #tpu.memory_space<vmem>>
      %dma_wait3A_1605 = arith.constant 0 : i32
      %dma_wait3A_1606 = arith.constant 0 : i32
      %dma_wait3A_1607 = arith.constant 0 : i32
      %dma_wait3A_1608 = tpu.memref_slice %arg4[%dma_wait3A_1605, %dma_wait3A_1606, %dma_wait3A_1607] : memref<4x8192x1024xf32, #tpu.memory_space<hbm>> -> memref<4x8x1024xf32, #tpu.memory_space<hbm>>
      %dma_wait3A_1609 = arith.constant 0 : i32
      %dma_wait3A_1610 = arith.constant 0 : i32
      %dma_wait3A_1611 = arith.constant 0 : i32
      %dma_wait3A_1612 = tpu.memref_slice %arg4[%dma_wait3A_1609, %dma_wait3A_1610, %dma_wait3A_1611] : memref<4x8192x1024xf32, #tpu.memory_space<hbm>> -> memref<4x8x1024xf32, #tpu.memory_space<hbm>>
      %dma_wait3A_1613 = arith.constant 0 : i32
      %dma_wait3A_1614 = arith.constant 0 : i32
      %dma_wait3A_1615 = arith.constant 0 : i32
      %dma_wait3A_1616 = tpu.memref_slice %arg5[%dma_wait3A_1599, %dma_wait3A_1613, %dma_wait3A_1614, %dma_wait3A_1615] : memref<3x4x8x1024xf32, #tpu.memory_space<vmem>> -> memref<1x4x8x1024xf32, #tpu.memory_space<vmem>>
      %dma_wait3A_1617 = tpu.memref_squeeze %dma_wait3A_1616 : memref<1x4x8x1024xf32, #tpu.memory_space<vmem>> -> memref<4x8x1024xf32, #tpu.memory_space<vmem>>
      tpu.wait_dma2 semaphore(%arg11 : memref<!tpu.dma_semaphore, #tpu.memory_space<semaphore_mem>>) src(%dma_wait3A_1617 : memref<4x8x1024xf32, #tpu.memory_space<vmem>>) dst(%dma_wait3A_1612 : memref<4x8x1024xf32, #tpu.memory_space<hbm>>)
      %add3A_1618 = arith.constant 2 : i32
      %add3A_1619 = arith.addi %add3A_1054, %add3A_1618 : i32
      %add3A_1620 = arith.constant 2 : i32
      %add3A_1621 = arith.addi %add3A_1619, %add3A_1620 : i32
      %mul3A_1622 = arith.constant 8 : i32
      %mul3A_1623 = arith.muli %add3A_1621, %mul3A_1622 : i32
      %add3A_1624 = arith.addi %mul3A_2, %mul3A_1623 : i32
      %dma_start3A_1625 = arith.constant 1 : i32
      %dma_start3A_1626 = arith.constant 0 : i32
      %dma_start3A_1627 = arith.constant 0 : i32
      %dma_start3A_1628 = tpu.memref_slice %arg6[%dma_start3A_1625, %dma_start3A_1626, %dma_start3A_1627] : memref<3x8x1024xf32, #tpu.memory_space<vmem>> -> memref<1x8x1024xf32, #tpu.memory_space<vmem>>
      %dma_start3A_1629 = tpu.memref_squeeze %dma_start3A_1628 : memref<1x8x1024xf32, #tpu.memory_space<vmem>> -> memref<8x1024xf32, #tpu.memory_space<vmem>>
      %dma_start3A_1630 = arith.constant 0 : i32
      %dma_start3A_1631 = tpu.memref_slice %arg3[%add3A_1624, %dma_start3A_1630] : memref<8192x1024xf32, #tpu.memory_space<hbm>> -> memref<8x1024xf32, #tpu.memory_space<hbm>>
      %dma_start3A_1632 = arith.constant 0 : i32
      %dma_start3A_1633 = arith.constant 0 : i32
      %dma_start3A_1634 = tpu.memref_slice %arg6[%dma_start3A_1625, %dma_start3A_1632, %dma_start3A_1633] : memref<3x8x1024xf32, #tpu.memory_space<vmem>> -> memref<1x8x1024xf32, #tpu.memory_space<vmem>>
      %dma_start3A_1635 = tpu.memref_squeeze %dma_start3A_1634 : memref<1x8x1024xf32, #tpu.memory_space<vmem>> -> memref<8x1024xf32, #tpu.memory_space<vmem>>
      %dma_start3A_1636 = arith.constant 0 : i32
      %dma_start3A_1637 = tpu.memref_slice %arg3[%add3A_1624, %dma_start3A_1636] : memref<8192x1024xf32, #tpu.memory_space<hbm>> -> memref<8x1024xf32, #tpu.memory_space<hbm>>
      tpu.enqueue_dma source(%dma_start3A_1637 : memref<8x1024xf32, #tpu.memory_space<hbm>>) target(%dma_start3A_1635 : memref<8x1024xf32, #tpu.memory_space<vmem>>) target_semaphore(%arg8 : memref<!tpu.dma_semaphore, #tpu.memory_space<semaphore_mem>>)
      %dma_start3A_1638 = arith.constant 0 : i32
      %dma_start3A_1639 = arith.constant 1 : i32
      %dma_start3A_1640 = arith.constant 0 : i32
      %dma_start3A_1641 = arith.constant 0 : i32
      %dma_start3A_1642 = arith.constant 0 : i32
      %dma_start3A_1643 = tpu.memref_slice %arg5[%dma_start3A_1639, %dma_start3A_1640, %dma_start3A_1641, %dma_start3A_1642] : memref<3x4x8x1024xf32, #tpu.memory_space<vmem>> -> memref<1x1x8x1024xf32, #tpu.memory_space<vmem>>
      %dma_start3A_1644 = tpu.memref_squeeze %dma_start3A_1643 : memref<1x1x8x1024xf32, #tpu.memory_space<vmem>> -> memref<8x1024xf32, #tpu.memory_space<vmem>>
      %dma_start3A_1645 = arith.constant 0 : i32
      %dma_start3A_1646 = tpu.memref_slice %arg2[%dma_start3A_1638, %add3A_1624, %dma_start3A_1645] : memref<4x8192x1024xf32, #tpu.memory_space<hbm>> -> memref<1x8x1024xf32, #tpu.memory_space<hbm>>
      %dma_start3A_1647 = tpu.memref_squeeze %dma_start3A_1646 : memref<1x8x1024xf32, #tpu.memory_space<hbm>> -> memref<8x1024xf32, #tpu.memory_space<hbm>>
      %dma_start3A_1648 = arith.constant 0 : i32
      %dma_start3A_1649 = arith.constant 0 : i32
      %dma_start3A_1650 = tpu.memref_slice %arg5[%dma_start3A_1639, %dma_start3A_1640, %dma_start3A_1648, %dma_start3A_1649] : memref<3x4x8x1024xf32, #tpu.memory_space<vmem>> -> memref<1x1x8x1024xf32, #tpu.memory_space<vmem>>
      %dma_start3A_1651 = tpu.memref_squeeze %dma_start3A_1650 : memref<1x1x8x1024xf32, #tpu.memory_space<vmem>> -> memref<8x1024xf32, #tpu.memory_space<vmem>>
      %dma_start3A_1652 = arith.constant 0 : i32
      %dma_start3A_1653 = tpu.memref_slice %arg2[%dma_start3A_1638, %add3A_1624, %dma_start3A_1652] : memref<4x8192x1024xf32, #tpu.memory_space<hbm>> -> memref<1x8x1024xf32, #tpu.memory_space<hbm>>
      %dma_start3A_1654 = tpu.memref_squeeze %dma_start3A_1653 : memref<1x8x1024xf32, #tpu.memory_space<hbm>> -> memref<8x1024xf32, #tpu.memory_space<hbm>>
      tpu.enqueue_dma source(%dma_start3A_1654 : memref<8x1024xf32, #tpu.memory_space<hbm>>) target(%dma_start3A_1651 : memref<8x1024xf32, #tpu.memory_space<vmem>>) target_semaphore(%arg8 : memref<!tpu.dma_semaphore, #tpu.memory_space<semaphore_mem>>)
      %dma_start3A_1655 = arith.constant 1 : i32
      %dma_start3A_1656 = arith.constant 1 : i32
      %dma_start3A_1657 = arith.constant 1 : i32
      %dma_start3A_1658 = arith.constant 0 : i32
      %dma_start3A_1659 = arith.constant 0 : i32
      %dma_start3A_1660 = tpu.memref_slice %arg5[%dma_start3A_1656, %dma_start3A_1657, %dma_start3A_1658, %dma_start3A_1659] : memref<3x4x8x1024xf32, #tpu.memory_space<vmem>> -> memref<1x1x8x1024xf32, #tpu.memory_space<vmem>>
      %dma_start3A_1661 = tpu.memref_squeeze %dma_start3A_1660 : memref<1x1x8x1024xf32, #tpu.memory_space<vmem>> -> memref<8x1024xf32, #tpu.memory_space<vmem>>
      %dma_start3A_1662 = arith.constant 0 : i32
      %dma_start3A_1663 = tpu.memref_slice %arg2[%dma_start3A_1655, %add3A_1624, %dma_start3A_1662] : memref<4x8192x1024xf32, #tpu.memory_space<hbm>> -> memref<1x8x1024xf32, #tpu.memory_space<hbm>>
      %dma_start3A_1664 = tpu.memref_squeeze %dma_start3A_1663 : memref<1x8x1024xf32, #tpu.memory_space<hbm>> -> memref<8x1024xf32, #tpu.memory_space<hbm>>
      %dma_start3A_1665 = arith.constant 0 : i32
      %dma_start3A_1666 = arith.constant 0 : i32
      %dma_start3A_1667 = tpu.memref_slice %arg5[%dma_start3A_1656, %dma_start3A_1657, %dma_start3A_1665, %dma_start3A_1666] : memref<3x4x8x1024xf32, #tpu.memory_space<vmem>> -> memref<1x1x8x1024xf32, #tpu.memory_space<vmem>>
      %dma_start3A_1668 = tpu.memref_squeeze %dma_start3A_1667 : memref<1x1x8x1024xf32, #tpu.memory_space<vmem>> -> memref<8x1024xf32, #tpu.memory_space<vmem>>
      %dma_start3A_1669 = arith.constant 0 : i32
      %dma_start3A_1670 = tpu.memref_slice %arg2[%dma_start3A_1655, %add3A_1624, %dma_start3A_1669] : memref<4x8192x1024xf32, #tpu.memory_space<hbm>> -> memref<1x8x1024xf32, #tpu.memory_space<hbm>>
      %dma_start3A_1671 = tpu.memref_squeeze %dma_start3A_1670 : memref<1x8x1024xf32, #tpu.memory_space<hbm>> -> memref<8x1024xf32, #tpu.memory_space<hbm>>
      tpu.enqueue_dma source(%dma_start3A_1671 : memref<8x1024xf32, #tpu.memory_space<hbm>>) target(%dma_start3A_1668 : memref<8x1024xf32, #tpu.memory_space<vmem>>) target_semaphore(%arg8 : memref<!tpu.dma_semaphore, #tpu.memory_space<semaphore_mem>>)
      %dma_start3A_1672 = arith.constant 2 : i32
      %dma_start3A_1673 = arith.constant 1 : i32
      %dma_start3A_1674 = arith.constant 2 : i32
      %dma_start3A_1675 = arith.constant 0 : i32
      %dma_start3A_1676 = arith.constant 0 : i32
      %dma_start3A_1677 = tpu.memref_slice %arg5[%dma_start3A_1673, %dma_start3A_1674, %dma_start3A_1675, %dma_start3A_1676] : memref<3x4x8x1024xf32, #tpu.memory_space<vmem>> -> memref<1x1x8x1024xf32, #tpu.memory_space<vmem>>
      %dma_start3A_1678 = tpu.memref_squeeze %dma_start3A_1677 : memref<1x1x8x1024xf32, #tpu.memory_space<vmem>> -> memref<8x1024xf32, #tpu.memory_space<vmem>>
      %dma_start3A_1679 = arith.constant 0 : i32
      %dma_start3A_1680 = tpu.memref_slice %arg2[%dma_start3A_1672, %add3A_1624, %dma_start3A_1679] : memref<4x8192x1024xf32, #tpu.memory_space<hbm>> -> memref<1x8x1024xf32, #tpu.memory_space<hbm>>
      %dma_start3A_1681 = tpu.memref_squeeze %dma_start3A_1680 : memref<1x8x1024xf32, #tpu.memory_space<hbm>> -> memref<8x1024xf32, #tpu.memory_space<hbm>>
      %dma_start3A_1682 = arith.constant 0 : i32
      %dma_start3A_1683 = arith.constant 0 : i32
      %dma_start3A_1684 = tpu.memref_slice %arg5[%dma_start3A_1673, %dma_start3A_1674, %dma_start3A_1682, %dma_start3A_1683] : memref<3x4x8x1024xf32, #tpu.memory_space<vmem>> -> memref<1x1x8x1024xf32, #tpu.memory_space<vmem>>
      %dma_start3A_1685 = tpu.memref_squeeze %dma_start3A_1684 : memref<1x1x8x1024xf32, #tpu.memory_space<vmem>> -> memref<8x1024xf32, #tpu.memory_space<vmem>>
      %dma_start3A_1686 = arith.constant 0 : i32
      %dma_start3A_1687 = tpu.memref_slice %arg2[%dma_start3A_1672, %add3A_1624, %dma_start3A_1686] : memref<4x8192x1024xf32, #tpu.memory_space<hbm>> -> memref<1x8x1024xf32, #tpu.memory_space<hbm>>
      %dma_start3A_1688 = tpu.memref_squeeze %dma_start3A_1687 : memref<1x8x1024xf32, #tpu.memory_space<hbm>> -> memref<8x1024xf32, #tpu.memory_space<hbm>>
      tpu.enqueue_dma source(%dma_start3A_1688 : memref<8x1024xf32, #tpu.memory_space<hbm>>) target(%dma_start3A_1685 : memref<8x1024xf32, #tpu.memory_space<vmem>>) target_semaphore(%arg8 : memref<!tpu.dma_semaphore, #tpu.memory_space<semaphore_mem>>)
      %dma_start3A_1689 = arith.constant 3 : i32
      %dma_start3A_1690 = arith.constant 1 : i32
      %dma_start3A_1691 = arith.constant 3 : i32
      %dma_start3A_1692 = arith.constant 0 : i32
      %dma_start3A_1693 = arith.constant 0 : i32
      %dma_start3A_1694 = tpu.memref_slice %arg5[%dma_start3A_1690, %dma_start3A_1691, %dma_start3A_1692, %dma_start3A_1693] : memref<3x4x8x1024xf32, #tpu.memory_space<vmem>> -> memref<1x1x8x1024xf32, #tpu.memory_space<vmem>>
      %dma_start3A_1695 = tpu.memref_squeeze %dma_start3A_1694 : memref<1x1x8x1024xf32, #tpu.memory_space<vmem>> -> memref<8x1024xf32, #tpu.memory_space<vmem>>
      %dma_start3A_1696 = arith.constant 0 : i32
      %dma_start3A_1697 = tpu.memref_slice %arg2[%dma_start3A_1689, %add3A_1624, %dma_start3A_1696] : memref<4x8192x1024xf32, #tpu.memory_space<hbm>> -> memref<1x8x1024xf32, #tpu.memory_space<hbm>>
      %dma_start3A_1698 = tpu.memref_squeeze %dma_start3A_1697 : memref<1x8x1024xf32, #tpu.memory_space<hbm>> -> memref<8x1024xf32, #tpu.memory_space<hbm>>
      %dma_start3A_1699 = arith.constant 0 : i32
      %dma_start3A_1700 = arith.constant 0 : i32
      %dma_start3A_1701 = tpu.memref_slice %arg5[%dma_start3A_1690, %dma_start3A_1691, %dma_start3A_1699, %dma_start3A_1700] : memref<3x4x8x1024xf32, #tpu.memory_space<vmem>> -> memref<1x1x8x1024xf32, #tpu.memory_space<vmem>>
      %dma_start3A_1702 = tpu.memref_squeeze %dma_start3A_1701 : memref<1x1x8x1024xf32, #tpu.memory_space<vmem>> -> memref<8x1024xf32, #tpu.memory_space<vmem>>
      %dma_start3A_1703 = arith.constant 0 : i32
      %dma_start3A_1704 = tpu.memref_slice %arg2[%dma_start3A_1689, %add3A_1624, %dma_start3A_1703] : memref<4x8192x1024xf32, #tpu.memory_space<hbm>> -> memref<1x8x1024xf32, #tpu.memory_space<hbm>>
      %dma_start3A_1705 = tpu.memref_squeeze %dma_start3A_1704 : memref<1x8x1024xf32, #tpu.memory_space<hbm>> -> memref<8x1024xf32, #tpu.memory_space<hbm>>
      tpu.enqueue_dma source(%dma_start3A_1705 : memref<8x1024xf32, #tpu.memory_space<hbm>>) target(%dma_start3A_1702 : memref<8x1024xf32, #tpu.memory_space<vmem>>) target_semaphore(%arg8 : memref<!tpu.dma_semaphore, #tpu.memory_space<semaphore_mem>>)
    }
    %scan3A_778 = arith.constant 9 : i32
    %dma_wait3A_779 = arith.constant 0 : i32
    %dma_wait3A_780 = arith.constant 0 : i32
    %dma_wait3A_781 = arith.constant 0 : i32
    %dma_wait3A_782 = tpu.memref_slice %arg6[%dma_wait3A_779, %dma_wait3A_780, %dma_wait3A_781] : memref<3x8x1024xf32, #tpu.memory_space<vmem>> -> memref<1x8x1024xf32, #tpu.memory_space<vmem>>
    %dma_wait3A_783 = tpu.memref_squeeze %dma_wait3A_782 : memref<1x8x1024xf32, #tpu.memory_space<vmem>> -> memref<8x1024xf32, #tpu.memory_space<vmem>>
    %dma_wait3A_784 = arith.constant 0 : i32
    %dma_wait3A_785 = arith.constant 0 : i32
    %dma_wait3A_786 = tpu.memref_slice %arg3[%dma_wait3A_784, %dma_wait3A_785] : memref<8192x1024xf32, #tpu.memory_space<hbm>> -> memref<8x1024xf32, #tpu.memory_space<hbm>>
    %dma_wait3A_787 = arith.constant 0 : i32
    %dma_wait3A_788 = arith.constant 0 : i32
    %dma_wait3A_789 = tpu.memref_slice %arg6[%dma_wait3A_779, %dma_wait3A_787, %dma_wait3A_788] : memref<3x8x1024xf32, #tpu.memory_space<vmem>> -> memref<1x8x1024xf32, #tpu.memory_space<vmem>>
    %dma_wait3A_790 = tpu.memref_squeeze %dma_wait3A_789 : memref<1x8x1024xf32, #tpu.memory_space<vmem>> -> memref<8x1024xf32, #tpu.memory_space<vmem>>
    %dma_wait3A_791 = arith.constant 0 : i32
    %dma_wait3A_792 = arith.constant 0 : i32
    %dma_wait3A_793 = tpu.memref_slice %arg3[%dma_wait3A_791, %dma_wait3A_792] : memref<8192x1024xf32, #tpu.memory_space<hbm>> -> memref<8x1024xf32, #tpu.memory_space<hbm>>
    tpu.wait_dma2 semaphore(%arg7 : memref<!tpu.dma_semaphore, #tpu.memory_space<semaphore_mem>>) src(%dma_wait3A_793 : memref<8x1024xf32, #tpu.memory_space<hbm>>) dst(%dma_wait3A_790 : memref<8x1024xf32, #tpu.memory_space<vmem>>)
    %dma_wait3A_794 = arith.constant 0 : i32
    %dma_wait3A_795 = arith.constant 0 : i32
    %dma_wait3A_796 = arith.constant 0 : i32
    %dma_wait3A_797 = arith.constant 0 : i32
    %dma_wait3A_798 = tpu.memref_slice %arg5[%dma_wait3A_794, %dma_wait3A_795, %dma_wait3A_796, %dma_wait3A_797] : memref<3x4x8x1024xf32, #tpu.memory_space<vmem>> -> memref<1x4x8x1024xf32, #tpu.memory_space<vmem>>
    %dma_wait3A_799 = tpu.memref_squeeze %dma_wait3A_798 : memref<1x4x8x1024xf32, #tpu.memory_space<vmem>> -> memref<4x8x1024xf32, #tpu.memory_space<vmem>>
    %dma_wait3A_800 = arith.constant 0 : i32
    %dma_wait3A_801 = arith.constant 0 : i32
    %dma_wait3A_802 = arith.constant 0 : i32
    %dma_wait3A_803 = tpu.memref_slice %arg2[%dma_wait3A_800, %dma_wait3A_801, %dma_wait3A_802] : memref<4x8192x1024xf32, #tpu.memory_space<hbm>> -> memref<4x8x1024xf32, #tpu.memory_space<hbm>>
    %dma_wait3A_804 = arith.constant 0 : i32
    %dma_wait3A_805 = arith.constant 0 : i32
    %dma_wait3A_806 = arith.constant 0 : i32
    %dma_wait3A_807 = tpu.memref_slice %arg5[%dma_wait3A_794, %dma_wait3A_804, %dma_wait3A_805, %dma_wait3A_806] : memref<3x4x8x1024xf32, #tpu.memory_space<vmem>> -> memref<1x4x8x1024xf32, #tpu.memory_space<vmem>>
    %dma_wait3A_808 = tpu.memref_squeeze %dma_wait3A_807 : memref<1x4x8x1024xf32, #tpu.memory_space<vmem>> -> memref<4x8x1024xf32, #tpu.memory_space<vmem>>
    %dma_wait3A_809 = arith.constant 0 : i32
    %dma_wait3A_810 = arith.constant 0 : i32
    %dma_wait3A_811 = arith.constant 0 : i32
    %dma_wait3A_812 = tpu.memref_slice %arg2[%dma_wait3A_809, %dma_wait3A_810, %dma_wait3A_811] : memref<4x8192x1024xf32, #tpu.memory_space<hbm>> -> memref<4x8x1024xf32, #tpu.memory_space<hbm>>
    tpu.wait_dma2 semaphore(%arg7 : memref<!tpu.dma_semaphore, #tpu.memory_space<semaphore_mem>>) src(%dma_wait3A_812 : memref<4x8x1024xf32, #tpu.memory_space<hbm>>) dst(%dma_wait3A_808 : memref<4x8x1024xf32, #tpu.memory_space<vmem>>)
    %parallel_loop3A_813 = arith.constant 0 : i32
    %parallel_loop3A_814 = arith.constant 512 : i32
    %parallel_loop3A_815 = arith.constant 1 : i32
    scf.for %parallel_loop3A_1050 = %parallel_loop3A_813 to %parallel_loop3A_814 step %parallel_loop3A_815  : i32 {
      %parallel_loop3A_1051 = arith.constant 6 : i32
      %parallel_loop3A_1052 = arith.shrsi %parallel_loop3A_1050, %parallel_loop3A_1051 : i32
      %parallel_loop3A_1053 = arith.constant 63 : i32
      %parallel_loop3A_1054 = arith.andi %parallel_loop3A_1050, %parallel_loop3A_1053 : i32
      %parallel_loop3A_1055 = arith.constant 16 : i32
      %parallel_loop3A_1056 = arith.muli %parallel_loop3A_1054, %parallel_loop3A_1055 : i32
      %parallel_loop3A_1057 = arith.constant 0 : i32
      %parallel_loop3A_1058 = arith.index_cast %parallel_loop3A_1057 : i32 to index
      %parallel_loop3A_1059 = arith.index_cast %parallel_loop3A_1052 : i32 to index
      %parallel_loop3A_1060 = arith.index_cast %parallel_loop3A_1056 : i32 to index
      %parallel_loop3A_1061 = tpu.vector_load %arg6[%parallel_loop3A_1058, %parallel_loop3A_1059, %parallel_loop3A_1060] {strides = array<i32>} : memref<3x8x1024xf32, #tpu.memory_space<vmem>>, vector<1x1x16xf32>,
      %parallel_loop3A_1062 = vector.shape_cast %parallel_loop3A_1061 : vector<1x1x16xf32> to vector<16xf32>
      %parallel_loop3A_1063 = arith.constant 0 : i32
      %parallel_loop3A_1064 = arith.constant 0 : i32
      %parallel_loop3A_1065 = arith.index_cast %parallel_loop3A_1063 : i32 to index
      %parallel_loop3A_1066 = arith.index_cast %parallel_loop3A_1064 : i32 to index
      %parallel_loop3A_1067 = arith.index_cast %parallel_loop3A_1052 : i32 to index
      %parallel_loop3A_1068 = arith.index_cast %parallel_loop3A_1056 : i32 to index
      %parallel_loop3A_1069 = tpu.vector_load %arg5[%parallel_loop3A_1065, %parallel_loop3A_1066, %parallel_loop3A_1067, %parallel_loop3A_1068] {strides = array<i32>} : memref<3x4x8x1024xf32, #tpu.memory_space<vmem>>, vector<1x1x1x16xf32>,
      %parallel_loop3A_1070 = vector.shape_cast %parallel_loop3A_1069 : vector<1x1x1x16xf32> to vector<16xf32>
      %parallel_loop3A_1071 = vector.shape_cast %parallel_loop3A_1062 : vector<16xf32> to vector<1x1x1x16xf32>
      tpu.vector_store %arg5[%parallel_loop3A_1065, %parallel_loop3A_1066, %parallel_loop3A_1067, %parallel_loop3A_1068], %parallel_loop3A_1071 {add = true, strides = array<i32>} : memref<3x4x8x1024xf32, #tpu.memory_space<vmem>>, vector<1x1x1x16xf32>,
      %parallel_loop3A_1072 = arith.constant 0 : i32
      %parallel_loop3A_1073 = arith.constant 1 : i32
      %parallel_loop3A_1074 = arith.index_cast %parallel_loop3A_1072 : i32 to index
      %parallel_loop3A_1075 = arith.index_cast %parallel_loop3A_1073 : i32 to index
      %parallel_loop3A_1076 = arith.index_cast %parallel_loop3A_1052 : i32 to index
      %parallel_loop3A_1077 = arith.index_cast %parallel_loop3A_1056 : i32 to index
      %parallel_loop3A_1078 = tpu.vector_load %arg5[%parallel_loop3A_1074, %parallel_loop3A_1075, %parallel_loop3A_1076, %parallel_loop3A_1077] {strides = array<i32>} : memref<3x4x8x1024xf32, #tpu.memory_space<vmem>>, vector<1x1x1x16xf32>,
      %parallel_loop3A_1079 = vector.shape_cast %parallel_loop3A_1078 : vector<1x1x1x16xf32> to vector<16xf32>
      %parallel_loop3A_1080 = vector.shape_cast %parallel_loop3A_1062 : vector<16xf32> to vector<1x1x1x16xf32>
      tpu.vector_store %arg5[%parallel_loop3A_1074, %parallel_loop3A_1075, %parallel_loop3A_1076, %parallel_loop3A_1077], %parallel_loop3A_1080 {add = true, strides = array<i32>} : memref<3x4x8x1024xf32, #tpu.memory_space<vmem>>, vector<1x1x1x16xf32>,
      %parallel_loop3A_1081 = arith.constant 0 : i32
      %parallel_loop3A_1082 = arith.constant 2 : i32
      %parallel_loop3A_1083 = arith.index_cast %parallel_loop3A_1081 : i32 to index
      %parallel_loop3A_1084 = arith.index_cast %parallel_loop3A_1082 : i32 to index
      %parallel_loop3A_1085 = arith.index_cast %parallel_loop3A_1052 : i32 to index
      %parallel_loop3A_1086 = arith.index_cast %parallel_loop3A_1056 : i32 to index
      %parallel_loop3A_1087 = tpu.vector_load %arg5[%parallel_loop3A_1083, %parallel_loop3A_1084, %parallel_loop3A_1085, %parallel_loop3A_1086] {strides = array<i32>} : memref<3x4x8x1024xf32, #tpu.memory_space<vmem>>, vector<1x1x1x16xf32>,
      %parallel_loop3A_1088 = vector.shape_cast %parallel_loop3A_1087 : vector<1x1x1x16xf32> to vector<16xf32>
      %parallel_loop3A_1089 = vector.shape_cast %parallel_loop3A_1062 : vector<16xf32> to vector<1x1x1x16xf32>
      tpu.vector_store %arg5[%parallel_loop3A_1083, %parallel_loop3A_1084, %parallel_loop3A_1085, %parallel_loop3A_1086], %parallel_loop3A_1089 {add = true, strides = array<i32>} : memref<3x4x8x1024xf32, #tpu.memory_space<vmem>>, vector<1x1x1x16xf32>,
      %parallel_loop3A_1090 = arith.constant 0 : i32
      %parallel_loop3A_1091 = arith.constant 3 : i32
      %parallel_loop3A_1092 = arith.index_cast %parallel_loop3A_1090 : i32 to index
      %parallel_loop3A_1093 = arith.index_cast %parallel_loop3A_1091 : i32 to index
      %parallel_loop3A_1094 = arith.index_cast %parallel_loop3A_1052 : i32 to index
      %parallel_loop3A_1095 = arith.index_cast %parallel_loop3A_1056 : i32 to index
      %parallel_loop3A_1096 = tpu.vector_load %arg5[%parallel_loop3A_1092, %parallel_loop3A_1093, %parallel_loop3A_1094, %parallel_loop3A_1095] {strides = array<i32>} : memref<3x4x8x1024xf32, #tpu.memory_space<vmem>>, vector<1x1x1x16xf32>,
      %parallel_loop3A_1097 = vector.shape_cast %parallel_loop3A_1096 : vector<1x1x1x16xf32> to vector<16xf32>
      %parallel_loop3A_1098 = vector.shape_cast %parallel_loop3A_1062 : vector<16xf32> to vector<1x1x1x16xf32>
      tpu.vector_store %arg5[%parallel_loop3A_1092, %parallel_loop3A_1093, %parallel_loop3A_1094, %parallel_loop3A_1095], %parallel_loop3A_1098 {add = true, strides = array<i32>} : memref<3x4x8x1024xf32, #tpu.memory_space<vmem>>, vector<1x1x1x16xf32>,
    } {sc.loop_unroll_factor = 4 : i64, sc.parallel_access}
    %add3A_816 = arith.constant 240 : i32
    %add3A_817 = arith.addi %mul3A_2, %add3A_816 : i32
    %dma_start3A_818 = arith.constant 0 : i32
    %dma_start3A_819 = arith.constant 0 : i32
    %dma_start3A_820 = arith.constant 0 : i32
    %dma_start3A_821 = arith.constant 0 : i32
    %dma_start3A_822 = arith.constant 0 : i32
    %dma_start3A_823 = tpu.memref_slice %arg5[%dma_start3A_818, %dma_start3A_819, %dma_start3A_821, %dma_start3A_822] : memref<3x4x8x1024xf32, #tpu.memory_space<vmem>> -> memref<1x1x8x1024xf32, #tpu.memory_space<vmem>>
    %dma_start3A_824 = tpu.memref_squeeze %dma_start3A_823 : memref<1x1x8x1024xf32, #tpu.memory_space<vmem>> -> memref<8x1024xf32, #tpu.memory_space<vmem>>
    %dma_start3A_825 = arith.constant 0 : i32
    %dma_start3A_826 = tpu.memref_slice %arg4[%dma_start3A_820, %add3A_817, %dma_start3A_825] : memref<4x8192x1024xf32, #tpu.memory_space<hbm>> -> memref<1x8x1024xf32, #tpu.memory_space<hbm>>
    %dma_start3A_827 = tpu.memref_squeeze %dma_start3A_826 : memref<1x8x1024xf32, #tpu.memory_space<hbm>> -> memref<8x1024xf32, #tpu.memory_space<hbm>>
    %dma_start3A_828 = arith.constant 0 : i32
    %dma_start3A_829 = tpu.memref_slice %arg4[%dma_start3A_820, %add3A_817, %dma_start3A_828] : memref<4x8192x1024xf32, #tpu.memory_space<hbm>> -> memref<1x8x1024xf32, #tpu.memory_space<hbm>>
    %dma_start3A_830 = tpu.memref_squeeze %dma_start3A_829 : memref<1x8x1024xf32, #tpu.memory_space<hbm>> -> memref<8x1024xf32, #tpu.memory_space<hbm>>
    %dma_start3A_831 = arith.constant 0 : i32
    %dma_start3A_832 = arith.constant 0 : i32
    %dma_start3A_833 = tpu.memref_slice %arg5[%dma_start3A_818, %dma_start3A_819, %dma_start3A_831, %dma_start3A_832] : memref<3x4x8x1024xf32, #tpu.memory_space<vmem>> -> memref<1x1x8x1024xf32, #tpu.memory_space<vmem>>
    %dma_start3A_834 = tpu.memref_squeeze %dma_start3A_833 : memref<1x1x8x1024xf32, #tpu.memory_space<vmem>> -> memref<8x1024xf32, #tpu.memory_space<vmem>>
    tpu.enqueue_dma source(%dma_start3A_834 : memref<8x1024xf32, #tpu.memory_space<vmem>>) target(%dma_start3A_830 : memref<8x1024xf32, #tpu.memory_space<hbm>>) target_semaphore(%arg10 : memref<!tpu.dma_semaphore, #tpu.memory_space<semaphore_mem>>)
    %dma_start3A_835 = arith.constant 0 : i32
    %dma_start3A_836 = arith.constant 1 : i32
    %dma_start3A_837 = arith.constant 1 : i32
    %dma_start3A_838 = arith.constant 0 : i32
    %dma_start3A_839 = arith.constant 0 : i32
    %dma_start3A_840 = tpu.memref_slice %arg5[%dma_start3A_835, %dma_start3A_836, %dma_start3A_838, %dma_start3A_839] : memref<3x4x8x1024xf32, #tpu.memory_space<vmem>> -> memref<1x1x8x1024xf32, #tpu.memory_space<vmem>>
    %dma_start3A_841 = tpu.memref_squeeze %dma_start3A_840 : memref<1x1x8x1024xf32, #tpu.memory_space<vmem>> -> memref<8x1024xf32, #tpu.memory_space<vmem>>
    %dma_start3A_842 = arith.constant 0 : i32
    %dma_start3A_843 = tpu.memref_slice %arg4[%dma_start3A_837, %add3A_817, %dma_start3A_842] : memref<4x8192x1024xf32, #tpu.memory_space<hbm>> -> memref<1x8x1024xf32, #tpu.memory_space<hbm>>
    %dma_start3A_844 = tpu.memref_squeeze %dma_start3A_843 : memref<1x8x1024xf32, #tpu.memory_space<hbm>> -> memref<8x1024xf32, #tpu.memory_space<hbm>>
    %dma_start3A_845 = arith.constant 0 : i32
    %dma_start3A_846 = tpu.memref_slice %arg4[%dma_start3A_837, %add3A_817, %dma_start3A_845] : memref<4x8192x1024xf32, #tpu.memory_space<hbm>> -> memref<1x8x1024xf32, #tpu.memory_space<hbm>>
    %dma_start3A_847 = tpu.memref_squeeze %dma_start3A_846 : memref<1x8x1024xf32, #tpu.memory_space<hbm>> -> memref<8x1024xf32, #tpu.memory_space<hbm>>
    %dma_start3A_848 = arith.constant 0 : i32
    %dma_start3A_849 = arith.constant 0 : i32
    %dma_start3A_850 = tpu.memref_slice %arg5[%dma_start3A_835, %dma_start3A_836, %dma_start3A_848, %dma_start3A_849] : memref<3x4x8x1024xf32, #tpu.memory_space<vmem>> -> memref<1x1x8x1024xf32, #tpu.memory_space<vmem>>
    %dma_start3A_851 = tpu.memref_squeeze %dma_start3A_850 : memref<1x1x8x1024xf32, #tpu.memory_space<vmem>> -> memref<8x1024xf32, #tpu.memory_space<vmem>>
    tpu.enqueue_dma source(%dma_start3A_851 : memref<8x1024xf32, #tpu.memory_space<vmem>>) target(%dma_start3A_847 : memref<8x1024xf32, #tpu.memory_space<hbm>>) target_semaphore(%arg10 : memref<!tpu.dma_semaphore, #tpu.memory_space<semaphore_mem>>)
    %dma_start3A_852 = arith.constant 0 : i32
    %dma_start3A_853 = arith.constant 2 : i32
    %dma_start3A_854 = arith.constant 2 : i32
    %dma_start3A_855 = arith.constant 0 : i32
    %dma_start3A_856 = arith.constant 0 : i32
    %dma_start3A_857 = tpu.memref_slice %arg5[%dma_start3A_852, %dma_start3A_853, %dma_start3A_855, %dma_start3A_856] : memref<3x4x8x1024xf32, #tpu.memory_space<vmem>> -> memref<1x1x8x1024xf32, #tpu.memory_space<vmem>>
    %dma_start3A_858 = tpu.memref_squeeze %dma_start3A_857 : memref<1x1x8x1024xf32, #tpu.memory_space<vmem>> -> memref<8x1024xf32, #tpu.memory_space<vmem>>
    %dma_start3A_859 = arith.constant 0 : i32
    %dma_start3A_860 = tpu.memref_slice %arg4[%dma_start3A_854, %add3A_817, %dma_start3A_859] : memref<4x8192x1024xf32, #tpu.memory_space<hbm>> -> memref<1x8x1024xf32, #tpu.memory_space<hbm>>
    %dma_start3A_861 = tpu.memref_squeeze %dma_start3A_860 : memref<1x8x1024xf32, #tpu.memory_space<hbm>> -> memref<8x1024xf32, #tpu.memory_space<hbm>>
    %dma_start3A_862 = arith.constant 0 : i32
    %dma_start3A_863 = tpu.memref_slice %arg4[%dma_start3A_854, %add3A_817, %dma_start3A_862] : memref<4x8192x1024xf32, #tpu.memory_space<hbm>> -> memref<1x8x1024xf32, #tpu.memory_space<hbm>>
    %dma_start3A_864 = tpu.memref_squeeze %dma_start3A_863 : memref<1x8x1024xf32, #tpu.memory_space<hbm>> -> memref<8x1024xf32, #tpu.memory_space<hbm>>
    %dma_start3A_865 = arith.constant 0 : i32
    %dma_start3A_866 = arith.constant 0 : i32
    %dma_start3A_867 = tpu.memref_slice %arg5[%dma_start3A_852, %dma_start3A_853, %dma_start3A_865, %dma_start3A_866] : memref<3x4x8x1024xf32, #tpu.memory_space<vmem>> -> memref<1x1x8x1024xf32, #tpu.memory_space<vmem>>
    %dma_start3A_868 = tpu.memref_squeeze %dma_start3A_867 : memref<1x1x8x1024xf32, #tpu.memory_space<vmem>> -> memref<8x1024xf32, #tpu.memory_space<vmem>>
    tpu.enqueue_dma source(%dma_start3A_868 : memref<8x1024xf32, #tpu.memory_space<vmem>>) target(%dma_start3A_864 : memref<8x1024xf32, #tpu.memory_space<hbm>>) target_semaphore(%arg10 : memref<!tpu.dma_semaphore, #tpu.memory_space<semaphore_mem>>)
    %dma_start3A_869 = arith.constant 0 : i32
    %dma_start3A_870 = arith.constant 3 : i32
    %dma_start3A_871 = arith.constant 3 : i32
    %dma_start3A_872 = arith.constant 0 : i32
    %dma_start3A_873 = arith.constant 0 : i32
    %dma_start3A_874 = tpu.memref_slice %arg5[%dma_start3A_869, %dma_start3A_870, %dma_start3A_872, %dma_start3A_873] : memref<3x4x8x1024xf32, #tpu.memory_space<vmem>> -> memref<1x1x8x1024xf32, #tpu.memory_space<vmem>>
    %dma_start3A_875 = tpu.memref_squeeze %dma_start3A_874 : memref<1x1x8x1024xf32, #tpu.memory_space<vmem>> -> memref<8x1024xf32, #tpu.memory_space<vmem>>
    %dma_start3A_876 = arith.constant 0 : i32
    %dma_start3A_877 = tpu.memref_slice %arg4[%dma_start3A_871, %add3A_817, %dma_start3A_876] : memref<4x8192x1024xf32, #tpu.memory_space<hbm>> -> memref<1x8x1024xf32, #tpu.memory_space<hbm>>
    %dma_start3A_878 = tpu.memref_squeeze %dma_start3A_877 : memref<1x8x1024xf32, #tpu.memory_space<hbm>> -> memref<8x1024xf32, #tpu.memory_space<hbm>>
    %dma_start3A_879 = arith.constant 0 : i32
    %dma_start3A_880 = tpu.memref_slice %arg4[%dma_start3A_871, %add3A_817, %dma_start3A_879] : memref<4x8192x1024xf32, #tpu.memory_space<hbm>> -> memref<1x8x1024xf32, #tpu.memory_space<hbm>>
    %dma_start3A_881 = tpu.memref_squeeze %dma_start3A_880 : memref<1x8x1024xf32, #tpu.memory_space<hbm>> -> memref<8x1024xf32, #tpu.memory_space<hbm>>
    %dma_start3A_882 = arith.constant 0 : i32
    %dma_start3A_883 = arith.constant 0 : i32
    %dma_start3A_884 = tpu.memref_slice %arg5[%dma_start3A_869, %dma_start3A_870, %dma_start3A_882, %dma_start3A_883] : memref<3x4x8x1024xf32, #tpu.memory_space<vmem>> -> memref<1x1x8x1024xf32, #tpu.memory_space<vmem>>
    %dma_start3A_885 = tpu.memref_squeeze %dma_start3A_884 : memref<1x1x8x1024xf32, #tpu.memory_space<vmem>> -> memref<8x1024xf32, #tpu.memory_space<vmem>>
    tpu.enqueue_dma source(%dma_start3A_885 : memref<8x1024xf32, #tpu.memory_space<vmem>>) target(%dma_start3A_881 : memref<8x1024xf32, #tpu.memory_space<hbm>>) target_semaphore(%arg10 : memref<!tpu.dma_semaphore, #tpu.memory_space<semaphore_mem>>)
    %dma_wait3A_886 = arith.constant 1 : i32
    %dma_wait3A_887 = arith.constant 0 : i32
    %dma_wait3A_888 = arith.constant 0 : i32
    %dma_wait3A_889 = tpu.memref_slice %arg6[%dma_wait3A_886, %dma_wait3A_887, %dma_wait3A_888] : memref<3x8x1024xf32, #tpu.memory_space<vmem>> -> memref<1x8x1024xf32, #tpu.memory_space<vmem>>
    %dma_wait3A_890 = tpu.memref_squeeze %dma_wait3A_889 : memref<1x8x1024xf32, #tpu.memory_space<vmem>> -> memref<8x1024xf32, #tpu.memory_space<vmem>>
    %dma_wait3A_891 = arith.constant 0 : i32
    %dma_wait3A_892 = arith.constant 0 : i32
    %dma_wait3A_893 = tpu.memref_slice %arg3[%dma_wait3A_891, %dma_wait3A_892] : memref<8192x1024xf32, #tpu.memory_space<hbm>> -> memref<8x1024xf32, #tpu.memory_space<hbm>>
    %dma_wait3A_894 = arith.constant 0 : i32
    %dma_wait3A_895 = arith.constant 0 : i32
    %dma_wait3A_896 = tpu.memref_slice %arg6[%dma_wait3A_886, %dma_wait3A_894, %dma_wait3A_895] : memref<3x8x1024xf32, #tpu.memory_space<vmem>> -> memref<1x8x1024xf32, #tpu.memory_space<vmem>>
    %dma_wait3A_897 = tpu.memref_squeeze %dma_wait3A_896 : memref<1x8x1024xf32, #tpu.memory_space<vmem>> -> memref<8x1024xf32, #tpu.memory_space<vmem>>
    %dma_wait3A_898 = arith.constant 0 : i32
    %dma_wait3A_899 = arith.constant 0 : i32
    %dma_wait3A_900 = tpu.memref_slice %arg3[%dma_wait3A_898, %dma_wait3A_899] : memref<8192x1024xf32, #tpu.memory_space<hbm>> -> memref<8x1024xf32, #tpu.memory_space<hbm>>
    tpu.wait_dma2 semaphore(%arg8 : memref<!tpu.dma_semaphore, #tpu.memory_space<semaphore_mem>>) src(%dma_wait3A_900 : memref<8x1024xf32, #tpu.memory_space<hbm>>) dst(%dma_wait3A_897 : memref<8x1024xf32, #tpu.memory_space<vmem>>)
    %dma_wait3A_901 = arith.constant 1 : i32
    %dma_wait3A_902 = arith.constant 0 : i32
    %dma_wait3A_903 = arith.constant 0 : i32
    %dma_wait3A_904 = arith.constant 0 : i32
    %dma_wait3A_905 = tpu.memref_slice %arg5[%dma_wait3A_901, %dma_wait3A_902, %dma_wait3A_903, %dma_wait3A_904] : memref<3x4x8x1024xf32, #tpu.memory_space<vmem>> -> memref<1x4x8x1024xf32, #tpu.memory_space<vmem>>
    %dma_wait3A_906 = tpu.memref_squeeze %dma_wait3A_905 : memref<1x4x8x1024xf32, #tpu.memory_space<vmem>> -> memref<4x8x1024xf32, #tpu.memory_space<vmem>>
    %dma_wait3A_907 = arith.constant 0 : i32
    %dma_wait3A_908 = arith.constant 0 : i32
    %dma_wait3A_909 = arith.constant 0 : i32
    %dma_wait3A_910 = tpu.memref_slice %arg2[%dma_wait3A_907, %dma_wait3A_908, %dma_wait3A_909] : memref<4x8192x1024xf32, #tpu.memory_space<hbm>> -> memref<4x8x1024xf32, #tpu.memory_space<hbm>>
    %dma_wait3A_911 = arith.constant 0 : i32
    %dma_wait3A_912 = arith.constant 0 : i32
    %dma_wait3A_913 = arith.constant 0 : i32
    %dma_wait3A_914 = tpu.memref_slice %arg5[%dma_wait3A_901, %dma_wait3A_911, %dma_wait3A_912, %dma_wait3A_913] : memref<3x4x8x1024xf32, #tpu.memory_space<vmem>> -> memref<1x4x8x1024xf32, #tpu.memory_space<vmem>>
    %dma_wait3A_915 = tpu.memref_squeeze %dma_wait3A_914 : memref<1x4x8x1024xf32, #tpu.memory_space<vmem>> -> memref<4x8x1024xf32, #tpu.memory_space<vmem>>
    %dma_wait3A_916 = arith.constant 0 : i32
    %dma_wait3A_917 = arith.constant 0 : i32
    %dma_wait3A_918 = arith.constant 0 : i32
    %dma_wait3A_919 = tpu.memref_slice %arg2[%dma_wait3A_916, %dma_wait3A_917, %dma_wait3A_918] : memref<4x8192x1024xf32, #tpu.memory_space<hbm>> -> memref<4x8x1024xf32, #tpu.memory_space<hbm>>
    tpu.wait_dma2 semaphore(%arg8 : memref<!tpu.dma_semaphore, #tpu.memory_space<semaphore_mem>>) src(%dma_wait3A_919 : memref<4x8x1024xf32, #tpu.memory_space<hbm>>) dst(%dma_wait3A_915 : memref<4x8x1024xf32, #tpu.memory_space<vmem>>)
    %parallel_loop3A_920 = arith.constant 0 : i32
    %parallel_loop3A_921 = arith.constant 512 : i32
    %parallel_loop3A_922 = arith.constant 1 : i32
    scf.for %parallel_loop3A_1050 = %parallel_loop3A_920 to %parallel_loop3A_921 step %parallel_loop3A_922  : i32 {
      %parallel_loop3A_1051 = arith.constant 6 : i32
      %parallel_loop3A_1052 = arith.shrsi %parallel_loop3A_1050, %parallel_loop3A_1051 : i32
      %parallel_loop3A_1053 = arith.constant 63 : i32
      %parallel_loop3A_1054 = arith.andi %parallel_loop3A_1050, %parallel_loop3A_1053 : i32
      %parallel_loop3A_1055 = arith.constant 16 : i32
      %parallel_loop3A_1056 = arith.muli %parallel_loop3A_1054, %parallel_loop3A_1055 : i32
      %parallel_loop3A_1057 = arith.constant 1 : i32
      %parallel_loop3A_1058 = arith.index_cast %parallel_loop3A_1057 : i32 to index
      %parallel_loop3A_1059 = arith.index_cast %parallel_loop3A_1052 : i32 to index
      %parallel_loop3A_1060 = arith.index_cast %parallel_loop3A_1056 : i32 to index
      %parallel_loop3A_1061 = tpu.vector_load %arg6[%parallel_loop3A_1058, %parallel_loop3A_1059, %parallel_loop3A_1060] {strides = array<i32>} : memref<3x8x1024xf32, #tpu.memory_space<vmem>>, vector<1x1x16xf32>,
      %parallel_loop3A_1062 = vector.shape_cast %parallel_loop3A_1061 : vector<1x1x16xf32> to vector<16xf32>
      %parallel_loop3A_1063 = arith.constant 1 : i32
      %parallel_loop3A_1064 = arith.constant 0 : i32
      %parallel_loop3A_1065 = arith.index_cast %parallel_loop3A_1063 : i32 to index
      %parallel_loop3A_1066 = arith.index_cast %parallel_loop3A_1064 : i32 to index
      %parallel_loop3A_1067 = arith.index_cast %parallel_loop3A_1052 : i32 to index
      %parallel_loop3A_1068 = arith.index_cast %parallel_loop3A_1056 : i32 to index
      %parallel_loop3A_1069 = tpu.vector_load %arg5[%parallel_loop3A_1065, %parallel_loop3A_1066, %parallel_loop3A_1067, %parallel_loop3A_1068] {strides = array<i32>} : memref<3x4x8x1024xf32, #tpu.memory_space<vmem>>, vector<1x1x1x16xf32>,
      %parallel_loop3A_1070 = vector.shape_cast %parallel_loop3A_1069 : vector<1x1x1x16xf32> to vector<16xf32>
      %parallel_loop3A_1071 = vector.shape_cast %parallel_loop3A_1062 : vector<16xf32> to vector<1x1x1x16xf32>
      tpu.vector_store %arg5[%parallel_loop3A_1065, %parallel_loop3A_1066, %parallel_loop3A_1067, %parallel_loop3A_1068], %parallel_loop3A_1071 {add = true, strides = array<i32>} : memref<3x4x8x1024xf32, #tpu.memory_space<vmem>>, vector<1x1x1x16xf32>,
      %parallel_loop3A_1072 = arith.constant 1 : i32
      %parallel_loop3A_1073 = arith.constant 1 : i32
      %parallel_loop3A_1074 = arith.index_cast %parallel_loop3A_1072 : i32 to index
      %parallel_loop3A_1075 = arith.index_cast %parallel_loop3A_1073 : i32 to index
      %parallel_loop3A_1076 = arith.index_cast %parallel_loop3A_1052 : i32 to index
      %parallel_loop3A_1077 = arith.index_cast %parallel_loop3A_1056 : i32 to index
      %parallel_loop3A_1078 = tpu.vector_load %arg5[%parallel_loop3A_1074, %parallel_loop3A_1075, %parallel_loop3A_1076, %parallel_loop3A_1077] {strides = array<i32>} : memref<3x4x8x1024xf32, #tpu.memory_space<vmem>>, vector<1x1x1x16xf32>,
      %parallel_loop3A_1079 = vector.shape_cast %parallel_loop3A_1078 : vector<1x1x1x16xf32> to vector<16xf32>
      %parallel_loop3A_1080 = vector.shape_cast %parallel_loop3A_1062 : vector<16xf32> to vector<1x1x1x16xf32>
      tpu.vector_store %arg5[%parallel_loop3A_1074, %parallel_loop3A_1075, %parallel_loop3A_1076, %parallel_loop3A_1077], %parallel_loop3A_1080 {add = true, strides = array<i32>} : memref<3x4x8x1024xf32, #tpu.memory_space<vmem>>, vector<1x1x1x16xf32>,
      %parallel_loop3A_1081 = arith.constant 1 : i32
      %parallel_loop3A_1082 = arith.constant 2 : i32
      %parallel_loop3A_1083 = arith.index_cast %parallel_loop3A_1081 : i32 to index
      %parallel_loop3A_1084 = arith.index_cast %parallel_loop3A_1082 : i32 to index
      %parallel_loop3A_1085 = arith.index_cast %parallel_loop3A_1052 : i32 to index
      %parallel_loop3A_1086 = arith.index_cast %parallel_loop3A_1056 : i32 to index
      %parallel_loop3A_1087 = tpu.vector_load %arg5[%parallel_loop3A_1083, %parallel_loop3A_1084, %parallel_loop3A_1085, %parallel_loop3A_1086] {strides = array<i32>} : memref<3x4x8x1024xf32, #tpu.memory_space<vmem>>, vector<1x1x1x16xf32>,
      %parallel_loop3A_1088 = vector.shape_cast %parallel_loop3A_1087 : vector<1x1x1x16xf32> to vector<16xf32>
      %parallel_loop3A_1089 = vector.shape_cast %parallel_loop3A_1062 : vector<16xf32> to vector<1x1x1x16xf32>
      tpu.vector_store %arg5[%parallel_loop3A_1083, %parallel_loop3A_1084, %parallel_loop3A_1085, %parallel_loop3A_1086], %parallel_loop3A_1089 {add = true, strides = array<i32>} : memref<3x4x8x1024xf32, #tpu.memory_space<vmem>>, vector<1x1x1x16xf32>,
      %parallel_loop3A_1090 = arith.constant 1 : i32
      %parallel_loop3A_1091 = arith.constant 3 : i32
      %parallel_loop3A_1092 = arith.index_cast %parallel_loop3A_1090 : i32 to index
      %parallel_loop3A_1093 = arith.index_cast %parallel_loop3A_1091 : i32 to index
      %parallel_loop3A_1094 = arith.index_cast %parallel_loop3A_1052 : i32 to index
      %parallel_loop3A_1095 = arith.index_cast %parallel_loop3A_1056 : i32 to index
      %parallel_loop3A_1096 = tpu.vector_load %arg5[%parallel_loop3A_1092, %parallel_loop3A_1093, %parallel_loop3A_1094, %parallel_loop3A_1095] {strides = array<i32>} : memref<3x4x8x1024xf32, #tpu.memory_space<vmem>>, vector<1x1x1x16xf32>,
      %parallel_loop3A_1097 = vector.shape_cast %parallel_loop3A_1096 : vector<1x1x1x16xf32> to vector<16xf32>
      %parallel_loop3A_1098 = vector.shape_cast %parallel_loop3A_1062 : vector<16xf32> to vector<1x1x1x16xf32>
      tpu.vector_store %arg5[%parallel_loop3A_1092, %parallel_loop3A_1093, %parallel_loop3A_1094, %parallel_loop3A_1095], %parallel_loop3A_1098 {add = true, strides = array<i32>} : memref<3x4x8x1024xf32, #tpu.memory_space<vmem>>, vector<1x1x1x16xf32>,
    } {sc.loop_unroll_factor = 4 : i64, sc.parallel_access}
    %add3A_923 = arith.constant 248 : i32
    %add3A_924 = arith.addi %mul3A_2, %add3A_923 : i32
    %dma_start3A_925 = arith.constant 1 : i32
    %dma_start3A_926 = arith.constant 0 : i32
    %dma_start3A_927 = arith.constant 0 : i32
    %dma_start3A_928 = arith.constant 0 : i32
    %dma_start3A_929 = arith.constant 0 : i32
    %dma_start3A_930 = tpu.memref_slice %arg5[%dma_start3A_925, %dma_start3A_926, %dma_start3A_928, %dma_start3A_929] : memref<3x4x8x1024xf32, #tpu.memory_space<vmem>> -> memref<1x1x8x1024xf32, #tpu.memory_space<vmem>>
    %dma_start3A_931 = tpu.memref_squeeze %dma_start3A_930 : memref<1x1x8x1024xf32, #tpu.memory_space<vmem>> -> memref<8x1024xf32, #tpu.memory_space<vmem>>
    %dma_start3A_932 = arith.constant 0 : i32
    %dma_start3A_933 = tpu.memref_slice %arg4[%dma_start3A_927, %add3A_924, %dma_start3A_932] : memref<4x8192x1024xf32, #tpu.memory_space<hbm>> -> memref<1x8x1024xf32, #tpu.memory_space<hbm>>
    %dma_start3A_934 = tpu.memref_squeeze %dma_start3A_933 : memref<1x8x1024xf32, #tpu.memory_space<hbm>> -> memref<8x1024xf32, #tpu.memory_space<hbm>>
    %dma_start3A_935 = arith.constant 0 : i32
    %dma_start3A_936 = tpu.memref_slice %arg4[%dma_start3A_927, %add3A_924, %dma_start3A_935] : memref<4x8192x1024xf32, #tpu.memory_space<hbm>> -> memref<1x8x1024xf32, #tpu.memory_space<hbm>>
    %dma_start3A_937 = tpu.memref_squeeze %dma_start3A_936 : memref<1x8x1024xf32, #tpu.memory_space<hbm>> -> memref<8x1024xf32, #tpu.memory_space<hbm>>
    %dma_start3A_938 = arith.constant 0 : i32
    %dma_start3A_939 = arith.constant 0 : i32
    %dma_start3A_940 = tpu.memref_slice %arg5[%dma_start3A_925, %dma_start3A_926, %dma_start3A_938, %dma_start3A_939] : memref<3x4x8x1024xf32, #tpu.memory_space<vmem>> -> memref<1x1x8x1024xf32, #tpu.memory_space<vmem>>
    %dma_start3A_941 = tpu.memref_squeeze %dma_start3A_940 : memref<1x1x8x1024xf32, #tpu.memory_space<vmem>> -> memref<8x1024xf32, #tpu.memory_space<vmem>>
    tpu.enqueue_dma source(%dma_start3A_941 : memref<8x1024xf32, #tpu.memory_space<vmem>>) target(%dma_start3A_937 : memref<8x1024xf32, #tpu.memory_space<hbm>>) target_semaphore(%arg11 : memref<!tpu.dma_semaphore, #tpu.memory_space<semaphore_mem>>)
    %dma_start3A_942 = arith.constant 1 : i32
    %dma_start3A_943 = arith.constant 1 : i32
    %dma_start3A_944 = arith.constant 1 : i32
    %dma_start3A_945 = arith.constant 0 : i32
    %dma_start3A_946 = arith.constant 0 : i32
    %dma_start3A_947 = tpu.memref_slice %arg5[%dma_start3A_942, %dma_start3A_943, %dma_start3A_945, %dma_start3A_946] : memref<3x4x8x1024xf32, #tpu.memory_space<vmem>> -> memref<1x1x8x1024xf32, #tpu.memory_space<vmem>>
    %dma_start3A_948 = tpu.memref_squeeze %dma_start3A_947 : memref<1x1x8x1024xf32, #tpu.memory_space<vmem>> -> memref<8x1024xf32, #tpu.memory_space<vmem>>
    %dma_start3A_949 = arith.constant 0 : i32
    %dma_start3A_950 = tpu.memref_slice %arg4[%dma_start3A_944, %add3A_924, %dma_start3A_949] : memref<4x8192x1024xf32, #tpu.memory_space<hbm>> -> memref<1x8x1024xf32, #tpu.memory_space<hbm>>
    %dma_start3A_951 = tpu.memref_squeeze %dma_start3A_950 : memref<1x8x1024xf32, #tpu.memory_space<hbm>> -> memref<8x1024xf32, #tpu.memory_space<hbm>>
    %dma_start3A_952 = arith.constant 0 : i32
    %dma_start3A_953 = tpu.memref_slice %arg4[%dma_start3A_944, %add3A_924, %dma_start3A_952] : memref<4x8192x1024xf32, #tpu.memory_space<hbm>> -> memref<1x8x1024xf32, #tpu.memory_space<hbm>>
    %dma_start3A_954 = tpu.memref_squeeze %dma_start3A_953 : memref<1x8x1024xf32, #tpu.memory_space<hbm>> -> memref<8x1024xf32, #tpu.memory_space<hbm>>
    %dma_start3A_955 = arith.constant 0 : i32
    %dma_start3A_956 = arith.constant 0 : i32
    %dma_start3A_957 = tpu.memref_slice %arg5[%dma_start3A_942, %dma_start3A_943, %dma_start3A_955, %dma_start3A_956] : memref<3x4x8x1024xf32, #tpu.memory_space<vmem>> -> memref<1x1x8x1024xf32, #tpu.memory_space<vmem>>
    %dma_start3A_958 = tpu.memref_squeeze %dma_start3A_957 : memref<1x1x8x1024xf32, #tpu.memory_space<vmem>> -> memref<8x1024xf32, #tpu.memory_space<vmem>>
    tpu.enqueue_dma source(%dma_start3A_958 : memref<8x1024xf32, #tpu.memory_space<vmem>>) target(%dma_start3A_954 : memref<8x1024xf32, #tpu.memory_space<hbm>>) target_semaphore(%arg11 : memref<!tpu.dma_semaphore, #tpu.memory_space<semaphore_mem>>)
    %dma_start3A_959 = arith.constant 1 : i32
    %dma_start3A_960 = arith.constant 2 : i32
    %dma_start3A_961 = arith.constant 2 : i32
    %dma_start3A_962 = arith.constant 0 : i32
    %dma_start3A_963 = arith.constant 0 : i32
    %dma_start3A_964 = tpu.memref_slice %arg5[%dma_start3A_959, %dma_start3A_960, %dma_start3A_962, %dma_start3A_963] : memref<3x4x8x1024xf32, #tpu.memory_space<vmem>> -> memref<1x1x8x1024xf32, #tpu.memory_space<vmem>>
    %dma_start3A_965 = tpu.memref_squeeze %dma_start3A_964 : memref<1x1x8x1024xf32, #tpu.memory_space<vmem>> -> memref<8x1024xf32, #tpu.memory_space<vmem>>
    %dma_start3A_966 = arith.constant 0 : i32
    %dma_start3A_967 = tpu.memref_slice %arg4[%dma_start3A_961, %add3A_924, %dma_start3A_966] : memref<4x8192x1024xf32, #tpu.memory_space<hbm>> -> memref<1x8x1024xf32, #tpu.memory_space<hbm>>
    %dma_start3A_968 = tpu.memref_squeeze %dma_start3A_967 : memref<1x8x1024xf32, #tpu.memory_space<hbm>> -> memref<8x1024xf32, #tpu.memory_space<hbm>>
    %dma_start3A_969 = arith.constant 0 : i32
    %dma_start3A_970 = tpu.memref_slice %arg4[%dma_start3A_961, %add3A_924, %dma_start3A_969] : memref<4x8192x1024xf32, #tpu.memory_space<hbm>> -> memref<1x8x1024xf32, #tpu.memory_space<hbm>>
    %dma_start3A_971 = tpu.memref_squeeze %dma_start3A_970 : memref<1x8x1024xf32, #tpu.memory_space<hbm>> -> memref<8x1024xf32, #tpu.memory_space<hbm>>
    %dma_start3A_972 = arith.constant 0 : i32
    %dma_start3A_973 = arith.constant 0 : i32
    %dma_start3A_974 = tpu.memref_slice %arg5[%dma_start3A_959, %dma_start3A_960, %dma_start3A_972, %dma_start3A_973] : memref<3x4x8x1024xf32, #tpu.memory_space<vmem>> -> memref<1x1x8x1024xf32, #tpu.memory_space<vmem>>
    %dma_start3A_975 = tpu.memref_squeeze %dma_start3A_974 : memref<1x1x8x1024xf32, #tpu.memory_space<vmem>> -> memref<8x1024xf32, #tpu.memory_space<vmem>>
    tpu.enqueue_dma source(%dma_start3A_975 : memref<8x1024xf32, #tpu.memory_space<vmem>>) target(%dma_start3A_971 : memref<8x1024xf32, #tpu.memory_space<hbm>>) target_semaphore(%arg11 : memref<!tpu.dma_semaphore, #tpu.memory_space<semaphore_mem>>)
    %dma_start3A_976 = arith.constant 1 : i32
    %dma_start3A_977 = arith.constant 3 : i32
    %dma_start3A_978 = arith.constant 3 : i32
    %dma_start3A_979 = arith.constant 0 : i32
    %dma_start3A_980 = arith.constant 0 : i32
    %dma_start3A_981 = tpu.memref_slice %arg5[%dma_start3A_976, %dma_start3A_977, %dma_start3A_979, %dma_start3A_980] : memref<3x4x8x1024xf32, #tpu.memory_space<vmem>> -> memref<1x1x8x1024xf32, #tpu.memory_space<vmem>>
    %dma_start3A_982 = tpu.memref_squeeze %dma_start3A_981 : memref<1x1x8x1024xf32, #tpu.memory_space<vmem>> -> memref<8x1024xf32, #tpu.memory_space<vmem>>
    %dma_start3A_983 = arith.constant 0 : i32
    %dma_start3A_984 = tpu.memref_slice %arg4[%dma_start3A_978, %add3A_924, %dma_start3A_983] : memref<4x8192x1024xf32, #tpu.memory_space<hbm>> -> memref<1x8x1024xf32, #tpu.memory_space<hbm>>
    %dma_start3A_985 = tpu.memref_squeeze %dma_start3A_984 : memref<1x8x1024xf32, #tpu.memory_space<hbm>> -> memref<8x1024xf32, #tpu.memory_space<hbm>>
    %dma_start3A_986 = arith.constant 0 : i32
    %dma_start3A_987 = tpu.memref_slice %arg4[%dma_start3A_978, %add3A_924, %dma_start3A_986] : memref<4x8192x1024xf32, #tpu.memory_space<hbm>> -> memref<1x8x1024xf32, #tpu.memory_space<hbm>>
    %dma_start3A_988 = tpu.memref_squeeze %dma_start3A_987 : memref<1x8x1024xf32, #tpu.memory_space<hbm>> -> memref<8x1024xf32, #tpu.memory_space<hbm>>
    %dma_start3A_989 = arith.constant 0 : i32
    %dma_start3A_990 = arith.constant 0 : i32
    %dma_start3A_991 = tpu.memref_slice %arg5[%dma_start3A_976, %dma_start3A_977, %dma_start3A_989, %dma_start3A_990] : memref<3x4x8x1024xf32, #tpu.memory_space<vmem>> -> memref<1x1x8x1024xf32, #tpu.memory_space<vmem>>
    %dma_start3A_992 = tpu.memref_squeeze %dma_start3A_991 : memref<1x1x8x1024xf32, #tpu.memory_space<vmem>> -> memref<8x1024xf32, #tpu.memory_space<vmem>>
    tpu.enqueue_dma source(%dma_start3A_992 : memref<8x1024xf32, #tpu.memory_space<vmem>>) target(%dma_start3A_988 : memref<8x1024xf32, #tpu.memory_space<hbm>>) target_semaphore(%arg11 : memref<!tpu.dma_semaphore, #tpu.memory_space<semaphore_mem>>)
    %dma_wait3A_993 = arith.constant 0 : i32
    %dma_wait3A_994 = arith.constant 0 : i32
    %dma_wait3A_995 = arith.constant 0 : i32
    %dma_wait3A_996 = arith.constant 0 : i32
    %dma_wait3A_997 = tpu.memref_slice %arg5[%dma_wait3A_993, %dma_wait3A_994, %dma_wait3A_995, %dma_wait3A_996] : memref<3x4x8x1024xf32, #tpu.memory_space<vmem>> -> memref<1x4x8x1024xf32, #tpu.memory_space<vmem>>
    %dma_wait3A_998 = tpu.memref_squeeze %dma_wait3A_997 : memref<1x4x8x1024xf32, #tpu.memory_space<vmem>> -> memref<4x8x1024xf32, #tpu.memory_space<vmem>>
    %dma_wait3A_999 = arith.constant 0 : i32
    %dma_wait3A_1000 = arith.constant 0 : i32
    %dma_wait3A_1001 = arith.constant 0 : i32
    %dma_wait3A_1002 = tpu.memref_slice %arg4[%dma_wait3A_999, %dma_wait3A_1000, %dma_wait3A_1001] : memref<4x8192x1024xf32, #tpu.memory_space<hbm>> -> memref<4x8x1024xf32, #tpu.memory_space<hbm>>
    %dma_wait3A_1003 = arith.constant 0 : i32
    %dma_wait3A_1004 = arith.constant 0 : i32
    %dma_wait3A_1005 = arith.constant 0 : i32
    %dma_wait3A_1006 = tpu.memref_slice %arg4[%dma_wait3A_1003, %dma_wait3A_1004, %dma_wait3A_1005] : memref<4x8192x1024xf32, #tpu.memory_space<hbm>> -> memref<4x8x1024xf32, #tpu.memory_space<hbm>>
    %dma_wait3A_1007 = arith.constant 0 : i32
    %dma_wait3A_1008 = arith.constant 0 : i32
    %dma_wait3A_1009 = arith.constant 0 : i32
    %dma_wait3A_1010 = tpu.memref_slice %arg5[%dma_wait3A_993, %dma_wait3A_1007, %dma_wait3A_1008, %dma_wait3A_1009] : memref<3x4x8x1024xf32, #tpu.memory_space<vmem>> -> memref<1x4x8x1024xf32, #tpu.memory_space<vmem>>
    %dma_wait3A_1011 = tpu.memref_squeeze %dma_wait3A_1010 : memref<1x4x8x1024xf32, #tpu.memory_space<vmem>> -> memref<4x8x1024xf32, #tpu.memory_space<vmem>>
    tpu.wait_dma2 semaphore(%arg10 : memref<!tpu.dma_semaphore, #tpu.memory_space<semaphore_mem>>) src(%dma_wait3A_1011 : memref<4x8x1024xf32, #tpu.memory_space<vmem>>) dst(%dma_wait3A_1006 : memref<4x8x1024xf32, #tpu.memory_space<hbm>>)
    %dma_wait3A_1012 = arith.constant 1 : i32
    %dma_wait3A_1013 = arith.constant 0 : i32
    %dma_wait3A_1014 = arith.constant 0 : i32
    %dma_wait3A_1015 = arith.constant 0 : i32
    %dma_wait3A_1016 = tpu.memref_slice %arg5[%dma_wait3A_1012, %dma_wait3A_1013, %dma_wait3A_1014, %dma_wait3A_1015] : memref<3x4x8x1024xf32, #tpu.memory_space<vmem>> -> memref<1x4x8x1024xf32, #tpu.memory_space<vmem>>
    %dma_wait3A_1017 = tpu.memref_squeeze %dma_wait3A_1016 : memref<1x4x8x1024xf32, #tpu.memory_space<vmem>> -> memref<4x8x1024xf32, #tpu.memory_space<vmem>>
    %dma_wait3A_1018 = arith.constant 0 : i32
    %dma_wait3A_1019 = arith.constant 0 : i32
    %dma_wait3A_1020 = arith.constant 0 : i32
    %dma_wait3A_1021 = tpu.memref_slice %arg4[%dma_wait3A_1018, %dma_wait3A_1019, %dma_wait3A_1020] : memref<4x8192x1024xf32, #tpu.memory_space<hbm>> -> memref<4x8x1024xf32, #tpu.memory_space<hbm>>
    %dma_wait3A_1022 = arith.constant 0 : i32
    %dma_wait3A_1023 = arith.constant 0 : i32
    %dma_wait3A_1024 = arith.constant 0 : i32
    %dma_wait3A_1025 = tpu.memref_slice %arg4[%dma_wait3A_1022, %dma_wait3A_1023, %dma_wait3A_1024] : memref<4x8192x1024xf32, #tpu.memory_space<hbm>> -> memref<4x8x1024xf32, #tpu.memory_space<hbm>>
    %dma_wait3A_1026 = arith.constant 0 : i32
    %dma_wait3A_1027 = arith.constant 0 : i32
    %dma_wait3A_1028 = arith.constant 0 : i32
    %dma_wait3A_1029 = tpu.memref_slice %arg5[%dma_wait3A_1012, %dma_wait3A_1026, %dma_wait3A_1027, %dma_wait3A_1028] : memref<3x4x8x1024xf32, #tpu.memory_space<vmem>> -> memref<1x4x8x1024xf32, #tpu.memory_space<vmem>>
    %dma_wait3A_1030 = tpu.memref_squeeze %dma_wait3A_1029 : memref<1x4x8x1024xf32, #tpu.memory_space<vmem>> -> memref<4x8x1024xf32, #tpu.memory_space<vmem>>
    tpu.wait_dma2 semaphore(%arg11 : memref<!tpu.dma_semaphore, #tpu.memory_space<semaphore_mem>>) src(%dma_wait3A_1030 : memref<4x8x1024xf32, #tpu.memory_space<vmem>>) dst(%dma_wait3A_1025 : memref<4x8x1024xf32, #tpu.memory_space<hbm>>)
    %dma_wait3A_1031 = arith.constant 2 : i32
    %dma_wait3A_1032 = arith.constant 0 : i32
    %dma_wait3A_1033 = arith.constant 0 : i32
    %dma_wait3A_1034 = arith.constant 0 : i32
    %dma_wait3A_1035 = tpu.memref_slice %arg5[%dma_wait3A_1031, %dma_wait3A_1032, %dma_wait3A_1033, %dma_wait3A_1034] : memref<3x4x8x1024xf32, #tpu.memory_space<vmem>> -> memref<1x4x8x1024xf32, #tpu.memory_space<vmem>>
    %dma_wait3A_1036 = tpu.memref_squeeze %dma_wait3A_1035 : memref<1x4x8x1024xf32, #tpu.memory_space<vmem>> -> memref<4x8x1024xf32, #tpu.memory_space<vmem>>
    %dma_wait3A_1037 = arith.constant 0 : i32
    %dma_wait3A_1038 = arith.constant 0 : i32
    %dma_wait3A_1039 = arith.constant 0 : i32
    %dma_wait3A_1040 = tpu.memref_slice %arg4[%dma_wait3A_1037, %dma_wait3A_1038, %dma_wait3A_1039] : memref<4x8192x1024xf32, #tpu.memory_space<hbm>> -> memref<4x8x1024xf32, #tpu.memory_space<hbm>>
    %dma_wait3A_1041 = arith.constant 0 : i32
    %dma_wait3A_1042 = arith.constant 0 : i32
    %dma_wait3A_1043 = arith.constant 0 : i32
    %dma_wait3A_1044 = tpu.memref_slice %arg4[%dma_wait3A_1041, %dma_wait3A_1042, %dma_wait3A_1043] : memref<4x8192x1024xf32, #tpu.memory_space<hbm>> -> memref<4x8x1024xf32, #tpu.memory_space<hbm>>
    %dma_wait3A_1045 = arith.constant 0 : i32
    %dma_wait3A_1046 = arith.constant 0 : i32
    %dma_wait3A_1047 = arith.constant 0 : i32
    %dma_wait3A_1048 = tpu.memref_slice %arg5[%dma_wait3A_1031, %dma_wait3A_1045, %dma_wait3A_1046, %dma_wait3A_1047] : memref<3x4x8x1024xf32, #tpu.memory_space<vmem>> -> memref<1x4x8x1024xf32, #tpu.memory_space<vmem>>
    %dma_wait3A_1049 = tpu.memref_squeeze %dma_wait3A_1048 : memref<1x4x8x1024xf32, #tpu.memory_space<vmem>> -> memref<4x8x1024xf32, #tpu.memory_space<vmem>>
    tpu.wait_dma2 semaphore(%arg12 : memref<!tpu.dma_semaphore, #tpu.memory_space<semaphore_mem>>) src(%dma_wait3A_1049 : memref<4x8x1024xf32, #tpu.memory_space<vmem>>) dst(%dma_wait3A_1044 : memref<4x8x1024xf32, #tpu.memory_space<hbm>>)
    return
  }
}

</mosaic_0001>

<sc_bundles>
// kernel: kernel.3.cloned.1.call-start
scs
__scs_entry_jumppad:
0x0: {  	(pc) =	sbr.rel $0x88, $3  }
0x1: {  	(tag) =	ssettag $0x0;
	lr =	simm.s32 $0x1  }
0x2: {  	[smem:$0x3F9F] =	sst lr;
	_ =	strace $0xD0000000  }
0x3: {  	_ = 	snop  }
0x4: {  	_ = 	snop  }
0x5: {  	_ = 	snop  }
0x6: {  	_ = 	snop  }
0x7: {  	_ = 	snop  }
__scs_overlays_trampoline_lowered:
0x8: {  	[smem:$0x3FAE] =	sst s0  }
0x9: {  	[smem:$0x3FAF] =	sst s1  }
0xa: {  	[smem:$0x3FB0] =	sst s2  }
0xb: {  	[smem:$0x3FB1] =	sst s3  }
0xc: {  	[smem:$0x3FB2] =	sst s4  }
0xd: {  	[smem:$0x3FB3] =	sst s5  }
0xe: {  	[smem:$0x3FB4] =	sst s6  }
0xf: {  	[smem:$0x3FB5] =	sst s7  }
0x10: {  	[smem:$0x3FB6] =	sst s8  }
0x11: {  	[smem:$0x3FB7] =	sst s9;
	s0 =	simm.s32 @!p0 $0x0  }
0x12: {  	s1 =	sld [smem:$0x3F9D];
	s0 =	simm.s32 @p0 $0x1  }
0x13: {  	[smem:$0x3FB8] =	sst s0;
	s0 =	simm.s32 @!p1 $0x0  }
0x14: {  	s2 =	sld [smem:$0x3F9C];
	s0 =	simm.s32 @p1 $0x1  }
0x15: {  	[smem:$0x3FB9] =	sst s0;
	s0 =	simm.s32 @!p2 $0x0  }
0x16: {  	s3 =	sld [smem:$0x3FDB];
	s0 =	simm.s32 @p2 $0x1  }
0x17: {  	s4 =	simm.s32 $0x1BF5;
	[smem:$0x3FBB] =	sst s0  }
0x18: {  	s0 =	sld [smem:$0x3F9E];
	_ =	swait.ge [sflag:s4], $0x0  }
0x19: {  	s7 =	sld [smem:$0x3F9F]  }
0x1a: {  	s8 =	sadd.s32 $0xFFFFE003, lr  }
0x1b: {  	s9 =	sadd.s32 $0xFFFFFEF7, lr;
	s5 =	simm.s32 $0xFFFFFFFF;
	p2 =	slt.u32 s8, $0xFFFFF086  }
0x1c: {  	p1 =	slt.u32 s9, $0xF7A;
	s5 =	simm.s32 @!p2 $0x0  }
0x1d: {  	s5 =	simm.s32 @p1 $0x1;
	p0 =	seq.s32 s7, s2  }
0x1e: {  	s7 =	smul.u32 @!p0 $0xF7A, s2;
	p2 =	seq.s32 @!p0 s5, $0x0  }
0x1f: {  	s9 =	smul.u32 $0xF7A, s1;
	s8 =	simm.s32 @!p0 $0x1BF5;
	p2 =	por !p2, p0  }
0x20: {  	[sflag:s8] =	ssyncset.s32 @!p0 $0xFFFFF086;
	s6 =	sadd.s32 @!p0 s3, s7;
	s7 =	simm.s32 @!p0 $0x108  }
0x21: {  	s3 =	sadd.s32 s3, s9;
	s6 =	sadd.s32 @!p0 $0x88, s6;
	s7 =	simm.s32 @p2 $0x1082  }
0x22: {  	[simem:s7], [sflag:s8] =	dma.local @!p0 [hbm:s6], $0xF7A  }
0x23: {  	s9 =	sor.u32 $0xD0000000, s2;
	s6 =	simm.s32 $0x108;
	_ =	swait.ge @!p0 [sflag:s8], $0x0  }
0x24: {  	s3 =	sadd.s32 $0x88, s3;
	s6 =	simm.s32 @!p1 $0x1082;
	[sflag:s4] =	ssyncset.s32 $0xFFFFF086  }
0x25: {  	[simem:s6], [sflag:s4] =	dma.local [hbm:s3], $0xF7A  }
0x26: {  	[smem:$0x3F9F] =	sst s1;
	(tag) =	ssettag s2;
	_ =	strace s9  }
0x27: {  	s1 =	sld [smem:$0x3FAF]  }
0x28: {  	s2 =	sld [smem:$0x3FB0]  }
0x29: {  	s4 =	sld [smem:$0x3FB2]  }
0x2a: {  	p0 =	seq.s32 s5, $0x0;
	s5 =	sld [smem:$0x3FB3]  }
0x2b: {  	s6 =	sld [smem:$0x3FB4]  }
0x2c: {  	s7 =	sld [smem:$0x3FB5]  }
0x2d: {  	s3 =	simm.s32 $0x108;
	s8 =	sld [smem:$0x3FB6]  }
0x2e: {  	s3 =	simm.s32 @!p0 $0x1082;
	s9 =	sld [smem:$0x3FB7]  }
0x2f: {  	lr =	sadd.s32 s0, s3;
	s0 =	sld [smem:$0x3FAE]  }
0x30: {  	s3 =	sld [smem:$0x3FB1]  }
0x31: {  	[smem:$0x3FBA] =	sst s10  }
0x32: {  	s10 =	sld [smem:$0x3FB8];
	_ =	sdelay $0x3  }
0x33: {  	p0 =	seq.s32 s10, $0x1;
	s10 =	sld [smem:$0x3FBA];
	_ =	sdelay $0x3  }
0x34: {  	[smem:$0x3FBA] =	sst s10  }
0x35: {  	s10 =	sld [smem:$0x3FB9];
	_ =	sdelay $0x3  }
0x36: {  	p1 =	seq.s32 s10, $0x1;
	s10 =	sld [smem:$0x3FBA];
	_ =	sdelay $0x3  }
0x37: {  	[smem:$0x3FBA] =	sst s10  }
0x38: {  	s10 =	sld [smem:$0x3FBB]  }
0x39: {  	_ = 	snop;
	(pc) =	sbr.ind lr, $3  }
0x3a: {  	_ = 	snop  }
0x3b: {  	_ = 	snop  }
0x3c: {  	p2 =	seq.s32 s10, $0x1;
	s10 =	sld [smem:$0x3FBA]  }
0x3d: {  	_ =	shalt  }
0x3e: {  	_ =	shalt  }
0x3f: {  	_ =	shalt  }
0x40: {  	_ =	shalt  }
0x41: {  	_ =	shalt  }
0x42: {  	_ =	shalt  }
0x43: {  	_ =	shalt  }
0x44: {  	_ =	shalt  }
0x45: {  	_ =	shalt  }
0x46: {  	_ =	shalt  }
0x47: {  	_ =	shalt  }
0x48: {  	_ =	shalt  }
0x49: {  	_ =	shalt  }
0x4a: {  	_ =	shalt  }
0x4b: {  	_ =	shalt  }
0x4c: {  	_ =	shalt  }
0x4d: {  	_ =	shalt  }
0x4e: {  	_ =	shalt  }
0x4f: {  	_ =	shalt  }
0x50: {  	_ =	shalt  }
0x51: {  	_ =	shalt  }
0x52: {  	_ =	shalt  }
0x53: {  	_ =	shalt  }
0x54: {  	_ =	shalt  }
0x55: {  	_ =	shalt  }
0x56: {  	_ =	shalt  }
0x57: {  	_ =	shalt  }
0x58: {  	_ =	shalt  }
0x59: {  	_ =	shalt  }
0x5a: {  	_ =	shalt  }
0x5b: {  	_ =	shalt  }
0x5c: {  	_ =	shalt  }
0x5d: {  	_ =	shalt  }
0x5e: {  	_ =	shalt  }
0x5f: {  	_ =	shalt  }
0x60: {  	_ =	shalt  }
0x61: {  	_ =	shalt  }
0x62: {  	_ =	shalt  }
0x63: {  	_ =	shalt  }
0x64: {  	_ =	shalt  }
0x65: {  	_ =	shalt  }
0x66: {  	_ =	shalt  }
0x67: {  	_ =	shalt  }
0x68: {  	_ =	shalt  }
0x69: {  	_ =	shalt  }
0x6a: {  	_ =	shalt  }
0x6b: {  	_ =	shalt  }
0x6c: {  	_ =	shalt  }
0x6d: {  	_ =	shalt  }
0x6e: {  	_ =	shalt  }
0x6f: {  	_ =	shalt  }
0x70: {  	_ =	shalt  }
0x71: {  	_ =	shalt  }
0x72: {  	_ =	shalt  }
0x73: {  	_ =	shalt  }
0x74: {  	_ =	shalt  }
0x75: {  	_ =	shalt  }
0x76: {  	_ =	shalt  }
0x77: {  	_ =	shalt  }
0x78: {  	_ =	shalt  }
0x79: {  	_ =	shalt  }
0x7a: {  	_ =	shalt  }
0x7b: {  	_ =	shalt  }
0x7c: {  	_ =	shalt  }
0x7d: {  	_ =	shalt  }
0x7e: {  	_ =	shalt  }
0x7f: {  	_ =	shalt  }
0x80: {  	_ =	shalt  }
0x81: {  	_ =	shalt  }
0x82: {  	_ =	shalt  }
0x83: {  	_ =	shalt  }
0x84: {  	_ =	shalt  }
0x85: {  	_ =	shalt  }
0x86: {  	_ =	shalt  }
0x87: {  	_ =	shalt  }
.Lfunc_end0:
.L_simem_size_0:
called_computation_lowered:
.L_overlay_start_0:
0x88: {  	s2 =	sld [smem:$0x3FD9]  }
0x89: {  	s3 =	sld [smem:$0x3FFE];
	_ =	sdelay $0x1  }
0x8a: {  	s1 =	srdreg.scid  }
0x8b: {  	s0 =	sand.u32 $0x1, s1  }
0x8c: {  	s18 =	sshll.u32 s0, $0xA;
	s2 =	sadd.s32 s3, s2  }
0x8d: {  	s2 =	sadd.s32 s2, s18  }
0x8e: {  	[smem:$0x3FC6] =	sst s2  }
0x8f: {  	_ = 	snop  }
0x90: {  	s2 =	sld [smem:$0x3FC9]  }
0x91: {  	s19 =	sld [smem:$0x3FC8]  }
0x92: {  	s4 =	sld [smem:$0x3FD0];
	(tm) =	ssettm $0x1  }
0x93: {  	s5 =	sld [smem:$0x3FFB];
	_ =	sdelay $0x3  }
0x94: {  	_ =	strace s5  }
0x95: {  	s5 =	sld [smem:$0x3FFC];
	_ =	sdelay $0x3  }
0x96: {  	_ =	strace s5  }
0x97: {  	s5 =	sld [smem:$0x3FFD];
	_ =	sdelay $0x3  }
0x98: {  	_ =	strace s5  }
0x99: {  	_ =	strace $0x8FFFFFFF  }
0x9a: {  	s20 =	sld [smem:$0x3FDB];
	_ =	sdelay $0x1  }
0x9b: {  	s6 =	simm.s32 $_scs_section_size  }
0x9c: {  	s7 =	simm.s32 $_size__tile_overlayer_lowered;
	s8 =	simm.s32 $_tile_overlayer_lowered  }
0x9d: {  	s23 =	simm.s32 $0x1BFF;
	s22 =	sshll.u32 s8, $0x1;
	s5 =	sadd.s32 s6, s20  }
0x9e: {  	s9 =	simm.s32 $0x0;
	s21 =	sshll.u32 s7, $0x1;
	s7 =	sadd.s32 s22, s5  }
0x9f: {  	[timem:s9], [sflag:s23] =	dma.local [hbm:s7], s21  }
0xa0: {  	_ =	swait.ge [sflag:s23], s21  }
0xa1: {  	s6 =	ssub.s32 $0x0, s21;
	[sflag:s23] =	ssyncset.done $0x0  }
0xa2: {  	[sflag:s23] =	ssyncadd.s32 s6;
	_ =	sdelay $0x1  }
0xa3: {  	s24 =	simm.s32 $0x1B8B  }
0xa4: {  	_ =	swait.ge [sflag:s24], $0x1  }
0xa5: {  	[sflag:s24] =	ssyncset.done $0x0  }
0xa6: {  	s25 =	simm.s32 $0x1B8E;
	[sflag:s24] =	ssyncadd.s32 $0xFFFFFFFF  }
0xa7: {  	s26 =	simm.s32 $execute0_lowered;
	[smem:$0x3FD2] =	sst s25  }
0xa8: {  	s6 =	sshll.u32 s26, $0x1;
	_ =	strace $0x80000046;
	[dreg:$0x1] =	wrdreg $0xFFFFFFFF  }
0xa9: {  	s28 =	simm.s32 $_size_execute0_lowered;
	s5 =	sadd.s32 s5, s6;
	[dreg:$0x0] =	wrdreg $0x0  }
0xaa: {  	s6 =	sshll.u32 s28, $0x1;
	[dreg:$0x2] =	wrdreg s5  }
0xab: {  	[dreg:$0x3] =	wrdreg s6  }
0xac: {  	[dreg:$0x4] =	wrdreg $0xC0  }
0xad: {  	_ =	task [dreg:s9], $0x5FFFF  }
0xae: {  	[dreg:$0x1] =	wrdreg $0xFFFFFFFF  }
0xaf: {  	[dreg:$0x0] =	wrdreg $0x60  }
0xb0: {  	[dreg:$0x2] =	wrdreg s2  }
0xb1: {  	[dreg:$0x3] =	wrdreg s19  }
0xb2: {  	[dreg:$0x4] =	wrdreg s4  }
0xb3: {  	[dreg:$0x5] =	wrdreg $0x9  }
0xb4: {  	_ =	task.clear_ibuf [dreg:s9], $0x6FFFF;
	_ =	strace $0x90000046  }
0xb5: {  	s29 =	simm.s32 $0x9;
	_ =	strace $0x80000048  }
0xb6: {  	_ =	swait.ge [sflag:s29], $0x1  }
0xb7: {  	[sflag:s29] =	ssyncadd.s32 $0xFFFFFFFF  }
0xb8: {  	_ =	strace $0x90000048  }
0xb9: {  	_ =	sfence  }
0xba: {  	s30 =	sld [smem:$0x0];
	_ =	sdelay $0x2  }
0xbb: {  	s31 =	sshll.u32 s1, $0xD;
	s1 =	sshrl.u32 s1, $0x2  }
0xbc: {  	s3 =	sand.u32 $0x4000, s31;
	s1 =	sadd.s32 s1, s30  }
0xbd: {  	s0 =	sor.u32 s3, s0;
	s1 =	sshll.u32 s1, $0x11  }
0xbe: {  	s0 =	sor.u32 s1, s0  }
0xbf: {  	s0 =	sadd.s32 $0x8F2B, s0  }
0xc0: {  	[sflag:s0] =	ssyncadd.remote.s32 $0x1  }
0xc1: {  	_ =	sfence.sel $0xFFFF  }
0xc2: {  	[dreg:$0x0] =	wrdreg $0xFFFFFFFF;
	(pc) =	sbr.abs _section_cstart, $3  }
0xc3: {  	[dreg:$0x1] =	wrdreg $0xFFFFFFFF  }
0xc4: {  	_ =	task.clear_ibuf [dreg:s9], $0x2FFFF;
	_ =	strace $0x9FFFFFFF  }
0xc5: {  	(tm) =	ssettm $0x7FFFFFFF  }
tec
execute0_lowered:
.L_overlay_start_1:
0x0: {  	(tag) =	ssettag $0x1  }
0x1: {  	s1 =	rddreg [dreg:$0x0]  }
0x2: {  	s0 =	srdreg.scid;
	s23 =	rddreg [dreg:$0x1]  }
0x3: {  	s2 =	stileid.u32;
	s4 =	rddreg [dreg:$0x2];
	s0 =	sand.u32 $0x1, s0  }
0x4: {  	s2 =	sshll.u32 s2, $0x9;
	s6 =	sshll.u32 s0, $0x8;
	s0 =	ssub.s32 $0x2, s0  }
0x5: {  	s5 =	simm.s32 $0x0;
	s2 =	sor.u32 s6, s2;
	s7 =	sshrl.u32 s0, $0x1  }
0x6: {  	[smem:$0x7FF] =	sst s5;
	s6 =	sshll.u32 s2, $0x7;
	s0 =	ssub.s32 s0, s7  }
0x7: {  	_ =	strace $0x80000047;
	s8 =	sor.u32 $0x100000, s6;
	s0 =	smax.u32 s0, $0x1  }
0x8: {  	s14 =	sor.u32 $0x200000, s6;
	s3 =	sadd.s32 s1, s8;
	[smem:$0x7F4] =	sst s0  }
0x9: {  	s9 =	sor.u32 $0x300000, s6;
	s15 =	sadd.s32 s1, s14;
	[dreg:$0x4] =	wrdreg s3  }
0xa: {  	s10 =	sor.u32 $0x400, s6;
	s16 =	sadd.s32 s1, s9;
	[dreg:$0x5] =	wrdreg s15  }
0xb: {  	s17 =	sadd.s32 s23, s10;
	[dreg:$0x6] =	wrdreg s16  }
0xc: {  	s11 =	sor.u32 $0x100400, s6;
	s18 =	sadd.s32 s1, s10;
	[dreg:$0x7] =	wrdreg s17  }
0xd: {  	s12 =	sor.u32 $0x200400, s6;
	s19 =	sadd.s32 s1, s11;
	[dreg:$0x8] =	wrdreg s18  }
0xe: {  	s13 =	sor.u32 $0x300400, s6;
	s20 =	sadd.s32 s1, s12;
	[dreg:$0x9] =	wrdreg s19  }
0xf: {  	s21 =	sadd.s32 s1, s13;
	[dreg:$0xa] =	wrdreg s20  }
0x10: {  	s22 =	sadd.s32 s4, s8;
	[dreg:$0xb] =	wrdreg s21  }
0x11: {  	s24 =	sadd.s32 s4, s14;
	[dreg:$0xc] =	wrdreg s22  }
0x12: {  	s25 =	sadd.s32 s4, s9;
	[dreg:$0xd] =	wrdreg s24  }
0x13: {  	s28 =	sadd.s32 s4, s10;
	[dreg:$0xe] =	wrdreg s25  }
0x14: {  	s29 =	sadd.s32 s4, s11;
	[dreg:$0xf] =	wrdreg s28  }
0x15: {  	s8 =	sadd.s32 s4, s12;
	[dreg:$0x10] =	wrdreg s29  }
0x16: {  	s26 =	sor.u32 $0x800, s6;
	s9 =	sadd.s32 s4, s13;
	[dreg:$0x11] =	wrdreg s8  }
0x17: {  	s13 =	sadd.s32 s23, s26;
	[dreg:$0x12] =	wrdreg s9  }
0x18: {  	s10 =	sor.u32 $0xC00, s6;
	s14 =	sadd.s32 s1, s26;
	[dreg:$0x15] =	wrdreg s13  }
0x19: {  	s11 =	sadd.s32 s23, s10;
	[dreg:$0x16] =	wrdreg s14  }
0x1a: {  	s12 =	sadd.s32 s1, s10;
	[dreg:$0x13] =	wrdreg s11  }
0x1b: {  	s15 =	sadd.s32 s4, s26;
	[dreg:$0x14] =	wrdreg s12  }
0x1c: {  	s26 =	sadd.s32 s23, s6;
	[dreg:$0x17] =	wrdreg s15  }
0x1d: {  	s10 =	sor.u32 $0x18, s2;
	[dreg:$0x1e] =	wrdreg s26  }
0x1e: {  	s13 =	sor.u32 $0x38, s2;
	[smem:$0x7E8] =	sst s10  }
0x1f: {  	s28 =	sadd.s32 s1, s6;
	[smem:$0x7EB] =	sst s13  }
0x20: {  	s16 =	sor.u32 $0x100800, s6;
	s29 =	sadd.s32 s4, s6;
	[dreg:$0x1f] =	wrdreg s28  }
0x21: {  	s17 =	sadd.s32 s1, s16;
	[smem:$0x7FC] =	sst s29  }
0x22: {  	s19 =	sor.u32 $0x200800, s6;
	s18 =	sadd.s32 s4, s16;
	[dreg:$0x18] =	wrdreg s17  }
0x23: {  	s20 =	sadd.s32 s1, s19;
	[dreg:$0x19] =	wrdreg s18  }
0x24: {  	s22 =	sor.u32 $0x300800, s6;
	s21 =	sadd.s32 s4, s19;
	[dreg:$0x1a] =	wrdreg s20  }
0x25: {  	s24 =	sadd.s32 s1, s22;
	[dreg:$0x1b] =	wrdreg s21  }
0x26: {  	s6 =	sor.u32 $0x1000, s6;
	s25 =	sadd.s32 s4, s22;
	[dreg:$0x1c] =	wrdreg s24  }
0x27: {  	s9 =	sadd.s32 s23, s6;
	[dreg:$0x1d] =	wrdreg s25  }
0x28: {  	s6 =	sadd.s32 s1, s6;
	[smem:$0x7E6] =	sst s9  }
0x29: {  	s11 =	sor.u32 $0x28, s2;
	[smem:$0x7E7] =	sst s6  }
0x2a: {  	s12 =	sor.u32 $0x20, s2;
	[smem:$0x7E9] =	sst s11  }
0x2b: {  	s2 =	sor.u32 $0x30, s2;
	[smem:$0x7EA] =	sst s12  }
0x2c: {  	s14 =	sadd.s32 $0x100C00, s28;
	[smem:$0x7EC] =	sst s2  }
0x2d: {  	s15 =	sadd.s32 $0x200C00, s28;
	[smem:$0x7ED] =	sst s14  }
0x2e: {  	s16 =	sadd.s32 $0x300C00, s28;
	[smem:$0x7EE] =	sst s15  }
0x2f: {  	s19 =	sadd.s32 $0x301000, s28;
	[smem:$0x7EF] =	sst s16  }
0x30: {  	s1 =	sadd.s32 $0x200000, s1;
	[smem:$0x7F2] =	sst s19  }
0x31: {  	s22 =	sadd.s32 $0x7800, s29;
	[smem:$0x7F3] =	sst s1  }
0x32: {  	s26 =	sadd.s32 $0x7C00, s29;
	[smem:$0x7F7] =	sst s22  }
0x33: {  	s17 =	sadd.s32 $0x101000, s28;
	[smem:$0x7FA] =	sst s26  }
0x34: {  	s18 =	sadd.s32 $0x201000, s28;
	[smem:$0x7F0] =	sst s17  }
0x35: {  	s20 =	sadd.s32 $0x107800, s29;
	[smem:$0x7F1] =	sst s18  }
0x36: {  	s31 =	simm.s32 $0xC000;
	s21 =	sadd.s32 $0x207800, s29;
	[smem:$0x7F5] =	sst s20  }
0x37: {  	s30 =	sadd.s32 $0x200000, s4;
	s24 =	sadd.s32 $0x307800, s29;
	[smem:$0x7F6] =	sst s21  }
0x38: {  	s3 =	simm.s32 $0xE000;
	s25 =	sadd.s32 $0x107C00, s29;
	[smem:$0x7F8] =	sst s24  }
0x39: {  	s4 =	simm.s32 $0xA000;
	s28 =	sadd.s32 $0x207C00, s29;
	[smem:$0x7F9] =	sst s25  }
0x3a: {  	s29 =	sadd.s32 $0x307C00, s29;
	s22 =	simm.s32 $0x8000;
	[smem:$0x7FB] =	sst s28  }
0x3b: {  	s2 =	simm.s32 $0x0;
	[smem:$0x7FD] =	sst s29;
	s21 =	simm.s32 $0x10000  }
.LBB2_1:
0x3c: {  	[smem:$0x7E5] =	sst s2  }
0x3d: {  	s0 =	rddreg [dreg:$0x1e];
	s1 =	simm.s32 $0x18000  }
0x3e: {  	[tilespmem:s1], [sflag:$0x1] =	stream.linear.gather [hbm4b:s0+s5], $0x2000, $0x38;
	[tilespmem:$0x1E000] =	vst v63  }
0x3f: {  	s15 =	rddreg [dreg:$0x1f]  }
0x40: {  	[tilespmem:s5], [sflag:$0x1] =	stream.linear.gather [hbm4b:s15+s5], $0x2000, $0x38;
	[tilespmem:$0x1E000] =	vst v63  }
0x41: {  	s16 =	rddreg [dreg:$0x4];
	s17 =	simm.s32 $0x2000  }
0x42: {  	[tilespmem:s17], [sflag:$0x1] =	stream.linear.gather [hbm4b:s16+s5], $0x2000, $0x38;
	[tilespmem:$0x1E000] =	vst v63  }
0x43: {  	s18 =	rddreg [dreg:$0x5];
	s19 =	simm.s32 $0x4000  }
0x44: {  	[tilespmem:s19], [sflag:$0x1] =	stream.linear.gather [hbm4b:s18+s5], $0x2000, $0x38;
	[tilespmem:$0x1E000] =	vst v63  }
0x45: {  	s20 =	rddreg [dreg:$0x6];
	s24 =	simm.s32 $0x6000  }
0x46: {  	[tilespmem:s24], [sflag:$0x1] =	stream.linear.gather [hbm4b:s20+s5], $0x2000, $0x38;
	[tilespmem:$0x1E000] =	vst v63  }
0x47: {  	s25 =	rddreg [dreg:$0x7];
	s26 =	simm.s32 $0x1A000  }
0x48: {  	[tilespmem:s26], [sflag:$0x2] =	stream.linear.gather [hbm4b:s25+s5], $0x2000, $0x38;
	[tilespmem:$0x1E000] =	vst v63  }
0x49: {  	s28 =	rddreg [dreg:$0x8]  }
0x4a: {  	[tilespmem:s22], [sflag:$0x2] =	stream.linear.gather [hbm4b:s28+s5], $0x2000, $0x38;
	[tilespmem:$0x1E000] =	vst v63  }
0x4b: {  	s29 =	rddreg [dreg:$0x9]  }
0x4c: {  	[tilespmem:s4], [sflag:$0x2] =	stream.linear.gather [hbm4b:s29+s5], $0x2000, $0x38;
	[tilespmem:$0x1E000] =	vst v63  }
0x4d: {  	s1 =	rddreg [dreg:$0xa]  }
0x4e: {  	[tilespmem:s31], [sflag:$0x2] =	stream.linear.gather [hbm4b:s1+s5], $0x2000, $0x38;
	[tilespmem:$0x1E000] =	vst v63  }
0x4f: {  	s2 =	rddreg [dreg:$0xb];
	s6 =	simm.s32 $0x1  }
0x50: {  	[tilespmem:s3], [sflag:$0x2] =	stream.linear.gather [hbm4b:s2+s5], $0x2000, $0x38;
	[tilespmem:$0x1E000] =	vst v63  }
0x51: {  	_ =	swait.ge [sflag:s6], $0x2000  }
0x52: {  	[sflag:s6] =	ssyncset.done $0x0  }
0x53: {  	s7 =	sand.u32 $0x40, s5;
	[sflag:s6] =	ssyncadd.s32 $0xFFFFE000  }
0x54: {  	s8 =	sand.u32 $0x1C00, s5;
	s9 =	sand.u32 $0x380, s5;
	_ =	swait.ge [sflag:s6], $0x8000  }
0x55: {  	s8 =	sor.u32 s9, s8;
	s16 =	sor.u32 $0x30, s7;
	[sflag:s6] =	ssyncset.done $0x0  }
0x56: {  	s10 =	sor.u32 s16, s8;
	[sflag:s6] =	ssyncadd.s32 $0xFFFF8000  }
0x57: {  	s14 =	sor.u32 $0x10, s7;
	s11 =	sor.u32 s7, s8;
	v0 =	vld [tilespmem:s10+$0x18000]  }
0x58: {  	s15 =	sor.u32 s14, s8;
	v1 =	vld [tilespmem:s11+$0x18000]  }
0x59: {  	v2 =	vld [tilespmem:s15+$0x18000];
	_ =	sdelay $0x2  }
0x5a: {  	[tilespmem:s10+$0x0] =	vst.add.f32.msk $0xffff, v0  }
0x5b: {  	s12 =	sor.u32 $0x2000, s8;
	[tilespmem:s11+$0x0] =	vst.add.f32.msk $0xffff, v1  }
0x5c: {  	s18 =	sor.u32 s16, s12;
	[tilespmem:s15+$0x0] =	vst.add.f32.msk $0xffff, v2  }
0x5d: {  	s20 =	sor.u32 s7, s12;
	[tilespmem:s18+$0x0] =	vst.add.f32.msk $0xffff, v0  }
0x5e: {  	s13 =	sor.u32 $0x4000, s8;
	s26 =	sor.u32 s14, s12;
	[tilespmem:s20+$0x0] =	vst.add.f32.msk $0xffff, v1  }
0x5f: {  	s17 =	sor.u32 $0x6000, s8;
	s19 =	sor.u32 s16, s13;
	[tilespmem:s26+$0x0] =	vst.add.f32.msk $0xffff, v2  }
0x60: {  	s9 =	sor.u32 s16, s17;
	s24 =	sor.u32 $0x20, s7;
	[tilespmem:s19+$0x0] =	vst.add.f32.msk $0xffff, v0  }
0x61: {  	s10 =	sor.u32 s24, s8;
	[tilespmem:s9+$0x0] =	vst.add.f32.msk $0xffff, v0  }
0x62: {  	s25 =	sor.u32 s7, s13;
	v0 =	vld [tilespmem:s10+$0x18000]  }
0x63: {  	s28 =	sor.u32 s14, s13;
	[tilespmem:s25+$0x0] =	vst.add.f32.msk $0xffff, v1  }
0x64: {  	s0 =	sor.u32 s7, s17;
	s16 =	sor.u32 s24, s13;
	s13 =	simm.s32 $0x8;
	[tilespmem:s28+$0x0] =	vst.add.f32.msk $0xffff, v2  }
0x65: {  	s29 =	sor.u32 s14, s17;
	s14 =	sor.u32 s24, s17;
	s8 =	sor.u32 s24, s12;
	[tilespmem:s0+$0x0] =	vst.add.f32.msk $0xffff, v1  }
0x66: {  	s11 =	simm.s32 $0x200;
	s12 =	simm.s32 $0x40;
	s0 =	simm.s32 $0x0;
	[tilespmem:s29+$0x0] =	vst.add.f32.msk $0xffff, v2  }
.LBB2_2:
0x67: {  	s9 =	sand.u32 $0x40, s12;
	s15 =	sand.u32 $0x1C00, s11;
	s17 =	sand.u32 $0x380, s13;
	[tilespmem:s10+$0x0] =	vst.add.f32.msk $0xffff, v0  }
0x68: {  	s15 =	sor.u32 s17, s15;
	s17 =	sor.u32 $0x10, s9;
	s24 =	sor.u32 $0x30, s9;
	[tilespmem:s8+$0x0] =	vst.add.f32.msk $0xffff, v0  }
0x69: {  	s26 =	sor.u32 $0x20, s9;
	s25 =	sor.u32 s9, s15;
	s8 =	sor.u32 s24, s15;
	[tilespmem:s16+$0x0] =	vst.add.f32.msk $0xffff, v0  }
0x6a: {  	s0 =	sadd.s32 $0x4, s0;
	s28 =	sor.u32 s17, s15;
	s10 =	sor.u32 s26, s15;
	v1 =	vld [tilespmem:s8+$0x18000]  }
0x6b: {  	p0 =	slt.u32 s0, $0x1FC;
	v2 =	vld [tilespmem:s25+$0x18000]  }
0x6c: {  	v3 =	vld [tilespmem:s28+$0x18000]  }
0x6d: {  	v4 =	vld [tilespmem:s10+$0x18000]  }
0x6e: {  	s16 =	sor.u32 $0x2000, s15;
	[tilespmem:s14+$0x0] =	vst.add.f32.msk $0xffff, v0  }
0x6f: {  	s29 =	sor.u32 s9, s16;
	s14 =	sor.u32 $0x4000, s15;
	[tilespmem:s8+$0x0] =	vst.add.f32.msk $0xffff, v1;
	s8 =	sor.u32 s24, s16  }
0x70: {  	s15 =	sor.u32 $0x6000, s15;
	s18 =	sor.u32 s9, s14;
	[tilespmem:s8+$0x0] =	vst.add.f32.msk $0xffff, v1;
	s8 =	sor.u32 s24, s14  }
0x71: {  	s19 =	sor.u32 s17, s16;
	s9 =	sor.u32 s9, s15;
	s24 =	sor.u32 s24, s15;
	[tilespmem:s8+$0x0] =	vst.add.f32.msk $0xffff, v1  }
0x72: {  	s20 =	sor.u32 s17, s14;
	s17 =	sor.u32 s17, s15;
	s8 =	sor.u32 s26, s16;
	[tilespmem:s24+$0x0] =	vst.add.f32.msk $0xffff, v1;
	v0 =	vmov v4  }
0x73: {  	s16 =	sor.u32 s26, s14;
	s14 =	sor.u32 s26, s15;
	[tilespmem:s25+$0x0] =	vst.add.f32.msk $0xffff, v2  }
0x74: {  	[tilespmem:s29+$0x0] =	vst.add.f32.msk $0xffff, v2  }
0x75: {  	[tilespmem:s18+$0x0] =	vst.add.f32.msk $0xffff, v2  }
.Ltmp0:
0x76: {  	[tilespmem:s9+$0x0] =	vst.add.f32.msk $0xffff, v2;
	(pc) =	sbr.rel @p0 .LBB2_2-.Ltmp0, $4  }
0x77: {  	[tilespmem:s28+$0x0] =	vst.add.f32.msk $0xffff, v3  }
0x78: {  	[tilespmem:s19+$0x0] =	vst.add.f32.msk $0xffff, v3  }
0x79: {  	[tilespmem:s20+$0x0] =	vst.add.f32.msk $0xffff, v3  }
0x7a: {  	s11 =	sadd.s32 $0x200, s11;
	s12 =	sadd.s32 $0x40, s12;
	s13 =	sadd.s32 $0x8, s13;
	[tilespmem:s17+$0x0] =	vst.add.f32.msk $0xffff, v3  }
0x7b: {  	[tilespmem:s10+$0x0] =	vst.add.f32.msk $0xffff, v0  }
0x7c: {  	[tilespmem:s8+$0x0] =	vst.add.f32.msk $0xffff, v0  }
0x7d: {  	[tilespmem:s16+$0x0] =	vst.add.f32.msk $0xffff, v0  }
0x7e: {  	[tilespmem:s14+$0x0] =	vst.add.f32.msk $0xffff, v0  }
0x7f: {  	s2 =	sld [smem:$0x7FC];
	_ =	sdelay $0x1  }
0x80: {  	s0 =	simm.s32 $0x0  }
0x81: {  	[hbm4b:s2+s0] =	stream.linear.scatter [tilespmem:s0], [sflag:$0x4], $0x2000, $0x38;
	[tilespmem:$0x1E000] =	vst v63  }
0x82: {  	s1 =	simm.s32 $0x2000;
	s8 =	rddreg [dreg:$0xc]  }
0x83: {  	[hbm4b:s8+s0] =	stream.linear.scatter [tilespmem:s1], [sflag:$0x4], $0x2000, $0x38;
	[tilespmem:$0x1E000] =	vst v63  }
0x84: {  	s10 =	simm.s32 $0x4000;
	s9 =	rddreg [dreg:$0xd]  }
0x85: {  	[hbm4b:s9+s0] =	stream.linear.scatter [tilespmem:s10], [sflag:$0x4], $0x2000, $0x38;
	[tilespmem:$0x1E000] =	vst v63  }
0x86: {  	s12 =	simm.s32 $0x6000;
	s11 =	rddreg [dreg:$0xe]  }
0x87: {  	[hbm4b:s11+s0] =	stream.linear.scatter [tilespmem:s12], [sflag:$0x4], $0x2000, $0x38;
	[tilespmem:$0x1E000] =	vst v63  }
0x88: {  	s14 =	simm.s32 $0x1C000;
	s13 =	rddreg [dreg:$0x15]  }
0x89: {  	[tilespmem:s14], [sflag:$0x3] =	stream.linear.gather [hbm4b:s13+s0], $0x2000, $0x38;
	[tilespmem:$0x1E000] =	vst v63  }
0x8a: {  	s15 =	rddreg [dreg:$0x16]  }
0x8b: {  	[tilespmem:s21], [sflag:$0x3] =	stream.linear.gather [hbm4b:s15+s0], $0x2000, $0x38;
	[tilespmem:$0x1E000] =	vst v63  }
0x8c: {  	s17 =	simm.s32 $0x12000;
	s16 =	rddreg [dreg:$0x18]  }
0x8d: {  	[tilespmem:s17], [sflag:$0x3] =	stream.linear.gather [hbm4b:s16+s0], $0x2000, $0x38;
	[tilespmem:$0x1E000] =	vst v63  }
0x8e: {  	s19 =	simm.s32 $0x14000;
	s18 =	rddreg [dreg:$0x1a]  }
0x8f: {  	[tilespmem:s19], [sflag:$0x3] =	stream.linear.gather [hbm4b:s18+s0], $0x2000, $0x38;
	[tilespmem:$0x1E000] =	vst v63  }
0x90: {  	s24 =	simm.s32 $0x16000;
	s25 =	simm.s32 $0x2;
	s20 =	rddreg [dreg:$0x1c]  }
0x91: {  	[tilespmem:s24], [sflag:$0x3] =	stream.linear.gather [hbm4b:s20+s0], $0x2000, $0x38;
	[tilespmem:$0x1E000] =	vst v63  }
0x92: {  	_ =	swait.ge [sflag:s25], $0x2000  }
0x93: {  	[sflag:s25] =	ssyncset.done $0x0  }
0x94: {  	s26 =	sand.u32 $0x1C00, s0;
	s9 =	sand.u32 $0x380, s0;
	[sflag:s25] =	ssyncadd.s32 $0xFFFFE000  }
0x95: {  	s28 =	sand.u32 $0x40, s0;
	s8 =	sor.u32 s9, s26;
	_ =	swait.ge [sflag:s25], $0x8000  }
0x96: {  	s9 =	sor.u32 $0x1A000, s8;
	s11 =	sor.u32 $0x30, s28;
	[sflag:s25] =	ssyncset.done $0x0  }
0x97: {  	s12 =	sor.u32 s11, s9;
	[sflag:s25] =	ssyncadd.s32 $0xFFFF8000  }
0x98: {  	s13 =	sor.u32 s28, s9;
	v2 =	vld [tilespmem:s12+$0x0]  }
0x99: {  	s12 =	sor.u32 $0x10, s28;
	v3 =	vld [tilespmem:s13+$0x0]  }
0x9a: {  	s16 =	sor.u32 $0x20, s28;
	s29 =	sor.u32 s12, s9  }
0x9b: {  	s1 =	sor.u32 $0x8000, s8;
	s9 =	sor.u32 s16, s9;
	v1 =	vld [tilespmem:s29+$0x0]  }
0x9c: {  	s6 =	sor.u32 s11, s1;
	v0 =	vld [tilespmem:s9+$0x0]  }
0x9d: {  	s2 =	sor.u32 $0xA000, s8;
	s19 =	sor.u32 s28, s1;
	[tilespmem:s6+$0x0] =	vst.add.f32.msk $0xffff, v2  }
0x9e: {  	s7 =	sor.u32 s11, s2;
	[tilespmem:s19+$0x0] =	vst.add.f32.msk $0xffff, v3  }
0x9f: {  	s17 =	sor.u32 $0xC000, s8;
	s20 =	sor.u32 s28, s2;
	[tilespmem:s7+$0x0] =	vst.add.f32.msk $0xffff, v2  }
0xa0: {  	s9 =	sor.u32 s11, s17;
	[tilespmem:s20+$0x0] =	vst.add.f32.msk $0xffff, v3  }
0xa1: {  	s24 =	sor.u32 s28, s17;
	[tilespmem:s9+$0x0] =	vst.add.f32.msk $0xffff, v2  }
0xa2: {  	s18 =	sor.u32 $0xE000, s8;
	s26 =	sor.u32 s12, s1;
	[tilespmem:s24+$0x0] =	vst.add.f32.msk $0xffff, v3  }
0xa3: {  	s15 =	sor.u32 s11, s18;
	[tilespmem:s26+$0x0] =	vst.add.f32.msk $0xffff, v1  }
0xa4: {  	s10 =	simm.s32 $0x0;
	s25 =	sor.u32 s28, s18;
	[tilespmem:s15+$0x0] =	vst.add.f32.msk $0xffff, v2  }
0xa5: {  	s14 =	sor.u32 s16, s2;
	s8 =	sor.u32 s16, s17;
	s28 =	sor.u32 s12, s2;
	[tilespmem:s25+$0x0] =	vst.add.f32.msk $0xffff, v3  }
0xa6: {  	s13 =	sor.u32 s16, s18;
	s29 =	sor.u32 s12, s17;
	s11 =	simm.s32 $0x200;
	[tilespmem:s28+$0x0] =	vst.add.f32.msk $0xffff, v1  }
0xa7: {  	s9 =	sor.u32 s12, s18;
	s12 =	simm.s32 $0x8;
	s15 =	sor.u32 s16, s1;
	[tilespmem:s29+$0x0] =	vst.add.f32.msk $0xffff, v1  }
.LBB2_4:
0xa8: {  	s16 =	sand.u32 $0x1C00, s11;
	s17 =	sand.u32 $0x380, s12;
	[tilespmem:s9+$0x0] =	vst.add.f32.msk $0xffff, v1;
	s0 =	sadd.s32 $0x40, s0  }
0xa9: {  	s9 =	sand.u32 $0x40, s0;
	s16 =	sor.u32 s17, s16;
	[tilespmem:s15+$0x0] =	vst.add.f32.msk $0xffff, v0  }
0xaa: {  	s15 =	sor.u32 $0x1A000, s16;
	s17 =	sor.u32 $0x10, s9;
	s18 =	sor.u32 $0x30, s9;
	[tilespmem:s14+$0x0] =	vst.add.f32.msk $0xffff, v0  }
0xab: {  	s10 =	sadd.s32 $0x4, s10;
	s19 =	sor.u32 $0x20, s9;
	s14 =	sor.u32 s18, s15;
	[tilespmem:s8+$0x0] =	vst.add.f32.msk $0xffff, v0  }
0xac: {  	p0 =	slt.u32 s10, $0x1FC;
	s8 =	sor.u32 s9, s15;
	s20 =	sor.u32 s17, s15;
	v2 =	vld [tilespmem:s14+$0x0]  }
0xad: {  	v3 =	vld [tilespmem:s8+$0x0];
	s8 =	sor.u32 s19, s15  }
0xae: {  	v1 =	vld [tilespmem:s20+$0x0]  }
0xaf: {  	s14 =	sor.u32 $0x8000, s16;
	v4 =	vld [tilespmem:s8+$0x0]  }
0xb0: {  	s15 =	sor.u32 s18, s14;
	s20 =	sor.u32 $0xA000, s16;
	s8 =	sor.u32 s9, s14;
	[tilespmem:s13+$0x0] =	vst.add.f32.msk $0xffff, v0  }
0xb1: {  	s24 =	sor.u32 $0xC000, s16;
	s13 =	sor.u32 s9, s20;
	[tilespmem:s15+$0x0] =	vst.add.f32.msk $0xffff, v2;
	s15 =	sor.u32 s18, s20  }
0xb2: {  	s25 =	sor.u32 s9, s24;
	s16 =	sor.u32 $0xE000, s16;
	[tilespmem:s15+$0x0] =	vst.add.f32.msk $0xffff, v2;
	s15 =	sor.u32 s18, s24  }
0xb3: {  	s28 =	sor.u32 s17, s14;
	s26 =	sor.u32 s9, s16;
	[tilespmem:s15+$0x0] =	vst.add.f32.msk $0xffff, v2;
	s15 =	sor.u32 s18, s16  }
0xb4: {  	s29 =	sor.u32 s17, s24;
	s9 =	sor.u32 s17, s16;
	s18 =	sor.u32 s17, s20;
	[tilespmem:s15+$0x0] =	vst.add.f32.msk $0xffff, v2;
	v0 =	vmov v4  }
0xb5: {  	s15 =	sor.u32 s19, s14;
	s14 =	sor.u32 s19, s20;
	[tilespmem:s8+$0x0] =	vst.add.f32.msk $0xffff, v3;
	s8 =	sor.u32 s19, s24  }
0xb6: {  	[tilespmem:s13+$0x0] =	vst.add.f32.msk $0xffff, v3;
	s13 =	sor.u32 s19, s16  }
.Ltmp1:
0xb7: {  	[tilespmem:s25+$0x0] =	vst.add.f32.msk $0xffff, v3;
	(pc) =	sbr.rel @p0 .LBB2_4-.Ltmp1, $4  }
0xb8: {  	[tilespmem:s26+$0x0] =	vst.add.f32.msk $0xffff, v3  }
0xb9: {  	[tilespmem:s28+$0x0] =	vst.add.f32.msk $0xffff, v1  }
0xba: {  	[tilespmem:s18+$0x0] =	vst.add.f32.msk $0xffff, v1  }
0xbb: {  	s11 =	sadd.s32 $0x200, s11;
	s12 =	sadd.s32 $0x8, s12;
	[tilespmem:s29+$0x0] =	vst.add.f32.msk $0xffff, v1  }
0xbc: {  	[tilespmem:s9+$0x0] =	vst.add.f32.msk $0xffff, v1  }
0xbd: {  	[tilespmem:s15+$0x0] =	vst.add.f32.msk $0xffff, v0  }
0xbe: {  	[tilespmem:s14+$0x0] =	vst.add.f32.msk $0xffff, v0  }
0xbf: {  	[tilespmem:s8+$0x0] =	vst.add.f32.msk $0xffff, v0  }
0xc0: {  	[tilespmem:s13+$0x0] =	vst.add.f32.msk $0xffff, v0  }
0xc1: {  	s0 =	simm.s32 $0x0;
	s2 =	rddreg [dreg:$0xf]  }
0xc2: {  	[hbm4b:s2+s0] =	stream.linear.scatter [tilespmem:s22], [sflag:$0x5], $0x2000, $0x38;
	[tilespmem:$0x1E000] =	vst v63  }
0xc3: {  	s9 =	rddreg [dreg:$0x10]  }
0xc4: {  	[hbm4b:s9+s0] =	stream.linear.scatter [tilespmem:s4], [sflag:$0x5], $0x2000, $0x38;
	[tilespmem:$0x1E000] =	vst v63  }
0xc5: {  	s10 =	rddreg [dreg:$0x11]  }
0xc6: {  	[hbm4b:s10+s0] =	stream.linear.scatter [tilespmem:s31], [sflag:$0x5], $0x2000, $0x38;
	[tilespmem:$0x1E000] =	vst v63  }
0xc7: {  	s1 =	simm.s32 $0x4;
	s11 =	rddreg [dreg:$0x12]  }
0xc8: {  	[hbm4b:s11+s0] =	stream.linear.scatter [tilespmem:s3], [sflag:$0x5], $0x2000, $0x38;
	[tilespmem:$0x1E000] =	vst v63  }
0xc9: {  	_ =	swait.ge [sflag:s1], $0x8000  }
0xca: {  	[sflag:s1] =	ssyncset.done $0x0;
	s12 =	rddreg [dreg:$0x13]  }
0xcb: {  	s13 =	simm.s32 $0x18000;
	s14 =	rddreg [dreg:$0x14];
	[sflag:s1] =	ssyncadd.s32 $0xFFFF8000  }
0xcc: {  	[tilespmem:s13], [sflag:$0x1] =	stream.linear.gather [hbm4b:s12+s0], $0x2000, $0x38;
	[tilespmem:$0x1E000] =	vst v63  }
0xcd: {  	s15 =	sld [smem:$0x7ED]  }
0xce: {  	[tilespmem:s0], [sflag:$0x1] =	stream.linear.gather [hbm4b:s14+s0], $0x2000, $0x38;
	[tilespmem:$0x1E000] =	vst v63  }
0xcf: {  	s16 =	simm.s32 $0x2000;
	s17 =	sld [smem:$0x7EE]  }
0xd0: {  	[tilespmem:s16], [sflag:$0x1] =	stream.linear.gather [hbm4b:s15+s0], $0x2000, $0x38;
	[tilespmem:$0x1E000] =	vst v63  }
0xd1: {  	s18 =	simm.s32 $0x4000;
	s19 =	sld [smem:$0x7EF]  }
0xd2: {  	[tilespmem:s18], [sflag:$0x1] =	stream.linear.gather [hbm4b:s17+s0], $0x2000, $0x38;
	[tilespmem:$0x1E000] =	vst v63  }
0xd3: {  	s20 =	simm.s32 $0x6000;
	s24 =	simm.s32 $0x3  }
0xd4: {  	[tilespmem:s20], [sflag:$0x1] =	stream.linear.gather [hbm4b:s19+s0], $0x2000, $0x38;
	[tilespmem:$0x1E000] =	vst v63  }
0xd5: {  	_ =	swait.ge [sflag:s24], $0x2000  }
0xd6: {  	[sflag:s24] =	ssyncset.done $0x0  }
0xd7: {  	s25 =	sand.u32 $0x1C00, s0;
	s26 =	sand.u32 $0x380, s0;
	[sflag:s24] =	ssyncadd.s32 $0xFFFFE000  }
0xd8: {  	s8 =	sor.u32 s26, s25;
	s10 =	sand.u32 $0x40, s0;
	_ =	swait.ge [sflag:s24], $0x8000  }
0xd9: {  	s9 =	sor.u32 $0x1C000, s8;
	s11 =	sor.u32 $0x30, s10;
	[sflag:s24] =	ssyncset.done $0x0  }
0xda: {  	s12 =	sor.u32 s11, s9;
	[sflag:s24] =	ssyncadd.s32 $0xFFFF8000  }
0xdb: {  	s28 =	sor.u32 s10, s9;
	v2 =	vld [tilespmem:s12+$0x0]  }
0xdc: {  	s12 =	sor.u32 $0x10, s10;
	v3 =	vld [tilespmem:s28+$0x0]  }
0xdd: {  	s16 =	sor.u32 $0x20, s10;
	s29 =	sor.u32 s12, s9  }
0xde: {  	s1 =	sor.u32 $0x10000, s8;
	s9 =	sor.u32 s16, s9;
	v1 =	vld [tilespmem:s29+$0x0]  }
0xdf: {  	s6 =	sor.u32 s11, s1;
	v0 =	vld [tilespmem:s9+$0x0]  }
0xe0: {  	s2 =	sor.u32 $0x12000, s8;
	s19 =	sor.u32 s10, s1;
	[tilespmem:s6+$0x0] =	vst.add.f32.msk $0xffff, v2  }
0xe1: {  	s7 =	sor.u32 s11, s2;
	[tilespmem:s19+$0x0] =	vst.add.f32.msk $0xffff, v3  }
0xe2: {  	s17 =	sor.u32 $0x14000, s8;
	s20 =	sor.u32 s10, s2;
	[tilespmem:s7+$0x0] =	vst.add.f32.msk $0xffff, v2  }
0xe3: {  	s9 =	sor.u32 s11, s17;
	[tilespmem:s20+$0x0] =	vst.add.f32.msk $0xffff, v3  }
0xe4: {  	s24 =	sor.u32 s10, s17;
	[tilespmem:s9+$0x0] =	vst.add.f32.msk $0xffff, v2  }
0xe5: {  	s18 =	sor.u32 $0x16000, s8;
	s26 =	sor.u32 s12, s1;
	[tilespmem:s24+$0x0] =	vst.add.f32.msk $0xffff, v3  }
0xe6: {  	s15 =	sor.u32 s11, s18;
	[tilespmem:s26+$0x0] =	vst.add.f32.msk $0xffff, v1  }
0xe7: {  	s14 =	sor.u32 s16, s2;
	s25 =	sor.u32 s10, s18;
	[tilespmem:s15+$0x0] =	vst.add.f32.msk $0xffff, v2  }
0xe8: {  	s8 =	sor.u32 s16, s17;
	s13 =	sor.u32 s16, s18;
	s28 =	sor.u32 s12, s2;
	[tilespmem:s25+$0x0] =	vst.add.f32.msk $0xffff, v3  }
0xe9: {  	s10 =	simm.s32 $0x0;
	s29 =	sor.u32 s12, s17;
	s11 =	simm.s32 $0x200;
	[tilespmem:s28+$0x0] =	vst.add.f32.msk $0xffff, v1  }
0xea: {  	s9 =	sor.u32 s12, s18;
	s12 =	simm.s32 $0x8;
	s15 =	sor.u32 s16, s1;
	[tilespmem:s29+$0x0] =	vst.add.f32.msk $0xffff, v1  }
.LBB2_6:
0xeb: {  	s16 =	sand.u32 $0x1C00, s11;
	s17 =	sand.u32 $0x380, s12;
	[tilespmem:s9+$0x0] =	vst.add.f32.msk $0xffff, v1;
	s0 =	sadd.s32 $0x40, s0  }
0xec: {  	s9 =	sand.u32 $0x40, s0;
	s16 =	sor.u32 s17, s16;
	[tilespmem:s15+$0x0] =	vst.add.f32.msk $0xffff, v0  }
0xed: {  	s15 =	sor.u32 $0x1C000, s16;
	s17 =	sor.u32 $0x10, s9;
	s18 =	sor.u32 $0x30, s9;
	[tilespmem:s14+$0x0] =	vst.add.f32.msk $0xffff, v0  }
0xee: {  	s10 =	sadd.s32 $0x4, s10;
	s19 =	sor.u32 $0x20, s9;
	s14 =	sor.u32 s18, s15;
	[tilespmem:s8+$0x0] =	vst.add.f32.msk $0xffff, v0  }
0xef: {  	p0 =	slt.u32 s10, $0x1FC;
	s8 =	sor.u32 s9, s15;
	s20 =	sor.u32 s17, s15;
	v2 =	vld [tilespmem:s14+$0x0]  }
0xf0: {  	v3 =	vld [tilespmem:s8+$0x0];
	s8 =	sor.u32 s19, s15  }
0xf1: {  	v1 =	vld [tilespmem:s20+$0x0]  }
0xf2: {  	s14 =	sor.u32 $0x10000, s16;
	v4 =	vld [tilespmem:s8+$0x0]  }
0xf3: {  	s15 =	sor.u32 s18, s14;
	s20 =	sor.u32 $0x12000, s16;
	s8 =	sor.u32 s9, s14;
	[tilespmem:s13+$0x0] =	vst.add.f32.msk $0xffff, v0  }
0xf4: {  	s24 =	sor.u32 $0x14000, s16;
	s13 =	sor.u32 s9, s20;
	[tilespmem:s15+$0x0] =	vst.add.f32.msk $0xffff, v2;
	s15 =	sor.u32 s18, s20  }
0xf5: {  	s25 =	sor.u32 s9, s24;
	s16 =	sor.u32 $0x16000, s16;
	[tilespmem:s15+$0x0] =	vst.add.f32.msk $0xffff, v2;
	s15 =	sor.u32 s18, s24  }
0xf6: {  	s28 =	sor.u32 s17, s14;
	s26 =	sor.u32 s9, s16;
	[tilespmem:s15+$0x0] =	vst.add.f32.msk $0xffff, v2;
	s15 =	sor.u32 s18, s16  }
0xf7: {  	s29 =	sor.u32 s17, s24;
	s9 =	sor.u32 s17, s16;
	s18 =	sor.u32 s17, s20;
	[tilespmem:s15+$0x0] =	vst.add.f32.msk $0xffff, v2;
	v0 =	vmov v4  }
0xf8: {  	s15 =	sor.u32 s19, s14;
	s14 =	sor.u32 s19, s20;
	[tilespmem:s8+$0x0] =	vst.add.f32.msk $0xffff, v3;
	s8 =	sor.u32 s19, s24  }
0xf9: {  	[tilespmem:s13+$0x0] =	vst.add.f32.msk $0xffff, v3;
	s13 =	sor.u32 s19, s16  }
.Ltmp2:
0xfa: {  	[tilespmem:s25+$0x0] =	vst.add.f32.msk $0xffff, v3;
	(pc) =	sbr.rel @p0 .LBB2_6-.Ltmp2, $4  }
0xfb: {  	[tilespmem:s26+$0x0] =	vst.add.f32.msk $0xffff, v3  }
0xfc: {  	[tilespmem:s28+$0x0] =	vst.add.f32.msk $0xffff, v1  }
0xfd: {  	[tilespmem:s18+$0x0] =	vst.add.f32.msk $0xffff, v1  }
0xfe: {  	s11 =	sadd.s32 $0x200, s11;
	s12 =	sadd.s32 $0x8, s12;
	[tilespmem:s29+$0x0] =	vst.add.f32.msk $0xffff, v1  }
0xff: {  	[tilespmem:s9+$0x0] =	vst.add.f32.msk $0xffff, v1  }
0x100: {  	[tilespmem:s15+$0x0] =	vst.add.f32.msk $0xffff, v0  }
0x101: {  	[tilespmem:s14+$0x0] =	vst.add.f32.msk $0xffff, v0  }
0x102: {  	[tilespmem:s8+$0x0] =	vst.add.f32.msk $0xffff, v0  }
0x103: {  	[tilespmem:s13+$0x0] =	vst.add.f32.msk $0xffff, v0  }
0x104: {  	s24 =	simm.s32 $0x0;
	s0 =	rddreg [dreg:$0x17]  }
0x105: {  	[hbm4b:s0+s24] =	stream.linear.scatter [tilespmem:s21], [sflag:$0x6], $0x2000, $0x38;
	[tilespmem:$0x1E000] =	vst v63  }
0x106: {  	s1 =	simm.s32 $0x12000;
	s14 =	rddreg [dreg:$0x19]  }
0x107: {  	[hbm4b:s14+s24] =	stream.linear.scatter [tilespmem:s1], [sflag:$0x6], $0x2000, $0x38;
	[tilespmem:$0x1E000] =	vst v63  }
0x108: {  	s16 =	simm.s32 $0x14000;
	s15 =	rddreg [dreg:$0x1b]  }
0x109: {  	[hbm4b:s15+s24] =	stream.linear.scatter [tilespmem:s16], [sflag:$0x6], $0x2000, $0x38;
	[tilespmem:$0x1E000] =	vst v63  }
0x10a: {  	s18 =	simm.s32 $0x16000;
	s19 =	simm.s32 $0x5;
	s17 =	rddreg [dreg:$0x1d]  }
0x10b: {  	[hbm4b:s17+s24] =	stream.linear.scatter [tilespmem:s18], [sflag:$0x6], $0x2000, $0x38;
	[tilespmem:$0x1E000] =	vst v63  }
0x10c: {  	_ =	swait.ge [sflag:s19], $0x8000  }
0x10d: {  	s20 =	sld [smem:$0x7E6]  }
0x10e: {  	[sflag:s19] =	ssyncset.done $0x0  }
0x10f: {  	s25 =	simm.s32 $0x1A000;
	s26 =	sld [smem:$0x7E7];
	[sflag:s19] =	ssyncadd.s32 $0xFFFF8000  }
0x110: {  	[tilespmem:s25], [sflag:$0x2] =	stream.linear.gather [hbm4b:s20+s24], $0x2000, $0x38;
	[tilespmem:$0x1E000] =	vst v63  }
0x111: {  	s28 =	sld [smem:$0x7F0]  }
0x112: {  	[tilespmem:s22], [sflag:$0x2] =	stream.linear.gather [hbm4b:s26+s24], $0x2000, $0x38;
	[tilespmem:$0x1E000] =	vst v63  }
0x113: {  	s29 =	sld [smem:$0x7F1]  }
0x114: {  	[tilespmem:s4], [sflag:$0x2] =	stream.linear.gather [hbm4b:s28+s24], $0x2000, $0x38;
	[tilespmem:$0x1E000] =	vst v63  }
0x115: {  	_ = 	snop  }
0x116: {  	[tilespmem:s31], [sflag:$0x2] =	stream.linear.gather [hbm4b:s29+s24], $0x2000, $0x38;
	[tilespmem:$0x1E000] =	vst v63  }
0x117: {  	s31 =	sld [smem:$0x7F2];
	_ =	sdelay $0x1  }
0x118: {  	s0 =	simm.s32 $0x0  }
0x119: {  	[tilespmem:s3], [sflag:$0x2] =	stream.linear.gather [hbm4b:s31+s24], $0x2000, $0x38;
	[tilespmem:$0x1E000] =	vst v63  }
.LBB2_8:
0x11a: {  	s1 =	simm.s32 $0x1  }
0x11b: {  	_ =	swait.ge [sflag:s1], $0x2000  }
0x11c: {  	[sflag:s1] =	ssyncset.done $0x0  }
0x11d: {  	s8 =	sand.u32 $0x40, s24;
	[sflag:s1] =	ssyncadd.s32 $0xFFFFE000  }
0x11e: {  	s9 =	sand.u32 $0x1C00, s24;
	s10 =	sand.u32 $0x380, s24;
	_ =	swait.ge [sflag:s1], $0x8000  }
0x11f: {  	s9 =	sor.u32 s10, s9;
	s11 =	sor.u32 $0x30, s8;
	[sflag:s1] =	ssyncset.done $0x0  }
0x120: {  	s12 =	sor.u32 s11, s9;
	[sflag:s1] =	ssyncadd.s32 $0xFFFF8000  }
0x121: {  	s13 =	sor.u32 $0x10, s8;
	s14 =	sor.u32 s8, s9;
	v1 =	vld [tilespmem:s12+$0x18000]  }
0x122: {  	s16 =	sor.u32 s13, s9;
	v2 =	vld [tilespmem:s14+$0x18000]  }
0x123: {  	s15 =	sor.u32 $0x20, s8;
	v3 =	vld [tilespmem:s16+$0x18000]  }
0x124: {  	s10 =	sor.u32 s15, s9  }
0x125: {  	v0 =	vld [tilespmem:s10+$0x18000]  }
0x126: {  	[tilespmem:s12+$0x0] =	vst.add.f32.msk $0xffff, v1  }
0x127: {  	s17 =	sor.u32 $0x2000, s9;
	[tilespmem:s14+$0x0] =	vst.add.f32.msk $0xffff, v2  }
0x128: {  	s20 =	sor.u32 s11, s17;
	[tilespmem:s16+$0x0] =	vst.add.f32.msk $0xffff, v3  }
0x129: {  	s25 =	sor.u32 s8, s17;
	[tilespmem:s20+$0x0] =	vst.add.f32.msk $0xffff, v1  }
0x12a: {  	s18 =	sor.u32 $0x4000, s9;
	s29 =	sor.u32 s13, s17;
	[tilespmem:s25+$0x0] =	vst.add.f32.msk $0xffff, v2  }
0x12b: {  	s22 =	sor.u32 s11, s18;
	[tilespmem:s29+$0x0] =	vst.add.f32.msk $0xffff, v3  }
0x12c: {  	s26 =	sor.u32 s8, s18;
	[tilespmem:s22+$0x0] =	vst.add.f32.msk $0xffff, v1  }
0x12d: {  	s9 =	sor.u32 $0x6000, s9;
	s31 =	sor.u32 s13, s18;
	[tilespmem:s26+$0x0] =	vst.add.f32.msk $0xffff, v2  }
0x12e: {  	s4 =	simm.s32 $0x8000;
	s11 =	sor.u32 s11, s9;
	[tilespmem:s31+$0x0] =	vst.add.f32.msk $0xffff, v3  }
0x12f: {  	s8 =	sor.u32 s8, s9;
	s13 =	sor.u32 s13, s9;
	s28 =	sor.u32 s15, s17;
	[tilespmem:s11+$0x0] =	vst.add.f32.msk $0xffff, v1  }
0x130: {  	s12 =	simm.s32 $0x200;
	s14 =	simm.s32 $0x8;
	s25 =	sor.u32 s15, s9;
	[tilespmem:s8+$0x0] =	vst.add.f32.msk $0xffff, v2  }
0x131: {  	s26 =	sor.u32 s15, s18;
	s11 =	simm.s32 $0x0;
	[tilespmem:s13+$0x0] =	vst.add.f32.msk $0xffff, v3;
	s13 =	simm.s32 $0x40  }
.LBB2_9:
0x132: {  	s8 =	sand.u32 $0x40, s13;
	s9 =	sand.u32 $0x1C00, s12;
	s15 =	sand.u32 $0x380, s14;
	[tilespmem:s10+$0x0] =	vst.add.f32.msk $0xffff, v0  }
0x133: {  	s9 =	sor.u32 s15, s9;
	s15 =	sor.u32 $0x10, s8;
	s16 =	sor.u32 $0x30, s8;
	[tilespmem:s28+$0x0] =	vst.add.f32.msk $0xffff, v0  }
0x134: {  	s18 =	sor.u32 $0x20, s8;
	s17 =	sor.u32 s8, s9;
	s19 =	sor.u32 s16, s9;
	[tilespmem:s26+$0x0] =	vst.add.f32.msk $0xffff, v0  }
0x135: {  	s11 =	sadd.s32 $0x4, s11;
	s20 =	sor.u32 s15, s9;
	s10 =	sor.u32 s18, s9;
	v1 =	vld [tilespmem:s19+$0x18000]  }
0x136: {  	p0 =	slt.u32 s11, $0x1FC;
	v2 =	vld [tilespmem:s17+$0x18000]  }
0x137: {  	v3 =	vld [tilespmem:s20+$0x18000]  }
0x138: {  	v4 =	vld [tilespmem:s10+$0x18000]  }
0x139: {  	s26 =	sor.u32 $0x2000, s9;
	[tilespmem:s25+$0x0] =	vst.add.f32.msk $0xffff, v0  }
0x13a: {  	s29 =	sor.u32 s8, s26;
	s25 =	sor.u32 $0x4000, s9;
	[tilespmem:s19+$0x0] =	vst.add.f32.msk $0xffff, v1;
	s19 =	sor.u32 s16, s26  }
0x13b: {  	s9 =	sor.u32 $0x6000, s9;
	s3 =	sor.u32 s8, s25;
	[tilespmem:s19+$0x0] =	vst.add.f32.msk $0xffff, v1;
	s19 =	sor.u32 s16, s25  }
0x13c: {  	s7 =	sor.u32 s15, s26;
	s8 =	sor.u32 s8, s9;
	s16 =	sor.u32 s16, s9;
	[tilespmem:s19+$0x0] =	vst.add.f32.msk $0xffff, v1  }
0x13d: {  	s28 =	sor.u32 s18, s26;
	s19 =	sor.u32 s15, s25;
	s15 =	sor.u32 s15, s9;
	[tilespmem:s16+$0x0] =	vst.add.f32.msk $0xffff, v1;
	v0 =	vmov v4  }
0x13e: {  	s26 =	sor.u32 s18, s25;
	s25 =	sor.u32 s18, s9;
	[tilespmem:s17+$0x0] =	vst.add.f32.msk $0xffff, v2  }
0x13f: {  	[tilespmem:s29+$0x0] =	vst.add.f32.msk $0xffff, v2  }
0x140: {  	[tilespmem:s3+$0x0] =	vst.add.f32.msk $0xffff, v2  }
.Ltmp3:
0x141: {  	[tilespmem:s8+$0x0] =	vst.add.f32.msk $0xffff, v2;
	(pc) =	sbr.rel @p0 .LBB2_9-.Ltmp3, $4  }
0x142: {  	[tilespmem:s20+$0x0] =	vst.add.f32.msk $0xffff, v3  }
0x143: {  	[tilespmem:s7+$0x0] =	vst.add.f32.msk $0xffff, v3  }
0x144: {  	[tilespmem:s19+$0x0] =	vst.add.f32.msk $0xffff, v3  }
0x145: {  	s12 =	sadd.s32 $0x200, s12;
	s13 =	sadd.s32 $0x40, s13;
	s14 =	sadd.s32 $0x8, s14;
	[tilespmem:s15+$0x0] =	vst.add.f32.msk $0xffff, v3  }
0x146: {  	[tilespmem:s10+$0x0] =	vst.add.f32.msk $0xffff, v0  }
0x147: {  	[tilespmem:s28+$0x0] =	vst.add.f32.msk $0xffff, v0  }
0x148: {  	s2 =	sld [smem:$0x7E8]  }
0x149: {  	s16 =	smul.u32 $0x18, s0;
	_ =	sdelay $0x1  }
0x14a: {  	s3 =	sadd.s32 s16, s2  }
0x14b: {  	s1 =	rddreg [dreg:$0x2];
	[tilespmem:s26+$0x0] =	vst.add.f32.msk $0xffff, v0;
	s3 =	sshll.u32 s3, $0x7  }
0x14c: {  	s14 =	simm.s32 $0x0;
	[tilespmem:s25+$0x0] =	vst.add.f32.msk $0xffff, v0;
	s7 =	sadd.s32 s1, s3;
	s17 =	sand.u32 $0x1FFFFF80, s3  }
0x14d: {  	[hbm4b:s7+s14] =	stream.linear.scatter [tilespmem:s14], [sflag:$0x4], $0x2000, $0x38;
	[tilespmem:$0x1E000] =	vst v63  }
0x14e: {  	s7 =	sadd.s32 s1, s17  }
0x14f: {  	s18 =	simm.s32 $0x2000;
	s8 =	sadd.s32 $0x100000, s7  }
0x150: {  	[hbm4b:s8+s14] =	stream.linear.scatter [tilespmem:s18], [sflag:$0x4], $0x2000, $0x38;
	[tilespmem:$0x1E000] =	vst v63  }
0x151: {  	s19 =	simm.s32 $0x4000;
	s3 =	sadd.s32 s3, s30  }
0x152: {  	[hbm4b:s3+s14] =	stream.linear.scatter [tilespmem:s19], [sflag:$0x4], $0x2000, $0x38;
	[tilespmem:$0x1E000] =	vst v63  }
0x153: {  	s22 =	simm.s32 $0x6000;
	s25 =	simm.s32 $0x6;
	s20 =	sadd.s32 $0x300000, s7  }
0x154: {  	[hbm4b:s20+s14] =	stream.linear.scatter [tilespmem:s22], [sflag:$0x4], $0x2000, $0x38;
	[tilespmem:$0x1E000] =	vst v63  }
0x155: {  	_ =	swait.ge [sflag:s25], $0x8000  }
0x156: {  	s26 =	sld [smem:$0x7E9];
	_ =	sdelay $0x2  }
0x157: {  	[sflag:s25] =	ssyncset.done $0x0;
	s31 =	sadd.s32 s16, s26  }
0x158: {  	s2 =	simm.s32 $0x1C000;
	[sflag:s25] =	ssyncadd.s32 $0xFFFF8000;
	s10 =	sshll.u32 s31, $0x7  }
0x159: {  	s6 =	rddreg [dreg:$0x0];
	s3 =	sadd.s32 s23, s10;
	s9 =	sand.u32 $0x1FFFFF80, s10  }
0x15a: {  	[tilespmem:s2], [sflag:$0x3] =	stream.linear.gather [hbm4b:s3+s14], $0x2000, $0x38;
	[tilespmem:$0x1E000] =	vst v63  }
0x15b: {  	s8 =	sadd.s32 s6, s10;
	s11 =	sadd.s32 $0x100000, s9  }
0x15c: {  	[tilespmem:s21], [sflag:$0x3] =	stream.linear.gather [hbm4b:s8+s14], $0x2000, $0x38;
	[tilespmem:$0x1E000] =	vst v63  }
0x15d: {  	s15 =	simm.s32 $0x12000;
	s12 =	sor.u32 $0x200000, s10;
	s13 =	sadd.s32 s6, s11  }
0x15e: {  	[tilespmem:s15], [sflag:$0x3] =	stream.linear.gather [hbm4b:s13+s14], $0x2000, $0x38;
	[tilespmem:$0x1E000] =	vst v63  }
0x15f: {  	s18 =	simm.s32 $0x14000;
	s17 =	sadd.s32 s6, s12;
	s13 =	sadd.s32 $0x300000, s9  }
0x160: {  	[tilespmem:s18], [sflag:$0x3] =	stream.linear.gather [hbm4b:s17+s14], $0x2000, $0x38;
	[tilespmem:$0x1E000] =	vst v63  }
0x161: {  	s19 =	simm.s32 $0x16000;
	s20 =	simm.s32 $0x2;
	s3 =	sadd.s32 s6, s13  }
0x162: {  	[tilespmem:s19], [sflag:$0x3] =	stream.linear.gather [hbm4b:s3+s14], $0x2000, $0x38;
	[tilespmem:$0x1E000] =	vst v63  }
0x163: {  	_ =	swait.ge [sflag:s20], $0x2000  }
0x164: {  	[sflag:s20] =	ssyncset.done $0x0  }
0x165: {  	s22 =	sand.u32 $0x380, s14;
	s21 =	sand.u32 $0x1C00, s14;
	[sflag:s20] =	ssyncadd.s32 $0xFFFFE000  }
0x166: {  	s25 =	sand.u32 $0x40, s14;
	s3 =	sor.u32 s22, s21;
	_ =	swait.ge [sflag:s20], $0x8000  }
0x167: {  	s9 =	sor.u32 $0x30, s25;
	s7 =	sor.u32 $0x1A000, s3;
	[sflag:s20] =	ssyncset.done $0x0  }
0x168: {  	s15 =	sor.u32 s9, s7;
	[sflag:s20] =	ssyncadd.s32 $0xFFFF8000  }
0x169: {  	s17 =	sor.u32 s25, s7;
	v2 =	vld [tilespmem:s15+$0x0]  }
0x16a: {  	s15 =	sor.u32 $0x10, s25;
	v3 =	vld [tilespmem:s17+$0x0]  }
0x16b: {  	s18 =	sor.u32 $0x20, s25;
	s19 =	sor.u32 s15, s7  }
0x16c: {  	s17 =	sor.u32 $0x8000, s3;
	s7 =	sor.u32 s18, s7;
	v1 =	vld [tilespmem:s19+$0x0]  }
0x16d: {  	s26 =	sor.u32 s9, s17;
	v0 =	vld [tilespmem:s7+$0x0]  }
0x16e: {  	s2 =	sor.u32 s25, s17;
	s7 =	sor.u32 $0xA000, s3;
	[tilespmem:s26+$0x0] =	vst.add.f32.msk $0xffff, v2  }
0x16f: {  	s31 =	sor.u32 s9, s7;
	[tilespmem:s2+$0x0] =	vst.add.f32.msk $0xffff, v3  }
0x170: {  	s20 =	sor.u32 $0xC000, s3;
	s6 =	sor.u32 s25, s7;
	[tilespmem:s31+$0x0] =	vst.add.f32.msk $0xffff, v2  }
0x171: {  	s1 =	sor.u32 s9, s20;
	[tilespmem:s6+$0x0] =	vst.add.f32.msk $0xffff, v3  }
0x172: {  	s21 =	sor.u32 s25, s20;
	[tilespmem:s1+$0x0] =	vst.add.f32.msk $0xffff, v2  }
0x173: {  	s22 =	sor.u32 s15, s17;
	s3 =	sor.u32 $0xE000, s3;
	[tilespmem:s21+$0x0] =	vst.add.f32.msk $0xffff, v3  }
0x174: {  	s9 =	sor.u32 s9, s3;
	[tilespmem:s22+$0x0] =	vst.add.f32.msk $0xffff, v1  }
0x175: {  	s28 =	simm.s32 $0x8;
	s8 =	sor.u32 s25, s3;
	[tilespmem:s9+$0x0] =	vst.add.f32.msk $0xffff, v2  }
0x176: {  	s17 =	sor.u32 s18, s17;
	s25 =	simm.s32 $0x0;
	s26 =	sor.u32 s15, s7;
	[tilespmem:s8+$0x0] =	vst.add.f32.msk $0xffff, v3  }
0x177: {  	s29 =	sor.u32 s18, s3;
	s31 =	sor.u32 s15, s20;
	s15 =	sor.u32 s15, s3;
	[tilespmem:s26+$0x0] =	vst.add.f32.msk $0xffff, v1  }
0x178: {  	s9 =	sor.u32 s18, s7;
	s8 =	sor.u32 s18, s20;
	s26 =	simm.s32 $0x200;
	[tilespmem:s31+$0x0] =	vst.add.f32.msk $0xffff, v1  }
.LBB2_11:
0x179: {  	s3 =	sand.u32 $0x1C00, s26;
	s7 =	sand.u32 $0x380, s28;
	[tilespmem:s15+$0x0] =	vst.add.f32.msk $0xffff, v1;
	s14 =	sadd.s32 $0x40, s14  }
0x17a: {  	s15 =	sand.u32 $0x40, s14;
	s3 =	sor.u32 s7, s3;
	[tilespmem:s17+$0x0] =	vst.add.f32.msk $0xffff, v0  }
0x17b: {  	s7 =	sor.u32 $0x1A000, s3;
	s17 =	sor.u32 $0x10, s15;
	s18 =	sor.u32 $0x30, s15;
	[tilespmem:s9+$0x0] =	vst.add.f32.msk $0xffff, v0  }
0x17c: {  	s25 =	sadd.s32 $0x4, s25;
	s19 =	sor.u32 $0x20, s15;
	s9 =	sor.u32 s18, s7;
	[tilespmem:s8+$0x0] =	vst.add.f32.msk $0xffff, v0  }
0x17d: {  	p0 =	slt.u32 s25, $0x1FC;
	s8 =	sor.u32 s15, s7;
	s20 =	sor.u32 s17, s7;
	v2 =	vld [tilespmem:s9+$0x0]  }
0x17e: {  	s7 =	sor.u32 s19, s7;
	v3 =	vld [tilespmem:s8+$0x0]  }
0x17f: {  	v1 =	vld [tilespmem:s20+$0x0]  }
0x180: {  	s8 =	sor.u32 $0x8000, s3;
	v4 =	vld [tilespmem:s7+$0x0]  }
0x181: {  	s9 =	sor.u32 $0xA000, s3;
	s20 =	sor.u32 s18, s8;
	s7 =	sor.u32 s15, s8;
	[tilespmem:s29+$0x0] =	vst.add.f32.msk $0xffff, v0  }
0x182: {  	s31 =	sor.u32 $0xC000, s3;
	s29 =	sor.u32 s15, s9;
	[tilespmem:s20+$0x0] =	vst.add.f32.msk $0xffff, v2;
	s20 =	sor.u32 s18, s9  }
0x183: {  	s6 =	sor.u32 s15, s31;
	s3 =	sor.u32 $0xE000, s3;
	[tilespmem:s20+$0x0] =	vst.add.f32.msk $0xffff, v2;
	s20 =	sor.u32 s18, s31  }
0x184: {  	s21 =	sor.u32 s15, s3;
	s22 =	sor.u32 s17, s8;
	s18 =	sor.u32 s18, s3;
	[tilespmem:s20+$0x0] =	vst.add.f32.msk $0xffff, v2  }
0x185: {  	s2 =	sor.u32 s17, s31;
	s15 =	sor.u32 s17, s3;
	s20 =	sor.u32 s17, s9;
	[tilespmem:s18+$0x0] =	vst.add.f32.msk $0xffff, v2;
	v0 =	vmov v4  }
0x186: {  	s17 =	sor.u32 s19, s8;
	s9 =	sor.u32 s19, s9;
	s8 =	sor.u32 s19, s31;
	[tilespmem:s7+$0x0] =	vst.add.f32.msk $0xffff, v3  }
0x187: {  	[tilespmem:s29+$0x0] =	vst.add.f32.msk $0xffff, v3;
	s29 =	sor.u32 s19, s3  }
.Ltmp4:
0x188: {  	[tilespmem:s6+$0x0] =	vst.add.f32.msk $0xffff, v3;
	(pc) =	sbr.rel @p0 .LBB2_11-.Ltmp4, $4  }
0x189: {  	[tilespmem:s21+$0x0] =	vst.add.f32.msk $0xffff, v3  }
0x18a: {  	[tilespmem:s22+$0x0] =	vst.add.f32.msk $0xffff, v1  }
0x18b: {  	[tilespmem:s20+$0x0] =	vst.add.f32.msk $0xffff, v1  }
0x18c: {  	s26 =	sadd.s32 $0x200, s26;
	s28 =	sadd.s32 $0x8, s28;
	[tilespmem:s2+$0x0] =	vst.add.f32.msk $0xffff, v1  }
0x18d: {  	[tilespmem:s15+$0x0] =	vst.add.f32.msk $0xffff, v1  }
0x18e: {  	[tilespmem:s17+$0x0] =	vst.add.f32.msk $0xffff, v0  }
0x18f: {  	[tilespmem:s9+$0x0] =	vst.add.f32.msk $0xffff, v0  }
0x190: {  	s2 =	sld [smem:$0x7EA];
	_ =	sdelay $0x2  }
0x191: {  	s2 =	sadd.s32 s16, s2  }
0x192: {  	s1 =	rddreg [dreg:$0x2];
	[tilespmem:s8+$0x0] =	vst.add.f32.msk $0xffff, v0;
	s2 =	sshll.u32 s2, $0x7  }
0x193: {  	s14 =	simm.s32 $0x0;
	[tilespmem:s29+$0x0] =	vst.add.f32.msk $0xffff, v0;
	s3 =	sadd.s32 s1, s2;
	s17 =	sand.u32 $0x1FFFFF80, s2  }
0x194: {  	[hbm4b:s3+s14] =	stream.linear.scatter [tilespmem:s4], [sflag:$0x5], $0x2000, $0x38;
	[tilespmem:$0x1E000] =	vst v63  }
0x195: {  	s3 =	sadd.s32 s1, s17  }
0x196: {  	s4 =	simm.s32 $0xA000;
	s6 =	sadd.s32 $0x100000, s3  }
0x197: {  	[hbm4b:s6+s14] =	stream.linear.scatter [tilespmem:s4], [sflag:$0x5], $0x2000, $0x38;
	[tilespmem:$0x1E000] =	vst v63  }
0x198: {  	s18 =	simm.s32 $0xC000;
	s2 =	sadd.s32 s2, s30  }
0x199: {  	[hbm4b:s2+s14] =	stream.linear.scatter [tilespmem:s18], [sflag:$0x5], $0x2000, $0x38;
	[tilespmem:$0x1E000] =	vst v63  }
0x19a: {  	s20 =	simm.s32 $0xE000;
	s21 =	simm.s32 $0x4;
	s19 =	sadd.s32 $0x300000, s3  }
0x19b: {  	[hbm4b:s19+s14] =	stream.linear.scatter [tilespmem:s20], [sflag:$0x5], $0x2000, $0x38;
	[tilespmem:$0x1E000] =	vst v63  }
0x19c: {  	_ =	swait.ge [sflag:s21], $0x8000  }
0x19d: {  	s22 =	sld [smem:$0x7EC];
	_ =	sdelay $0x1  }
0x19e: {  	s25 =	simm.s32 $0x18000  }
0x19f: {  	s1 =	smov.u32 s30;
	[sflag:s21] =	ssyncset.done $0x0;
	s2 =	sadd.s32 s16, s22  }
0x1a0: {  	s30 =	smov.u32 s23;
	[sflag:s21] =	ssyncadd.s32 $0xFFFF8000;
	s2 =	sshll.u32 s2, $0x7  }
0x1a1: {  	s26 =	rddreg [dreg:$0x0];
	s23 =	sadd.s32 s23, s2;
	s7 =	sand.u32 $0x1FFFFF80, s2  }
0x1a2: {  	[tilespmem:s25], [sflag:$0x1] =	stream.linear.gather [hbm4b:s23+s14], $0x2000, $0x38;
	[tilespmem:$0x1E000] =	vst v63  }
0x1a3: {  	s8 =	sld [smem:$0x7F3];
	s31 =	sadd.s32 s26, s2;
	s3 =	sadd.s32 s26, s7  }
0x1a4: {  	[tilespmem:s14], [sflag:$0x1] =	stream.linear.gather [hbm4b:s31+s14], $0x2000, $0x38;
	[tilespmem:$0x1E000] =	vst v63  }
0x1a5: {  	s7 =	simm.s32 $0x2000;
	s6 =	sadd.s32 $0x100000, s3  }
0x1a6: {  	[tilespmem:s7], [sflag:$0x1] =	stream.linear.gather [hbm4b:s6+s14], $0x2000, $0x38;
	[tilespmem:$0x1E000] =	vst v63  }
0x1a7: {  	s9 =	simm.s32 $0x4000;
	s2 =	sadd.s32 s2, s8  }
0x1a8: {  	[tilespmem:s9], [sflag:$0x1] =	stream.linear.gather [hbm4b:s2+s14], $0x2000, $0x38;
	[tilespmem:$0x1E000] =	vst v63  }
0x1a9: {  	s17 =	simm.s32 $0x6000;
	s18 =	simm.s32 $0x3;
	s15 =	sadd.s32 $0x300000, s3  }
0x1aa: {  	[tilespmem:s17], [sflag:$0x1] =	stream.linear.gather [hbm4b:s15+s14], $0x2000, $0x38;
	[tilespmem:$0x1E000] =	vst v63  }
0x1ab: {  	_ =	swait.ge [sflag:s18], $0x2000  }
0x1ac: {  	[sflag:s18] =	ssyncset.done $0x0  }
0x1ad: {  	s19 =	sand.u32 $0x1C00, s14;
	s20 =	sand.u32 $0x380, s14;
	[sflag:s18] =	ssyncadd.s32 $0xFFFFE000  }
0x1ae: {  	s6 =	sand.u32 $0x40, s14;
	s2 =	sor.u32 s20, s19;
	_ =	swait.ge [sflag:s18], $0x8000  }
0x1af: {  	s21 =	sor.u32 $0x30, s6;
	s3 =	sor.u32 $0x1C000, s2;
	[sflag:s18] =	ssyncset.done $0x0  }
0x1b0: {  	s22 =	sor.u32 s21, s3;
	[sflag:s18] =	ssyncadd.s32 $0xFFFF8000  }
0x1b1: {  	s8 =	sor.u32 $0x10, s6;
	s23 =	sor.u32 s6, s3;
	v2 =	vld [tilespmem:s22+$0x0]  }
0x1b2: {  	s25 =	sor.u32 s8, s3;
	v3 =	vld [tilespmem:s23+$0x0]  }
0x1b3: {  	s18 =	sor.u32 $0x20, s6;
	v1 =	vld [tilespmem:s25+$0x0]  }
0x1b4: {  	s9 =	sor.u32 $0x10000, s2;
	s3 =	sor.u32 s18, s3  }
0x1b5: {  	s26 =	sor.u32 s21, s9;
	v0 =	vld [tilespmem:s3+$0x0]  }
0x1b6: {  	s20 =	sor.u32 s6, s9;
	[tilespmem:s26+$0x0] =	vst.add.f32.msk $0xffff, v2  }
0x1b7: {  	s23 =	sor.u32 s8, s9;
	s3 =	sor.u32 $0x12000, s2;
	[tilespmem:s20+$0x0] =	vst.add.f32.msk $0xffff, v3  }
0x1b8: {  	s19 =	sor.u32 $0x14000, s2;
	s2 =	sor.u32 $0x16000, s2;
	s31 =	sor.u32 s21, s3;
	[tilespmem:s23+$0x0] =	vst.add.f32.msk $0xffff, v1  }
0x1b9: {  	s17 =	sor.u32 s21, s19;
	s7 =	sor.u32 s21, s2;
	s21 =	sor.u32 s6, s3;
	[tilespmem:s31+$0x0] =	vst.add.f32.msk $0xffff, v2  }
0x1ba: {  	s26 =	sor.u32 s8, s3;
	[tilespmem:s21+$0x0] =	vst.add.f32.msk $0xffff, v3  }
0x1bb: {  	[tilespmem:s26+$0x0] =	vst.add.f32.msk $0xffff, v1  }
0x1bc: {  	s22 =	sor.u32 s6, s19;
	[tilespmem:s17+$0x0] =	vst.add.f32.msk $0xffff, v2  }
0x1bd: {  	s31 =	sor.u32 s8, s19;
	[tilespmem:s22+$0x0] =	vst.add.f32.msk $0xffff, v3  }
0x1be: {  	s28 =	simm.s32 $0x8;
	s25 =	simm.s32 $0x0;
	s6 =	sor.u32 s6, s2;
	[tilespmem:s31+$0x0] =	vst.add.f32.msk $0xffff, v1  }
0x1bf: {  	s15 =	sor.u32 s8, s2;
	s29 =	sor.u32 s18, s2;
	s8 =	sor.u32 s18, s19;
	[tilespmem:s7+$0x0] =	vst.add.f32.msk $0xffff, v2  }
0x1c0: {  	s26 =	simm.s32 $0x200;
	s17 =	sor.u32 s18, s9;
	s9 =	sor.u32 s18, s3;
	[tilespmem:s6+$0x0] =	vst.add.f32.msk $0xffff, v3  }
.LBB2_13:
0x1c1: {  	s2 =	sand.u32 $0x1C00, s26;
	s3 =	sand.u32 $0x380, s28;
	[tilespmem:s15+$0x0] =	vst.add.f32.msk $0xffff, v1;
	s14 =	sadd.s32 $0x40, s14  }
0x1c2: {  	s6 =	sand.u32 $0x40, s14;
	s2 =	sor.u32 s3, s2;
	[tilespmem:s17+$0x0] =	vst.add.f32.msk $0xffff, v0  }
0x1c3: {  	s3 =	sor.u32 $0x1C000, s2;
	s7 =	sor.u32 $0x10, s6;
	s15 =	sor.u32 $0x30, s6;
	[tilespmem:s9+$0x0] =	vst.add.f32.msk $0xffff, v0  }
0x1c4: {  	s25 =	sadd.s32 $0x4, s25;
	s18 =	sor.u32 $0x20, s6;
	s9 =	sor.u32 s15, s3;
	[tilespmem:s8+$0x0] =	vst.add.f32.msk $0xffff, v0  }
0x1c5: {  	p0 =	slt.u32 s25, $0x1FC;
	s8 =	sor.u32 s6, s3;
	s17 =	sor.u32 s7, s3;
	v2 =	vld [tilespmem:s9+$0x0]  }
0x1c6: {  	s3 =	sor.u32 s18, s3;
	v3 =	vld [tilespmem:s8+$0x0]  }
0x1c7: {  	v1 =	vld [tilespmem:s17+$0x0]  }
0x1c8: {  	s8 =	sor.u32 $0x10000, s2;
	v4 =	vld [tilespmem:s3+$0x0]  }
0x1c9: {  	s9 =	sor.u32 $0x12000, s2;
	s17 =	sor.u32 s15, s8;
	s3 =	sor.u32 s6, s8;
	[tilespmem:s29+$0x0] =	vst.add.f32.msk $0xffff, v0  }
0x1ca: {  	s20 =	sor.u32 $0x14000, s2;
	s19 =	sor.u32 s6, s9;
	[tilespmem:s17+$0x0] =	vst.add.f32.msk $0xffff, v2;
	s17 =	sor.u32 s15, s9  }
0x1cb: {  	s21 =	sor.u32 s6, s20;
	s2 =	sor.u32 $0x16000, s2;
	[tilespmem:s17+$0x0] =	vst.add.f32.msk $0xffff, v2;
	s17 =	sor.u32 s15, s20  }
0x1cc: {  	s22 =	sor.u32 s7, s8;
	s6 =	sor.u32 s6, s2;
	[tilespmem:s17+$0x0] =	vst.add.f32.msk $0xffff, v2;
	s17 =	sor.u32 s15, s2  }
0x1cd: {  	s23 =	sor.u32 s7, s20;
	s31 =	sor.u32 s7, s9;
	s15 =	sor.u32 s7, s2;
	[tilespmem:s17+$0x0] =	vst.add.f32.msk $0xffff, v2;
	v0 =	vmov v4  }
0x1ce: {  	s9 =	sor.u32 s18, s9;
	s17 =	sor.u32 s18, s8;
	s8 =	sor.u32 s18, s20;
	[tilespmem:s3+$0x0] =	vst.add.f32.msk $0xffff, v3  }
0x1cf: {  	s29 =	sor.u32 s18, s2;
	[tilespmem:s19+$0x0] =	vst.add.f32.msk $0xffff, v3  }
.Ltmp5:
0x1d0: {  	[tilespmem:s21+$0x0] =	vst.add.f32.msk $0xffff, v3;
	(pc) =	sbr.rel @p0 .LBB2_13-.Ltmp5, $4  }
0x1d1: {  	[tilespmem:s6+$0x0] =	vst.add.f32.msk $0xffff, v3  }
0x1d2: {  	[tilespmem:s22+$0x0] =	vst.add.f32.msk $0xffff, v1  }
0x1d3: {  	[tilespmem:s31+$0x0] =	vst.add.f32.msk $0xffff, v1  }
0x1d4: {  	s26 =	sadd.s32 $0x200, s26;
	s28 =	sadd.s32 $0x8, s28;
	[tilespmem:s23+$0x0] =	vst.add.f32.msk $0xffff, v1  }
0x1d5: {  	[tilespmem:s15+$0x0] =	vst.add.f32.msk $0xffff, v1  }
0x1d6: {  	[tilespmem:s17+$0x0] =	vst.add.f32.msk $0xffff, v0  }
0x1d7: {  	[tilespmem:s9+$0x0] =	vst.add.f32.msk $0xffff, v0  }
0x1d8: {  	s3 =	rddreg [dreg:$0x2];
	[tilespmem:s8+$0x0] =	vst.add.f32.msk $0xffff, v0  }
0x1d9: {  	s21 =	simm.s32 $0x10000;
	s2 =	sadd.s32 s3, s10;
	[tilespmem:s29+$0x0] =	vst.add.f32.msk $0xffff, v0  }
0x1da: {  	[hbm4b:s2+s5] =	stream.linear.scatter [tilespmem:s21], [sflag:$0x6], $0x2000, $0x38;
	[tilespmem:$0x1E000] =	vst v63  }
0x1db: {  	s6 =	simm.s32 $0x12000;
	s9 =	sadd.s32 s3, s11  }
0x1dc: {  	[hbm4b:s9+s5] =	stream.linear.scatter [tilespmem:s6], [sflag:$0x6], $0x2000, $0x38;
	[tilespmem:$0x1E000] =	vst v63  }
0x1dd: {  	s10 =	sadd.s32 s3, s12;
	s11 =	simm.s32 $0x14000  }
0x1de: {  	[hbm4b:s10+s5] =	stream.linear.scatter [tilespmem:s11], [sflag:$0x6], $0x2000, $0x38;
	[tilespmem:$0x1E000] =	vst v63  }
0x1df: {  	s14 =	simm.s32 $0x5;
	s12 =	sadd.s32 s3, s13;
	s13 =	simm.s32 $0x16000  }
0x1e0: {  	[hbm4b:s12+s5] =	stream.linear.scatter [tilespmem:s13], [sflag:$0x6], $0x2000, $0x38;
	[tilespmem:$0x1E000] =	vst v63  }
0x1e1: {  	_ =	swait.ge [sflag:s14], $0x8000  }
0x1e2: {  	s15 =	sld [smem:$0x7EB];
	_ =	sdelay $0x2  }
0x1e3: {  	s18 =	simm.s32 $0x1A000;
	[sflag:s14] =	ssyncset.done $0x0;
	s2 =	sadd.s32 s16, s15  }
0x1e4: {  	s22 =	simm.s32 $0x8000;
	[sflag:s14] =	ssyncadd.s32 $0xFFFF8000;
	s2 =	sshll.u32 s2, $0x7  }
0x1e5: {  	s19 =	rddreg [dreg:$0x0];
	s17 =	sadd.s32 s30, s2;
	s25 =	sand.u32 $0x1FFFFF80, s2  }
0x1e6: {  	[tilespmem:s18], [sflag:$0x2] =	stream.linear.gather [hbm4b:s17+s5], $0x2000, $0x38;
	[tilespmem:$0x1E000] =	vst v63  }
0x1e7: {  	s0 =	sadd.s32 $0x1, s0;
	s20 =	sadd.s32 s19, s2;
	s3 =	sadd.s32 s19, s25  }
0x1e8: {  	[tilespmem:s22], [sflag:$0x2] =	stream.linear.gather [hbm4b:s20+s5], $0x2000, $0x38;
	[tilespmem:$0x1E000] =	vst v63  }
0x1e9: {  	p0 =	sne.s32 s0, $0x9;
	s26 =	sld [smem:$0x7F3];
	s6 =	sadd.s32 $0x100000, s3  }
0x1ea: {  	[tilespmem:s4], [sflag:$0x2] =	stream.linear.gather [hbm4b:s6+s5], $0x2000, $0x38;
	[tilespmem:$0x1E000] =	vst v63  }
.Ltmp6:
0x1eb: {  	_ = 	snop;
	(pc) =	sbr.rel @p0 .LBB2_8-.Ltmp6, $4  }
0x1ec: {  	s23 =	smov.u32 s30;
	s31 =	simm.s32 $0xC000;
	s2 =	sadd.s32 s2, s26  }
0x1ed: {  	[tilespmem:s31], [sflag:$0x2] =	stream.linear.gather [hbm4b:s2+s5], $0x2000, $0x38;
	[tilespmem:$0x1E000] =	vst v63  }
0x1ee: {  	s29 =	simm.s32 $0xE000;
	s30 =	smov.u32 s1;
	s28 =	sadd.s32 $0x300000, s3  }
0x1ef: {  	[tilespmem:s29], [sflag:$0x2] =	stream.linear.gather [hbm4b:s28+s5], $0x2000, $0x38;
	[tilespmem:$0x1E000] =	vst v63  }
0x1f0: {  	s1 =	simm.s32 $0x1  }
0x1f1: {  	_ =	swait.ge [sflag:s1], $0x2000  }
0x1f2: {  	s0 =	simm.s32 $0x0;
	[sflag:s1] =	ssyncset.done $0x0  }
0x1f3: {  	s2 =	sand.u32 $0x40, s0;
	[sflag:s1] =	ssyncadd.s32 $0xFFFFE000  }
0x1f4: {  	s3 =	sand.u32 $0x1C00, s0;
	s0 =	sand.u32 $0x380, s0;
	_ =	swait.ge [sflag:s1], $0x8000  }
0x1f5: {  	s3 =	sor.u32 s0, s3;
	s6 =	sor.u32 $0x30, s2;
	[sflag:s1] =	ssyncset.done $0x0  }
0x1f6: {  	s7 =	sor.u32 s6, s3;
	[sflag:s1] =	ssyncadd.s32 $0xFFFF8000  }
0x1f7: {  	s8 =	sor.u32 $0x10, s2;
	s9 =	sor.u32 s2, s3;
	v1 =	vld [tilespmem:s7+$0x18000]  }
0x1f8: {  	s10 =	sor.u32 s8, s3;
	v2 =	vld [tilespmem:s9+$0x18000]  }
0x1f9: {  	s11 =	sor.u32 $0x20, s2;
	v3 =	vld [tilespmem:s10+$0x18000]  }
0x1fa: {  	s0 =	sor.u32 s11, s3  }
0x1fb: {  	v0 =	vld [tilespmem:s0+$0x18000]  }
0x1fc: {  	[tilespmem:s7+$0x0] =	vst.add.f32.msk $0xffff, v1  }
0x1fd: {  	s12 =	sor.u32 $0x2000, s3;
	[tilespmem:s9+$0x0] =	vst.add.f32.msk $0xffff, v2  }
0x1fe: {  	s20 =	sor.u32 s6, s12;
	[tilespmem:s10+$0x0] =	vst.add.f32.msk $0xffff, v3  }
0x1ff: {  	s24 =	sor.u32 s2, s12;
	[tilespmem:s20+$0x0] =	vst.add.f32.msk $0xffff, v1  }
0x200: {  	s13 =	sor.u32 $0x4000, s3;
	s26 =	sor.u32 s8, s12;
	[tilespmem:s24+$0x0] =	vst.add.f32.msk $0xffff, v2  }
0x201: {  	s21 =	sor.u32 s6, s13;
	[tilespmem:s26+$0x0] =	vst.add.f32.msk $0xffff, v3  }
0x202: {  	s25 =	sor.u32 s2, s13;
	[tilespmem:s21+$0x0] =	vst.add.f32.msk $0xffff, v1  }
0x203: {  	s3 =	sor.u32 $0x6000, s3;
	s28 =	sor.u32 s8, s13;
	[tilespmem:s25+$0x0] =	vst.add.f32.msk $0xffff, v2  }
0x204: {  	s6 =	sor.u32 s6, s3;
	[tilespmem:s28+$0x0] =	vst.add.f32.msk $0xffff, v3  }
0x205: {  	s2 =	sor.u32 s2, s3;
	s29 =	sor.u32 s8, s3;
	s8 =	sor.u32 s11, s12;
	[tilespmem:s6+$0x0] =	vst.add.f32.msk $0xffff, v1  }
0x206: {  	s16 =	sor.u32 s11, s13;
	s14 =	sor.u32 s11, s3;
	s11 =	simm.s32 $0x200;
	[tilespmem:s2+$0x0] =	vst.add.f32.msk $0xffff, v2  }
0x207: {  	s12 =	simm.s32 $0x40;
	s13 =	simm.s32 $0x8;
	s10 =	simm.s32 $0x0;
	[tilespmem:s29+$0x0] =	vst.add.f32.msk $0xffff, v3  }
.LBB2_16:
0x208: {  	s2 =	sand.u32 $0x40, s12;
	s3 =	sand.u32 $0x1C00, s11;
	s6 =	sand.u32 $0x380, s13;
	[tilespmem:s0+$0x0] =	vst.add.f32.msk $0xffff, v0  }
0x209: {  	s3 =	sor.u32 s6, s3;
	s6 =	sor.u32 $0x10, s2;
	s7 =	sor.u32 $0x30, s2;
	[tilespmem:s8+$0x0] =	vst.add.f32.msk $0xffff, v0  }
0x20a: {  	s15 =	sor.u32 $0x20, s2;
	s9 =	sor.u32 s2, s3;
	s8 =	sor.u32 s7, s3;
	[tilespmem:s16+$0x0] =	vst.add.f32.msk $0xffff, v0  }
0x20b: {  	s10 =	sadd.s32 $0x4, s10;
	s17 =	sor.u32 s6, s3;
	s0 =	sor.u32 s15, s3;
	v1 =	vld [tilespmem:s8+$0x18000]  }
0x20c: {  	p0 =	slt.u32 s10, $0x1FC;
	v2 =	vld [tilespmem:s9+$0x18000]  }
0x20d: {  	v3 =	vld [tilespmem:s17+$0x18000]  }
0x20e: {  	v4 =	vld [tilespmem:s0+$0x18000]  }
0x20f: {  	s16 =	sor.u32 $0x2000, s3;
	[tilespmem:s14+$0x0] =	vst.add.f32.msk $0xffff, v0  }
0x210: {  	s18 =	sor.u32 s2, s16;
	s14 =	sor.u32 $0x4000, s3;
	[tilespmem:s8+$0x0] =	vst.add.f32.msk $0xffff, v1;
	s8 =	sor.u32 s7, s16  }
0x211: {  	s3 =	sor.u32 $0x6000, s3;
	s19 =	sor.u32 s2, s14;
	[tilespmem:s8+$0x0] =	vst.add.f32.msk $0xffff, v1;
	s8 =	sor.u32 s7, s14  }
0x212: {  	s20 =	sor.u32 s6, s16;
	s2 =	sor.u32 s2, s3;
	s7 =	sor.u32 s7, s3;
	[tilespmem:s8+$0x0] =	vst.add.f32.msk $0xffff, v1  }
0x213: {  	s21 =	sor.u32 s6, s14;
	s6 =	sor.u32 s6, s3;
	s8 =	sor.u32 s15, s16;
	[tilespmem:s7+$0x0] =	vst.add.f32.msk $0xffff, v1;
	v0 =	vmov v4  }
0x214: {  	s16 =	sor.u32 s15, s14;
	s14 =	sor.u32 s15, s3;
	[tilespmem:s9+$0x0] =	vst.add.f32.msk $0xffff, v2  }
0x215: {  	[tilespmem:s18+$0x0] =	vst.add.f32.msk $0xffff, v2  }
0x216: {  	[tilespmem:s19+$0x0] =	vst.add.f32.msk $0xffff, v2  }
.Ltmp7:
0x217: {  	[tilespmem:s2+$0x0] =	vst.add.f32.msk $0xffff, v2;
	(pc) =	sbr.rel @p0 .LBB2_16-.Ltmp7, $4  }
0x218: {  	[tilespmem:s17+$0x0] =	vst.add.f32.msk $0xffff, v3  }
0x219: {  	[tilespmem:s20+$0x0] =	vst.add.f32.msk $0xffff, v3  }
0x21a: {  	[tilespmem:s21+$0x0] =	vst.add.f32.msk $0xffff, v3  }
0x21b: {  	s11 =	sadd.s32 $0x200, s11;
	s12 =	sadd.s32 $0x40, s12;
	s13 =	sadd.s32 $0x8, s13;
	[tilespmem:s6+$0x0] =	vst.add.f32.msk $0xffff, v3  }
0x21c: {  	[tilespmem:s0+$0x0] =	vst.add.f32.msk $0xffff, v0  }
0x21d: {  	[tilespmem:s8+$0x0] =	vst.add.f32.msk $0xffff, v0  }
0x21e: {  	[tilespmem:s16+$0x0] =	vst.add.f32.msk $0xffff, v0  }
0x21f: {  	[tilespmem:s14+$0x0] =	vst.add.f32.msk $0xffff, v0  }
0x220: {  	s1 =	sld [smem:$0x7F7];
	_ =	sdelay $0x1  }
0x221: {  	s0 =	simm.s32 $0x0;
	s8 =	sld [smem:$0x7F5]  }
0x222: {  	[hbm4b:s1+s0] =	stream.linear.scatter [tilespmem:s0], [sflag:$0x4], $0x2000, $0x38;
	[tilespmem:$0x1E000] =	vst v63  }
0x223: {  	s2 =	simm.s32 $0x2000;
	s9 =	sld [smem:$0x7F6]  }
0x224: {  	[hbm4b:s8+s0] =	stream.linear.scatter [tilespmem:s2], [sflag:$0x4], $0x2000, $0x38;
	[tilespmem:$0x1E000] =	vst v63  }
0x225: {  	s10 =	simm.s32 $0x4000;
	s11 =	sld [smem:$0x7F8]  }
0x226: {  	[hbm4b:s9+s0] =	stream.linear.scatter [tilespmem:s10], [sflag:$0x4], $0x2000, $0x38;
	[tilespmem:$0x1E000] =	vst v63  }
0x227: {  	s12 =	simm.s32 $0x6000;
	s13 =	simm.s32 $0x2  }
0x228: {  	[hbm4b:s11+s0] =	stream.linear.scatter [tilespmem:s12], [sflag:$0x4], $0x2000, $0x38;
	[tilespmem:$0x1E000] =	vst v63  }
0x229: {  	_ =	swait.ge [sflag:s13], $0x2000  }
0x22a: {  	[sflag:s13] =	ssyncset.done $0x0  }
0x22b: {  	s3 =	sand.u32 $0x380, s0;
	s14 =	sand.u32 $0x1C00, s0;
	[sflag:s13] =	ssyncadd.s32 $0xFFFFE000  }
0x22c: {  	s6 =	sand.u32 $0x40, s0;
	s2 =	sor.u32 s3, s14;
	_ =	swait.ge [sflag:s13], $0x8000  }
0x22d: {  	s7 =	sor.u32 $0x30, s6;
	s3 =	sor.u32 $0x1A000, s2;
	[sflag:s13] =	ssyncset.done $0x0  }
0x22e: {  	s15 =	sor.u32 s7, s3;
	[sflag:s13] =	ssyncadd.s32 $0xFFFF8000  }
0x22f: {  	s16 =	sor.u32 $0x10, s6;
	s9 =	sor.u32 s6, s3;
	v2 =	vld [tilespmem:s15+$0x0]  }
0x230: {  	s10 =	sor.u32 s16, s3;
	v3 =	vld [tilespmem:s9+$0x0]  }
0x231: {  	s11 =	sor.u32 $0x20, s6;
	v1 =	vld [tilespmem:s10+$0x0]  }
0x232: {  	s12 =	sor.u32 $0x8000, s2;
	s3 =	sor.u32 s11, s3  }
0x233: {  	s18 =	sor.u32 s7, s12;
	v0 =	vld [tilespmem:s3+$0x0]  }
0x234: {  	s21 =	sor.u32 s6, s12;
	[tilespmem:s18+$0x0] =	vst.add.f32.msk $0xffff, v2  }
0x235: {  	s17 =	sor.u32 $0xA000, s2;
	s26 =	sor.u32 s16, s12;
	[tilespmem:s21+$0x0] =	vst.add.f32.msk $0xffff, v3  }
0x236: {  	s19 =	sor.u32 s7, s17;
	[tilespmem:s26+$0x0] =	vst.add.f32.msk $0xffff, v1  }
0x237: {  	s24 =	sor.u32 s6, s17;
	[tilespmem:s19+$0x0] =	vst.add.f32.msk $0xffff, v2  }
0x238: {  	s28 =	sor.u32 s16, s17;
	s13 =	sor.u32 $0xC000, s2;
	[tilespmem:s24+$0x0] =	vst.add.f32.msk $0xffff, v3  }
0x239: {  	s20 =	sor.u32 s7, s13;
	[tilespmem:s28+$0x0] =	vst.add.f32.msk $0xffff, v1  }
0x23a: {  	s25 =	sor.u32 s6, s13;
	[tilespmem:s20+$0x0] =	vst.add.f32.msk $0xffff, v2  }
0x23b: {  	s14 =	sor.u32 s11, s17;
	s2 =	sor.u32 $0xE000, s2;
	s29 =	sor.u32 s16, s13;
	[tilespmem:s25+$0x0] =	vst.add.f32.msk $0xffff, v3  }
0x23c: {  	s7 =	sor.u32 s7, s2;
	s6 =	sor.u32 s6, s2;
	s10 =	simm.s32 $0x0;
	[tilespmem:s29+$0x0] =	vst.add.f32.msk $0xffff, v1  }
0x23d: {  	s9 =	sor.u32 s16, s2;
	s15 =	sor.u32 s11, s12;
	s8 =	sor.u32 s11, s13;
	[tilespmem:s7+$0x0] =	vst.add.f32.msk $0xffff, v2  }
0x23e: {  	s13 =	sor.u32 s11, s2;
	s11 =	simm.s32 $0x200;
	s12 =	simm.s32 $0x8;
	[tilespmem:s6+$0x0] =	vst.add.f32.msk $0xffff, v3  }
.LBB2_18:
0x23f: {  	s2 =	sand.u32 $0x1C00, s11;
	s3 =	sand.u32 $0x380, s12;
	[tilespmem:s9+$0x0] =	vst.add.f32.msk $0xffff, v1;
	s0 =	sadd.s32 $0x40, s0  }
0x240: {  	s6 =	sand.u32 $0x40, s0;
	s2 =	sor.u32 s3, s2;
	[tilespmem:s15+$0x0] =	vst.add.f32.msk $0xffff, v0  }
0x241: {  	s3 =	sor.u32 $0x1A000, s2;
	s7 =	sor.u32 $0x10, s6;
	s9 =	sor.u32 $0x30, s6;
	[tilespmem:s14+$0x0] =	vst.add.f32.msk $0xffff, v0  }
0x242: {  	s10 =	sadd.s32 $0x4, s10;
	s16 =	sor.u32 $0x20, s6;
	s14 =	sor.u32 s9, s3;
	[tilespmem:s8+$0x0] =	vst.add.f32.msk $0xffff, v0  }
0x243: {  	p0 =	slt.u32 s10, $0x1FC;
	s8 =	sor.u32 s6, s3;
	s15 =	sor.u32 s7, s3;
	v2 =	vld [tilespmem:s14+$0x0]  }
0x244: {  	s3 =	sor.u32 s16, s3;
	v3 =	vld [tilespmem:s8+$0x0]  }
0x245: {  	v1 =	vld [tilespmem:s15+$0x0]  }
0x246: {  	s8 =	sor.u32 $0x8000, s2;
	v4 =	vld [tilespmem:s3+$0x0]  }
0x247: {  	s14 =	sor.u32 $0xA000, s2;
	s15 =	sor.u32 s9, s8;
	s3 =	sor.u32 s6, s8;
	[tilespmem:s13+$0x0] =	vst.add.f32.msk $0xffff, v0  }
0x248: {  	s17 =	sor.u32 $0xC000, s2;
	s13 =	sor.u32 s6, s14;
	[tilespmem:s15+$0x0] =	vst.add.f32.msk $0xffff, v2;
	s15 =	sor.u32 s9, s14  }
0x249: {  	s18 =	sor.u32 s6, s17;
	s2 =	sor.u32 $0xE000, s2;
	[tilespmem:s15+$0x0] =	vst.add.f32.msk $0xffff, v2;
	s15 =	sor.u32 s9, s17  }
0x24a: {  	s19 =	sor.u32 s7, s8;
	s6 =	sor.u32 s6, s2;
	[tilespmem:s15+$0x0] =	vst.add.f32.msk $0xffff, v2;
	s15 =	sor.u32 s9, s2  }
0x24b: {  	s21 =	sor.u32 s7, s17;
	s20 =	sor.u32 s7, s14;
	s9 =	sor.u32 s7, s2;
	[tilespmem:s15+$0x0] =	vst.add.f32.msk $0xffff, v2;
	v0 =	vmov v4  }
0x24c: {  	s14 =	sor.u32 s16, s14;
	s15 =	sor.u32 s16, s8;
	s8 =	sor.u32 s16, s17;
	[tilespmem:s3+$0x0] =	vst.add.f32.msk $0xffff, v3  }
0x24d: {  	[tilespmem:s13+$0x0] =	vst.add.f32.msk $0xffff, v3;
	s13 =	sor.u32 s16, s2  }
.Ltmp8:
0x24e: {  	[tilespmem:s18+$0x0] =	vst.add.f32.msk $0xffff, v3;
	(pc) =	sbr.rel @p0 .LBB2_18-.Ltmp8, $4  }
0x24f: {  	[tilespmem:s6+$0x0] =	vst.add.f32.msk $0xffff, v3  }
0x250: {  	[tilespmem:s19+$0x0] =	vst.add.f32.msk $0xffff, v1  }
0x251: {  	[tilespmem:s20+$0x0] =	vst.add.f32.msk $0xffff, v1  }
0x252: {  	s11 =	sadd.s32 $0x200, s11;
	s12 =	sadd.s32 $0x8, s12;
	[tilespmem:s21+$0x0] =	vst.add.f32.msk $0xffff, v1  }
0x253: {  	[tilespmem:s9+$0x0] =	vst.add.f32.msk $0xffff, v1  }
0x254: {  	[tilespmem:s15+$0x0] =	vst.add.f32.msk $0xffff, v0  }
0x255: {  	[tilespmem:s14+$0x0] =	vst.add.f32.msk $0xffff, v0  }
0x256: {  	[tilespmem:s8+$0x0] =	vst.add.f32.msk $0xffff, v0  }
0x257: {  	[tilespmem:s13+$0x0] =	vst.add.f32.msk $0xffff, v0  }
0x258: {  	s0 =	sld [smem:$0x7FA];
	_ =	sdelay $0x1  }
0x259: {  	s21 =	sld [smem:$0x7F9]  }
0x25a: {  	[hbm4b:s0+s5] =	stream.linear.scatter [tilespmem:s22], [sflag:$0x5], $0x2000, $0x38;
	[tilespmem:$0x1E000] =	vst v63  }
0x25b: {  	s24 =	sld [smem:$0x7FB]  }
0x25c: {  	[hbm4b:s21+s5] =	stream.linear.scatter [tilespmem:s4], [sflag:$0x5], $0x2000, $0x38;
	[tilespmem:$0x1E000] =	vst v63  }
0x25d: {  	s25 =	sld [smem:$0x7FD]  }
0x25e: {  	[hbm4b:s24+s5] =	stream.linear.scatter [tilespmem:s31], [sflag:$0x5], $0x2000, $0x38;
	[tilespmem:$0x1E000] =	vst v63  }
0x25f: {  	s3 =	simm.s32 $0xE000;
	s26 =	simm.s32 $0x4  }
0x260: {  	[hbm4b:s25+s5] =	stream.linear.scatter [tilespmem:s3], [sflag:$0x5], $0x2000, $0x38;
	[tilespmem:$0x1E000] =	vst v63  }
0x261: {  	_ =	swait.ge [sflag:s26], $0x8000  }
0x262: {  	[sflag:s26] =	ssyncset.done $0x0  }
0x263: {  	s28 =	simm.s32 $0x5;
	[sflag:s26] =	ssyncadd.s32 $0xFFFF8000  }
0x264: {  	_ =	swait.ge [sflag:s28], $0x8000  }
0x265: {  	[sflag:s28] =	ssyncset.done $0x0  }
0x266: {  	s1 =	simm.s32 $0x6;
	[sflag:s28] =	ssyncadd.s32 $0xFFFF8000  }
0x267: {  	_ =	swait.ge [sflag:s1], $0x8000  }
0x268: {  	s2 =	sld [smem:$0x7E5]  }
0x269: {  	s29 =	sld [smem:$0x7F4];
	_ =	sdelay $0x1  }
0x26a: {  	s2 =	sadd.s32 $0x1, s2  }
0x26b: {  	p0 =	sne.s32 s2, s29  }
.Ltmp9:
0x26c: {  	_ = 	snop;
	(pc) =	sbr.rel @p0 .LBB2_1-.Ltmp9, $3  }
0x26d: {  	_ =	sdelay $0x1  }
0x26e: {  	[sflag:s1] =	ssyncset.done $0x0  }
0x26f: {  	s21 =	simm.s32 $0x10000;
	[sflag:s1] =	ssyncadd.s32 $0xFFFF8000  }
0x270: {  	_ =	sfence.sel $0x180000  }
0x271: {  	[bflag:$0x0] =	sbarrier.arrive $0xFFFF  }
0x272: {  	_ =	strace $0x90000047  }
0x273: {  	s0 =	stileid.u32;
	[bflag:$0x2] =	sbarrier.arrive $0xFFFF  }
0x274: {  	p0 =	sne.s32 s0, $0x0;
	s0 =	rddreg [dreg:$0x3]  }
0x275: {  	s0 =	sadd.s32 @!p0 $0x100000, s0  }
0x276: {  	[sflag:s0] =	ssyncadd.tile.s32 @!p0 $0x1;
	_ =	shalt  }
.Lfunc_end2:
_tile_overlayer_lowered:
.L_overlay_start_2:
0x277: {  	(tag) =	ssettag $0x2  }
0x278: {  	s0 =	rddreg [dreg:$0x0];
	s2 =	stileid.u32  }
0x279: {  	s1 =	rddreg [dreg:$0x1];
	p0 =	sne.s32 s2, $0x0  }
0x27a: {  	s3 =	rddreg [dreg:$0x2];
	[bflag:$0x3] =	sbarrier.arrive $0xFFFF;
	s2 =	simm.s32 @!p0 $0x1C07  }
0x27b: {  	[timem:s3], [sflag:s2] =	dma.local @!p0 [hbm:s0], s1  }
0x27c: {  	s0 =	simm.s32 @!p0 $0x7  }
0x27d: {  	_ =	swait.ge @!p0 [sflag:s0], s1  }
0x27e: {  	s1 =	ssub.s32 @!p0 $0x0, s1;
	[sflag:s0] =	ssyncset.done @!p0 $0x0  }
0x27f: {  	[sflag:s0] =	ssyncadd.s32 @!p0 s1  }
0x280: {  	[bflag:$0x3] =	sbarrier.arrive $0xFFFF  }
0x281: {  	_ =	shalt  }

</sc_bundles>
